<compile_context>
chip_gen: v7x
topology: tpu7x:2x2x1
jax: 0.10.2.dev20260603
libtpu: 0.0.44.dev20260713+nightly
codegen_flags: <defaults>
</compile_context>

<pallas_src>
import functools

import jax
import jax.numpy as jnp
from jax import lax
from jax.experimental import pallas as pl
from jax.experimental.pallas import tpu as pltpu
from jax.experimental.pallas import tpu_sc as plsc

B = 16384
DEG = 32
D = 128
LANES = 16
NC, NS = 2, 16
NW = NC * NS
BPW = B // NW
IPR = 128
NPC = IPR // DEG
NCHUNK = BPW // NPC
IDXROWS = BPW * DEG // IPR
NV = D // LANES
NBUF = 4


def _tanh_of_mean(s):
    a = jnp.exp(s * (2.0 / DEG))
    return (a - 1.0) / (a + 1.0)


@functools.partial(
    pl.kernel,
    out_type=jax.ShapeDtypeStruct((B, D), jnp.float32),
    mesh=plsc.VectorSubcoreMesh(core_axis_name="c", subcore_axis_name="s"),
    compiler_params=pltpu.CompilerParams(needs_layout_passes=False),
    scratch_types=[
        pltpu.VMEM((IDXROWS, IPR), jnp.int32),
        pltpu.VMEM((IPR, D), jnp.float32),
        pltpu.VMEM((IPR, D), jnp.float32),
        pltpu.VMEM((IPR, D), jnp.float32),
        pltpu.VMEM((IPR, D), jnp.float32),
        pltpu.VMEM((BPW // 2, D), jnp.float32),
        pltpu.SemaphoreType.DMA,
        pltpu.SemaphoreType.DMA,
        pltpu.SemaphoreType.DMA,
        pltpu.SemaphoreType.DMA,
    ],
)
def _ego_encode(idx_hbm, feat_hbm, out_hbm, idx_v, rows0, rows1, rows2, rows3,
                ostage, sem0, sem1, sem2, sem3):
    wid = lax.axis_index("s") * NC + lax.axis_index("c")
    pltpu.sync_copy(idx_hbm.at[wid], idx_v)

    rows = (rows0, rows1, rows2, rows3)
    sems = (sem0, sem1, sem2, sem3)

    def start(g, buf, sem):
        pltpu.async_copy(feat_hbm.at[idx_v.at[g]], buf, sem)

    def wait(buf, sem):
        pltpu.make_async_copy(feat_hbm.at[idx_v.at[0]], buf, sem).wait()

    def reduce_chunk(g, buf):
        for n in range(NPC):
            rbase = n * DEG

            def body(r, accs):
                new = list(accs)
                for j in range(NV):
                    new[j] = new[j] + buf[r, pl.ds(j * LANES, LANES)]
                return tuple(new)

            accs = lax.fori_loop(
                rbase, rbase + DEG, body,
                tuple(jnp.zeros((LANES,), jnp.float32) for _ in range(NV)),
            )

            half = NCHUNK // 2
            orow = jnp.where(g < half, g, g - half) * NPC + n
            for j in range(NV):
                ostage[orow, pl.ds(j * LANES, LANES)] = _tanh_of_mean(accs[j])

    for p in range(NBUF - 1):
        start(p, rows[p], sems[p])

    def outer(i, carry):
        for b in range(NBUF):
            g = NBUF * i + b
            nxt = (b + NBUF - 1) % NBUF

            @pl.when(g + NBUF - 1 < NCHUNK)
            def _(g=g, nxt=nxt):
                start(g + NBUF - 1, rows[nxt], sems[nxt])

            wait(rows[b], sems[b])
            reduce_chunk(g, rows[b])

            @pl.when(g == NCHUNK // 2 - 1)
            def _(g=g):
                pltpu.sync_copy(ostage,
                                out_hbm.at[pl.ds(wid * BPW, BPW // 2)])
        return carry

    lax.fori_loop(0, NCHUNK // NBUF, outer, 0)
    pltpu.sync_copy(ostage, out_hbm.at[pl.ds(wid * BPW + BPW // 2, BPW // 2)])


def kernel(nodes, neigh_idx, features, weight):
    del nodes, weight
    idx = neigh_idx.reshape(NW, IDXROWS, IPR)
    return _ego_encode(idx, features)

# --- scband reference (transcript-rebuilt; emitter-appended) ---
"""Pipeline reference for scband-ego-encoder-22299470201190 (READ-ONLY COPY).

The authoritative reference and input builder live on the scoring server;
editing this copy changes nothing except your own understanding.
"""

import jax, jax.numpy as jnp
import numpy as np

N_NODES = 100000
BATCH = 16384
DEG = 32
FEAT_DIM = 128
EMBED_DIM = 128


def setup_inputs(seed: int = 0) -> dict:
    key = jax.random.key(seed)
    k1, k2, k3, k4 = jax.random.split(key, 4)
    # node feature table (the `features` lookup in the torch module)
    features = jax.random.normal(k1, (N_NODES, FEAT_DIM), dtype=jnp.float32)
    # batch of ego node ids
    nodes = jax.random.randint(k2, (BATCH,), 0, N_NODES, dtype=jnp.int32)
    # sampled fixed fan-out neighbors per ego node (the graph.neighbor_dict lookup)
    neigh_idx = jax.random.randint(k3, (BATCH, DEG), 0, N_NODES, dtype=jnp.int32)
    # xavier-uniform projection weight [feat_dim, embed_dim]
    limit = float(np.sqrt(6.0 / (FEAT_DIM + EMBED_DIM)))
    weight = jax.random.uniform(k4, (FEAT_DIM, EMBED_DIM), dtype=jnp.float32, minval=-limit, maxval=limit)
    return {"nodes": nodes, "neigh_idx": neigh_idx, "features": features, "weight": weight}


def reference(nodes, neigh_idx, features, weight):
    # MeanAggregator: gather neighbor features and average over the fan-out dim
    neigh_feats = jnp.take(features, neigh_idx, axis=0)  # [B, DEG, feat_dim]
    combined = jnp.mean(neigh_feats, axis=1)             # [B, feat_dim]
    # NOTE: the original torch code calls combined.mm(self.weight) WITHOUT
    # assigning the result, so the projection is dead code. We reproduce that
    # faithfully: compute it and discard.
    _unused = combined @ weight
    combined = jnp.tanh(combined)
    return combined


if False:  # reference __main__ guard neutralized (emitter)
    inp = setup_inputs()
    out = reference(**inp)
    print(out.shape, out.dtype)

if __name__ == "__main__":
    import jax
    _d = setup_inputs()
    print(jax.jit(kernel)(*tuple(_d.values())))

</pallas_src>

<mosaic_0001>
#map = affine_map<(d0, d1) -> (0, 0, 0)>
#map1 = affine_map<(d0, d1) -> (0, 0)>
module attributes {stable_mosaic.version = 14 : i64} {
  func.func @_ego_encode(%arg0: i32, %arg1: i32, %arg2: memref<32x128x128xi32, #tpu.memory_space<hbm>>, %arg3: memref<100000x128xf32, #tpu.memory_space<hbm>>, %arg4: memref<16384x128xf32, #tpu.memory_space<hbm>>, %arg5: memref<128x128xi32, #tpu.memory_space<vmem>>, %arg6: memref<128x128xf32, #tpu.memory_space<vmem>>, %arg7: memref<128x128xf32, #tpu.memory_space<vmem>>, %arg8: memref<128x128xf32, #tpu.memory_space<vmem>>, %arg9: memref<128x128xf32, #tpu.memory_space<vmem>>, %arg10: memref<256x128xf32, #tpu.memory_space<vmem>>, %arg11: memref<!tpu.dma_semaphore, #tpu.memory_space<semaphore_mem>>, %arg12: memref<!tpu.dma_semaphore, #tpu.memory_space<semaphore_mem>>, %arg13: memref<!tpu.dma_semaphore, #tpu.memory_space<semaphore_mem>>, %arg14: memref<!tpu.dma_semaphore, #tpu.memory_space<semaphore_mem>>) attributes {dimension_semantics = [#tpu.dimension_semantics<core_parallel>, #tpu.dimension_semantics<subcore_parallel>], iteration_bounds = array<i64: 2, 16>, scalar_prefetch = 0 : i64, scratch_operands = 10 : i64, tpu.core_type = #tpu.core_type<sc_vector_subcore>, window_params = [{transform_indices = #map}, {transform_indices = #map1}, {transform_indices = #map1}]} {
    %mul3A = arith.constant 2 : i32
    %mul3A_0 = arith.muli %arg1, %mul3A : i32
    %add3A = arith.addi %mul3A_0, %arg0 : i32
    "tpu.region"() ({
      %run_scoped3A = tpu.sem_alloc : memref<!tpu.dma_semaphore, #tpu.memory_space<semaphore_mem>>
      %dma_start3A_30 = arith.constant 0 : i32
      %dma_start3A_31 = arith.constant 0 : i32
      %dma_start3A_32 = tpu.memref_slice %arg2[%add3A, %dma_start3A_30, %dma_start3A_31] : memref<32x128x128xi32, #tpu.memory_space<hbm>> -> memref<1x128x128xi32, #tpu.memory_space<hbm>>
      %dma_start3A_33 = tpu.memref_squeeze %dma_start3A_32 : memref<1x128x128xi32, #tpu.memory_space<hbm>> -> memref<128x128xi32, #tpu.memory_space<hbm>>
      %dma_start3A_34 = arith.constant 0 : i32
      %dma_start3A_35 = arith.constant 0 : i32
      %dma_start3A_36 = tpu.memref_slice %arg2[%add3A, %dma_start3A_34, %dma_start3A_35] : memref<32x128x128xi32, #tpu.memory_space<hbm>> -> memref<1x128x128xi32, #tpu.memory_space<hbm>>
      %dma_start3A_37 = tpu.memref_squeeze %dma_start3A_36 : memref<1x128x128xi32, #tpu.memory_space<hbm>> -> memref<128x128xi32, #tpu.memory_space<hbm>>
      tpu.enqueue_dma source(%dma_start3A_37 : memref<128x128xi32, #tpu.memory_space<hbm>>) target(%arg5 : memref<128x128xi32, #tpu.memory_space<vmem>>) target_semaphore(%run_scoped3A : memref<!tpu.dma_semaphore, #tpu.memory_space<semaphore_mem>>)
      %dma_wait3A = arith.constant 0 : i32
      %dma_wait3A_38 = arith.constant 0 : i32
      %dma_wait3A_39 = tpu.memref_slice %arg2[%add3A, %dma_wait3A, %dma_wait3A_38] : memref<32x128x128xi32, #tpu.memory_space<hbm>> -> memref<1x128x128xi32, #tpu.memory_space<hbm>>
      %dma_wait3A_40 = tpu.memref_squeeze %dma_wait3A_39 : memref<1x128x128xi32, #tpu.memory_space<hbm>> -> memref<128x128xi32, #tpu.memory_space<hbm>>
      %dma_wait3A_41 = arith.constant 0 : i32
      %dma_wait3A_42 = arith.constant 0 : i32
      %dma_wait3A_43 = tpu.memref_slice %arg2[%add3A, %dma_wait3A_41, %dma_wait3A_42] : memref<32x128x128xi32, #tpu.memory_space<hbm>> -> memref<1x128x128xi32, #tpu.memory_space<hbm>>
      %dma_wait3A_44 = tpu.memref_squeeze %dma_wait3A_43 : memref<1x128x128xi32, #tpu.memory_space<hbm>> -> memref<128x128xi32, #tpu.memory_space<hbm>>
      tpu.wait_dma2 semaphore(%run_scoped3A : memref<!tpu.dma_semaphore, #tpu.memory_space<semaphore_mem>>) src(%dma_wait3A_44 : memref<128x128xi32, #tpu.memory_space<hbm>>) dst(%arg5 : memref<128x128xi32, #tpu.memory_space<vmem>>)
      tpu.yield
    }) : () -> ()
    %dma_start3A = arith.constant 0 : i32
    %dma_start3A_1 = arith.constant 0 : i32
    %dma_start3A_2 = tpu.memref_slice %arg5[%dma_start3A, %dma_start3A_1] : memref<128x128xi32, #tpu.memory_space<vmem>> -> memref<1x128xi32, #tpu.memory_space<vmem>>
    %dma_start3A_3 = tpu.memref_squeeze %dma_start3A_2 : memref<1x128xi32, #tpu.memory_space<vmem>> -> memref<128xi32, #tpu.memory_space<vmem>>
    %dma_start3A_4 = arith.constant 0 : i32
    %dma_start3A_5 = arith.constant 0 : i32
    %dma_start3A_6 = tpu.memref_slice %arg3[%dma_start3A_4, %dma_start3A_5] : memref<100000x128xf32, #tpu.memory_space<hbm>> -> memref<100000x128xf32, #tpu.memory_space<hbm>>
    tpu.enqueue_indirect_dma source(%dma_start3A_6 : memref<100000x128xf32, #tpu.memory_space<hbm>>) target(%arg6 : memref<128x128xf32, #tpu.memory_space<vmem>>) offsets(%dma_start3A_3 : memref<128xi32, #tpu.memory_space<vmem>>) semaphore(%arg11 : memref<!tpu.dma_semaphore, #tpu.memory_space<semaphore_mem>>)
    %dma_start3A_7 = arith.constant 1 : i32
    %dma_start3A_8 = arith.constant 0 : i32
    %dma_start3A_9 = tpu.memref_slice %arg5[%dma_start3A_7, %dma_start3A_8] : memref<128x128xi32, #tpu.memory_space<vmem>> -> memref<1x128xi32, #tpu.memory_space<vmem>>
    %dma_start3A_10 = tpu.memref_squeeze %dma_start3A_9 : memref<1x128xi32, #tpu.memory_space<vmem>> -> memref<128xi32, #tpu.memory_space<vmem>>
    %dma_start3A_11 = arith.constant 0 : i32
    %dma_start3A_12 = arith.constant 0 : i32
    %dma_start3A_13 = tpu.memref_slice %arg3[%dma_start3A_11, %dma_start3A_12] : memref<100000x128xf32, #tpu.memory_space<hbm>> -> memref<100000x128xf32, #tpu.memory_space<hbm>>
    tpu.enqueue_indirect_dma source(%dma_start3A_13 : memref<100000x128xf32, #tpu.memory_space<hbm>>) target(%arg7 : memref<128x128xf32, #tpu.memory_space<vmem>>) offsets(%dma_start3A_10 : memref<128xi32, #tpu.memory_space<vmem>>) semaphore(%arg12 : memref<!tpu.dma_semaphore, #tpu.memory_space<semaphore_mem>>)
    %dma_start3A_14 = arith.constant 2 : i32
    %dma_start3A_15 = arith.constant 0 : i32
    %dma_start3A_16 = tpu.memref_slice %arg5[%dma_start3A_14, %dma_start3A_15] : memref<128x128xi32, #tpu.memory_space<vmem>> -> memref<1x128xi32, #tpu.memory_space<vmem>>
    %dma_start3A_17 = tpu.memref_squeeze %dma_start3A_16 : memref<1x128xi32, #tpu.memory_space<vmem>> -> memref<128xi32, #tpu.memory_space<vmem>>
    %dma_start3A_18 = arith.constant 0 : i32
    %dma_start3A_19 = arith.constant 0 : i32
    %dma_start3A_20 = tpu.memref_slice %arg3[%dma_start3A_18, %dma_start3A_19] : memref<100000x128xf32, #tpu.memory_space<hbm>> -> memref<100000x128xf32, #tpu.memory_space<hbm>>
    tpu.enqueue_indirect_dma source(%dma_start3A_20 : memref<100000x128xf32, #tpu.memory_space<hbm>>) target(%arg8 : memref<128x128xf32, #tpu.memory_space<vmem>>) offsets(%dma_start3A_17 : memref<128xi32, #tpu.memory_space<vmem>>) semaphore(%arg13 : memref<!tpu.dma_semaphore, #tpu.memory_space<semaphore_mem>>)
    %scan3A = arith.constant 0 : i32
    %scan3A_21 = arith.constant 0 : i32
    %scan3A_22 = arith.constant 32 : i32
    %scan3A_23 = arith.addi %scan3A_21, %scan3A_22 : i32
    %scan3A_24 = arith.constant 1 : i32
    scf.for %scan3A_30 = %scan3A_21 to %scan3A_23 step %scan3A_24  : i32 {
      %mul3A_31 = arith.constant 4 : i32
      %mul3A_32 = arith.muli %mul3A_31, %scan3A_30 : i32
      %add3A_33 = arith.constant 0 : i32
      %add3A_34 = arith.addi %mul3A_32, %add3A_33 : i32
      %add3A_35 = arith.constant 4 : i32
      %add3A_36 = arith.addi %add3A_34, %add3A_35 : i32
      %sub3A = arith.constant 1 : i32
      %sub3A_37 = arith.subi %add3A_36, %sub3A : i32
      %lt3A = arith.constant 128 : i32
      %lt3A_38 = arith.cmpi slt, %sub3A_37, %lt3A : i32
      %convert_element_type3A = arith.extui %lt3A_38 : i1 to i32
      %cond3A = arith.constant 0 : i32
      %cond3A_39 = arith.cmpi ne, %convert_element_type3A, %cond3A : i32
      scf.if %cond3A_39 {
        %add3A_2408 = arith.constant 4 : i32
        %add3A_2409 = arith.addi %add3A_34, %add3A_2408 : i32
        %sub3A_2410 = arith.constant 1 : i32
        %sub3A_2411 = arith.subi %add3A_2409, %sub3A_2410 : i32
        %dma_start3A_2412 = arith.constant 0 : i32
        %dma_start3A_2413 = tpu.memref_slice %arg5[%sub3A_2411, %dma_start3A_2412] : memref<128x128xi32, #tpu.memory_space<vmem>> -> memref<1x128xi32, #tpu.memory_space<vmem>>
        %dma_start3A_2414 = tpu.memref_squeeze %dma_start3A_2413 : memref<1x128xi32, #tpu.memory_space<vmem>> -> memref<128xi32, #tpu.memory_space<vmem>>
        %dma_start3A_2415 = arith.constant 0 : i32
        %dma_start3A_2416 = arith.constant 0 : i32
        %dma_start3A_2417 = tpu.memref_slice %arg3[%dma_start3A_2415, %dma_start3A_2416] : memref<100000x128xf32, #tpu.memory_space<hbm>> -> memref<100000x128xf32, #tpu.memory_space<hbm>>
        tpu.enqueue_indirect_dma source(%dma_start3A_2417 : memref<100000x128xf32, #tpu.memory_space<hbm>>) target(%arg9 : memref<128x128xf32, #tpu.memory_space<vmem>>) offsets(%dma_start3A_2414 : memref<128xi32, #tpu.memory_space<vmem>>) semaphore(%arg14 : memref<!tpu.dma_semaphore, #tpu.memory_space<semaphore_mem>>)
      } else {
      }
      %dma_wait3A = arith.constant 0 : i32
      %dma_wait3A_40 = arith.constant 0 : i32
      %dma_wait3A_41 = tpu.memref_slice %arg5[%dma_wait3A, %dma_wait3A_40] : memref<128x128xi32, #tpu.memory_space<vmem>> -> memref<1x128xi32, #tpu.memory_space<vmem>>
      %dma_wait3A_42 = tpu.memref_squeeze %dma_wait3A_41 : memref<1x128xi32, #tpu.memory_space<vmem>> -> memref<128xi32, #tpu.memory_space<vmem>>
      %dma_wait3A_43 = arith.constant 0 : i32
      %dma_wait3A_44 = arith.constant 0 : i32
      %dma_wait3A_45 = tpu.memref_slice %arg3[%dma_wait3A_43, %dma_wait3A_44] : memref<100000x128xf32, #tpu.memory_space<hbm>> -> memref<100000x128xf32, #tpu.memory_space<hbm>>
      tpu.wait_indirect_dma semaphore(%arg11 : memref<!tpu.dma_semaphore, #tpu.memory_space<semaphore_mem>>) src(%dma_wait3A_45 : memref<100000x128xf32, #tpu.memory_space<hbm>>) dst(%arg6 : memref<128x128xf32, #tpu.memory_space<vmem>>)
      %broadcast_in_dim3A = arith.constant 0.000000e+00 : f32
      %broadcast_in_dim3A_46 = vector.broadcast %broadcast_in_dim3A : f32 to vector<16xf32>
      %broadcast_in_dim3A_47 = arith.constant 0.000000e+00 : f32
      %broadcast_in_dim3A_48 = vector.broadcast %broadcast_in_dim3A_47 : f32 to vector<16xf32>
      %broadcast_in_dim3A_49 = arith.constant 0.000000e+00 : f32
      %broadcast_in_dim3A_50 = vector.broadcast %broadcast_in_dim3A_49 : f32 to vector<16xf32>
      %broadcast_in_dim3A_51 = arith.constant 0.000000e+00 : f32
      %broadcast_in_dim3A_52 = vector.broadcast %broadcast_in_dim3A_51 : f32 to vector<16xf32>
      %broadcast_in_dim3A_53 = arith.constant 0.000000e+00 : f32
      %broadcast_in_dim3A_54 = vector.broadcast %broadcast_in_dim3A_53 : f32 to vector<16xf32>
      %broadcast_in_dim3A_55 = arith.constant 0.000000e+00 : f32
      %broadcast_in_dim3A_56 = vector.broadcast %broadcast_in_dim3A_55 : f32 to vector<16xf32>
      %broadcast_in_dim3A_57 = arith.constant 0.000000e+00 : f32
      %broadcast_in_dim3A_58 = vector.broadcast %broadcast_in_dim3A_57 : f32 to vector<16xf32>
      %broadcast_in_dim3A_59 = arith.constant 0.000000e+00 : f32
      %broadcast_in_dim3A_60 = vector.broadcast %broadcast_in_dim3A_59 : f32 to vector<16xf32>
      %scan3A_61 = arith.constant 0 : i32
      %scan3A_62 = arith.constant 32 : i32
      %scan3A_63 = arith.addi %scan3A_61, %scan3A_62 : i32
      %scan3A_64 = arith.constant 1 : i32
      %scan3A_65:8 = scf.for %scan3A_2408 = %scan3A_61 to %scan3A_63 step %scan3A_64 iter_args(%scan3A_2409 = %broadcast_in_dim3A_46, %scan3A_2410 = %broadcast_in_dim3A_48, %scan3A_2411 = %broadcast_in_dim3A_50, %scan3A_2412 = %broadcast_in_dim3A_52, %scan3A_2413 = %broadcast_in_dim3A_54, %scan3A_2414 = %broadcast_in_dim3A_56, %scan3A_2415 = %broadcast_in_dim3A_58, %scan3A_2416 = %broadcast_in_dim3A_60) -> (vector<16xf32>, vector<16xf32>, vector<16xf32>, vector<16xf32>, vector<16xf32>, vector<16xf32>, vector<16xf32>, vector<16xf32>)  : i32 {
        %get3A = arith.index_cast %scan3A_2408 : i32 to index
        %get3A_2417 = arith.constant 0 : index
        %get3A_2418 = tpu.vector_load %arg6[%get3A, %get3A_2417] {strides = array<i32>} : memref<128x128xf32, #tpu.memory_space<vmem>>, vector<16xf32>,
        %add3A_2419 = arith.addf %scan3A_2409, %get3A_2418 : vector<16xf32>
        %get3A_2420 = arith.index_cast %scan3A_2408 : i32 to index
        %get3A_2421 = arith.constant 16 : index
        %get3A_2422 = tpu.vector_load %arg6[%get3A_2420, %get3A_2421] {strides = array<i32>} : memref<128x128xf32, #tpu.memory_space<vmem>>, vector<16xf32>,
        %add3A_2423 = arith.addf %scan3A_2410, %get3A_2422 : vector<16xf32>
        %get3A_2424 = arith.index_cast %scan3A_2408 : i32 to index
        %get3A_2425 = arith.constant 32 : index
        %get3A_2426 = tpu.vector_load %arg6[%get3A_2424, %get3A_2425] {strides = array<i32>} : memref<128x128xf32, #tpu.memory_space<vmem>>, vector<16xf32>,
        %add3A_2427 = arith.addf %scan3A_2411, %get3A_2426 : vector<16xf32>
        %get3A_2428 = arith.index_cast %scan3A_2408 : i32 to index
        %get3A_2429 = arith.constant 48 : index
        %get3A_2430 = tpu.vector_load %arg6[%get3A_2428, %get3A_2429] {strides = array<i32>} : memref<128x128xf32, #tpu.memory_space<vmem>>, vector<16xf32>,
        %add3A_2431 = arith.addf %scan3A_2412, %get3A_2430 : vector<16xf32>
        %get3A_2432 = arith.index_cast %scan3A_2408 : i32 to index
        %get3A_2433 = arith.constant 64 : index
        %get3A_2434 = tpu.vector_load %arg6[%get3A_2432, %get3A_2433] {strides = array<i32>} : memref<128x128xf32, #tpu.memory_space<vmem>>, vector<16xf32>,
        %add3A_2435 = arith.addf %scan3A_2413, %get3A_2434 : vector<16xf32>
        %get3A_2436 = arith.index_cast %scan3A_2408 : i32 to index
        %get3A_2437 = arith.constant 80 : index
        %get3A_2438 = tpu.vector_load %arg6[%get3A_2436, %get3A_2437] {strides = array<i32>} : memref<128x128xf32, #tpu.memory_space<vmem>>, vector<16xf32>,
        %add3A_2439 = arith.addf %scan3A_2414, %get3A_2438 : vector<16xf32>
        %get3A_2440 = arith.index_cast %scan3A_2408 : i32 to index
        %get3A_2441 = arith.constant 96 : index
        %get3A_2442 = tpu.vector_load %arg6[%get3A_2440, %get3A_2441] {strides = array<i32>} : memref<128x128xf32, #tpu.memory_space<vmem>>, vector<16xf32>,
        %add3A_2443 = arith.addf %scan3A_2415, %get3A_2442 : vector<16xf32>
        %get3A_2444 = arith.index_cast %scan3A_2408 : i32 to index
        %get3A_2445 = arith.constant 112 : index
        %get3A_2446 = tpu.vector_load %arg6[%get3A_2444, %get3A_2445] {strides = array<i32>} : memref<128x128xf32, #tpu.memory_space<vmem>>, vector<16xf32>,
        %add3A_2447 = arith.addf %scan3A_2416, %get3A_2446 : vector<16xf32>
        scf.yield %add3A_2419, %add3A_2423, %add3A_2427, %add3A_2431, %add3A_2435, %add3A_2439, %add3A_2443, %add3A_2447 : vector<16xf32>, vector<16xf32>, vector<16xf32>, vector<16xf32>, vector<16xf32>, vector<16xf32>, vector<16xf32>, vector<16xf32>
      }
      %scan3A_66 = arith.constant 32 : i32
      %lt3A_67 = arith.constant 64 : i32
      %lt3A_68 = arith.cmpi slt, %add3A_34, %lt3A_67 : i32
      %sub3A_69 = arith.constant 64 : i32
      %sub3A_70 = arith.subi %add3A_34, %sub3A_69 : i32
      %select_n3A = arith.select %lt3A_68, %add3A_34, %sub3A_70 : i32
      %mul3A_71 = arith.constant 4 : i32
      %mul3A_72 = arith.muli %select_n3A, %mul3A_71 : i32
      %add3A_73 = arith.constant 0 : i32
      %add3A_74 = arith.addi %mul3A_72, %add3A_73 : i32
      %mul3A_75 = arith.constant 6.250000e-02 : f32
      %mul3A_76 = vector.broadcast %mul3A_75 : f32 to vector<16xf32>
      %mul3A_77 = arith.mulf %scan3A_65#0, %mul3A_76 : vector<16xf32>
      %exp3A = math.exp %mul3A_77 : vector<16xf32>
      %sub3A_78 = arith.constant 1.000000e+00 : f32
      %sub3A_79 = vector.broadcast %sub3A_78 : f32 to vector<16xf32>
      %sub3A_80 = arith.subf %exp3A, %sub3A_79 : vector<16xf32>
      %add3A_81 = arith.constant 1.000000e+00 : f32
      %add3A_82 = vector.broadcast %add3A_81 : f32 to vector<16xf32>
      %add3A_83 = arith.addf %exp3A, %add3A_82 : vector<16xf32>
      %div3A = arith.divf %sub3A_80, %add3A_83 : vector<16xf32>
      %swap3A = arith.index_cast %add3A_74 : i32 to index
      %swap3A_84 = arith.constant 0 : index
      %swap3A_85 = tpu.vector_load %arg10[%swap3A, %swap3A_84] {strides = array<i32>} : memref<256x128xf32, #tpu.memory_space<vmem>>, vector<16xf32>,
      tpu.vector_store %arg10[%swap3A, %swap3A_84], %div3A {strides = array<i32>} : memref<256x128xf32, #tpu.memory_space<vmem>>, vector<16xf32>,
      %mul3A_86 = arith.constant 6.250000e-02 : f32
      %mul3A_87 = vector.broadcast %mul3A_86 : f32 to vector<16xf32>
      %mul3A_88 = arith.mulf %scan3A_65#1, %mul3A_87 : vector<16xf32>
      %exp3A_89 = math.exp %mul3A_88 : vector<16xf32>
      %sub3A_90 = arith.constant 1.000000e+00 : f32
      %sub3A_91 = vector.broadcast %sub3A_90 : f32 to vector<16xf32>
      %sub3A_92 = arith.subf %exp3A_89, %sub3A_91 : vector<16xf32>
      %add3A_93 = arith.constant 1.000000e+00 : f32
      %add3A_94 = vector.broadcast %add3A_93 : f32 to vector<16xf32>
      %add3A_95 = arith.addf %exp3A_89, %add3A_94 : vector<16xf32>
      %div3A_96 = arith.divf %sub3A_92, %add3A_95 : vector<16xf32>
      %swap3A_97 = arith.index_cast %add3A_74 : i32 to index
      %swap3A_98 = arith.constant 16 : index
      %swap3A_99 = tpu.vector_load %arg10[%swap3A_97, %swap3A_98] {strides = array<i32>} : memref<256x128xf32, #tpu.memory_space<vmem>>, vector<16xf32>,
      tpu.vector_store %arg10[%swap3A_97, %swap3A_98], %div3A_96 {strides = array<i32>} : memref<256x128xf32, #tpu.memory_space<vmem>>, vector<16xf32>,
      %mul3A_100 = arith.constant 6.250000e-02 : f32
      %mul3A_101 = vector.broadcast %mul3A_100 : f32 to vector<16xf32>
      %mul3A_102 = arith.mulf %scan3A_65#2, %mul3A_101 : vector<16xf32>
      %exp3A_103 = math.exp %mul3A_102 : vector<16xf32>
      %sub3A_104 = arith.constant 1.000000e+00 : f32
      %sub3A_105 = vector.broadcast %sub3A_104 : f32 to vector<16xf32>
      %sub3A_106 = arith.subf %exp3A_103, %sub3A_105 : vector<16xf32>
      %add3A_107 = arith.constant 1.000000e+00 : f32
      %add3A_108 = vector.broadcast %add3A_107 : f32 to vector<16xf32>
      %add3A_109 = arith.addf %exp3A_103, %add3A_108 : vector<16xf32>
      %div3A_110 = arith.divf %sub3A_106, %add3A_109 : vector<16xf32>
      %swap3A_111 = arith.index_cast %add3A_74 : i32 to index
      %swap3A_112 = arith.constant 32 : index
      %swap3A_113 = tpu.vector_load %arg10[%swap3A_111, %swap3A_112] {strides = array<i32>} : memref<256x128xf32, #tpu.memory_space<vmem>>, vector<16xf32>,
      tpu.vector_store %arg10[%swap3A_111, %swap3A_112], %div3A_110 {strides = array<i32>} : memref<256x128xf32, #tpu.memory_space<vmem>>, vector<16xf32>,
      %mul3A_114 = arith.constant 6.250000e-02 : f32
      %mul3A_115 = vector.broadcast %mul3A_114 : f32 to vector<16xf32>
      %mul3A_116 = arith.mulf %scan3A_65#3, %mul3A_115 : vector<16xf32>
      %exp3A_117 = math.exp %mul3A_116 : vector<16xf32>
      %sub3A_118 = arith.constant 1.000000e+00 : f32
      %sub3A_119 = vector.broadcast %sub3A_118 : f32 to vector<16xf32>
      %sub3A_120 = arith.subf %exp3A_117, %sub3A_119 : vector<16xf32>
      %add3A_121 = arith.constant 1.000000e+00 : f32
      %add3A_122 = vector.broadcast %add3A_121 : f32 to vector<16xf32>
      %add3A_123 = arith.addf %exp3A_117, %add3A_122 : vector<16xf32>
      %div3A_124 = arith.divf %sub3A_120, %add3A_123 : vector<16xf32>
      %swap3A_125 = arith.index_cast %add3A_74 : i32 to index
      %swap3A_126 = arith.constant 48 : index
      %swap3A_127 = tpu.vector_load %arg10[%swap3A_125, %swap3A_126] {strides = array<i32>} : memref<256x128xf32, #tpu.memory_space<vmem>>, vector<16xf32>,
      tpu.vector_store %arg10[%swap3A_125, %swap3A_126], %div3A_124 {strides = array<i32>} : memref<256x128xf32, #tpu.memory_space<vmem>>, vector<16xf32>,
      %mul3A_128 = arith.constant 6.250000e-02 : f32
      %mul3A_129 = vector.broadcast %mul3A_128 : f32 to vector<16xf32>
      %mul3A_130 = arith.mulf %scan3A_65#4, %mul3A_129 : vector<16xf32>
      %exp3A_131 = math.exp %mul3A_130 : vector<16xf32>
      %sub3A_132 = arith.constant 1.000000e+00 : f32
      %sub3A_133 = vector.broadcast %sub3A_132 : f32 to vector<16xf32>
      %sub3A_134 = arith.subf %exp3A_131, %sub3A_133 : vector<16xf32>
      %add3A_135 = arith.constant 1.000000e+00 : f32
      %add3A_136 = vector.broadcast %add3A_135 : f32 to vector<16xf32>
      %add3A_137 = arith.addf %exp3A_131, %add3A_136 : vector<16xf32>
      %div3A_138 = arith.divf %sub3A_134, %add3A_137 : vector<16xf32>
      %swap3A_139 = arith.index_cast %add3A_74 : i32 to index
      %swap3A_140 = arith.constant 64 : index
      %swap3A_141 = tpu.vector_load %arg10[%swap3A_139, %swap3A_140] {strides = array<i32>} : memref<256x128xf32, #tpu.memory_space<vmem>>, vector<16xf32>,
      tpu.vector_store %arg10[%swap3A_139, %swap3A_140], %div3A_138 {strides = array<i32>} : memref<256x128xf32, #tpu.memory_space<vmem>>, vector<16xf32>,
      %mul3A_142 = arith.constant 6.250000e-02 : f32
      %mul3A_143 = vector.broadcast %mul3A_142 : f32 to vector<16xf32>
      %mul3A_144 = arith.mulf %scan3A_65#5, %mul3A_143 : vector<16xf32>
      %exp3A_145 = math.exp %mul3A_144 : vector<16xf32>
      %sub3A_146 = arith.constant 1.000000e+00 : f32
      %sub3A_147 = vector.broadcast %sub3A_146 : f32 to vector<16xf32>
      %sub3A_148 = arith.subf %exp3A_145, %sub3A_147 : vector<16xf32>
      %add3A_149 = arith.constant 1.000000e+00 : f32
      %add3A_150 = vector.broadcast %add3A_149 : f32 to vector<16xf32>
      %add3A_151 = arith.addf %exp3A_145, %add3A_150 : vector<16xf32>
      %div3A_152 = arith.divf %sub3A_148, %add3A_151 : vector<16xf32>
      %swap3A_153 = arith.index_cast %add3A_74 : i32 to index
      %swap3A_154 = arith.constant 80 : index
      %swap3A_155 = tpu.vector_load %arg10[%swap3A_153, %swap3A_154] {strides = array<i32>} : memref<256x128xf32, #tpu.memory_space<vmem>>, vector<16xf32>,
      tpu.vector_store %arg10[%swap3A_153, %swap3A_154], %div3A_152 {strides = array<i32>} : memref<256x128xf32, #tpu.memory_space<vmem>>, vector<16xf32>,
      %mul3A_156 = arith.constant 6.250000e-02 : f32
      %mul3A_157 = vector.broadcast %mul3A_156 : f32 to vector<16xf32>
      %mul3A_158 = arith.mulf %scan3A_65#6, %mul3A_157 : vector<16xf32>
      %exp3A_159 = math.exp %mul3A_158 : vector<16xf32>
      %sub3A_160 = arith.constant 1.000000e+00 : f32
      %sub3A_161 = vector.broadcast %sub3A_160 : f32 to vector<16xf32>
      %sub3A_162 = arith.subf %exp3A_159, %sub3A_161 : vector<16xf32>
      %add3A_163 = arith.constant 1.000000e+00 : f32
      %add3A_164 = vector.broadcast %add3A_163 : f32 to vector<16xf32>
      %add3A_165 = arith.addf %exp3A_159, %add3A_164 : vector<16xf32>
      %div3A_166 = arith.divf %sub3A_162, %add3A_165 : vector<16xf32>
      %swap3A_167 = arith.index_cast %add3A_74 : i32 to index
      %swap3A_168 = arith.constant 96 : index
      %swap3A_169 = tpu.vector_load %arg10[%swap3A_167, %swap3A_168] {strides = array<i32>} : memref<256x128xf32, #tpu.memory_space<vmem>>, vector<16xf32>,
      tpu.vector_store %arg10[%swap3A_167, %swap3A_168], %div3A_166 {strides = array<i32>} : memref<256x128xf32, #tpu.memory_space<vmem>>, vector<16xf32>,
      %mul3A_170 = arith.constant 6.250000e-02 : f32
      %mul3A_171 = vector.broadcast %mul3A_170 : f32 to vector<16xf32>
      %mul3A_172 = arith.mulf %scan3A_65#7, %mul3A_171 : vector<16xf32>
      %exp3A_173 = math.exp %mul3A_172 : vector<16xf32>
      %sub3A_174 = arith.constant 1.000000e+00 : f32
      %sub3A_175 = vector.broadcast %sub3A_174 : f32 to vector<16xf32>
      %sub3A_176 = arith.subf %exp3A_173, %sub3A_175 : vector<16xf32>
      %add3A_177 = arith.constant 1.000000e+00 : f32
      %add3A_178 = vector.broadcast %add3A_177 : f32 to vector<16xf32>
      %add3A_179 = arith.addf %exp3A_173, %add3A_178 : vector<16xf32>
      %div3A_180 = arith.divf %sub3A_176, %add3A_179 : vector<16xf32>
      %swap3A_181 = arith.index_cast %add3A_74 : i32 to index
      %swap3A_182 = arith.constant 112 : index
      %swap3A_183 = tpu.vector_load %arg10[%swap3A_181, %swap3A_182] {strides = array<i32>} : memref<256x128xf32, #tpu.memory_space<vmem>>, vector<16xf32>,
      tpu.vector_store %arg10[%swap3A_181, %swap3A_182], %div3A_180 {strides = array<i32>} : memref<256x128xf32, #tpu.memory_space<vmem>>, vector<16xf32>,
      %broadcast_in_dim3A_184 = arith.constant 0.000000e+00 : f32
      %broadcast_in_dim3A_185 = vector.broadcast %broadcast_in_dim3A_184 : f32 to vector<16xf32>
      %broadcast_in_dim3A_186 = arith.constant 0.000000e+00 : f32
      %broadcast_in_dim3A_187 = vector.broadcast %broadcast_in_dim3A_186 : f32 to vector<16xf32>
      %broadcast_in_dim3A_188 = arith.constant 0.000000e+00 : f32
      %broadcast_in_dim3A_189 = vector.broadcast %broadcast_in_dim3A_188 : f32 to vector<16xf32>
      %broadcast_in_dim3A_190 = arith.constant 0.000000e+00 : f32
      %broadcast_in_dim3A_191 = vector.broadcast %broadcast_in_dim3A_190 : f32 to vector<16xf32>
      %broadcast_in_dim3A_192 = arith.constant 0.000000e+00 : f32
      %broadcast_in_dim3A_193 = vector.broadcast %broadcast_in_dim3A_192 : f32 to vector<16xf32>
      %broadcast_in_dim3A_194 = arith.constant 0.000000e+00 : f32
      %broadcast_in_dim3A_195 = vector.broadcast %broadcast_in_dim3A_194 : f32 to vector<16xf32>
      %broadcast_in_dim3A_196 = arith.constant 0.000000e+00 : f32
      %broadcast_in_dim3A_197 = vector.broadcast %broadcast_in_dim3A_196 : f32 to vector<16xf32>
      %broadcast_in_dim3A_198 = arith.constant 0.000000e+00 : f32
      %broadcast_in_dim3A_199 = vector.broadcast %broadcast_in_dim3A_198 : f32 to vector<16xf32>
      %scan3A_200 = arith.constant 32 : i32
      %scan3A_201 = arith.constant 32 : i32
      %scan3A_202 = arith.addi %scan3A_200, %scan3A_201 : i32
      %scan3A_203 = arith.constant 1 : i32
      %scan3A_204:8 = scf.for %scan3A_2408 = %scan3A_200 to %scan3A_202 step %scan3A_203 iter_args(%scan3A_2409 = %broadcast_in_dim3A_185, %scan3A_2410 = %broadcast_in_dim3A_187, %scan3A_2411 = %broadcast_in_dim3A_189, %scan3A_2412 = %broadcast_in_dim3A_191, %scan3A_2413 = %broadcast_in_dim3A_193, %scan3A_2414 = %broadcast_in_dim3A_195, %scan3A_2415 = %broadcast_in_dim3A_197, %scan3A_2416 = %broadcast_in_dim3A_199) -> (vector<16xf32>, vector<16xf32>, vector<16xf32>, vector<16xf32>, vector<16xf32>, vector<16xf32>, vector<16xf32>, vector<16xf32>)  : i32 {
        %get3A = arith.index_cast %scan3A_2408 : i32 to index
        %get3A_2417 = arith.constant 0 : index
        %get3A_2418 = tpu.vector_load %arg6[%get3A, %get3A_2417] {strides = array<i32>} : memref<128x128xf32, #tpu.memory_space<vmem>>, vector<16xf32>,
        %add3A_2419 = arith.addf %scan3A_2409, %get3A_2418 : vector<16xf32>
        %get3A_2420 = arith.index_cast %scan3A_2408 : i32 to index
        %get3A_2421 = arith.constant 16 : index
        %get3A_2422 = tpu.vector_load %arg6[%get3A_2420, %get3A_2421] {strides = array<i32>} : memref<128x128xf32, #tpu.memory_space<vmem>>, vector<16xf32>,
        %add3A_2423 = arith.addf %scan3A_2410, %get3A_2422 : vector<16xf32>
        %get3A_2424 = arith.index_cast %scan3A_2408 : i32 to index
        %get3A_2425 = arith.constant 32 : index
        %get3A_2426 = tpu.vector_load %arg6[%get3A_2424, %get3A_2425] {strides = array<i32>} : memref<128x128xf32, #tpu.memory_space<vmem>>, vector<16xf32>,
        %add3A_2427 = arith.addf %scan3A_2411, %get3A_2426 : vector<16xf32>
        %get3A_2428 = arith.index_cast %scan3A_2408 : i32 to index
        %get3A_2429 = arith.constant 48 : index
        %get3A_2430 = tpu.vector_load %arg6[%get3A_2428, %get3A_2429] {strides = array<i32>} : memref<128x128xf32, #tpu.memory_space<vmem>>, vector<16xf32>,
        %add3A_2431 = arith.addf %scan3A_2412, %get3A_2430 : vector<16xf32>
        %get3A_2432 = arith.index_cast %scan3A_2408 : i32 to index
        %get3A_2433 = arith.constant 64 : index
        %get3A_2434 = tpu.vector_load %arg6[%get3A_2432, %get3A_2433] {strides = array<i32>} : memref<128x128xf32, #tpu.memory_space<vmem>>, vector<16xf32>,
        %add3A_2435 = arith.addf %scan3A_2413, %get3A_2434 : vector<16xf32>
        %get3A_2436 = arith.index_cast %scan3A_2408 : i32 to index
        %get3A_2437 = arith.constant 80 : index
        %get3A_2438 = tpu.vector_load %arg6[%get3A_2436, %get3A_2437] {strides = array<i32>} : memref<128x128xf32, #tpu.memory_space<vmem>>, vector<16xf32>,
        %add3A_2439 = arith.addf %scan3A_2414, %get3A_2438 : vector<16xf32>
        %get3A_2440 = arith.index_cast %scan3A_2408 : i32 to index
        %get3A_2441 = arith.constant 96 : index
        %get3A_2442 = tpu.vector_load %arg6[%get3A_2440, %get3A_2441] {strides = array<i32>} : memref<128x128xf32, #tpu.memory_space<vmem>>, vector<16xf32>,
        %add3A_2443 = arith.addf %scan3A_2415, %get3A_2442 : vector<16xf32>
        %get3A_2444 = arith.index_cast %scan3A_2408 : i32 to index
        %get3A_2445 = arith.constant 112 : index
        %get3A_2446 = tpu.vector_load %arg6[%get3A_2444, %get3A_2445] {strides = array<i32>} : memref<128x128xf32, #tpu.memory_space<vmem>>, vector<16xf32>,
        %add3A_2447 = arith.addf %scan3A_2416, %get3A_2446 : vector<16xf32>
        scf.yield %add3A_2419, %add3A_2423, %add3A_2427, %add3A_2431, %add3A_2435, %add3A_2439, %add3A_2443, %add3A_2447 : vector<16xf32>, vector<16xf32>, vector<16xf32>, vector<16xf32>, vector<16xf32>, vector<16xf32>, vector<16xf32>, vector<16xf32>
      }
      %scan3A_205 = arith.constant 32 : i32
      %lt3A_206 = arith.constant 64 : i32
      %lt3A_207 = arith.cmpi slt, %add3A_34, %lt3A_206 : i32
      %sub3A_208 = arith.constant 64 : i32
      %sub3A_209 = arith.subi %add3A_34, %sub3A_208 : i32
      %select_n3A_210 = arith.select %lt3A_207, %add3A_34, %sub3A_209 : i32
      %mul3A_211 = arith.constant 4 : i32
      %mul3A_212 = arith.muli %select_n3A_210, %mul3A_211 : i32
      %add3A_213 = arith.constant 1 : i32
      %add3A_214 = arith.addi %mul3A_212, %add3A_213 : i32
      %mul3A_215 = arith.constant 6.250000e-02 : f32
      %mul3A_216 = vector.broadcast %mul3A_215 : f32 to vector<16xf32>
      %mul3A_217 = arith.mulf %scan3A_204#0, %mul3A_216 : vector<16xf32>
      %exp3A_218 = math.exp %mul3A_217 : vector<16xf32>
      %sub3A_219 = arith.constant 1.000000e+00 : f32
      %sub3A_220 = vector.broadcast %sub3A_219 : f32 to vector<16xf32>
      %sub3A_221 = arith.subf %exp3A_218, %sub3A_220 : vector<16xf32>
      %add3A_222 = arith.constant 1.000000e+00 : f32
      %add3A_223 = vector.broadcast %add3A_222 : f32 to vector<16xf32>
      %add3A_224 = arith.addf %exp3A_218, %add3A_223 : vector<16xf32>
      %div3A_225 = arith.divf %sub3A_221, %add3A_224 : vector<16xf32>
      %swap3A_226 = arith.index_cast %add3A_214 : i32 to index
      %swap3A_227 = arith.constant 0 : index
      %swap3A_228 = tpu.vector_load %arg10[%swap3A_226, %swap3A_227] {strides = array<i32>} : memref<256x128xf32, #tpu.memory_space<vmem>>, vector<16xf32>,
      tpu.vector_store %arg10[%swap3A_226, %swap3A_227], %div3A_225 {strides = array<i32>} : memref<256x128xf32, #tpu.memory_space<vmem>>, vector<16xf32>,
      %mul3A_229 = arith.constant 6.250000e-02 : f32
      %mul3A_230 = vector.broadcast %mul3A_229 : f32 to vector<16xf32>
      %mul3A_231 = arith.mulf %scan3A_204#1, %mul3A_230 : vector<16xf32>
      %exp3A_232 = math.exp %mul3A_231 : vector<16xf32>
      %sub3A_233 = arith.constant 1.000000e+00 : f32
      %sub3A_234 = vector.broadcast %sub3A_233 : f32 to vector<16xf32>
      %sub3A_235 = arith.subf %exp3A_232, %sub3A_234 : vector<16xf32>
      %add3A_236 = arith.constant 1.000000e+00 : f32
      %add3A_237 = vector.broadcast %add3A_236 : f32 to vector<16xf32>
      %add3A_238 = arith.addf %exp3A_232, %add3A_237 : vector<16xf32>
      %div3A_239 = arith.divf %sub3A_235, %add3A_238 : vector<16xf32>
      %swap3A_240 = arith.index_cast %add3A_214 : i32 to index
      %swap3A_241 = arith.constant 16 : index
      %swap3A_242 = tpu.vector_load %arg10[%swap3A_240, %swap3A_241] {strides = array<i32>} : memref<256x128xf32, #tpu.memory_space<vmem>>, vector<16xf32>,
      tpu.vector_store %arg10[%swap3A_240, %swap3A_241], %div3A_239 {strides = array<i32>} : memref<256x128xf32, #tpu.memory_space<vmem>>, vector<16xf32>,
      %mul3A_243 = arith.constant 6.250000e-02 : f32
      %mul3A_244 = vector.broadcast %mul3A_243 : f32 to vector<16xf32>
      %mul3A_245 = arith.mulf %scan3A_204#2, %mul3A_244 : vector<16xf32>
      %exp3A_246 = math.exp %mul3A_245 : vector<16xf32>
      %sub3A_247 = arith.constant 1.000000e+00 : f32
      %sub3A_248 = vector.broadcast %sub3A_247 : f32 to vector<16xf32>
      %sub3A_249 = arith.subf %exp3A_246, %sub3A_248 : vector<16xf32>
      %add3A_250 = arith.constant 1.000000e+00 : f32
      %add3A_251 = vector.broadcast %add3A_250 : f32 to vector<16xf32>
      %add3A_252 = arith.addf %exp3A_246, %add3A_251 : vector<16xf32>
      %div3A_253 = arith.divf %sub3A_249, %add3A_252 : vector<16xf32>
      %swap3A_254 = arith.index_cast %add3A_214 : i32 to index
      %swap3A_255 = arith.constant 32 : index
      %swap3A_256 = tpu.vector_load %arg10[%swap3A_254, %swap3A_255] {strides = array<i32>} : memref<256x128xf32, #tpu.memory_space<vmem>>, vector<16xf32>,
      tpu.vector_store %arg10[%swap3A_254, %swap3A_255], %div3A_253 {strides = array<i32>} : memref<256x128xf32, #tpu.memory_space<vmem>>, vector<16xf32>,
      %mul3A_257 = arith.constant 6.250000e-02 : f32
      %mul3A_258 = vector.broadcast %mul3A_257 : f32 to vector<16xf32>
      %mul3A_259 = arith.mulf %scan3A_204#3, %mul3A_258 : vector<16xf32>
      %exp3A_260 = math.exp %mul3A_259 : vector<16xf32>
      %sub3A_261 = arith.constant 1.000000e+00 : f32
      %sub3A_262 = vector.broadcast %sub3A_261 : f32 to vector<16xf32>
      %sub3A_263 = arith.subf %exp3A_260, %sub3A_262 : vector<16xf32>
      %add3A_264 = arith.constant 1.000000e+00 : f32
      %add3A_265 = vector.broadcast %add3A_264 : f32 to vector<16xf32>
      %add3A_266 = arith.addf %exp3A_260, %add3A_265 : vector<16xf32>
      %div3A_267 = arith.divf %sub3A_263, %add3A_266 : vector<16xf32>
      %swap3A_268 = arith.index_cast %add3A_214 : i32 to index
      %swap3A_269 = arith.constant 48 : index
      %swap3A_270 = tpu.vector_load %arg10[%swap3A_268, %swap3A_269] {strides = array<i32>} : memref<256x128xf32, #tpu.memory_space<vmem>>, vector<16xf32>,
      tpu.vector_store %arg10[%swap3A_268, %swap3A_269], %div3A_267 {strides = array<i32>} : memref<256x128xf32, #tpu.memory_space<vmem>>, vector<16xf32>,
      %mul3A_271 = arith.constant 6.250000e-02 : f32
      %mul3A_272 = vector.broadcast %mul3A_271 : f32 to vector<16xf32>
      %mul3A_273 = arith.mulf %scan3A_204#4, %mul3A_272 : vector<16xf32>
      %exp3A_274 = math.exp %mul3A_273 : vector<16xf32>
      %sub3A_275 = arith.constant 1.000000e+00 : f32
      %sub3A_276 = vector.broadcast %sub3A_275 : f32 to vector<16xf32>
      %sub3A_277 = arith.subf %exp3A_274, %sub3A_276 : vector<16xf32>
      %add3A_278 = arith.constant 1.000000e+00 : f32
      %add3A_279 = vector.broadcast %add3A_278 : f32 to vector<16xf32>
      %add3A_280 = arith.addf %exp3A_274, %add3A_279 : vector<16xf32>
      %div3A_281 = arith.divf %sub3A_277, %add3A_280 : vector<16xf32>
      %swap3A_282 = arith.index_cast %add3A_214 : i32 to index
      %swap3A_283 = arith.constant 64 : index
      %swap3A_284 = tpu.vector_load %arg10[%swap3A_282, %swap3A_283] {strides = array<i32>} : memref<256x128xf32, #tpu.memory_space<vmem>>, vector<16xf32>,
      tpu.vector_store %arg10[%swap3A_282, %swap3A_283], %div3A_281 {strides = array<i32>} : memref<256x128xf32, #tpu.memory_space<vmem>>, vector<16xf32>,
      %mul3A_285 = arith.constant 6.250000e-02 : f32
      %mul3A_286 = vector.broadcast %mul3A_285 : f32 to vector<16xf32>
      %mul3A_287 = arith.mulf %scan3A_204#5, %mul3A_286 : vector<16xf32>
      %exp3A_288 = math.exp %mul3A_287 : vector<16xf32>
      %sub3A_289 = arith.constant 1.000000e+00 : f32
      %sub3A_290 = vector.broadcast %sub3A_289 : f32 to vector<16xf32>
      %sub3A_291 = arith.subf %exp3A_288, %sub3A_290 : vector<16xf32>
      %add3A_292 = arith.constant 1.000000e+00 : f32
      %add3A_293 = vector.broadcast %add3A_292 : f32 to vector<16xf32>
      %add3A_294 = arith.addf %exp3A_288, %add3A_293 : vector<16xf32>
      %div3A_295 = arith.divf %sub3A_291, %add3A_294 : vector<16xf32>
      %swap3A_296 = arith.index_cast %add3A_214 : i32 to index
      %swap3A_297 = arith.constant 80 : index
      %swap3A_298 = tpu.vector_load %arg10[%swap3A_296, %swap3A_297] {strides = array<i32>} : memref<256x128xf32, #tpu.memory_space<vmem>>, vector<16xf32>,
      tpu.vector_store %arg10[%swap3A_296, %swap3A_297], %div3A_295 {strides = array<i32>} : memref<256x128xf32, #tpu.memory_space<vmem>>, vector<16xf32>,
      %mul3A_299 = arith.constant 6.250000e-02 : f32
      %mul3A_300 = vector.broadcast %mul3A_299 : f32 to vector<16xf32>
      %mul3A_301 = arith.mulf %scan3A_204#6, %mul3A_300 : vector<16xf32>
      %exp3A_302 = math.exp %mul3A_301 : vector<16xf32>
      %sub3A_303 = arith.constant 1.000000e+00 : f32
      %sub3A_304 = vector.broadcast %sub3A_303 : f32 to vector<16xf32>
      %sub3A_305 = arith.subf %exp3A_302, %sub3A_304 : vector<16xf32>
      %add3A_306 = arith.constant 1.000000e+00 : f32
      %add3A_307 = vector.broadcast %add3A_306 : f32 to vector<16xf32>
      %add3A_308 = arith.addf %exp3A_302, %add3A_307 : vector<16xf32>
      %div3A_309 = arith.divf %sub3A_305, %add3A_308 : vector<16xf32>
      %swap3A_310 = arith.index_cast %add3A_214 : i32 to index
      %swap3A_311 = arith.constant 96 : index
      %swap3A_312 = tpu.vector_load %arg10[%swap3A_310, %swap3A_311] {strides = array<i32>} : memref<256x128xf32, #tpu.memory_space<vmem>>, vector<16xf32>,
      tpu.vector_store %arg10[%swap3A_310, %swap3A_311], %div3A_309 {strides = array<i32>} : memref<256x128xf32, #tpu.memory_space<vmem>>, vector<16xf32>,
      %mul3A_313 = arith.constant 6.250000e-02 : f32
      %mul3A_314 = vector.broadcast %mul3A_313 : f32 to vector<16xf32>
      %mul3A_315 = arith.mulf %scan3A_204#7, %mul3A_314 : vector<16xf32>
      %exp3A_316 = math.exp %mul3A_315 : vector<16xf32>
      %sub3A_317 = arith.constant 1.000000e+00 : f32
      %sub3A_318 = vector.broadcast %sub3A_317 : f32 to vector<16xf32>
      %sub3A_319 = arith.subf %exp3A_316, %sub3A_318 : vector<16xf32>
      %add3A_320 = arith.constant 1.000000e+00 : f32
      %add3A_321 = vector.broadcast %add3A_320 : f32 to vector<16xf32>
      %add3A_322 = arith.addf %exp3A_316, %add3A_321 : vector<16xf32>
      %div3A_323 = arith.divf %sub3A_319, %add3A_322 : vector<16xf32>
      %swap3A_324 = arith.index_cast %add3A_214 : i32 to index
      %swap3A_325 = arith.constant 112 : index
      %swap3A_326 = tpu.vector_load %arg10[%swap3A_324, %swap3A_325] {strides = array<i32>} : memref<256x128xf32, #tpu.memory_space<vmem>>, vector<16xf32>,
      tpu.vector_store %arg10[%swap3A_324, %swap3A_325], %div3A_323 {strides = array<i32>} : memref<256x128xf32, #tpu.memory_space<vmem>>, vector<16xf32>,
      %broadcast_in_dim3A_327 = arith.constant 0.000000e+00 : f32
      %broadcast_in_dim3A_328 = vector.broadcast %broadcast_in_dim3A_327 : f32 to vector<16xf32>
      %broadcast_in_dim3A_329 = arith.constant 0.000000e+00 : f32
      %broadcast_in_dim3A_330 = vector.broadcast %broadcast_in_dim3A_329 : f32 to vector<16xf32>
      %broadcast_in_dim3A_331 = arith.constant 0.000000e+00 : f32
      %broadcast_in_dim3A_332 = vector.broadcast %broadcast_in_dim3A_331 : f32 to vector<16xf32>
      %broadcast_in_dim3A_333 = arith.constant 0.000000e+00 : f32
      %broadcast_in_dim3A_334 = vector.broadcast %broadcast_in_dim3A_333 : f32 to vector<16xf32>
      %broadcast_in_dim3A_335 = arith.constant 0.000000e+00 : f32
      %broadcast_in_dim3A_336 = vector.broadcast %broadcast_in_dim3A_335 : f32 to vector<16xf32>
      %broadcast_in_dim3A_337 = arith.constant 0.000000e+00 : f32
      %broadcast_in_dim3A_338 = vector.broadcast %broadcast_in_dim3A_337 : f32 to vector<16xf32>
      %broadcast_in_dim3A_339 = arith.constant 0.000000e+00 : f32
      %broadcast_in_dim3A_340 = vector.broadcast %broadcast_in_dim3A_339 : f32 to vector<16xf32>
      %broadcast_in_dim3A_341 = arith.constant 0.000000e+00 : f32
      %broadcast_in_dim3A_342 = vector.broadcast %broadcast_in_dim3A_341 : f32 to vector<16xf32>
      %scan3A_343 = arith.constant 64 : i32
      %scan3A_344 = arith.constant 32 : i32
      %scan3A_345 = arith.addi %scan3A_343, %scan3A_344 : i32
      %scan3A_346 = arith.constant 1 : i32
      %scan3A_347:8 = scf.for %scan3A_2408 = %scan3A_343 to %scan3A_345 step %scan3A_346 iter_args(%scan3A_2409 = %broadcast_in_dim3A_328, %scan3A_2410 = %broadcast_in_dim3A_330, %scan3A_2411 = %broadcast_in_dim3A_332, %scan3A_2412 = %broadcast_in_dim3A_334, %scan3A_2413 = %broadcast_in_dim3A_336, %scan3A_2414 = %broadcast_in_dim3A_338, %scan3A_2415 = %broadcast_in_dim3A_340, %scan3A_2416 = %broadcast_in_dim3A_342) -> (vector<16xf32>, vector<16xf32>, vector<16xf32>, vector<16xf32>, vector<16xf32>, vector<16xf32>, vector<16xf32>, vector<16xf32>)  : i32 {
        %get3A = arith.index_cast %scan3A_2408 : i32 to index
        %get3A_2417 = arith.constant 0 : index
        %get3A_2418 = tpu.vector_load %arg6[%get3A, %get3A_2417] {strides = array<i32>} : memref<128x128xf32, #tpu.memory_space<vmem>>, vector<16xf32>,
        %add3A_2419 = arith.addf %scan3A_2409, %get3A_2418 : vector<16xf32>
        %get3A_2420 = arith.index_cast %scan3A_2408 : i32 to index
        %get3A_2421 = arith.constant 16 : index
        %get3A_2422 = tpu.vector_load %arg6[%get3A_2420, %get3A_2421] {strides = array<i32>} : memref<128x128xf32, #tpu.memory_space<vmem>>, vector<16xf32>,
        %add3A_2423 = arith.addf %scan3A_2410, %get3A_2422 : vector<16xf32>
        %get3A_2424 = arith.index_cast %scan3A_2408 : i32 to index
        %get3A_2425 = arith.constant 32 : index
        %get3A_2426 = tpu.vector_load %arg6[%get3A_2424, %get3A_2425] {strides = array<i32>} : memref<128x128xf32, #tpu.memory_space<vmem>>, vector<16xf32>,
        %add3A_2427 = arith.addf %scan3A_2411, %get3A_2426 : vector<16xf32>
        %get3A_2428 = arith.index_cast %scan3A_2408 : i32 to index
        %get3A_2429 = arith.constant 48 : index
        %get3A_2430 = tpu.vector_load %arg6[%get3A_2428, %get3A_2429] {strides = array<i32>} : memref<128x128xf32, #tpu.memory_space<vmem>>, vector<16xf32>,
        %add3A_2431 = arith.addf %scan3A_2412, %get3A_2430 : vector<16xf32>
        %get3A_2432 = arith.index_cast %scan3A_2408 : i32 to index
        %get3A_2433 = arith.constant 64 : index
        %get3A_2434 = tpu.vector_load %arg6[%get3A_2432, %get3A_2433] {strides = array<i32>} : memref<128x128xf32, #tpu.memory_space<vmem>>, vector<16xf32>,
        %add3A_2435 = arith.addf %scan3A_2413, %get3A_2434 : vector<16xf32>
        %get3A_2436 = arith.index_cast %scan3A_2408 : i32 to index
        %get3A_2437 = arith.constant 80 : index
        %get3A_2438 = tpu.vector_load %arg6[%get3A_2436, %get3A_2437] {strides = array<i32>} : memref<128x128xf32, #tpu.memory_space<vmem>>, vector<16xf32>,
        %add3A_2439 = arith.addf %scan3A_2414, %get3A_2438 : vector<16xf32>
        %get3A_2440 = arith.index_cast %scan3A_2408 : i32 to index
        %get3A_2441 = arith.constant 96 : index
        %get3A_2442 = tpu.vector_load %arg6[%get3A_2440, %get3A_2441] {strides = array<i32>} : memref<128x128xf32, #tpu.memory_space<vmem>>, vector<16xf32>,
        %add3A_2443 = arith.addf %scan3A_2415, %get3A_2442 : vector<16xf32>
        %get3A_2444 = arith.index_cast %scan3A_2408 : i32 to index
        %get3A_2445 = arith.constant 112 : index
        %get3A_2446 = tpu.vector_load %arg6[%get3A_2444, %get3A_2445] {strides = array<i32>} : memref<128x128xf32, #tpu.memory_space<vmem>>, vector<16xf32>,
        %add3A_2447 = arith.addf %scan3A_2416, %get3A_2446 : vector<16xf32>
        scf.yield %add3A_2419, %add3A_2423, %add3A_2427, %add3A_2431, %add3A_2435, %add3A_2439, %add3A_2443, %add3A_2447 : vector<16xf32>, vector<16xf32>, vector<16xf32>, vector<16xf32>, vector<16xf32>, vector<16xf32>, vector<16xf32>, vector<16xf32>
      }
      %scan3A_348 = arith.constant 32 : i32
      %lt3A_349 = arith.constant 64 : i32
      %lt3A_350 = arith.cmpi slt, %add3A_34, %lt3A_349 : i32
      %sub3A_351 = arith.constant 64 : i32
      %sub3A_352 = arith.subi %add3A_34, %sub3A_351 : i32
      %select_n3A_353 = arith.select %lt3A_350, %add3A_34, %sub3A_352 : i32
      %mul3A_354 = arith.constant 4 : i32
      %mul3A_355 = arith.muli %select_n3A_353, %mul3A_354 : i32
      %add3A_356 = arith.constant 2 : i32
      %add3A_357 = arith.addi %mul3A_355, %add3A_356 : i32
      %mul3A_358 = arith.constant 6.250000e-02 : f32
      %mul3A_359 = vector.broadcast %mul3A_358 : f32 to vector<16xf32>
      %mul3A_360 = arith.mulf %scan3A_347#0, %mul3A_359 : vector<16xf32>
      %exp3A_361 = math.exp %mul3A_360 : vector<16xf32>
      %sub3A_362 = arith.constant 1.000000e+00 : f32
      %sub3A_363 = vector.broadcast %sub3A_362 : f32 to vector<16xf32>
      %sub3A_364 = arith.subf %exp3A_361, %sub3A_363 : vector<16xf32>
      %add3A_365 = arith.constant 1.000000e+00 : f32
      %add3A_366 = vector.broadcast %add3A_365 : f32 to vector<16xf32>
      %add3A_367 = arith.addf %exp3A_361, %add3A_366 : vector<16xf32>
      %div3A_368 = arith.divf %sub3A_364, %add3A_367 : vector<16xf32>
      %swap3A_369 = arith.index_cast %add3A_357 : i32 to index
      %swap3A_370 = arith.constant 0 : index
      %swap3A_371 = tpu.vector_load %arg10[%swap3A_369, %swap3A_370] {strides = array<i32>} : memref<256x128xf32, #tpu.memory_space<vmem>>, vector<16xf32>,
      tpu.vector_store %arg10[%swap3A_369, %swap3A_370], %div3A_368 {strides = array<i32>} : memref<256x128xf32, #tpu.memory_space<vmem>>, vector<16xf32>,
      %mul3A_372 = arith.constant 6.250000e-02 : f32
      %mul3A_373 = vector.broadcast %mul3A_372 : f32 to vector<16xf32>
      %mul3A_374 = arith.mulf %scan3A_347#1, %mul3A_373 : vector<16xf32>
      %exp3A_375 = math.exp %mul3A_374 : vector<16xf32>
      %sub3A_376 = arith.constant 1.000000e+00 : f32
      %sub3A_377 = vector.broadcast %sub3A_376 : f32 to vector<16xf32>
      %sub3A_378 = arith.subf %exp3A_375, %sub3A_377 : vector<16xf32>
      %add3A_379 = arith.constant 1.000000e+00 : f32
      %add3A_380 = vector.broadcast %add3A_379 : f32 to vector<16xf32>
      %add3A_381 = arith.addf %exp3A_375, %add3A_380 : vector<16xf32>
      %div3A_382 = arith.divf %sub3A_378, %add3A_381 : vector<16xf32>
      %swap3A_383 = arith.index_cast %add3A_357 : i32 to index
      %swap3A_384 = arith.constant 16 : index
      %swap3A_385 = tpu.vector_load %arg10[%swap3A_383, %swap3A_384] {strides = array<i32>} : memref<256x128xf32, #tpu.memory_space<vmem>>, vector<16xf32>,
      tpu.vector_store %arg10[%swap3A_383, %swap3A_384], %div3A_382 {strides = array<i32>} : memref<256x128xf32, #tpu.memory_space<vmem>>, vector<16xf32>,
      %mul3A_386 = arith.constant 6.250000e-02 : f32
      %mul3A_387 = vector.broadcast %mul3A_386 : f32 to vector<16xf32>
      %mul3A_388 = arith.mulf %scan3A_347#2, %mul3A_387 : vector<16xf32>
      %exp3A_389 = math.exp %mul3A_388 : vector<16xf32>
      %sub3A_390 = arith.constant 1.000000e+00 : f32
      %sub3A_391 = vector.broadcast %sub3A_390 : f32 to vector<16xf32>
      %sub3A_392 = arith.subf %exp3A_389, %sub3A_391 : vector<16xf32>
      %add3A_393 = arith.constant 1.000000e+00 : f32
      %add3A_394 = vector.broadcast %add3A_393 : f32 to vector<16xf32>
      %add3A_395 = arith.addf %exp3A_389, %add3A_394 : vector<16xf32>
      %div3A_396 = arith.divf %sub3A_392, %add3A_395 : vector<16xf32>
      %swap3A_397 = arith.index_cast %add3A_357 : i32 to index
      %swap3A_398 = arith.constant 32 : index
      %swap3A_399 = tpu.vector_load %arg10[%swap3A_397, %swap3A_398] {strides = array<i32>} : memref<256x128xf32, #tpu.memory_space<vmem>>, vector<16xf32>,
      tpu.vector_store %arg10[%swap3A_397, %swap3A_398], %div3A_396 {strides = array<i32>} : memref<256x128xf32, #tpu.memory_space<vmem>>, vector<16xf32>,
      %mul3A_400 = arith.constant 6.250000e-02 : f32
      %mul3A_401 = vector.broadcast %mul3A_400 : f32 to vector<16xf32>
      %mul3A_402 = arith.mulf %scan3A_347#3, %mul3A_401 : vector<16xf32>
      %exp3A_403 = math.exp %mul3A_402 : vector<16xf32>
      %sub3A_404 = arith.constant 1.000000e+00 : f32
      %sub3A_405 = vector.broadcast %sub3A_404 : f32 to vector<16xf32>
      %sub3A_406 = arith.subf %exp3A_403, %sub3A_405 : vector<16xf32>
      %add3A_407 = arith.constant 1.000000e+00 : f32
      %add3A_408 = vector.broadcast %add3A_407 : f32 to vector<16xf32>
      %add3A_409 = arith.addf %exp3A_403, %add3A_408 : vector<16xf32>
      %div3A_410 = arith.divf %sub3A_406, %add3A_409 : vector<16xf32>
      %swap3A_411 = arith.index_cast %add3A_357 : i32 to index
      %swap3A_412 = arith.constant 48 : index
      %swap3A_413 = tpu.vector_load %arg10[%swap3A_411, %swap3A_412] {strides = array<i32>} : memref<256x128xf32, #tpu.memory_space<vmem>>, vector<16xf32>,
      tpu.vector_store %arg10[%swap3A_411, %swap3A_412], %div3A_410 {strides = array<i32>} : memref<256x128xf32, #tpu.memory_space<vmem>>, vector<16xf32>,
      %mul3A_414 = arith.constant 6.250000e-02 : f32
      %mul3A_415 = vector.broadcast %mul3A_414 : f32 to vector<16xf32>
      %mul3A_416 = arith.mulf %scan3A_347#4, %mul3A_415 : vector<16xf32>
      %exp3A_417 = math.exp %mul3A_416 : vector<16xf32>
      %sub3A_418 = arith.constant 1.000000e+00 : f32
      %sub3A_419 = vector.broadcast %sub3A_418 : f32 to vector<16xf32>
      %sub3A_420 = arith.subf %exp3A_417, %sub3A_419 : vector<16xf32>
      %add3A_421 = arith.constant 1.000000e+00 : f32
      %add3A_422 = vector.broadcast %add3A_421 : f32 to vector<16xf32>
      %add3A_423 = arith.addf %exp3A_417, %add3A_422 : vector<16xf32>
      %div3A_424 = arith.divf %sub3A_420, %add3A_423 : vector<16xf32>
      %swap3A_425 = arith.index_cast %add3A_357 : i32 to index
      %swap3A_426 = arith.constant 64 : index
      %swap3A_427 = tpu.vector_load %arg10[%swap3A_425, %swap3A_426] {strides = array<i32>} : memref<256x128xf32, #tpu.memory_space<vmem>>, vector<16xf32>,
      tpu.vector_store %arg10[%swap3A_425, %swap3A_426], %div3A_424 {strides = array<i32>} : memref<256x128xf32, #tpu.memory_space<vmem>>, vector<16xf32>,
      %mul3A_428 = arith.constant 6.250000e-02 : f32
      %mul3A_429 = vector.broadcast %mul3A_428 : f32 to vector<16xf32>
      %mul3A_430 = arith.mulf %scan3A_347#5, %mul3A_429 : vector<16xf32>
      %exp3A_431 = math.exp %mul3A_430 : vector<16xf32>
      %sub3A_432 = arith.constant 1.000000e+00 : f32
      %sub3A_433 = vector.broadcast %sub3A_432 : f32 to vector<16xf32>
      %sub3A_434 = arith.subf %exp3A_431, %sub3A_433 : vector<16xf32>
      %add3A_435 = arith.constant 1.000000e+00 : f32
      %add3A_436 = vector.broadcast %add3A_435 : f32 to vector<16xf32>
      %add3A_437 = arith.addf %exp3A_431, %add3A_436 : vector<16xf32>
      %div3A_438 = arith.divf %sub3A_434, %add3A_437 : vector<16xf32>
      %swap3A_439 = arith.index_cast %add3A_357 : i32 to index
      %swap3A_440 = arith.constant 80 : index
      %swap3A_441 = tpu.vector_load %arg10[%swap3A_439, %swap3A_440] {strides = array<i32>} : memref<256x128xf32, #tpu.memory_space<vmem>>, vector<16xf32>,
      tpu.vector_store %arg10[%swap3A_439, %swap3A_440], %div3A_438 {strides = array<i32>} : memref<256x128xf32, #tpu.memory_space<vmem>>, vector<16xf32>,
      %mul3A_442 = arith.constant 6.250000e-02 : f32
      %mul3A_443 = vector.broadcast %mul3A_442 : f32 to vector<16xf32>
      %mul3A_444 = arith.mulf %scan3A_347#6, %mul3A_443 : vector<16xf32>
      %exp3A_445 = math.exp %mul3A_444 : vector<16xf32>
      %sub3A_446 = arith.constant 1.000000e+00 : f32
      %sub3A_447 = vector.broadcast %sub3A_446 : f32 to vector<16xf32>
      %sub3A_448 = arith.subf %exp3A_445, %sub3A_447 : vector<16xf32>
      %add3A_449 = arith.constant 1.000000e+00 : f32
      %add3A_450 = vector.broadcast %add3A_449 : f32 to vector<16xf32>
      %add3A_451 = arith.addf %exp3A_445, %add3A_450 : vector<16xf32>
      %div3A_452 = arith.divf %sub3A_448, %add3A_451 : vector<16xf32>
      %swap3A_453 = arith.index_cast %add3A_357 : i32 to index
      %swap3A_454 = arith.constant 96 : index
      %swap3A_455 = tpu.vector_load %arg10[%swap3A_453, %swap3A_454] {strides = array<i32>} : memref<256x128xf32, #tpu.memory_space<vmem>>, vector<16xf32>,
      tpu.vector_store %arg10[%swap3A_453, %swap3A_454], %div3A_452 {strides = array<i32>} : memref<256x128xf32, #tpu.memory_space<vmem>>, vector<16xf32>,
      %mul3A_456 = arith.constant 6.250000e-02 : f32
      %mul3A_457 = vector.broadcast %mul3A_456 : f32 to vector<16xf32>
      %mul3A_458 = arith.mulf %scan3A_347#7, %mul3A_457 : vector<16xf32>
      %exp3A_459 = math.exp %mul3A_458 : vector<16xf32>
      %sub3A_460 = arith.constant 1.000000e+00 : f32
      %sub3A_461 = vector.broadcast %sub3A_460 : f32 to vector<16xf32>
      %sub3A_462 = arith.subf %exp3A_459, %sub3A_461 : vector<16xf32>
      %add3A_463 = arith.constant 1.000000e+00 : f32
      %add3A_464 = vector.broadcast %add3A_463 : f32 to vector<16xf32>
      %add3A_465 = arith.addf %exp3A_459, %add3A_464 : vector<16xf32>
      %div3A_466 = arith.divf %sub3A_462, %add3A_465 : vector<16xf32>
      %swap3A_467 = arith.index_cast %add3A_357 : i32 to index
      %swap3A_468 = arith.constant 112 : index
      %swap3A_469 = tpu.vector_load %arg10[%swap3A_467, %swap3A_468] {strides = array<i32>} : memref<256x128xf32, #tpu.memory_space<vmem>>, vector<16xf32>,
      tpu.vector_store %arg10[%swap3A_467, %swap3A_468], %div3A_466 {strides = array<i32>} : memref<256x128xf32, #tpu.memory_space<vmem>>, vector<16xf32>,
      %broadcast_in_dim3A_470 = arith.constant 0.000000e+00 : f32
      %broadcast_in_dim3A_471 = vector.broadcast %broadcast_in_dim3A_470 : f32 to vector<16xf32>
      %broadcast_in_dim3A_472 = arith.constant 0.000000e+00 : f32
      %broadcast_in_dim3A_473 = vector.broadcast %broadcast_in_dim3A_472 : f32 to vector<16xf32>
      %broadcast_in_dim3A_474 = arith.constant 0.000000e+00 : f32
      %broadcast_in_dim3A_475 = vector.broadcast %broadcast_in_dim3A_474 : f32 to vector<16xf32>
      %broadcast_in_dim3A_476 = arith.constant 0.000000e+00 : f32
      %broadcast_in_dim3A_477 = vector.broadcast %broadcast_in_dim3A_476 : f32 to vector<16xf32>
      %broadcast_in_dim3A_478 = arith.constant 0.000000e+00 : f32
      %broadcast_in_dim3A_479 = vector.broadcast %broadcast_in_dim3A_478 : f32 to vector<16xf32>
      %broadcast_in_dim3A_480 = arith.constant 0.000000e+00 : f32
      %broadcast_in_dim3A_481 = vector.broadcast %broadcast_in_dim3A_480 : f32 to vector<16xf32>
      %broadcast_in_dim3A_482 = arith.constant 0.000000e+00 : f32
      %broadcast_in_dim3A_483 = vector.broadcast %broadcast_in_dim3A_482 : f32 to vector<16xf32>
      %broadcast_in_dim3A_484 = arith.constant 0.000000e+00 : f32
      %broadcast_in_dim3A_485 = vector.broadcast %broadcast_in_dim3A_484 : f32 to vector<16xf32>
      %scan3A_486 = arith.constant 96 : i32
      %scan3A_487 = arith.constant 32 : i32
      %scan3A_488 = arith.addi %scan3A_486, %scan3A_487 : i32
      %scan3A_489 = arith.constant 1 : i32
      %scan3A_490:8 = scf.for %scan3A_2408 = %scan3A_486 to %scan3A_488 step %scan3A_489 iter_args(%scan3A_2409 = %broadcast_in_dim3A_471, %scan3A_2410 = %broadcast_in_dim3A_473, %scan3A_2411 = %broadcast_in_dim3A_475, %scan3A_2412 = %broadcast_in_dim3A_477, %scan3A_2413 = %broadcast_in_dim3A_479, %scan3A_2414 = %broadcast_in_dim3A_481, %scan3A_2415 = %broadcast_in_dim3A_483, %scan3A_2416 = %broadcast_in_dim3A_485) -> (vector<16xf32>, vector<16xf32>, vector<16xf32>, vector<16xf32>, vector<16xf32>, vector<16xf32>, vector<16xf32>, vector<16xf32>)  : i32 {
        %get3A = arith.index_cast %scan3A_2408 : i32 to index
        %get3A_2417 = arith.constant 0 : index
        %get3A_2418 = tpu.vector_load %arg6[%get3A, %get3A_2417] {strides = array<i32>} : memref<128x128xf32, #tpu.memory_space<vmem>>, vector<16xf32>,
        %add3A_2419 = arith.addf %scan3A_2409, %get3A_2418 : vector<16xf32>
        %get3A_2420 = arith.index_cast %scan3A_2408 : i32 to index
        %get3A_2421 = arith.constant 16 : index
        %get3A_2422 = tpu.vector_load %arg6[%get3A_2420, %get3A_2421] {strides = array<i32>} : memref<128x128xf32, #tpu.memory_space<vmem>>, vector<16xf32>,
        %add3A_2423 = arith.addf %scan3A_2410, %get3A_2422 : vector<16xf32>
        %get3A_2424 = arith.index_cast %scan3A_2408 : i32 to index
        %get3A_2425 = arith.constant 32 : index
        %get3A_2426 = tpu.vector_load %arg6[%get3A_2424, %get3A_2425] {strides = array<i32>} : memref<128x128xf32, #tpu.memory_space<vmem>>, vector<16xf32>,
        %add3A_2427 = arith.addf %scan3A_2411, %get3A_2426 : vector<16xf32>
        %get3A_2428 = arith.index_cast %scan3A_2408 : i32 to index
        %get3A_2429 = arith.constant 48 : index
        %get3A_2430 = tpu.vector_load %arg6[%get3A_2428, %get3A_2429] {strides = array<i32>} : memref<128x128xf32, #tpu.memory_space<vmem>>, vector<16xf32>,
        %add3A_2431 = arith.addf %scan3A_2412, %get3A_2430 : vector<16xf32>
        %get3A_2432 = arith.index_cast %scan3A_2408 : i32 to index
        %get3A_2433 = arith.constant 64 : index
        %get3A_2434 = tpu.vector_load %arg6[%get3A_2432, %get3A_2433] {strides = array<i32>} : memref<128x128xf32, #tpu.memory_space<vmem>>, vector<16xf32>,
        %add3A_2435 = arith.addf %scan3A_2413, %get3A_2434 : vector<16xf32>
        %get3A_2436 = arith.index_cast %scan3A_2408 : i32 to index
        %get3A_2437 = arith.constant 80 : index
        %get3A_2438 = tpu.vector_load %arg6[%get3A_2436, %get3A_2437] {strides = array<i32>} : memref<128x128xf32, #tpu.memory_space<vmem>>, vector<16xf32>,
        %add3A_2439 = arith.addf %scan3A_2414, %get3A_2438 : vector<16xf32>
        %get3A_2440 = arith.index_cast %scan3A_2408 : i32 to index
        %get3A_2441 = arith.constant 96 : index
        %get3A_2442 = tpu.vector_load %arg6[%get3A_2440, %get3A_2441] {strides = array<i32>} : memref<128x128xf32, #tpu.memory_space<vmem>>, vector<16xf32>,
        %add3A_2443 = arith.addf %scan3A_2415, %get3A_2442 : vector<16xf32>
        %get3A_2444 = arith.index_cast %scan3A_2408 : i32 to index
        %get3A_2445 = arith.constant 112 : index
        %get3A_2446 = tpu.vector_load %arg6[%get3A_2444, %get3A_2445] {strides = array<i32>} : memref<128x128xf32, #tpu.memory_space<vmem>>, vector<16xf32>,
        %add3A_2447 = arith.addf %scan3A_2416, %get3A_2446 : vector<16xf32>
        scf.yield %add3A_2419, %add3A_2423, %add3A_2427, %add3A_2431, %add3A_2435, %add3A_2439, %add3A_2443, %add3A_2447 : vector<16xf32>, vector<16xf32>, vector<16xf32>, vector<16xf32>, vector<16xf32>, vector<16xf32>, vector<16xf32>, vector<16xf32>
      }
      %scan3A_491 = arith.constant 32 : i32
      %lt3A_492 = arith.constant 64 : i32
      %lt3A_493 = arith.cmpi slt, %add3A_34, %lt3A_492 : i32
      %sub3A_494 = arith.constant 64 : i32
      %sub3A_495 = arith.subi %add3A_34, %sub3A_494 : i32
      %select_n3A_496 = arith.select %lt3A_493, %add3A_34, %sub3A_495 : i32
      %mul3A_497 = arith.constant 4 : i32
      %mul3A_498 = arith.muli %select_n3A_496, %mul3A_497 : i32
      %add3A_499 = arith.constant 3 : i32
      %add3A_500 = arith.addi %mul3A_498, %add3A_499 : i32
      %mul3A_501 = arith.constant 6.250000e-02 : f32
      %mul3A_502 = vector.broadcast %mul3A_501 : f32 to vector<16xf32>
      %mul3A_503 = arith.mulf %scan3A_490#0, %mul3A_502 : vector<16xf32>
      %exp3A_504 = math.exp %mul3A_503 : vector<16xf32>
      %sub3A_505 = arith.constant 1.000000e+00 : f32
      %sub3A_506 = vector.broadcast %sub3A_505 : f32 to vector<16xf32>
      %sub3A_507 = arith.subf %exp3A_504, %sub3A_506 : vector<16xf32>
      %add3A_508 = arith.constant 1.000000e+00 : f32
      %add3A_509 = vector.broadcast %add3A_508 : f32 to vector<16xf32>
      %add3A_510 = arith.addf %exp3A_504, %add3A_509 : vector<16xf32>
      %div3A_511 = arith.divf %sub3A_507, %add3A_510 : vector<16xf32>
      %swap3A_512 = arith.index_cast %add3A_500 : i32 to index
      %swap3A_513 = arith.constant 0 : index
      %swap3A_514 = tpu.vector_load %arg10[%swap3A_512, %swap3A_513] {strides = array<i32>} : memref<256x128xf32, #tpu.memory_space<vmem>>, vector<16xf32>,
      tpu.vector_store %arg10[%swap3A_512, %swap3A_513], %div3A_511 {strides = array<i32>} : memref<256x128xf32, #tpu.memory_space<vmem>>, vector<16xf32>,
      %mul3A_515 = arith.constant 6.250000e-02 : f32
      %mul3A_516 = vector.broadcast %mul3A_515 : f32 to vector<16xf32>
      %mul3A_517 = arith.mulf %scan3A_490#1, %mul3A_516 : vector<16xf32>
      %exp3A_518 = math.exp %mul3A_517 : vector<16xf32>
      %sub3A_519 = arith.constant 1.000000e+00 : f32
      %sub3A_520 = vector.broadcast %sub3A_519 : f32 to vector<16xf32>
      %sub3A_521 = arith.subf %exp3A_518, %sub3A_520 : vector<16xf32>
      %add3A_522 = arith.constant 1.000000e+00 : f32
      %add3A_523 = vector.broadcast %add3A_522 : f32 to vector<16xf32>
      %add3A_524 = arith.addf %exp3A_518, %add3A_523 : vector<16xf32>
      %div3A_525 = arith.divf %sub3A_521, %add3A_524 : vector<16xf32>
      %swap3A_526 = arith.index_cast %add3A_500 : i32 to index
      %swap3A_527 = arith.constant 16 : index
      %swap3A_528 = tpu.vector_load %arg10[%swap3A_526, %swap3A_527] {strides = array<i32>} : memref<256x128xf32, #tpu.memory_space<vmem>>, vector<16xf32>,
      tpu.vector_store %arg10[%swap3A_526, %swap3A_527], %div3A_525 {strides = array<i32>} : memref<256x128xf32, #tpu.memory_space<vmem>>, vector<16xf32>,
      %mul3A_529 = arith.constant 6.250000e-02 : f32
      %mul3A_530 = vector.broadcast %mul3A_529 : f32 to vector<16xf32>
      %mul3A_531 = arith.mulf %scan3A_490#2, %mul3A_530 : vector<16xf32>
      %exp3A_532 = math.exp %mul3A_531 : vector<16xf32>
      %sub3A_533 = arith.constant 1.000000e+00 : f32
      %sub3A_534 = vector.broadcast %sub3A_533 : f32 to vector<16xf32>
      %sub3A_535 = arith.subf %exp3A_532, %sub3A_534 : vector<16xf32>
      %add3A_536 = arith.constant 1.000000e+00 : f32
      %add3A_537 = vector.broadcast %add3A_536 : f32 to vector<16xf32>
      %add3A_538 = arith.addf %exp3A_532, %add3A_537 : vector<16xf32>
      %div3A_539 = arith.divf %sub3A_535, %add3A_538 : vector<16xf32>
      %swap3A_540 = arith.index_cast %add3A_500 : i32 to index
      %swap3A_541 = arith.constant 32 : index
      %swap3A_542 = tpu.vector_load %arg10[%swap3A_540, %swap3A_541] {strides = array<i32>} : memref<256x128xf32, #tpu.memory_space<vmem>>, vector<16xf32>,
      tpu.vector_store %arg10[%swap3A_540, %swap3A_541], %div3A_539 {strides = array<i32>} : memref<256x128xf32, #tpu.memory_space<vmem>>, vector<16xf32>,
      %mul3A_543 = arith.constant 6.250000e-02 : f32
      %mul3A_544 = vector.broadcast %mul3A_543 : f32 to vector<16xf32>
      %mul3A_545 = arith.mulf %scan3A_490#3, %mul3A_544 : vector<16xf32>
      %exp3A_546 = math.exp %mul3A_545 : vector<16xf32>
      %sub3A_547 = arith.constant 1.000000e+00 : f32
      %sub3A_548 = vector.broadcast %sub3A_547 : f32 to vector<16xf32>
      %sub3A_549 = arith.subf %exp3A_546, %sub3A_548 : vector<16xf32>
      %add3A_550 = arith.constant 1.000000e+00 : f32
      %add3A_551 = vector.broadcast %add3A_550 : f32 to vector<16xf32>
      %add3A_552 = arith.addf %exp3A_546, %add3A_551 : vector<16xf32>
      %div3A_553 = arith.divf %sub3A_549, %add3A_552 : vector<16xf32>
      %swap3A_554 = arith.index_cast %add3A_500 : i32 to index
      %swap3A_555 = arith.constant 48 : index
      %swap3A_556 = tpu.vector_load %arg10[%swap3A_554, %swap3A_555] {strides = array<i32>} : memref<256x128xf32, #tpu.memory_space<vmem>>, vector<16xf32>,
      tpu.vector_store %arg10[%swap3A_554, %swap3A_555], %div3A_553 {strides = array<i32>} : memref<256x128xf32, #tpu.memory_space<vmem>>, vector<16xf32>,
      %mul3A_557 = arith.constant 6.250000e-02 : f32
      %mul3A_558 = vector.broadcast %mul3A_557 : f32 to vector<16xf32>
      %mul3A_559 = arith.mulf %scan3A_490#4, %mul3A_558 : vector<16xf32>
      %exp3A_560 = math.exp %mul3A_559 : vector<16xf32>
      %sub3A_561 = arith.constant 1.000000e+00 : f32
      %sub3A_562 = vector.broadcast %sub3A_561 : f32 to vector<16xf32>
      %sub3A_563 = arith.subf %exp3A_560, %sub3A_562 : vector<16xf32>
      %add3A_564 = arith.constant 1.000000e+00 : f32
      %add3A_565 = vector.broadcast %add3A_564 : f32 to vector<16xf32>
      %add3A_566 = arith.addf %exp3A_560, %add3A_565 : vector<16xf32>
      %div3A_567 = arith.divf %sub3A_563, %add3A_566 : vector<16xf32>
      %swap3A_568 = arith.index_cast %add3A_500 : i32 to index
      %swap3A_569 = arith.constant 64 : index
      %swap3A_570 = tpu.vector_load %arg10[%swap3A_568, %swap3A_569] {strides = array<i32>} : memref<256x128xf32, #tpu.memory_space<vmem>>, vector<16xf32>,
      tpu.vector_store %arg10[%swap3A_568, %swap3A_569], %div3A_567 {strides = array<i32>} : memref<256x128xf32, #tpu.memory_space<vmem>>, vector<16xf32>,
      %mul3A_571 = arith.constant 6.250000e-02 : f32
      %mul3A_572 = vector.broadcast %mul3A_571 : f32 to vector<16xf32>
      %mul3A_573 = arith.mulf %scan3A_490#5, %mul3A_572 : vector<16xf32>
      %exp3A_574 = math.exp %mul3A_573 : vector<16xf32>
      %sub3A_575 = arith.constant 1.000000e+00 : f32
      %sub3A_576 = vector.broadcast %sub3A_575 : f32 to vector<16xf32>
      %sub3A_577 = arith.subf %exp3A_574, %sub3A_576 : vector<16xf32>
      %add3A_578 = arith.constant 1.000000e+00 : f32
      %add3A_579 = vector.broadcast %add3A_578 : f32 to vector<16xf32>
      %add3A_580 = arith.addf %exp3A_574, %add3A_579 : vector<16xf32>
      %div3A_581 = arith.divf %sub3A_577, %add3A_580 : vector<16xf32>
      %swap3A_582 = arith.index_cast %add3A_500 : i32 to index
      %swap3A_583 = arith.constant 80 : index
      %swap3A_584 = tpu.vector_load %arg10[%swap3A_582, %swap3A_583] {strides = array<i32>} : memref<256x128xf32, #tpu.memory_space<vmem>>, vector<16xf32>,
      tpu.vector_store %arg10[%swap3A_582, %swap3A_583], %div3A_581 {strides = array<i32>} : memref<256x128xf32, #tpu.memory_space<vmem>>, vector<16xf32>,
      %mul3A_585 = arith.constant 6.250000e-02 : f32
      %mul3A_586 = vector.broadcast %mul3A_585 : f32 to vector<16xf32>
      %mul3A_587 = arith.mulf %scan3A_490#6, %mul3A_586 : vector<16xf32>
      %exp3A_588 = math.exp %mul3A_587 : vector<16xf32>
      %sub3A_589 = arith.constant 1.000000e+00 : f32
      %sub3A_590 = vector.broadcast %sub3A_589 : f32 to vector<16xf32>
      %sub3A_591 = arith.subf %exp3A_588, %sub3A_590 : vector<16xf32>
      %add3A_592 = arith.constant 1.000000e+00 : f32
      %add3A_593 = vector.broadcast %add3A_592 : f32 to vector<16xf32>
      %add3A_594 = arith.addf %exp3A_588, %add3A_593 : vector<16xf32>
      %div3A_595 = arith.divf %sub3A_591, %add3A_594 : vector<16xf32>
      %swap3A_596 = arith.index_cast %add3A_500 : i32 to index
      %swap3A_597 = arith.constant 96 : index
      %swap3A_598 = tpu.vector_load %arg10[%swap3A_596, %swap3A_597] {strides = array<i32>} : memref<256x128xf32, #tpu.memory_space<vmem>>, vector<16xf32>,
      tpu.vector_store %arg10[%swap3A_596, %swap3A_597], %div3A_595 {strides = array<i32>} : memref<256x128xf32, #tpu.memory_space<vmem>>, vector<16xf32>,
      %mul3A_599 = arith.constant 6.250000e-02 : f32
      %mul3A_600 = vector.broadcast %mul3A_599 : f32 to vector<16xf32>
      %mul3A_601 = arith.mulf %scan3A_490#7, %mul3A_600 : vector<16xf32>
      %exp3A_602 = math.exp %mul3A_601 : vector<16xf32>
      %sub3A_603 = arith.constant 1.000000e+00 : f32
      %sub3A_604 = vector.broadcast %sub3A_603 : f32 to vector<16xf32>
      %sub3A_605 = arith.subf %exp3A_602, %sub3A_604 : vector<16xf32>
      %add3A_606 = arith.constant 1.000000e+00 : f32
      %add3A_607 = vector.broadcast %add3A_606 : f32 to vector<16xf32>
      %add3A_608 = arith.addf %exp3A_602, %add3A_607 : vector<16xf32>
      %div3A_609 = arith.divf %sub3A_605, %add3A_608 : vector<16xf32>
      %swap3A_610 = arith.index_cast %add3A_500 : i32 to index
      %swap3A_611 = arith.constant 112 : index
      %swap3A_612 = tpu.vector_load %arg10[%swap3A_610, %swap3A_611] {strides = array<i32>} : memref<256x128xf32, #tpu.memory_space<vmem>>, vector<16xf32>,
      tpu.vector_store %arg10[%swap3A_610, %swap3A_611], %div3A_609 {strides = array<i32>} : memref<256x128xf32, #tpu.memory_space<vmem>>, vector<16xf32>,
      %eq3A = arith.constant 63 : i32
      %eq3A_613 = arith.cmpi eq, %add3A_34, %eq3A : i32
      %convert_element_type3A_614 = arith.extui %eq3A_613 : i1 to i32
      %cond3A_615 = arith.constant 0 : i32
      %cond3A_616 = arith.cmpi ne, %convert_element_type3A_614, %cond3A_615 : i32
      scf.if %cond3A_616 {
        %mul3A_2408 = arith.constant 512 : i32
        %mul3A_2409 = arith.muli %add3A, %mul3A_2408 : i32
        "tpu.region"() ({
          %run_scoped3A = tpu.sem_alloc : memref<!tpu.dma_semaphore, #tpu.memory_space<semaphore_mem>>
          %dma_start3A_2410 = arith.constant 0 : i32
          %dma_start3A_2411 = tpu.memref_slice %arg4[%mul3A_2409, %dma_start3A_2410] : memref<16384x128xf32, #tpu.memory_space<hbm>> -> memref<256x128xf32, #tpu.memory_space<hbm>>
          %dma_start3A_2412 = arith.constant 0 : i32
          %dma_start3A_2413 = tpu.memref_slice %arg4[%mul3A_2409, %dma_start3A_2412] : memref<16384x128xf32, #tpu.memory_space<hbm>> -> memref<256x128xf32, #tpu.memory_space<hbm>>
          tpu.enqueue_dma source(%arg10 : memref<256x128xf32, #tpu.memory_space<vmem>>) target(%dma_start3A_2413 : memref<256x128xf32, #tpu.memory_space<hbm>>) target_semaphore(%run_scoped3A : memref<!tpu.dma_semaphore, #tpu.memory_space<semaphore_mem>>)
          %dma_wait3A_2414 = arith.constant 0 : i32
          %dma_wait3A_2415 = tpu.memref_slice %arg4[%mul3A_2409, %dma_wait3A_2414] : memref<16384x128xf32, #tpu.memory_space<hbm>> -> memref<256x128xf32, #tpu.memory_space<hbm>>
          %dma_wait3A_2416 = arith.constant 0 : i32
          %dma_wait3A_2417 = tpu.memref_slice %arg4[%mul3A_2409, %dma_wait3A_2416] : memref<16384x128xf32, #tpu.memory_space<hbm>> -> memref<256x128xf32, #tpu.memory_space<hbm>>
          tpu.wait_dma2 semaphore(%run_scoped3A : memref<!tpu.dma_semaphore, #tpu.memory_space<semaphore_mem>>) src(%arg10 : memref<256x128xf32, #tpu.memory_space<vmem>>) dst(%dma_wait3A_2417 : memref<256x128xf32, #tpu.memory_space<hbm>>)
          tpu.yield
        }) : () -> ()
      } else {
      }
      %mul3A_617 = arith.constant 4 : i32
      %mul3A_618 = arith.muli %mul3A_617, %scan3A_30 : i32
      %add3A_619 = arith.constant 1 : i32
      %add3A_620 = arith.addi %mul3A_618, %add3A_619 : i32
      %add3A_621 = arith.constant 4 : i32
      %add3A_622 = arith.addi %add3A_620, %add3A_621 : i32
      %sub3A_623 = arith.constant 1 : i32
      %sub3A_624 = arith.subi %add3A_622, %sub3A_623 : i32
      %lt3A_625 = arith.constant 128 : i32
      %lt3A_626 = arith.cmpi slt, %sub3A_624, %lt3A_625 : i32
      %convert_element_type3A_627 = arith.extui %lt3A_626 : i1 to i32
      %cond3A_628 = arith.constant 0 : i32
      %cond3A_629 = arith.cmpi ne, %convert_element_type3A_627, %cond3A_628 : i32
      scf.if %cond3A_629 {
        %add3A_2408 = arith.constant 4 : i32
        %add3A_2409 = arith.addi %add3A_620, %add3A_2408 : i32
        %sub3A_2410 = arith.constant 1 : i32
        %sub3A_2411 = arith.subi %add3A_2409, %sub3A_2410 : i32
        %dma_start3A_2412 = arith.constant 0 : i32
        %dma_start3A_2413 = tpu.memref_slice %arg5[%sub3A_2411, %dma_start3A_2412] : memref<128x128xi32, #tpu.memory_space<vmem>> -> memref<1x128xi32, #tpu.memory_space<vmem>>
        %dma_start3A_2414 = tpu.memref_squeeze %dma_start3A_2413 : memref<1x128xi32, #tpu.memory_space<vmem>> -> memref<128xi32, #tpu.memory_space<vmem>>
        %dma_start3A_2415 = arith.constant 0 : i32
        %dma_start3A_2416 = arith.constant 0 : i32
        %dma_start3A_2417 = tpu.memref_slice %arg3[%dma_start3A_2415, %dma_start3A_2416] : memref<100000x128xf32, #tpu.memory_space<hbm>> -> memref<100000x128xf32, #tpu.memory_space<hbm>>
        tpu.enqueue_indirect_dma source(%dma_start3A_2417 : memref<100000x128xf32, #tpu.memory_space<hbm>>) target(%arg6 : memref<128x128xf32, #tpu.memory_space<vmem>>) offsets(%dma_start3A_2414 : memref<128xi32, #tpu.memory_space<vmem>>) semaphore(%arg11 : memref<!tpu.dma_semaphore, #tpu.memory_space<semaphore_mem>>)
      } else {
      }
      %dma_wait3A_630 = arith.constant 0 : i32
      %dma_wait3A_631 = arith.constant 0 : i32
      %dma_wait3A_632 = tpu.memref_slice %arg5[%dma_wait3A_630, %dma_wait3A_631] : memref<128x128xi32, #tpu.memory_space<vmem>> -> memref<1x128xi32, #tpu.memory_space<vmem>>
      %dma_wait3A_633 = tpu.memref_squeeze %dma_wait3A_632 : memref<1x128xi32, #tpu.memory_space<vmem>> -> memref<128xi32, #tpu.memory_space<vmem>>
      %dma_wait3A_634 = arith.constant 0 : i32
      %dma_wait3A_635 = arith.constant 0 : i32
      %dma_wait3A_636 = tpu.memref_slice %arg3[%dma_wait3A_634, %dma_wait3A_635] : memref<100000x128xf32, #tpu.memory_space<hbm>> -> memref<100000x128xf32, #tpu.memory_space<hbm>>
      tpu.wait_indirect_dma semaphore(%arg12 : memref<!tpu.dma_semaphore, #tpu.memory_space<semaphore_mem>>) src(%dma_wait3A_636 : memref<100000x128xf32, #tpu.memory_space<hbm>>) dst(%arg7 : memref<128x128xf32, #tpu.memory_space<vmem>>)
      %broadcast_in_dim3A_637 = arith.constant 0.000000e+00 : f32
      %broadcast_in_dim3A_638 = vector.broadcast %broadcast_in_dim3A_637 : f32 to vector<16xf32>
      %broadcast_in_dim3A_639 = arith.constant 0.000000e+00 : f32
      %broadcast_in_dim3A_640 = vector.broadcast %broadcast_in_dim3A_639 : f32 to vector<16xf32>
      %broadcast_in_dim3A_641 = arith.constant 0.000000e+00 : f32
      %broadcast_in_dim3A_642 = vector.broadcast %broadcast_in_dim3A_641 : f32 to vector<16xf32>
      %broadcast_in_dim3A_643 = arith.constant 0.000000e+00 : f32
      %broadcast_in_dim3A_644 = vector.broadcast %broadcast_in_dim3A_643 : f32 to vector<16xf32>
      %broadcast_in_dim3A_645 = arith.constant 0.000000e+00 : f32
      %broadcast_in_dim3A_646 = vector.broadcast %broadcast_in_dim3A_645 : f32 to vector<16xf32>
      %broadcast_in_dim3A_647 = arith.constant 0.000000e+00 : f32
      %broadcast_in_dim3A_648 = vector.broadcast %broadcast_in_dim3A_647 : f32 to vector<16xf32>
      %broadcast_in_dim3A_649 = arith.constant 0.000000e+00 : f32
      %broadcast_in_dim3A_650 = vector.broadcast %broadcast_in_dim3A_649 : f32 to vector<16xf32>
      %broadcast_in_dim3A_651 = arith.constant 0.000000e+00 : f32
      %broadcast_in_dim3A_652 = vector.broadcast %broadcast_in_dim3A_651 : f32 to vector<16xf32>
      %scan3A_653 = arith.constant 0 : i32
      %scan3A_654 = arith.constant 32 : i32
      %scan3A_655 = arith.addi %scan3A_653, %scan3A_654 : i32
      %scan3A_656 = arith.constant 1 : i32
      %scan3A_657:8 = scf.for %scan3A_2408 = %scan3A_653 to %scan3A_655 step %scan3A_656 iter_args(%scan3A_2409 = %broadcast_in_dim3A_638, %scan3A_2410 = %broadcast_in_dim3A_640, %scan3A_2411 = %broadcast_in_dim3A_642, %scan3A_2412 = %broadcast_in_dim3A_644, %scan3A_2413 = %broadcast_in_dim3A_646, %scan3A_2414 = %broadcast_in_dim3A_648, %scan3A_2415 = %broadcast_in_dim3A_650, %scan3A_2416 = %broadcast_in_dim3A_652) -> (vector<16xf32>, vector<16xf32>, vector<16xf32>, vector<16xf32>, vector<16xf32>, vector<16xf32>, vector<16xf32>, vector<16xf32>)  : i32 {
        %get3A = arith.index_cast %scan3A_2408 : i32 to index
        %get3A_2417 = arith.constant 0 : index
        %get3A_2418 = tpu.vector_load %arg7[%get3A, %get3A_2417] {strides = array<i32>} : memref<128x128xf32, #tpu.memory_space<vmem>>, vector<16xf32>,
        %add3A_2419 = arith.addf %scan3A_2409, %get3A_2418 : vector<16xf32>
        %get3A_2420 = arith.index_cast %scan3A_2408 : i32 to index
        %get3A_2421 = arith.constant 16 : index
        %get3A_2422 = tpu.vector_load %arg7[%get3A_2420, %get3A_2421] {strides = array<i32>} : memref<128x128xf32, #tpu.memory_space<vmem>>, vector<16xf32>,
        %add3A_2423 = arith.addf %scan3A_2410, %get3A_2422 : vector<16xf32>
        %get3A_2424 = arith.index_cast %scan3A_2408 : i32 to index
        %get3A_2425 = arith.constant 32 : index
        %get3A_2426 = tpu.vector_load %arg7[%get3A_2424, %get3A_2425] {strides = array<i32>} : memref<128x128xf32, #tpu.memory_space<vmem>>, vector<16xf32>,
        %add3A_2427 = arith.addf %scan3A_2411, %get3A_2426 : vector<16xf32>
        %get3A_2428 = arith.index_cast %scan3A_2408 : i32 to index
        %get3A_2429 = arith.constant 48 : index
        %get3A_2430 = tpu.vector_load %arg7[%get3A_2428, %get3A_2429] {strides = array<i32>} : memref<128x128xf32, #tpu.memory_space<vmem>>, vector<16xf32>,
        %add3A_2431 = arith.addf %scan3A_2412, %get3A_2430 : vector<16xf32>
        %get3A_2432 = arith.index_cast %scan3A_2408 : i32 to index
        %get3A_2433 = arith.constant 64 : index
        %get3A_2434 = tpu.vector_load %arg7[%get3A_2432, %get3A_2433] {strides = array<i32>} : memref<128x128xf32, #tpu.memory_space<vmem>>, vector<16xf32>,
        %add3A_2435 = arith.addf %scan3A_2413, %get3A_2434 : vector<16xf32>
        %get3A_2436 = arith.index_cast %scan3A_2408 : i32 to index
        %get3A_2437 = arith.constant 80 : index
        %get3A_2438 = tpu.vector_load %arg7[%get3A_2436, %get3A_2437] {strides = array<i32>} : memref<128x128xf32, #tpu.memory_space<vmem>>, vector<16xf32>,
        %add3A_2439 = arith.addf %scan3A_2414, %get3A_2438 : vector<16xf32>
        %get3A_2440 = arith.index_cast %scan3A_2408 : i32 to index
        %get3A_2441 = arith.constant 96 : index
        %get3A_2442 = tpu.vector_load %arg7[%get3A_2440, %get3A_2441] {strides = array<i32>} : memref<128x128xf32, #tpu.memory_space<vmem>>, vector<16xf32>,
        %add3A_2443 = arith.addf %scan3A_2415, %get3A_2442 : vector<16xf32>
        %get3A_2444 = arith.index_cast %scan3A_2408 : i32 to index
        %get3A_2445 = arith.constant 112 : index
        %get3A_2446 = tpu.vector_load %arg7[%get3A_2444, %get3A_2445] {strides = array<i32>} : memref<128x128xf32, #tpu.memory_space<vmem>>, vector<16xf32>,
        %add3A_2447 = arith.addf %scan3A_2416, %get3A_2446 : vector<16xf32>
        scf.yield %add3A_2419, %add3A_2423, %add3A_2427, %add3A_2431, %add3A_2435, %add3A_2439, %add3A_2443, %add3A_2447 : vector<16xf32>, vector<16xf32>, vector<16xf32>, vector<16xf32>, vector<16xf32>, vector<16xf32>, vector<16xf32>, vector<16xf32>
      }
      %scan3A_658 = arith.constant 32 : i32
      %lt3A_659 = arith.constant 64 : i32
      %lt3A_660 = arith.cmpi slt, %add3A_620, %lt3A_659 : i32
      %sub3A_661 = arith.constant 64 : i32
      %sub3A_662 = arith.subi %add3A_620, %sub3A_661 : i32
      %select_n3A_663 = arith.select %lt3A_660, %add3A_620, %sub3A_662 : i32
      %mul3A_664 = arith.constant 4 : i32
      %mul3A_665 = arith.muli %select_n3A_663, %mul3A_664 : i32
      %add3A_666 = arith.constant 0 : i32
      %add3A_667 = arith.addi %mul3A_665, %add3A_666 : i32
      %mul3A_668 = arith.constant 6.250000e-02 : f32
      %mul3A_669 = vector.broadcast %mul3A_668 : f32 to vector<16xf32>
      %mul3A_670 = arith.mulf %scan3A_657#0, %mul3A_669 : vector<16xf32>
      %exp3A_671 = math.exp %mul3A_670 : vector<16xf32>
      %sub3A_672 = arith.constant 1.000000e+00 : f32
      %sub3A_673 = vector.broadcast %sub3A_672 : f32 to vector<16xf32>
      %sub3A_674 = arith.subf %exp3A_671, %sub3A_673 : vector<16xf32>
      %add3A_675 = arith.constant 1.000000e+00 : f32
      %add3A_676 = vector.broadcast %add3A_675 : f32 to vector<16xf32>
      %add3A_677 = arith.addf %exp3A_671, %add3A_676 : vector<16xf32>
      %div3A_678 = arith.divf %sub3A_674, %add3A_677 : vector<16xf32>
      %swap3A_679 = arith.index_cast %add3A_667 : i32 to index
      %swap3A_680 = arith.constant 0 : index
      %swap3A_681 = tpu.vector_load %arg10[%swap3A_679, %swap3A_680] {strides = array<i32>} : memref<256x128xf32, #tpu.memory_space<vmem>>, vector<16xf32>,
      tpu.vector_store %arg10[%swap3A_679, %swap3A_680], %div3A_678 {strides = array<i32>} : memref<256x128xf32, #tpu.memory_space<vmem>>, vector<16xf32>,
      %mul3A_682 = arith.constant 6.250000e-02 : f32
      %mul3A_683 = vector.broadcast %mul3A_682 : f32 to vector<16xf32>
      %mul3A_684 = arith.mulf %scan3A_657#1, %mul3A_683 : vector<16xf32>
      %exp3A_685 = math.exp %mul3A_684 : vector<16xf32>
      %sub3A_686 = arith.constant 1.000000e+00 : f32
      %sub3A_687 = vector.broadcast %sub3A_686 : f32 to vector<16xf32>
      %sub3A_688 = arith.subf %exp3A_685, %sub3A_687 : vector<16xf32>
      %add3A_689 = arith.constant 1.000000e+00 : f32
      %add3A_690 = vector.broadcast %add3A_689 : f32 to vector<16xf32>
      %add3A_691 = arith.addf %exp3A_685, %add3A_690 : vector<16xf32>
      %div3A_692 = arith.divf %sub3A_688, %add3A_691 : vector<16xf32>
      %swap3A_693 = arith.index_cast %add3A_667 : i32 to index
      %swap3A_694 = arith.constant 16 : index
      %swap3A_695 = tpu.vector_load %arg10[%swap3A_693, %swap3A_694] {strides = array<i32>} : memref<256x128xf32, #tpu.memory_space<vmem>>, vector<16xf32>,
      tpu.vector_store %arg10[%swap3A_693, %swap3A_694], %div3A_692 {strides = array<i32>} : memref<256x128xf32, #tpu.memory_space<vmem>>, vector<16xf32>,
      %mul3A_696 = arith.constant 6.250000e-02 : f32
      %mul3A_697 = vector.broadcast %mul3A_696 : f32 to vector<16xf32>
      %mul3A_698 = arith.mulf %scan3A_657#2, %mul3A_697 : vector<16xf32>
      %exp3A_699 = math.exp %mul3A_698 : vector<16xf32>
      %sub3A_700 = arith.constant 1.000000e+00 : f32
      %sub3A_701 = vector.broadcast %sub3A_700 : f32 to vector<16xf32>
      %sub3A_702 = arith.subf %exp3A_699, %sub3A_701 : vector<16xf32>
      %add3A_703 = arith.constant 1.000000e+00 : f32
      %add3A_704 = vector.broadcast %add3A_703 : f32 to vector<16xf32>
      %add3A_705 = arith.addf %exp3A_699, %add3A_704 : vector<16xf32>
      %div3A_706 = arith.divf %sub3A_702, %add3A_705 : vector<16xf32>
      %swap3A_707 = arith.index_cast %add3A_667 : i32 to index
      %swap3A_708 = arith.constant 32 : index
      %swap3A_709 = tpu.vector_load %arg10[%swap3A_707, %swap3A_708] {strides = array<i32>} : memref<256x128xf32, #tpu.memory_space<vmem>>, vector<16xf32>,
      tpu.vector_store %arg10[%swap3A_707, %swap3A_708], %div3A_706 {strides = array<i32>} : memref<256x128xf32, #tpu.memory_space<vmem>>, vector<16xf32>,
      %mul3A_710 = arith.constant 6.250000e-02 : f32
      %mul3A_711 = vector.broadcast %mul3A_710 : f32 to vector<16xf32>
      %mul3A_712 = arith.mulf %scan3A_657#3, %mul3A_711 : vector<16xf32>
      %exp3A_713 = math.exp %mul3A_712 : vector<16xf32>
      %sub3A_714 = arith.constant 1.000000e+00 : f32
      %sub3A_715 = vector.broadcast %sub3A_714 : f32 to vector<16xf32>
      %sub3A_716 = arith.subf %exp3A_713, %sub3A_715 : vector<16xf32>
      %add3A_717 = arith.constant 1.000000e+00 : f32
      %add3A_718 = vector.broadcast %add3A_717 : f32 to vector<16xf32>
      %add3A_719 = arith.addf %exp3A_713, %add3A_718 : vector<16xf32>
      %div3A_720 = arith.divf %sub3A_716, %add3A_719 : vector<16xf32>
      %swap3A_721 = arith.index_cast %add3A_667 : i32 to index
      %swap3A_722 = arith.constant 48 : index
      %swap3A_723 = tpu.vector_load %arg10[%swap3A_721, %swap3A_722] {strides = array<i32>} : memref<256x128xf32, #tpu.memory_space<vmem>>, vector<16xf32>,
      tpu.vector_store %arg10[%swap3A_721, %swap3A_722], %div3A_720 {strides = array<i32>} : memref<256x128xf32, #tpu.memory_space<vmem>>, vector<16xf32>,
      %mul3A_724 = arith.constant 6.250000e-02 : f32
      %mul3A_725 = vector.broadcast %mul3A_724 : f32 to vector<16xf32>
      %mul3A_726 = arith.mulf %scan3A_657#4, %mul3A_725 : vector<16xf32>
      %exp3A_727 = math.exp %mul3A_726 : vector<16xf32>
      %sub3A_728 = arith.constant 1.000000e+00 : f32
      %sub3A_729 = vector.broadcast %sub3A_728 : f32 to vector<16xf32>
      %sub3A_730 = arith.subf %exp3A_727, %sub3A_729 : vector<16xf32>
      %add3A_731 = arith.constant 1.000000e+00 : f32
      %add3A_732 = vector.broadcast %add3A_731 : f32 to vector<16xf32>
      %add3A_733 = arith.addf %exp3A_727, %add3A_732 : vector<16xf32>
      %div3A_734 = arith.divf %sub3A_730, %add3A_733 : vector<16xf32>
      %swap3A_735 = arith.index_cast %add3A_667 : i32 to index
      %swap3A_736 = arith.constant 64 : index
      %swap3A_737 = tpu.vector_load %arg10[%swap3A_735, %swap3A_736] {strides = array<i32>} : memref<256x128xf32, #tpu.memory_space<vmem>>, vector<16xf32>,
      tpu.vector_store %arg10[%swap3A_735, %swap3A_736], %div3A_734 {strides = array<i32>} : memref<256x128xf32, #tpu.memory_space<vmem>>, vector<16xf32>,
      %mul3A_738 = arith.constant 6.250000e-02 : f32
      %mul3A_739 = vector.broadcast %mul3A_738 : f32 to vector<16xf32>
      %mul3A_740 = arith.mulf %scan3A_657#5, %mul3A_739 : vector<16xf32>
      %exp3A_741 = math.exp %mul3A_740 : vector<16xf32>
      %sub3A_742 = arith.constant 1.000000e+00 : f32
      %sub3A_743 = vector.broadcast %sub3A_742 : f32 to vector<16xf32>
      %sub3A_744 = arith.subf %exp3A_741, %sub3A_743 : vector<16xf32>
      %add3A_745 = arith.constant 1.000000e+00 : f32
      %add3A_746 = vector.broadcast %add3A_745 : f32 to vector<16xf32>
      %add3A_747 = arith.addf %exp3A_741, %add3A_746 : vector<16xf32>
      %div3A_748 = arith.divf %sub3A_744, %add3A_747 : vector<16xf32>
      %swap3A_749 = arith.index_cast %add3A_667 : i32 to index
      %swap3A_750 = arith.constant 80 : index
      %swap3A_751 = tpu.vector_load %arg10[%swap3A_749, %swap3A_750] {strides = array<i32>} : memref<256x128xf32, #tpu.memory_space<vmem>>, vector<16xf32>,
      tpu.vector_store %arg10[%swap3A_749, %swap3A_750], %div3A_748 {strides = array<i32>} : memref<256x128xf32, #tpu.memory_space<vmem>>, vector<16xf32>,
      %mul3A_752 = arith.constant 6.250000e-02 : f32
      %mul3A_753 = vector.broadcast %mul3A_752 : f32 to vector<16xf32>
      %mul3A_754 = arith.mulf %scan3A_657#6, %mul3A_753 : vector<16xf32>
      %exp3A_755 = math.exp %mul3A_754 : vector<16xf32>
      %sub3A_756 = arith.constant 1.000000e+00 : f32
      %sub3A_757 = vector.broadcast %sub3A_756 : f32 to vector<16xf32>
      %sub3A_758 = arith.subf %exp3A_755, %sub3A_757 : vector<16xf32>
      %add3A_759 = arith.constant 1.000000e+00 : f32
      %add3A_760 = vector.broadcast %add3A_759 : f32 to vector<16xf32>
      %add3A_761 = arith.addf %exp3A_755, %add3A_760 : vector<16xf32>
      %div3A_762 = arith.divf %sub3A_758, %add3A_761 : vector<16xf32>
      %swap3A_763 = arith.index_cast %add3A_667 : i32 to index
      %swap3A_764 = arith.constant 96 : index
      %swap3A_765 = tpu.vector_load %arg10[%swap3A_763, %swap3A_764] {strides = array<i32>} : memref<256x128xf32, #tpu.memory_space<vmem>>, vector<16xf32>,
      tpu.vector_store %arg10[%swap3A_763, %swap3A_764], %div3A_762 {strides = array<i32>} : memref<256x128xf32, #tpu.memory_space<vmem>>, vector<16xf32>,
      %mul3A_766 = arith.constant 6.250000e-02 : f32
      %mul3A_767 = vector.broadcast %mul3A_766 : f32 to vector<16xf32>
      %mul3A_768 = arith.mulf %scan3A_657#7, %mul3A_767 : vector<16xf32>
      %exp3A_769 = math.exp %mul3A_768 : vector<16xf32>
      %sub3A_770 = arith.constant 1.000000e+00 : f32
      %sub3A_771 = vector.broadcast %sub3A_770 : f32 to vector<16xf32>
      %sub3A_772 = arith.subf %exp3A_769, %sub3A_771 : vector<16xf32>
      %add3A_773 = arith.constant 1.000000e+00 : f32
      %add3A_774 = vector.broadcast %add3A_773 : f32 to vector<16xf32>
      %add3A_775 = arith.addf %exp3A_769, %add3A_774 : vector<16xf32>
      %div3A_776 = arith.divf %sub3A_772, %add3A_775 : vector<16xf32>
      %swap3A_777 = arith.index_cast %add3A_667 : i32 to index
      %swap3A_778 = arith.constant 112 : index
      %swap3A_779 = tpu.vector_load %arg10[%swap3A_777, %swap3A_778] {strides = array<i32>} : memref<256x128xf32, #tpu.memory_space<vmem>>, vector<16xf32>,
      tpu.vector_store %arg10[%swap3A_777, %swap3A_778], %div3A_776 {strides = array<i32>} : memref<256x128xf32, #tpu.memory_space<vmem>>, vector<16xf32>,
      %broadcast_in_dim3A_780 = arith.constant 0.000000e+00 : f32
      %broadcast_in_dim3A_781 = vector.broadcast %broadcast_in_dim3A_780 : f32 to vector<16xf32>
      %broadcast_in_dim3A_782 = arith.constant 0.000000e+00 : f32
      %broadcast_in_dim3A_783 = vector.broadcast %broadcast_in_dim3A_782 : f32 to vector<16xf32>
      %broadcast_in_dim3A_784 = arith.constant 0.000000e+00 : f32
      %broadcast_in_dim3A_785 = vector.broadcast %broadcast_in_dim3A_784 : f32 to vector<16xf32>
      %broadcast_in_dim3A_786 = arith.constant 0.000000e+00 : f32
      %broadcast_in_dim3A_787 = vector.broadcast %broadcast_in_dim3A_786 : f32 to vector<16xf32>
      %broadcast_in_dim3A_788 = arith.constant 0.000000e+00 : f32
      %broadcast_in_dim3A_789 = vector.broadcast %broadcast_in_dim3A_788 : f32 to vector<16xf32>
      %broadcast_in_dim3A_790 = arith.constant 0.000000e+00 : f32
      %broadcast_in_dim3A_791 = vector.broadcast %broadcast_in_dim3A_790 : f32 to vector<16xf32>
      %broadcast_in_dim3A_792 = arith.constant 0.000000e+00 : f32
      %broadcast_in_dim3A_793 = vector.broadcast %broadcast_in_dim3A_792 : f32 to vector<16xf32>
      %broadcast_in_dim3A_794 = arith.constant 0.000000e+00 : f32
      %broadcast_in_dim3A_795 = vector.broadcast %broadcast_in_dim3A_794 : f32 to vector<16xf32>
      %scan3A_796 = arith.constant 32 : i32
      %scan3A_797 = arith.constant 32 : i32
      %scan3A_798 = arith.addi %scan3A_796, %scan3A_797 : i32
      %scan3A_799 = arith.constant 1 : i32
      %scan3A_800:8 = scf.for %scan3A_2408 = %scan3A_796 to %scan3A_798 step %scan3A_799 iter_args(%scan3A_2409 = %broadcast_in_dim3A_781, %scan3A_2410 = %broadcast_in_dim3A_783, %scan3A_2411 = %broadcast_in_dim3A_785, %scan3A_2412 = %broadcast_in_dim3A_787, %scan3A_2413 = %broadcast_in_dim3A_789, %scan3A_2414 = %broadcast_in_dim3A_791, %scan3A_2415 = %broadcast_in_dim3A_793, %scan3A_2416 = %broadcast_in_dim3A_795) -> (vector<16xf32>, vector<16xf32>, vector<16xf32>, vector<16xf32>, vector<16xf32>, vector<16xf32>, vector<16xf32>, vector<16xf32>)  : i32 {
        %get3A = arith.index_cast %scan3A_2408 : i32 to index
        %get3A_2417 = arith.constant 0 : index
        %get3A_2418 = tpu.vector_load %arg7[%get3A, %get3A_2417] {strides = array<i32>} : memref<128x128xf32, #tpu.memory_space<vmem>>, vector<16xf32>,
        %add3A_2419 = arith.addf %scan3A_2409, %get3A_2418 : vector<16xf32>
        %get3A_2420 = arith.index_cast %scan3A_2408 : i32 to index
        %get3A_2421 = arith.constant 16 : index
        %get3A_2422 = tpu.vector_load %arg7[%get3A_2420, %get3A_2421] {strides = array<i32>} : memref<128x128xf32, #tpu.memory_space<vmem>>, vector<16xf32>,
        %add3A_2423 = arith.addf %scan3A_2410, %get3A_2422 : vector<16xf32>
        %get3A_2424 = arith.index_cast %scan3A_2408 : i32 to index
        %get3A_2425 = arith.constant 32 : index
        %get3A_2426 = tpu.vector_load %arg7[%get3A_2424, %get3A_2425] {strides = array<i32>} : memref<128x128xf32, #tpu.memory_space<vmem>>, vector<16xf32>,
        %add3A_2427 = arith.addf %scan3A_2411, %get3A_2426 : vector<16xf32>
        %get3A_2428 = arith.index_cast %scan3A_2408 : i32 to index
        %get3A_2429 = arith.constant 48 : index
        %get3A_2430 = tpu.vector_load %arg7[%get3A_2428, %get3A_2429] {strides = array<i32>} : memref<128x128xf32, #tpu.memory_space<vmem>>, vector<16xf32>,
        %add3A_2431 = arith.addf %scan3A_2412, %get3A_2430 : vector<16xf32>
        %get3A_2432 = arith.index_cast %scan3A_2408 : i32 to index
        %get3A_2433 = arith.constant 64 : index
        %get3A_2434 = tpu.vector_load %arg7[%get3A_2432, %get3A_2433] {strides = array<i32>} : memref<128x128xf32, #tpu.memory_space<vmem>>, vector<16xf32>,
        %add3A_2435 = arith.addf %scan3A_2413, %get3A_2434 : vector<16xf32>
        %get3A_2436 = arith.index_cast %scan3A_2408 : i32 to index
        %get3A_2437 = arith.constant 80 : index
        %get3A_2438 = tpu.vector_load %arg7[%get3A_2436, %get3A_2437] {strides = array<i32>} : memref<128x128xf32, #tpu.memory_space<vmem>>, vector<16xf32>,
        %add3A_2439 = arith.addf %scan3A_2414, %get3A_2438 : vector<16xf32>
        %get3A_2440 = arith.index_cast %scan3A_2408 : i32 to index
        %get3A_2441 = arith.constant 96 : index
        %get3A_2442 = tpu.vector_load %arg7[%get3A_2440, %get3A_2441] {strides = array<i32>} : memref<128x128xf32, #tpu.memory_space<vmem>>, vector<16xf32>,
        %add3A_2443 = arith.addf %scan3A_2415, %get3A_2442 : vector<16xf32>
        %get3A_2444 = arith.index_cast %scan3A_2408 : i32 to index
        %get3A_2445 = arith.constant 112 : index
        %get3A_2446 = tpu.vector_load %arg7[%get3A_2444, %get3A_2445] {strides = array<i32>} : memref<128x128xf32, #tpu.memory_space<vmem>>, vector<16xf32>,
        %add3A_2447 = arith.addf %scan3A_2416, %get3A_2446 : vector<16xf32>
        scf.yield %add3A_2419, %add3A_2423, %add3A_2427, %add3A_2431, %add3A_2435, %add3A_2439, %add3A_2443, %add3A_2447 : vector<16xf32>, vector<16xf32>, vector<16xf32>, vector<16xf32>, vector<16xf32>, vector<16xf32>, vector<16xf32>, vector<16xf32>
      }
      %scan3A_801 = arith.constant 32 : i32
      %lt3A_802 = arith.constant 64 : i32
      %lt3A_803 = arith.cmpi slt, %add3A_620, %lt3A_802 : i32
      %sub3A_804 = arith.constant 64 : i32
      %sub3A_805 = arith.subi %add3A_620, %sub3A_804 : i32
      %select_n3A_806 = arith.select %lt3A_803, %add3A_620, %sub3A_805 : i32
      %mul3A_807 = arith.constant 4 : i32
      %mul3A_808 = arith.muli %select_n3A_806, %mul3A_807 : i32
      %add3A_809 = arith.constant 1 : i32
      %add3A_810 = arith.addi %mul3A_808, %add3A_809 : i32
      %mul3A_811 = arith.constant 6.250000e-02 : f32
      %mul3A_812 = vector.broadcast %mul3A_811 : f32 to vector<16xf32>
      %mul3A_813 = arith.mulf %scan3A_800#0, %mul3A_812 : vector<16xf32>
      %exp3A_814 = math.exp %mul3A_813 : vector<16xf32>
      %sub3A_815 = arith.constant 1.000000e+00 : f32
      %sub3A_816 = vector.broadcast %sub3A_815 : f32 to vector<16xf32>
      %sub3A_817 = arith.subf %exp3A_814, %sub3A_816 : vector<16xf32>
      %add3A_818 = arith.constant 1.000000e+00 : f32
      %add3A_819 = vector.broadcast %add3A_818 : f32 to vector<16xf32>
      %add3A_820 = arith.addf %exp3A_814, %add3A_819 : vector<16xf32>
      %div3A_821 = arith.divf %sub3A_817, %add3A_820 : vector<16xf32>
      %swap3A_822 = arith.index_cast %add3A_810 : i32 to index
      %swap3A_823 = arith.constant 0 : index
      %swap3A_824 = tpu.vector_load %arg10[%swap3A_822, %swap3A_823] {strides = array<i32>} : memref<256x128xf32, #tpu.memory_space<vmem>>, vector<16xf32>,
      tpu.vector_store %arg10[%swap3A_822, %swap3A_823], %div3A_821 {strides = array<i32>} : memref<256x128xf32, #tpu.memory_space<vmem>>, vector<16xf32>,
      %mul3A_825 = arith.constant 6.250000e-02 : f32
      %mul3A_826 = vector.broadcast %mul3A_825 : f32 to vector<16xf32>
      %mul3A_827 = arith.mulf %scan3A_800#1, %mul3A_826 : vector<16xf32>
      %exp3A_828 = math.exp %mul3A_827 : vector<16xf32>
      %sub3A_829 = arith.constant 1.000000e+00 : f32
      %sub3A_830 = vector.broadcast %sub3A_829 : f32 to vector<16xf32>
      %sub3A_831 = arith.subf %exp3A_828, %sub3A_830 : vector<16xf32>
      %add3A_832 = arith.constant 1.000000e+00 : f32
      %add3A_833 = vector.broadcast %add3A_832 : f32 to vector<16xf32>
      %add3A_834 = arith.addf %exp3A_828, %add3A_833 : vector<16xf32>
      %div3A_835 = arith.divf %sub3A_831, %add3A_834 : vector<16xf32>
      %swap3A_836 = arith.index_cast %add3A_810 : i32 to index
      %swap3A_837 = arith.constant 16 : index
      %swap3A_838 = tpu.vector_load %arg10[%swap3A_836, %swap3A_837] {strides = array<i32>} : memref<256x128xf32, #tpu.memory_space<vmem>>, vector<16xf32>,
      tpu.vector_store %arg10[%swap3A_836, %swap3A_837], %div3A_835 {strides = array<i32>} : memref<256x128xf32, #tpu.memory_space<vmem>>, vector<16xf32>,
      %mul3A_839 = arith.constant 6.250000e-02 : f32
      %mul3A_840 = vector.broadcast %mul3A_839 : f32 to vector<16xf32>
      %mul3A_841 = arith.mulf %scan3A_800#2, %mul3A_840 : vector<16xf32>
      %exp3A_842 = math.exp %mul3A_841 : vector<16xf32>
      %sub3A_843 = arith.constant 1.000000e+00 : f32
      %sub3A_844 = vector.broadcast %sub3A_843 : f32 to vector<16xf32>
      %sub3A_845 = arith.subf %exp3A_842, %sub3A_844 : vector<16xf32>
      %add3A_846 = arith.constant 1.000000e+00 : f32
      %add3A_847 = vector.broadcast %add3A_846 : f32 to vector<16xf32>
      %add3A_848 = arith.addf %exp3A_842, %add3A_847 : vector<16xf32>
      %div3A_849 = arith.divf %sub3A_845, %add3A_848 : vector<16xf32>
      %swap3A_850 = arith.index_cast %add3A_810 : i32 to index
      %swap3A_851 = arith.constant 32 : index
      %swap3A_852 = tpu.vector_load %arg10[%swap3A_850, %swap3A_851] {strides = array<i32>} : memref<256x128xf32, #tpu.memory_space<vmem>>, vector<16xf32>,
      tpu.vector_store %arg10[%swap3A_850, %swap3A_851], %div3A_849 {strides = array<i32>} : memref<256x128xf32, #tpu.memory_space<vmem>>, vector<16xf32>,
      %mul3A_853 = arith.constant 6.250000e-02 : f32
      %mul3A_854 = vector.broadcast %mul3A_853 : f32 to vector<16xf32>
      %mul3A_855 = arith.mulf %scan3A_800#3, %mul3A_854 : vector<16xf32>
      %exp3A_856 = math.exp %mul3A_855 : vector<16xf32>
      %sub3A_857 = arith.constant 1.000000e+00 : f32
      %sub3A_858 = vector.broadcast %sub3A_857 : f32 to vector<16xf32>
      %sub3A_859 = arith.subf %exp3A_856, %sub3A_858 : vector<16xf32>
      %add3A_860 = arith.constant 1.000000e+00 : f32
      %add3A_861 = vector.broadcast %add3A_860 : f32 to vector<16xf32>
      %add3A_862 = arith.addf %exp3A_856, %add3A_861 : vector<16xf32>
      %div3A_863 = arith.divf %sub3A_859, %add3A_862 : vector<16xf32>
      %swap3A_864 = arith.index_cast %add3A_810 : i32 to index
      %swap3A_865 = arith.constant 48 : index
      %swap3A_866 = tpu.vector_load %arg10[%swap3A_864, %swap3A_865] {strides = array<i32>} : memref<256x128xf32, #tpu.memory_space<vmem>>, vector<16xf32>,
      tpu.vector_store %arg10[%swap3A_864, %swap3A_865], %div3A_863 {strides = array<i32>} : memref<256x128xf32, #tpu.memory_space<vmem>>, vector<16xf32>,
      %mul3A_867 = arith.constant 6.250000e-02 : f32
      %mul3A_868 = vector.broadcast %mul3A_867 : f32 to vector<16xf32>
      %mul3A_869 = arith.mulf %scan3A_800#4, %mul3A_868 : vector<16xf32>
      %exp3A_870 = math.exp %mul3A_869 : vector<16xf32>
      %sub3A_871 = arith.constant 1.000000e+00 : f32
      %sub3A_872 = vector.broadcast %sub3A_871 : f32 to vector<16xf32>
      %sub3A_873 = arith.subf %exp3A_870, %sub3A_872 : vector<16xf32>
      %add3A_874 = arith.constant 1.000000e+00 : f32
      %add3A_875 = vector.broadcast %add3A_874 : f32 to vector<16xf32>
      %add3A_876 = arith.addf %exp3A_870, %add3A_875 : vector<16xf32>
      %div3A_877 = arith.divf %sub3A_873, %add3A_876 : vector<16xf32>
      %swap3A_878 = arith.index_cast %add3A_810 : i32 to index
      %swap3A_879 = arith.constant 64 : index
      %swap3A_880 = tpu.vector_load %arg10[%swap3A_878, %swap3A_879] {strides = array<i32>} : memref<256x128xf32, #tpu.memory_space<vmem>>, vector<16xf32>,
      tpu.vector_store %arg10[%swap3A_878, %swap3A_879], %div3A_877 {strides = array<i32>} : memref<256x128xf32, #tpu.memory_space<vmem>>, vector<16xf32>,
      %mul3A_881 = arith.constant 6.250000e-02 : f32
      %mul3A_882 = vector.broadcast %mul3A_881 : f32 to vector<16xf32>
      %mul3A_883 = arith.mulf %scan3A_800#5, %mul3A_882 : vector<16xf32>
      %exp3A_884 = math.exp %mul3A_883 : vector<16xf32>
      %sub3A_885 = arith.constant 1.000000e+00 : f32
      %sub3A_886 = vector.broadcast %sub3A_885 : f32 to vector<16xf32>
      %sub3A_887 = arith.subf %exp3A_884, %sub3A_886 : vector<16xf32>
      %add3A_888 = arith.constant 1.000000e+00 : f32
      %add3A_889 = vector.broadcast %add3A_888 : f32 to vector<16xf32>
      %add3A_890 = arith.addf %exp3A_884, %add3A_889 : vector<16xf32>
      %div3A_891 = arith.divf %sub3A_887, %add3A_890 : vector<16xf32>
      %swap3A_892 = arith.index_cast %add3A_810 : i32 to index
      %swap3A_893 = arith.constant 80 : index
      %swap3A_894 = tpu.vector_load %arg10[%swap3A_892, %swap3A_893] {strides = array<i32>} : memref<256x128xf32, #tpu.memory_space<vmem>>, vector<16xf32>,
      tpu.vector_store %arg10[%swap3A_892, %swap3A_893], %div3A_891 {strides = array<i32>} : memref<256x128xf32, #tpu.memory_space<vmem>>, vector<16xf32>,
      %mul3A_895 = arith.constant 6.250000e-02 : f32
      %mul3A_896 = vector.broadcast %mul3A_895 : f32 to vector<16xf32>
      %mul3A_897 = arith.mulf %scan3A_800#6, %mul3A_896 : vector<16xf32>
      %exp3A_898 = math.exp %mul3A_897 : vector<16xf32>
      %sub3A_899 = arith.constant 1.000000e+00 : f32
      %sub3A_900 = vector.broadcast %sub3A_899 : f32 to vector<16xf32>
      %sub3A_901 = arith.subf %exp3A_898, %sub3A_900 : vector<16xf32>
      %add3A_902 = arith.constant 1.000000e+00 : f32
      %add3A_903 = vector.broadcast %add3A_902 : f32 to vector<16xf32>
      %add3A_904 = arith.addf %exp3A_898, %add3A_903 : vector<16xf32>
      %div3A_905 = arith.divf %sub3A_901, %add3A_904 : vector<16xf32>
      %swap3A_906 = arith.index_cast %add3A_810 : i32 to index
      %swap3A_907 = arith.constant 96 : index
      %swap3A_908 = tpu.vector_load %arg10[%swap3A_906, %swap3A_907] {strides = array<i32>} : memref<256x128xf32, #tpu.memory_space<vmem>>, vector<16xf32>,
      tpu.vector_store %arg10[%swap3A_906, %swap3A_907], %div3A_905 {strides = array<i32>} : memref<256x128xf32, #tpu.memory_space<vmem>>, vector<16xf32>,
      %mul3A_909 = arith.constant 6.250000e-02 : f32
      %mul3A_910 = vector.broadcast %mul3A_909 : f32 to vector<16xf32>
      %mul3A_911 = arith.mulf %scan3A_800#7, %mul3A_910 : vector<16xf32>
      %exp3A_912 = math.exp %mul3A_911 : vector<16xf32>
      %sub3A_913 = arith.constant 1.000000e+00 : f32
      %sub3A_914 = vector.broadcast %sub3A_913 : f32 to vector<16xf32>
      %sub3A_915 = arith.subf %exp3A_912, %sub3A_914 : vector<16xf32>
      %add3A_916 = arith.constant 1.000000e+00 : f32
      %add3A_917 = vector.broadcast %add3A_916 : f32 to vector<16xf32>
      %add3A_918 = arith.addf %exp3A_912, %add3A_917 : vector<16xf32>
      %div3A_919 = arith.divf %sub3A_915, %add3A_918 : vector<16xf32>
      %swap3A_920 = arith.index_cast %add3A_810 : i32 to index
      %swap3A_921 = arith.constant 112 : index
      %swap3A_922 = tpu.vector_load %arg10[%swap3A_920, %swap3A_921] {strides = array<i32>} : memref<256x128xf32, #tpu.memory_space<vmem>>, vector<16xf32>,
      tpu.vector_store %arg10[%swap3A_920, %swap3A_921], %div3A_919 {strides = array<i32>} : memref<256x128xf32, #tpu.memory_space<vmem>>, vector<16xf32>,
      %broadcast_in_dim3A_923 = arith.constant 0.000000e+00 : f32
      %broadcast_in_dim3A_924 = vector.broadcast %broadcast_in_dim3A_923 : f32 to vector<16xf32>
      %broadcast_in_dim3A_925 = arith.constant 0.000000e+00 : f32
      %broadcast_in_dim3A_926 = vector.broadcast %broadcast_in_dim3A_925 : f32 to vector<16xf32>
      %broadcast_in_dim3A_927 = arith.constant 0.000000e+00 : f32
      %broadcast_in_dim3A_928 = vector.broadcast %broadcast_in_dim3A_927 : f32 to vector<16xf32>
      %broadcast_in_dim3A_929 = arith.constant 0.000000e+00 : f32
      %broadcast_in_dim3A_930 = vector.broadcast %broadcast_in_dim3A_929 : f32 to vector<16xf32>
      %broadcast_in_dim3A_931 = arith.constant 0.000000e+00 : f32
      %broadcast_in_dim3A_932 = vector.broadcast %broadcast_in_dim3A_931 : f32 to vector<16xf32>
      %broadcast_in_dim3A_933 = arith.constant 0.000000e+00 : f32
      %broadcast_in_dim3A_934 = vector.broadcast %broadcast_in_dim3A_933 : f32 to vector<16xf32>
      %broadcast_in_dim3A_935 = arith.constant 0.000000e+00 : f32
      %broadcast_in_dim3A_936 = vector.broadcast %broadcast_in_dim3A_935 : f32 to vector<16xf32>
      %broadcast_in_dim3A_937 = arith.constant 0.000000e+00 : f32
      %broadcast_in_dim3A_938 = vector.broadcast %broadcast_in_dim3A_937 : f32 to vector<16xf32>
      %scan3A_939 = arith.constant 64 : i32
      %scan3A_940 = arith.constant 32 : i32
      %scan3A_941 = arith.addi %scan3A_939, %scan3A_940 : i32
      %scan3A_942 = arith.constant 1 : i32
      %scan3A_943:8 = scf.for %scan3A_2408 = %scan3A_939 to %scan3A_941 step %scan3A_942 iter_args(%scan3A_2409 = %broadcast_in_dim3A_924, %scan3A_2410 = %broadcast_in_dim3A_926, %scan3A_2411 = %broadcast_in_dim3A_928, %scan3A_2412 = %broadcast_in_dim3A_930, %scan3A_2413 = %broadcast_in_dim3A_932, %scan3A_2414 = %broadcast_in_dim3A_934, %scan3A_2415 = %broadcast_in_dim3A_936, %scan3A_2416 = %broadcast_in_dim3A_938) -> (vector<16xf32>, vector<16xf32>, vector<16xf32>, vector<16xf32>, vector<16xf32>, vector<16xf32>, vector<16xf32>, vector<16xf32>)  : i32 {
        %get3A = arith.index_cast %scan3A_2408 : i32 to index
        %get3A_2417 = arith.constant 0 : index
        %get3A_2418 = tpu.vector_load %arg7[%get3A, %get3A_2417] {strides = array<i32>} : memref<128x128xf32, #tpu.memory_space<vmem>>, vector<16xf32>,
        %add3A_2419 = arith.addf %scan3A_2409, %get3A_2418 : vector<16xf32>
        %get3A_2420 = arith.index_cast %scan3A_2408 : i32 to index
        %get3A_2421 = arith.constant 16 : index
        %get3A_2422 = tpu.vector_load %arg7[%get3A_2420, %get3A_2421] {strides = array<i32>} : memref<128x128xf32, #tpu.memory_space<vmem>>, vector<16xf32>,
        %add3A_2423 = arith.addf %scan3A_2410, %get3A_2422 : vector<16xf32>
        %get3A_2424 = arith.index_cast %scan3A_2408 : i32 to index
        %get3A_2425 = arith.constant 32 : index
        %get3A_2426 = tpu.vector_load %arg7[%get3A_2424, %get3A_2425] {strides = array<i32>} : memref<128x128xf32, #tpu.memory_space<vmem>>, vector<16xf32>,
        %add3A_2427 = arith.addf %scan3A_2411, %get3A_2426 : vector<16xf32>
        %get3A_2428 = arith.index_cast %scan3A_2408 : i32 to index
        %get3A_2429 = arith.constant 48 : index
        %get3A_2430 = tpu.vector_load %arg7[%get3A_2428, %get3A_2429] {strides = array<i32>} : memref<128x128xf32, #tpu.memory_space<vmem>>, vector<16xf32>,
        %add3A_2431 = arith.addf %scan3A_2412, %get3A_2430 : vector<16xf32>
        %get3A_2432 = arith.index_cast %scan3A_2408 : i32 to index
        %get3A_2433 = arith.constant 64 : index
        %get3A_2434 = tpu.vector_load %arg7[%get3A_2432, %get3A_2433] {strides = array<i32>} : memref<128x128xf32, #tpu.memory_space<vmem>>, vector<16xf32>,
        %add3A_2435 = arith.addf %scan3A_2413, %get3A_2434 : vector<16xf32>
        %get3A_2436 = arith.index_cast %scan3A_2408 : i32 to index
        %get3A_2437 = arith.constant 80 : index
        %get3A_2438 = tpu.vector_load %arg7[%get3A_2436, %get3A_2437] {strides = array<i32>} : memref<128x128xf32, #tpu.memory_space<vmem>>, vector<16xf32>,
        %add3A_2439 = arith.addf %scan3A_2414, %get3A_2438 : vector<16xf32>
        %get3A_2440 = arith.index_cast %scan3A_2408 : i32 to index
        %get3A_2441 = arith.constant 96 : index
        %get3A_2442 = tpu.vector_load %arg7[%get3A_2440, %get3A_2441] {strides = array<i32>} : memref<128x128xf32, #tpu.memory_space<vmem>>, vector<16xf32>,
        %add3A_2443 = arith.addf %scan3A_2415, %get3A_2442 : vector<16xf32>
        %get3A_2444 = arith.index_cast %scan3A_2408 : i32 to index
        %get3A_2445 = arith.constant 112 : index
        %get3A_2446 = tpu.vector_load %arg7[%get3A_2444, %get3A_2445] {strides = array<i32>} : memref<128x128xf32, #tpu.memory_space<vmem>>, vector<16xf32>,
        %add3A_2447 = arith.addf %scan3A_2416, %get3A_2446 : vector<16xf32>
        scf.yield %add3A_2419, %add3A_2423, %add3A_2427, %add3A_2431, %add3A_2435, %add3A_2439, %add3A_2443, %add3A_2447 : vector<16xf32>, vector<16xf32>, vector<16xf32>, vector<16xf32>, vector<16xf32>, vector<16xf32>, vector<16xf32>, vector<16xf32>
      }
      %scan3A_944 = arith.constant 32 : i32
      %lt3A_945 = arith.constant 64 : i32
      %lt3A_946 = arith.cmpi slt, %add3A_620, %lt3A_945 : i32
      %sub3A_947 = arith.constant 64 : i32
      %sub3A_948 = arith.subi %add3A_620, %sub3A_947 : i32
      %select_n3A_949 = arith.select %lt3A_946, %add3A_620, %sub3A_948 : i32
      %mul3A_950 = arith.constant 4 : i32
      %mul3A_951 = arith.muli %select_n3A_949, %mul3A_950 : i32
      %add3A_952 = arith.constant 2 : i32
      %add3A_953 = arith.addi %mul3A_951, %add3A_952 : i32
      %mul3A_954 = arith.constant 6.250000e-02 : f32
      %mul3A_955 = vector.broadcast %mul3A_954 : f32 to vector<16xf32>
      %mul3A_956 = arith.mulf %scan3A_943#0, %mul3A_955 : vector<16xf32>
      %exp3A_957 = math.exp %mul3A_956 : vector<16xf32>
      %sub3A_958 = arith.constant 1.000000e+00 : f32
      %sub3A_959 = vector.broadcast %sub3A_958 : f32 to vector<16xf32>
      %sub3A_960 = arith.subf %exp3A_957, %sub3A_959 : vector<16xf32>
      %add3A_961 = arith.constant 1.000000e+00 : f32
      %add3A_962 = vector.broadcast %add3A_961 : f32 to vector<16xf32>
      %add3A_963 = arith.addf %exp3A_957, %add3A_962 : vector<16xf32>
      %div3A_964 = arith.divf %sub3A_960, %add3A_963 : vector<16xf32>
      %swap3A_965 = arith.index_cast %add3A_953 : i32 to index
      %swap3A_966 = arith.constant 0 : index
      %swap3A_967 = tpu.vector_load %arg10[%swap3A_965, %swap3A_966] {strides = array<i32>} : memref<256x128xf32, #tpu.memory_space<vmem>>, vector<16xf32>,
      tpu.vector_store %arg10[%swap3A_965, %swap3A_966], %div3A_964 {strides = array<i32>} : memref<256x128xf32, #tpu.memory_space<vmem>>, vector<16xf32>,
      %mul3A_968 = arith.constant 6.250000e-02 : f32
      %mul3A_969 = vector.broadcast %mul3A_968 : f32 to vector<16xf32>
      %mul3A_970 = arith.mulf %scan3A_943#1, %mul3A_969 : vector<16xf32>
      %exp3A_971 = math.exp %mul3A_970 : vector<16xf32>
      %sub3A_972 = arith.constant 1.000000e+00 : f32
      %sub3A_973 = vector.broadcast %sub3A_972 : f32 to vector<16xf32>
      %sub3A_974 = arith.subf %exp3A_971, %sub3A_973 : vector<16xf32>
      %add3A_975 = arith.constant 1.000000e+00 : f32
      %add3A_976 = vector.broadcast %add3A_975 : f32 to vector<16xf32>
      %add3A_977 = arith.addf %exp3A_971, %add3A_976 : vector<16xf32>
      %div3A_978 = arith.divf %sub3A_974, %add3A_977 : vector<16xf32>
      %swap3A_979 = arith.index_cast %add3A_953 : i32 to index
      %swap3A_980 = arith.constant 16 : index
      %swap3A_981 = tpu.vector_load %arg10[%swap3A_979, %swap3A_980] {strides = array<i32>} : memref<256x128xf32, #tpu.memory_space<vmem>>, vector<16xf32>,
      tpu.vector_store %arg10[%swap3A_979, %swap3A_980], %div3A_978 {strides = array<i32>} : memref<256x128xf32, #tpu.memory_space<vmem>>, vector<16xf32>,
      %mul3A_982 = arith.constant 6.250000e-02 : f32
      %mul3A_983 = vector.broadcast %mul3A_982 : f32 to vector<16xf32>
      %mul3A_984 = arith.mulf %scan3A_943#2, %mul3A_983 : vector<16xf32>
      %exp3A_985 = math.exp %mul3A_984 : vector<16xf32>
      %sub3A_986 = arith.constant 1.000000e+00 : f32
      %sub3A_987 = vector.broadcast %sub3A_986 : f32 to vector<16xf32>
      %sub3A_988 = arith.subf %exp3A_985, %sub3A_987 : vector<16xf32>
      %add3A_989 = arith.constant 1.000000e+00 : f32
      %add3A_990 = vector.broadcast %add3A_989 : f32 to vector<16xf32>
      %add3A_991 = arith.addf %exp3A_985, %add3A_990 : vector<16xf32>
      %div3A_992 = arith.divf %sub3A_988, %add3A_991 : vector<16xf32>
      %swap3A_993 = arith.index_cast %add3A_953 : i32 to index
      %swap3A_994 = arith.constant 32 : index
      %swap3A_995 = tpu.vector_load %arg10[%swap3A_993, %swap3A_994] {strides = array<i32>} : memref<256x128xf32, #tpu.memory_space<vmem>>, vector<16xf32>,
      tpu.vector_store %arg10[%swap3A_993, %swap3A_994], %div3A_992 {strides = array<i32>} : memref<256x128xf32, #tpu.memory_space<vmem>>, vector<16xf32>,
      %mul3A_996 = arith.constant 6.250000e-02 : f32
      %mul3A_997 = vector.broadcast %mul3A_996 : f32 to vector<16xf32>
      %mul3A_998 = arith.mulf %scan3A_943#3, %mul3A_997 : vector<16xf32>
      %exp3A_999 = math.exp %mul3A_998 : vector<16xf32>
      %sub3A_1000 = arith.constant 1.000000e+00 : f32
      %sub3A_1001 = vector.broadcast %sub3A_1000 : f32 to vector<16xf32>
      %sub3A_1002 = arith.subf %exp3A_999, %sub3A_1001 : vector<16xf32>
      %add3A_1003 = arith.constant 1.000000e+00 : f32
      %add3A_1004 = vector.broadcast %add3A_1003 : f32 to vector<16xf32>
      %add3A_1005 = arith.addf %exp3A_999, %add3A_1004 : vector<16xf32>
      %div3A_1006 = arith.divf %sub3A_1002, %add3A_1005 : vector<16xf32>
      %swap3A_1007 = arith.index_cast %add3A_953 : i32 to index
      %swap3A_1008 = arith.constant 48 : index
      %swap3A_1009 = tpu.vector_load %arg10[%swap3A_1007, %swap3A_1008] {strides = array<i32>} : memref<256x128xf32, #tpu.memory_space<vmem>>, vector<16xf32>,
      tpu.vector_store %arg10[%swap3A_1007, %swap3A_1008], %div3A_1006 {strides = array<i32>} : memref<256x128xf32, #tpu.memory_space<vmem>>, vector<16xf32>,
      %mul3A_1010 = arith.constant 6.250000e-02 : f32
      %mul3A_1011 = vector.broadcast %mul3A_1010 : f32 to vector<16xf32>
      %mul3A_1012 = arith.mulf %scan3A_943#4, %mul3A_1011 : vector<16xf32>
      %exp3A_1013 = math.exp %mul3A_1012 : vector<16xf32>
      %sub3A_1014 = arith.constant 1.000000e+00 : f32
      %sub3A_1015 = vector.broadcast %sub3A_1014 : f32 to vector<16xf32>
      %sub3A_1016 = arith.subf %exp3A_1013, %sub3A_1015 : vector<16xf32>
      %add3A_1017 = arith.constant 1.000000e+00 : f32
      %add3A_1018 = vector.broadcast %add3A_1017 : f32 to vector<16xf32>
      %add3A_1019 = arith.addf %exp3A_1013, %add3A_1018 : vector<16xf32>
      %div3A_1020 = arith.divf %sub3A_1016, %add3A_1019 : vector<16xf32>
      %swap3A_1021 = arith.index_cast %add3A_953 : i32 to index
      %swap3A_1022 = arith.constant 64 : index
      %swap3A_1023 = tpu.vector_load %arg10[%swap3A_1021, %swap3A_1022] {strides = array<i32>} : memref<256x128xf32, #tpu.memory_space<vmem>>, vector<16xf32>,
      tpu.vector_store %arg10[%swap3A_1021, %swap3A_1022], %div3A_1020 {strides = array<i32>} : memref<256x128xf32, #tpu.memory_space<vmem>>, vector<16xf32>,
      %mul3A_1024 = arith.constant 6.250000e-02 : f32
      %mul3A_1025 = vector.broadcast %mul3A_1024 : f32 to vector<16xf32>
      %mul3A_1026 = arith.mulf %scan3A_943#5, %mul3A_1025 : vector<16xf32>
      %exp3A_1027 = math.exp %mul3A_1026 : vector<16xf32>
      %sub3A_1028 = arith.constant 1.000000e+00 : f32
      %sub3A_1029 = vector.broadcast %sub3A_1028 : f32 to vector<16xf32>
      %sub3A_1030 = arith.subf %exp3A_1027, %sub3A_1029 : vector<16xf32>
      %add3A_1031 = arith.constant 1.000000e+00 : f32
      %add3A_1032 = vector.broadcast %add3A_1031 : f32 to vector<16xf32>
      %add3A_1033 = arith.addf %exp3A_1027, %add3A_1032 : vector<16xf32>
      %div3A_1034 = arith.divf %sub3A_1030, %add3A_1033 : vector<16xf32>
      %swap3A_1035 = arith.index_cast %add3A_953 : i32 to index
      %swap3A_1036 = arith.constant 80 : index
      %swap3A_1037 = tpu.vector_load %arg10[%swap3A_1035, %swap3A_1036] {strides = array<i32>} : memref<256x128xf32, #tpu.memory_space<vmem>>, vector<16xf32>,
      tpu.vector_store %arg10[%swap3A_1035, %swap3A_1036], %div3A_1034 {strides = array<i32>} : memref<256x128xf32, #tpu.memory_space<vmem>>, vector<16xf32>,
      %mul3A_1038 = arith.constant 6.250000e-02 : f32
      %mul3A_1039 = vector.broadcast %mul3A_1038 : f32 to vector<16xf32>
      %mul3A_1040 = arith.mulf %scan3A_943#6, %mul3A_1039 : vector<16xf32>
      %exp3A_1041 = math.exp %mul3A_1040 : vector<16xf32>
      %sub3A_1042 = arith.constant 1.000000e+00 : f32
      %sub3A_1043 = vector.broadcast %sub3A_1042 : f32 to vector<16xf32>
      %sub3A_1044 = arith.subf %exp3A_1041, %sub3A_1043 : vector<16xf32>
      %add3A_1045 = arith.constant 1.000000e+00 : f32
      %add3A_1046 = vector.broadcast %add3A_1045 : f32 to vector<16xf32>
      %add3A_1047 = arith.addf %exp3A_1041, %add3A_1046 : vector<16xf32>
      %div3A_1048 = arith.divf %sub3A_1044, %add3A_1047 : vector<16xf32>
      %swap3A_1049 = arith.index_cast %add3A_953 : i32 to index
      %swap3A_1050 = arith.constant 96 : index
      %swap3A_1051 = tpu.vector_load %arg10[%swap3A_1049, %swap3A_1050] {strides = array<i32>} : memref<256x128xf32, #tpu.memory_space<vmem>>, vector<16xf32>,
      tpu.vector_store %arg10[%swap3A_1049, %swap3A_1050], %div3A_1048 {strides = array<i32>} : memref<256x128xf32, #tpu.memory_space<vmem>>, vector<16xf32>,
      %mul3A_1052 = arith.constant 6.250000e-02 : f32
      %mul3A_1053 = vector.broadcast %mul3A_1052 : f32 to vector<16xf32>
      %mul3A_1054 = arith.mulf %scan3A_943#7, %mul3A_1053 : vector<16xf32>
      %exp3A_1055 = math.exp %mul3A_1054 : vector<16xf32>
      %sub3A_1056 = arith.constant 1.000000e+00 : f32
      %sub3A_1057 = vector.broadcast %sub3A_1056 : f32 to vector<16xf32>
      %sub3A_1058 = arith.subf %exp3A_1055, %sub3A_1057 : vector<16xf32>
      %add3A_1059 = arith.constant 1.000000e+00 : f32
      %add3A_1060 = vector.broadcast %add3A_1059 : f32 to vector<16xf32>
      %add3A_1061 = arith.addf %exp3A_1055, %add3A_1060 : vector<16xf32>
      %div3A_1062 = arith.divf %sub3A_1058, %add3A_1061 : vector<16xf32>
      %swap3A_1063 = arith.index_cast %add3A_953 : i32 to index
      %swap3A_1064 = arith.constant 112 : index
      %swap3A_1065 = tpu.vector_load %arg10[%swap3A_1063, %swap3A_1064] {strides = array<i32>} : memref<256x128xf32, #tpu.memory_space<vmem>>, vector<16xf32>,
      tpu.vector_store %arg10[%swap3A_1063, %swap3A_1064], %div3A_1062 {strides = array<i32>} : memref<256x128xf32, #tpu.memory_space<vmem>>, vector<16xf32>,
      %broadcast_in_dim3A_1066 = arith.constant 0.000000e+00 : f32
      %broadcast_in_dim3A_1067 = vector.broadcast %broadcast_in_dim3A_1066 : f32 to vector<16xf32>
      %broadcast_in_dim3A_1068 = arith.constant 0.000000e+00 : f32
      %broadcast_in_dim3A_1069 = vector.broadcast %broadcast_in_dim3A_1068 : f32 to vector<16xf32>
      %broadcast_in_dim3A_1070 = arith.constant 0.000000e+00 : f32
      %broadcast_in_dim3A_1071 = vector.broadcast %broadcast_in_dim3A_1070 : f32 to vector<16xf32>
      %broadcast_in_dim3A_1072 = arith.constant 0.000000e+00 : f32
      %broadcast_in_dim3A_1073 = vector.broadcast %broadcast_in_dim3A_1072 : f32 to vector<16xf32>
      %broadcast_in_dim3A_1074 = arith.constant 0.000000e+00 : f32
      %broadcast_in_dim3A_1075 = vector.broadcast %broadcast_in_dim3A_1074 : f32 to vector<16xf32>
      %broadcast_in_dim3A_1076 = arith.constant 0.000000e+00 : f32
      %broadcast_in_dim3A_1077 = vector.broadcast %broadcast_in_dim3A_1076 : f32 to vector<16xf32>
      %broadcast_in_dim3A_1078 = arith.constant 0.000000e+00 : f32
      %broadcast_in_dim3A_1079 = vector.broadcast %broadcast_in_dim3A_1078 : f32 to vector<16xf32>
      %broadcast_in_dim3A_1080 = arith.constant 0.000000e+00 : f32
      %broadcast_in_dim3A_1081 = vector.broadcast %broadcast_in_dim3A_1080 : f32 to vector<16xf32>
      %scan3A_1082 = arith.constant 96 : i32
      %scan3A_1083 = arith.constant 32 : i32
      %scan3A_1084 = arith.addi %scan3A_1082, %scan3A_1083 : i32
      %scan3A_1085 = arith.constant 1 : i32
      %scan3A_1086:8 = scf.for %scan3A_2408 = %scan3A_1082 to %scan3A_1084 step %scan3A_1085 iter_args(%scan3A_2409 = %broadcast_in_dim3A_1067, %scan3A_2410 = %broadcast_in_dim3A_1069, %scan3A_2411 = %broadcast_in_dim3A_1071, %scan3A_2412 = %broadcast_in_dim3A_1073, %scan3A_2413 = %broadcast_in_dim3A_1075, %scan3A_2414 = %broadcast_in_dim3A_1077, %scan3A_2415 = %broadcast_in_dim3A_1079, %scan3A_2416 = %broadcast_in_dim3A_1081) -> (vector<16xf32>, vector<16xf32>, vector<16xf32>, vector<16xf32>, vector<16xf32>, vector<16xf32>, vector<16xf32>, vector<16xf32>)  : i32 {
        %get3A = arith.index_cast %scan3A_2408 : i32 to index
        %get3A_2417 = arith.constant 0 : index
        %get3A_2418 = tpu.vector_load %arg7[%get3A, %get3A_2417] {strides = array<i32>} : memref<128x128xf32, #tpu.memory_space<vmem>>, vector<16xf32>,
        %add3A_2419 = arith.addf %scan3A_2409, %get3A_2418 : vector<16xf32>
        %get3A_2420 = arith.index_cast %scan3A_2408 : i32 to index
        %get3A_2421 = arith.constant 16 : index
        %get3A_2422 = tpu.vector_load %arg7[%get3A_2420, %get3A_2421] {strides = array<i32>} : memref<128x128xf32, #tpu.memory_space<vmem>>, vector<16xf32>,
        %add3A_2423 = arith.addf %scan3A_2410, %get3A_2422 : vector<16xf32>
        %get3A_2424 = arith.index_cast %scan3A_2408 : i32 to index
        %get3A_2425 = arith.constant 32 : index
        %get3A_2426 = tpu.vector_load %arg7[%get3A_2424, %get3A_2425] {strides = array<i32>} : memref<128x128xf32, #tpu.memory_space<vmem>>, vector<16xf32>,
        %add3A_2427 = arith.addf %scan3A_2411, %get3A_2426 : vector<16xf32>
        %get3A_2428 = arith.index_cast %scan3A_2408 : i32 to index
        %get3A_2429 = arith.constant 48 : index
        %get3A_2430 = tpu.vector_load %arg7[%get3A_2428, %get3A_2429] {strides = array<i32>} : memref<128x128xf32, #tpu.memory_space<vmem>>, vector<16xf32>,
        %add3A_2431 = arith.addf %scan3A_2412, %get3A_2430 : vector<16xf32>
        %get3A_2432 = arith.index_cast %scan3A_2408 : i32 to index
        %get3A_2433 = arith.constant 64 : index
        %get3A_2434 = tpu.vector_load %arg7[%get3A_2432, %get3A_2433] {strides = array<i32>} : memref<128x128xf32, #tpu.memory_space<vmem>>, vector<16xf32>,
        %add3A_2435 = arith.addf %scan3A_2413, %get3A_2434 : vector<16xf32>
        %get3A_2436 = arith.index_cast %scan3A_2408 : i32 to index
        %get3A_2437 = arith.constant 80 : index
        %get3A_2438 = tpu.vector_load %arg7[%get3A_2436, %get3A_2437] {strides = array<i32>} : memref<128x128xf32, #tpu.memory_space<vmem>>, vector<16xf32>,
        %add3A_2439 = arith.addf %scan3A_2414, %get3A_2438 : vector<16xf32>
        %get3A_2440 = arith.index_cast %scan3A_2408 : i32 to index
        %get3A_2441 = arith.constant 96 : index
        %get3A_2442 = tpu.vector_load %arg7[%get3A_2440, %get3A_2441] {strides = array<i32>} : memref<128x128xf32, #tpu.memory_space<vmem>>, vector<16xf32>,
        %add3A_2443 = arith.addf %scan3A_2415, %get3A_2442 : vector<16xf32>
        %get3A_2444 = arith.index_cast %scan3A_2408 : i32 to index
        %get3A_2445 = arith.constant 112 : index
        %get3A_2446 = tpu.vector_load %arg7[%get3A_2444, %get3A_2445] {strides = array<i32>} : memref<128x128xf32, #tpu.memory_space<vmem>>, vector<16xf32>,
        %add3A_2447 = arith.addf %scan3A_2416, %get3A_2446 : vector<16xf32>
        scf.yield %add3A_2419, %add3A_2423, %add3A_2427, %add3A_2431, %add3A_2435, %add3A_2439, %add3A_2443, %add3A_2447 : vector<16xf32>, vector<16xf32>, vector<16xf32>, vector<16xf32>, vector<16xf32>, vector<16xf32>, vector<16xf32>, vector<16xf32>
      }
      %scan3A_1087 = arith.constant 32 : i32
      %lt3A_1088 = arith.constant 64 : i32
      %lt3A_1089 = arith.cmpi slt, %add3A_620, %lt3A_1088 : i32
      %sub3A_1090 = arith.constant 64 : i32
      %sub3A_1091 = arith.subi %add3A_620, %sub3A_1090 : i32
      %select_n3A_1092 = arith.select %lt3A_1089, %add3A_620, %sub3A_1091 : i32
      %mul3A_1093 = arith.constant 4 : i32
      %mul3A_1094 = arith.muli %select_n3A_1092, %mul3A_1093 : i32
      %add3A_1095 = arith.constant 3 : i32
      %add3A_1096 = arith.addi %mul3A_1094, %add3A_1095 : i32
      %mul3A_1097 = arith.constant 6.250000e-02 : f32
      %mul3A_1098 = vector.broadcast %mul3A_1097 : f32 to vector<16xf32>
      %mul3A_1099 = arith.mulf %scan3A_1086#0, %mul3A_1098 : vector<16xf32>
      %exp3A_1100 = math.exp %mul3A_1099 : vector<16xf32>
      %sub3A_1101 = arith.constant 1.000000e+00 : f32
      %sub3A_1102 = vector.broadcast %sub3A_1101 : f32 to vector<16xf32>
      %sub3A_1103 = arith.subf %exp3A_1100, %sub3A_1102 : vector<16xf32>
      %add3A_1104 = arith.constant 1.000000e+00 : f32
      %add3A_1105 = vector.broadcast %add3A_1104 : f32 to vector<16xf32>
      %add3A_1106 = arith.addf %exp3A_1100, %add3A_1105 : vector<16xf32>
      %div3A_1107 = arith.divf %sub3A_1103, %add3A_1106 : vector<16xf32>
      %swap3A_1108 = arith.index_cast %add3A_1096 : i32 to index
      %swap3A_1109 = arith.constant 0 : index
      %swap3A_1110 = tpu.vector_load %arg10[%swap3A_1108, %swap3A_1109] {strides = array<i32>} : memref<256x128xf32, #tpu.memory_space<vmem>>, vector<16xf32>,
      tpu.vector_store %arg10[%swap3A_1108, %swap3A_1109], %div3A_1107 {strides = array<i32>} : memref<256x128xf32, #tpu.memory_space<vmem>>, vector<16xf32>,
      %mul3A_1111 = arith.constant 6.250000e-02 : f32
      %mul3A_1112 = vector.broadcast %mul3A_1111 : f32 to vector<16xf32>
      %mul3A_1113 = arith.mulf %scan3A_1086#1, %mul3A_1112 : vector<16xf32>
      %exp3A_1114 = math.exp %mul3A_1113 : vector<16xf32>
      %sub3A_1115 = arith.constant 1.000000e+00 : f32
      %sub3A_1116 = vector.broadcast %sub3A_1115 : f32 to vector<16xf32>
      %sub3A_1117 = arith.subf %exp3A_1114, %sub3A_1116 : vector<16xf32>
      %add3A_1118 = arith.constant 1.000000e+00 : f32
      %add3A_1119 = vector.broadcast %add3A_1118 : f32 to vector<16xf32>
      %add3A_1120 = arith.addf %exp3A_1114, %add3A_1119 : vector<16xf32>
      %div3A_1121 = arith.divf %sub3A_1117, %add3A_1120 : vector<16xf32>
      %swap3A_1122 = arith.index_cast %add3A_1096 : i32 to index
      %swap3A_1123 = arith.constant 16 : index
      %swap3A_1124 = tpu.vector_load %arg10[%swap3A_1122, %swap3A_1123] {strides = array<i32>} : memref<256x128xf32, #tpu.memory_space<vmem>>, vector<16xf32>,
      tpu.vector_store %arg10[%swap3A_1122, %swap3A_1123], %div3A_1121 {strides = array<i32>} : memref<256x128xf32, #tpu.memory_space<vmem>>, vector<16xf32>,
      %mul3A_1125 = arith.constant 6.250000e-02 : f32
      %mul3A_1126 = vector.broadcast %mul3A_1125 : f32 to vector<16xf32>
      %mul3A_1127 = arith.mulf %scan3A_1086#2, %mul3A_1126 : vector<16xf32>
      %exp3A_1128 = math.exp %mul3A_1127 : vector<16xf32>
      %sub3A_1129 = arith.constant 1.000000e+00 : f32
      %sub3A_1130 = vector.broadcast %sub3A_1129 : f32 to vector<16xf32>
      %sub3A_1131 = arith.subf %exp3A_1128, %sub3A_1130 : vector<16xf32>
      %add3A_1132 = arith.constant 1.000000e+00 : f32
      %add3A_1133 = vector.broadcast %add3A_1132 : f32 to vector<16xf32>
      %add3A_1134 = arith.addf %exp3A_1128, %add3A_1133 : vector<16xf32>
      %div3A_1135 = arith.divf %sub3A_1131, %add3A_1134 : vector<16xf32>
      %swap3A_1136 = arith.index_cast %add3A_1096 : i32 to index
      %swap3A_1137 = arith.constant 32 : index
      %swap3A_1138 = tpu.vector_load %arg10[%swap3A_1136, %swap3A_1137] {strides = array<i32>} : memref<256x128xf32, #tpu.memory_space<vmem>>, vector<16xf32>,
      tpu.vector_store %arg10[%swap3A_1136, %swap3A_1137], %div3A_1135 {strides = array<i32>} : memref<256x128xf32, #tpu.memory_space<vmem>>, vector<16xf32>,
      %mul3A_1139 = arith.constant 6.250000e-02 : f32
      %mul3A_1140 = vector.broadcast %mul3A_1139 : f32 to vector<16xf32>
      %mul3A_1141 = arith.mulf %scan3A_1086#3, %mul3A_1140 : vector<16xf32>
      %exp3A_1142 = math.exp %mul3A_1141 : vector<16xf32>
      %sub3A_1143 = arith.constant 1.000000e+00 : f32
      %sub3A_1144 = vector.broadcast %sub3A_1143 : f32 to vector<16xf32>
      %sub3A_1145 = arith.subf %exp3A_1142, %sub3A_1144 : vector<16xf32>
      %add3A_1146 = arith.constant 1.000000e+00 : f32
      %add3A_1147 = vector.broadcast %add3A_1146 : f32 to vector<16xf32>
      %add3A_1148 = arith.addf %exp3A_1142, %add3A_1147 : vector<16xf32>
      %div3A_1149 = arith.divf %sub3A_1145, %add3A_1148 : vector<16xf32>
      %swap3A_1150 = arith.index_cast %add3A_1096 : i32 to index
      %swap3A_1151 = arith.constant 48 : index
      %swap3A_1152 = tpu.vector_load %arg10[%swap3A_1150, %swap3A_1151] {strides = array<i32>} : memref<256x128xf32, #tpu.memory_space<vmem>>, vector<16xf32>,
      tpu.vector_store %arg10[%swap3A_1150, %swap3A_1151], %div3A_1149 {strides = array<i32>} : memref<256x128xf32, #tpu.memory_space<vmem>>, vector<16xf32>,
      %mul3A_1153 = arith.constant 6.250000e-02 : f32
      %mul3A_1154 = vector.broadcast %mul3A_1153 : f32 to vector<16xf32>
      %mul3A_1155 = arith.mulf %scan3A_1086#4, %mul3A_1154 : vector<16xf32>
      %exp3A_1156 = math.exp %mul3A_1155 : vector<16xf32>
      %sub3A_1157 = arith.constant 1.000000e+00 : f32
      %sub3A_1158 = vector.broadcast %sub3A_1157 : f32 to vector<16xf32>
      %sub3A_1159 = arith.subf %exp3A_1156, %sub3A_1158 : vector<16xf32>
      %add3A_1160 = arith.constant 1.000000e+00 : f32
      %add3A_1161 = vector.broadcast %add3A_1160 : f32 to vector<16xf32>
      %add3A_1162 = arith.addf %exp3A_1156, %add3A_1161 : vector<16xf32>
      %div3A_1163 = arith.divf %sub3A_1159, %add3A_1162 : vector<16xf32>
      %swap3A_1164 = arith.index_cast %add3A_1096 : i32 to index
      %swap3A_1165 = arith.constant 64 : index
      %swap3A_1166 = tpu.vector_load %arg10[%swap3A_1164, %swap3A_1165] {strides = array<i32>} : memref<256x128xf32, #tpu.memory_space<vmem>>, vector<16xf32>,
      tpu.vector_store %arg10[%swap3A_1164, %swap3A_1165], %div3A_1163 {strides = array<i32>} : memref<256x128xf32, #tpu.memory_space<vmem>>, vector<16xf32>,
      %mul3A_1167 = arith.constant 6.250000e-02 : f32
      %mul3A_1168 = vector.broadcast %mul3A_1167 : f32 to vector<16xf32>
      %mul3A_1169 = arith.mulf %scan3A_1086#5, %mul3A_1168 : vector<16xf32>
      %exp3A_1170 = math.exp %mul3A_1169 : vector<16xf32>
      %sub3A_1171 = arith.constant 1.000000e+00 : f32
      %sub3A_1172 = vector.broadcast %sub3A_1171 : f32 to vector<16xf32>
      %sub3A_1173 = arith.subf %exp3A_1170, %sub3A_1172 : vector<16xf32>
      %add3A_1174 = arith.constant 1.000000e+00 : f32
      %add3A_1175 = vector.broadcast %add3A_1174 : f32 to vector<16xf32>
      %add3A_1176 = arith.addf %exp3A_1170, %add3A_1175 : vector<16xf32>
      %div3A_1177 = arith.divf %sub3A_1173, %add3A_1176 : vector<16xf32>
      %swap3A_1178 = arith.index_cast %add3A_1096 : i32 to index
      %swap3A_1179 = arith.constant 80 : index
      %swap3A_1180 = tpu.vector_load %arg10[%swap3A_1178, %swap3A_1179] {strides = array<i32>} : memref<256x128xf32, #tpu.memory_space<vmem>>, vector<16xf32>,
      tpu.vector_store %arg10[%swap3A_1178, %swap3A_1179], %div3A_1177 {strides = array<i32>} : memref<256x128xf32, #tpu.memory_space<vmem>>, vector<16xf32>,
      %mul3A_1181 = arith.constant 6.250000e-02 : f32
      %mul3A_1182 = vector.broadcast %mul3A_1181 : f32 to vector<16xf32>
      %mul3A_1183 = arith.mulf %scan3A_1086#6, %mul3A_1182 : vector<16xf32>
      %exp3A_1184 = math.exp %mul3A_1183 : vector<16xf32>
      %sub3A_1185 = arith.constant 1.000000e+00 : f32
      %sub3A_1186 = vector.broadcast %sub3A_1185 : f32 to vector<16xf32>
      %sub3A_1187 = arith.subf %exp3A_1184, %sub3A_1186 : vector<16xf32>
      %add3A_1188 = arith.constant 1.000000e+00 : f32
      %add3A_1189 = vector.broadcast %add3A_1188 : f32 to vector<16xf32>
      %add3A_1190 = arith.addf %exp3A_1184, %add3A_1189 : vector<16xf32>
      %div3A_1191 = arith.divf %sub3A_1187, %add3A_1190 : vector<16xf32>
      %swap3A_1192 = arith.index_cast %add3A_1096 : i32 to index
      %swap3A_1193 = arith.constant 96 : index
      %swap3A_1194 = tpu.vector_load %arg10[%swap3A_1192, %swap3A_1193] {strides = array<i32>} : memref<256x128xf32, #tpu.memory_space<vmem>>, vector<16xf32>,
      tpu.vector_store %arg10[%swap3A_1192, %swap3A_1193], %div3A_1191 {strides = array<i32>} : memref<256x128xf32, #tpu.memory_space<vmem>>, vector<16xf32>,
      %mul3A_1195 = arith.constant 6.250000e-02 : f32
      %mul3A_1196 = vector.broadcast %mul3A_1195 : f32 to vector<16xf32>
      %mul3A_1197 = arith.mulf %scan3A_1086#7, %mul3A_1196 : vector<16xf32>
      %exp3A_1198 = math.exp %mul3A_1197 : vector<16xf32>
      %sub3A_1199 = arith.constant 1.000000e+00 : f32
      %sub3A_1200 = vector.broadcast %sub3A_1199 : f32 to vector<16xf32>
      %sub3A_1201 = arith.subf %exp3A_1198, %sub3A_1200 : vector<16xf32>
      %add3A_1202 = arith.constant 1.000000e+00 : f32
      %add3A_1203 = vector.broadcast %add3A_1202 : f32 to vector<16xf32>
      %add3A_1204 = arith.addf %exp3A_1198, %add3A_1203 : vector<16xf32>
      %div3A_1205 = arith.divf %sub3A_1201, %add3A_1204 : vector<16xf32>
      %swap3A_1206 = arith.index_cast %add3A_1096 : i32 to index
      %swap3A_1207 = arith.constant 112 : index
      %swap3A_1208 = tpu.vector_load %arg10[%swap3A_1206, %swap3A_1207] {strides = array<i32>} : memref<256x128xf32, #tpu.memory_space<vmem>>, vector<16xf32>,
      tpu.vector_store %arg10[%swap3A_1206, %swap3A_1207], %div3A_1205 {strides = array<i32>} : memref<256x128xf32, #tpu.memory_space<vmem>>, vector<16xf32>,
      %eq3A_1209 = arith.constant 63 : i32
      %eq3A_1210 = arith.cmpi eq, %add3A_620, %eq3A_1209 : i32
      %convert_element_type3A_1211 = arith.extui %eq3A_1210 : i1 to i32
      %cond3A_1212 = arith.constant 0 : i32
      %cond3A_1213 = arith.cmpi ne, %convert_element_type3A_1211, %cond3A_1212 : i32
      scf.if %cond3A_1213 {
        %mul3A_2408 = arith.constant 512 : i32
        %mul3A_2409 = arith.muli %add3A, %mul3A_2408 : i32
        "tpu.region"() ({
          %run_scoped3A = tpu.sem_alloc : memref<!tpu.dma_semaphore, #tpu.memory_space<semaphore_mem>>
          %dma_start3A_2410 = arith.constant 0 : i32
          %dma_start3A_2411 = tpu.memref_slice %arg4[%mul3A_2409, %dma_start3A_2410] : memref<16384x128xf32, #tpu.memory_space<hbm>> -> memref<256x128xf32, #tpu.memory_space<hbm>>
          %dma_start3A_2412 = arith.constant 0 : i32
          %dma_start3A_2413 = tpu.memref_slice %arg4[%mul3A_2409, %dma_start3A_2412] : memref<16384x128xf32, #tpu.memory_space<hbm>> -> memref<256x128xf32, #tpu.memory_space<hbm>>
          tpu.enqueue_dma source(%arg10 : memref<256x128xf32, #tpu.memory_space<vmem>>) target(%dma_start3A_2413 : memref<256x128xf32, #tpu.memory_space<hbm>>) target_semaphore(%run_scoped3A : memref<!tpu.dma_semaphore, #tpu.memory_space<semaphore_mem>>)
          %dma_wait3A_2414 = arith.constant 0 : i32
          %dma_wait3A_2415 = tpu.memref_slice %arg4[%mul3A_2409, %dma_wait3A_2414] : memref<16384x128xf32, #tpu.memory_space<hbm>> -> memref<256x128xf32, #tpu.memory_space<hbm>>
          %dma_wait3A_2416 = arith.constant 0 : i32
          %dma_wait3A_2417 = tpu.memref_slice %arg4[%mul3A_2409, %dma_wait3A_2416] : memref<16384x128xf32, #tpu.memory_space<hbm>> -> memref<256x128xf32, #tpu.memory_space<hbm>>
          tpu.wait_dma2 semaphore(%run_scoped3A : memref<!tpu.dma_semaphore, #tpu.memory_space<semaphore_mem>>) src(%arg10 : memref<256x128xf32, #tpu.memory_space<vmem>>) dst(%dma_wait3A_2417 : memref<256x128xf32, #tpu.memory_space<hbm>>)
          tpu.yield
        }) : () -> ()
      } else {
      }
      %mul3A_1214 = arith.constant 4 : i32
      %mul3A_1215 = arith.muli %mul3A_1214, %scan3A_30 : i32
      %add3A_1216 = arith.constant 2 : i32
      %add3A_1217 = arith.addi %mul3A_1215, %add3A_1216 : i32
      %add3A_1218 = arith.constant 4 : i32
      %add3A_1219 = arith.addi %add3A_1217, %add3A_1218 : i32
      %sub3A_1220 = arith.constant 1 : i32
      %sub3A_1221 = arith.subi %add3A_1219, %sub3A_1220 : i32
      %lt3A_1222 = arith.constant 128 : i32
      %lt3A_1223 = arith.cmpi slt, %sub3A_1221, %lt3A_1222 : i32
      %convert_element_type3A_1224 = arith.extui %lt3A_1223 : i1 to i32
      %cond3A_1225 = arith.constant 0 : i32
      %cond3A_1226 = arith.cmpi ne, %convert_element_type3A_1224, %cond3A_1225 : i32
      scf.if %cond3A_1226 {
        %add3A_2408 = arith.constant 4 : i32
        %add3A_2409 = arith.addi %add3A_1217, %add3A_2408 : i32
        %sub3A_2410 = arith.constant 1 : i32
        %sub3A_2411 = arith.subi %add3A_2409, %sub3A_2410 : i32
        %dma_start3A_2412 = arith.constant 0 : i32
        %dma_start3A_2413 = tpu.memref_slice %arg5[%sub3A_2411, %dma_start3A_2412] : memref<128x128xi32, #tpu.memory_space<vmem>> -> memref<1x128xi32, #tpu.memory_space<vmem>>
        %dma_start3A_2414 = tpu.memref_squeeze %dma_start3A_2413 : memref<1x128xi32, #tpu.memory_space<vmem>> -> memref<128xi32, #tpu.memory_space<vmem>>
        %dma_start3A_2415 = arith.constant 0 : i32
        %dma_start3A_2416 = arith.constant 0 : i32
        %dma_start3A_2417 = tpu.memref_slice %arg3[%dma_start3A_2415, %dma_start3A_2416] : memref<100000x128xf32, #tpu.memory_space<hbm>> -> memref<100000x128xf32, #tpu.memory_space<hbm>>
        tpu.enqueue_indirect_dma source(%dma_start3A_2417 : memref<100000x128xf32, #tpu.memory_space<hbm>>) target(%arg7 : memref<128x128xf32, #tpu.memory_space<vmem>>) offsets(%dma_start3A_2414 : memref<128xi32, #tpu.memory_space<vmem>>) semaphore(%arg12 : memref<!tpu.dma_semaphore, #tpu.memory_space<semaphore_mem>>)
      } else {
      }
      %dma_wait3A_1227 = arith.constant 0 : i32
      %dma_wait3A_1228 = arith.constant 0 : i32
      %dma_wait3A_1229 = tpu.memref_slice %arg5[%dma_wait3A_1227, %dma_wait3A_1228] : memref<128x128xi32, #tpu.memory_space<vmem>> -> memref<1x128xi32, #tpu.memory_space<vmem>>
      %dma_wait3A_1230 = tpu.memref_squeeze %dma_wait3A_1229 : memref<1x128xi32, #tpu.memory_space<vmem>> -> memref<128xi32, #tpu.memory_space<vmem>>
      %dma_wait3A_1231 = arith.constant 0 : i32
      %dma_wait3A_1232 = arith.constant 0 : i32
      %dma_wait3A_1233 = tpu.memref_slice %arg3[%dma_wait3A_1231, %dma_wait3A_1232] : memref<100000x128xf32, #tpu.memory_space<hbm>> -> memref<100000x128xf32, #tpu.memory_space<hbm>>
      tpu.wait_indirect_dma semaphore(%arg13 : memref<!tpu.dma_semaphore, #tpu.memory_space<semaphore_mem>>) src(%dma_wait3A_1233 : memref<100000x128xf32, #tpu.memory_space<hbm>>) dst(%arg8 : memref<128x128xf32, #tpu.memory_space<vmem>>)
      %broadcast_in_dim3A_1234 = arith.constant 0.000000e+00 : f32
      %broadcast_in_dim3A_1235 = vector.broadcast %broadcast_in_dim3A_1234 : f32 to vector<16xf32>
      %broadcast_in_dim3A_1236 = arith.constant 0.000000e+00 : f32
      %broadcast_in_dim3A_1237 = vector.broadcast %broadcast_in_dim3A_1236 : f32 to vector<16xf32>
      %broadcast_in_dim3A_1238 = arith.constant 0.000000e+00 : f32
      %broadcast_in_dim3A_1239 = vector.broadcast %broadcast_in_dim3A_1238 : f32 to vector<16xf32>
      %broadcast_in_dim3A_1240 = arith.constant 0.000000e+00 : f32
      %broadcast_in_dim3A_1241 = vector.broadcast %broadcast_in_dim3A_1240 : f32 to vector<16xf32>
      %broadcast_in_dim3A_1242 = arith.constant 0.000000e+00 : f32
      %broadcast_in_dim3A_1243 = vector.broadcast %broadcast_in_dim3A_1242 : f32 to vector<16xf32>
      %broadcast_in_dim3A_1244 = arith.constant 0.000000e+00 : f32
      %broadcast_in_dim3A_1245 = vector.broadcast %broadcast_in_dim3A_1244 : f32 to vector<16xf32>
      %broadcast_in_dim3A_1246 = arith.constant 0.000000e+00 : f32
      %broadcast_in_dim3A_1247 = vector.broadcast %broadcast_in_dim3A_1246 : f32 to vector<16xf32>
      %broadcast_in_dim3A_1248 = arith.constant 0.000000e+00 : f32
      %broadcast_in_dim3A_1249 = vector.broadcast %broadcast_in_dim3A_1248 : f32 to vector<16xf32>
      %scan3A_1250 = arith.constant 0 : i32
      %scan3A_1251 = arith.constant 32 : i32
      %scan3A_1252 = arith.addi %scan3A_1250, %scan3A_1251 : i32
      %scan3A_1253 = arith.constant 1 : i32
      %scan3A_1254:8 = scf.for %scan3A_2408 = %scan3A_1250 to %scan3A_1252 step %scan3A_1253 iter_args(%scan3A_2409 = %broadcast_in_dim3A_1235, %scan3A_2410 = %broadcast_in_dim3A_1237, %scan3A_2411 = %broadcast_in_dim3A_1239, %scan3A_2412 = %broadcast_in_dim3A_1241, %scan3A_2413 = %broadcast_in_dim3A_1243, %scan3A_2414 = %broadcast_in_dim3A_1245, %scan3A_2415 = %broadcast_in_dim3A_1247, %scan3A_2416 = %broadcast_in_dim3A_1249) -> (vector<16xf32>, vector<16xf32>, vector<16xf32>, vector<16xf32>, vector<16xf32>, vector<16xf32>, vector<16xf32>, vector<16xf32>)  : i32 {
        %get3A = arith.index_cast %scan3A_2408 : i32 to index
        %get3A_2417 = arith.constant 0 : index
        %get3A_2418 = tpu.vector_load %arg8[%get3A, %get3A_2417] {strides = array<i32>} : memref<128x128xf32, #tpu.memory_space<vmem>>, vector<16xf32>,
        %add3A_2419 = arith.addf %scan3A_2409, %get3A_2418 : vector<16xf32>
        %get3A_2420 = arith.index_cast %scan3A_2408 : i32 to index
        %get3A_2421 = arith.constant 16 : index
        %get3A_2422 = tpu.vector_load %arg8[%get3A_2420, %get3A_2421] {strides = array<i32>} : memref<128x128xf32, #tpu.memory_space<vmem>>, vector<16xf32>,
        %add3A_2423 = arith.addf %scan3A_2410, %get3A_2422 : vector<16xf32>
        %get3A_2424 = arith.index_cast %scan3A_2408 : i32 to index
        %get3A_2425 = arith.constant 32 : index
        %get3A_2426 = tpu.vector_load %arg8[%get3A_2424, %get3A_2425] {strides = array<i32>} : memref<128x128xf32, #tpu.memory_space<vmem>>, vector<16xf32>,
        %add3A_2427 = arith.addf %scan3A_2411, %get3A_2426 : vector<16xf32>
        %get3A_2428 = arith.index_cast %scan3A_2408 : i32 to index
        %get3A_2429 = arith.constant 48 : index
        %get3A_2430 = tpu.vector_load %arg8[%get3A_2428, %get3A_2429] {strides = array<i32>} : memref<128x128xf32, #tpu.memory_space<vmem>>, vector<16xf32>,
        %add3A_2431 = arith.addf %scan3A_2412, %get3A_2430 : vector<16xf32>
        %get3A_2432 = arith.index_cast %scan3A_2408 : i32 to index
        %get3A_2433 = arith.constant 64 : index
        %get3A_2434 = tpu.vector_load %arg8[%get3A_2432, %get3A_2433] {strides = array<i32>} : memref<128x128xf32, #tpu.memory_space<vmem>>, vector<16xf32>,
        %add3A_2435 = arith.addf %scan3A_2413, %get3A_2434 : vector<16xf32>
        %get3A_2436 = arith.index_cast %scan3A_2408 : i32 to index
        %get3A_2437 = arith.constant 80 : index
        %get3A_2438 = tpu.vector_load %arg8[%get3A_2436, %get3A_2437] {strides = array<i32>} : memref<128x128xf32, #tpu.memory_space<vmem>>, vector<16xf32>,
        %add3A_2439 = arith.addf %scan3A_2414, %get3A_2438 : vector<16xf32>
        %get3A_2440 = arith.index_cast %scan3A_2408 : i32 to index
        %get3A_2441 = arith.constant 96 : index
        %get3A_2442 = tpu.vector_load %arg8[%get3A_2440, %get3A_2441] {strides = array<i32>} : memref<128x128xf32, #tpu.memory_space<vmem>>, vector<16xf32>,
        %add3A_2443 = arith.addf %scan3A_2415, %get3A_2442 : vector<16xf32>
        %get3A_2444 = arith.index_cast %scan3A_2408 : i32 to index
        %get3A_2445 = arith.constant 112 : index
        %get3A_2446 = tpu.vector_load %arg8[%get3A_2444, %get3A_2445] {strides = array<i32>} : memref<128x128xf32, #tpu.memory_space<vmem>>, vector<16xf32>,
        %add3A_2447 = arith.addf %scan3A_2416, %get3A_2446 : vector<16xf32>
        scf.yield %add3A_2419, %add3A_2423, %add3A_2427, %add3A_2431, %add3A_2435, %add3A_2439, %add3A_2443, %add3A_2447 : vector<16xf32>, vector<16xf32>, vector<16xf32>, vector<16xf32>, vector<16xf32>, vector<16xf32>, vector<16xf32>, vector<16xf32>
      }
      %scan3A_1255 = arith.constant 32 : i32
      %lt3A_1256 = arith.constant 64 : i32
      %lt3A_1257 = arith.cmpi slt, %add3A_1217, %lt3A_1256 : i32
      %sub3A_1258 = arith.constant 64 : i32
      %sub3A_1259 = arith.subi %add3A_1217, %sub3A_1258 : i32
      %select_n3A_1260 = arith.select %lt3A_1257, %add3A_1217, %sub3A_1259 : i32
      %mul3A_1261 = arith.constant 4 : i32
      %mul3A_1262 = arith.muli %select_n3A_1260, %mul3A_1261 : i32
      %add3A_1263 = arith.constant 0 : i32
      %add3A_1264 = arith.addi %mul3A_1262, %add3A_1263 : i32
      %mul3A_1265 = arith.constant 6.250000e-02 : f32
      %mul3A_1266 = vector.broadcast %mul3A_1265 : f32 to vector<16xf32>
      %mul3A_1267 = arith.mulf %scan3A_1254#0, %mul3A_1266 : vector<16xf32>
      %exp3A_1268 = math.exp %mul3A_1267 : vector<16xf32>
      %sub3A_1269 = arith.constant 1.000000e+00 : f32
      %sub3A_1270 = vector.broadcast %sub3A_1269 : f32 to vector<16xf32>
      %sub3A_1271 = arith.subf %exp3A_1268, %sub3A_1270 : vector<16xf32>
      %add3A_1272 = arith.constant 1.000000e+00 : f32
      %add3A_1273 = vector.broadcast %add3A_1272 : f32 to vector<16xf32>
      %add3A_1274 = arith.addf %exp3A_1268, %add3A_1273 : vector<16xf32>
      %div3A_1275 = arith.divf %sub3A_1271, %add3A_1274 : vector<16xf32>
      %swap3A_1276 = arith.index_cast %add3A_1264 : i32 to index
      %swap3A_1277 = arith.constant 0 : index
      %swap3A_1278 = tpu.vector_load %arg10[%swap3A_1276, %swap3A_1277] {strides = array<i32>} : memref<256x128xf32, #tpu.memory_space<vmem>>, vector<16xf32>,
      tpu.vector_store %arg10[%swap3A_1276, %swap3A_1277], %div3A_1275 {strides = array<i32>} : memref<256x128xf32, #tpu.memory_space<vmem>>, vector<16xf32>,
      %mul3A_1279 = arith.constant 6.250000e-02 : f32
      %mul3A_1280 = vector.broadcast %mul3A_1279 : f32 to vector<16xf32>
      %mul3A_1281 = arith.mulf %scan3A_1254#1, %mul3A_1280 : vector<16xf32>
      %exp3A_1282 = math.exp %mul3A_1281 : vector<16xf32>
      %sub3A_1283 = arith.constant 1.000000e+00 : f32
      %sub3A_1284 = vector.broadcast %sub3A_1283 : f32 to vector<16xf32>
      %sub3A_1285 = arith.subf %exp3A_1282, %sub3A_1284 : vector<16xf32>
      %add3A_1286 = arith.constant 1.000000e+00 : f32
      %add3A_1287 = vector.broadcast %add3A_1286 : f32 to vector<16xf32>
      %add3A_1288 = arith.addf %exp3A_1282, %add3A_1287 : vector<16xf32>
      %div3A_1289 = arith.divf %sub3A_1285, %add3A_1288 : vector<16xf32>
      %swap3A_1290 = arith.index_cast %add3A_1264 : i32 to index
      %swap3A_1291 = arith.constant 16 : index
      %swap3A_1292 = tpu.vector_load %arg10[%swap3A_1290, %swap3A_1291] {strides = array<i32>} : memref<256x128xf32, #tpu.memory_space<vmem>>, vector<16xf32>,
      tpu.vector_store %arg10[%swap3A_1290, %swap3A_1291], %div3A_1289 {strides = array<i32>} : memref<256x128xf32, #tpu.memory_space<vmem>>, vector<16xf32>,
      %mul3A_1293 = arith.constant 6.250000e-02 : f32
      %mul3A_1294 = vector.broadcast %mul3A_1293 : f32 to vector<16xf32>
      %mul3A_1295 = arith.mulf %scan3A_1254#2, %mul3A_1294 : vector<16xf32>
      %exp3A_1296 = math.exp %mul3A_1295 : vector<16xf32>
      %sub3A_1297 = arith.constant 1.000000e+00 : f32
      %sub3A_1298 = vector.broadcast %sub3A_1297 : f32 to vector<16xf32>
      %sub3A_1299 = arith.subf %exp3A_1296, %sub3A_1298 : vector<16xf32>
      %add3A_1300 = arith.constant 1.000000e+00 : f32
      %add3A_1301 = vector.broadcast %add3A_1300 : f32 to vector<16xf32>
      %add3A_1302 = arith.addf %exp3A_1296, %add3A_1301 : vector<16xf32>
      %div3A_1303 = arith.divf %sub3A_1299, %add3A_1302 : vector<16xf32>
      %swap3A_1304 = arith.index_cast %add3A_1264 : i32 to index
      %swap3A_1305 = arith.constant 32 : index
      %swap3A_1306 = tpu.vector_load %arg10[%swap3A_1304, %swap3A_1305] {strides = array<i32>} : memref<256x128xf32, #tpu.memory_space<vmem>>, vector<16xf32>,
      tpu.vector_store %arg10[%swap3A_1304, %swap3A_1305], %div3A_1303 {strides = array<i32>} : memref<256x128xf32, #tpu.memory_space<vmem>>, vector<16xf32>,
      %mul3A_1307 = arith.constant 6.250000e-02 : f32
      %mul3A_1308 = vector.broadcast %mul3A_1307 : f32 to vector<16xf32>
      %mul3A_1309 = arith.mulf %scan3A_1254#3, %mul3A_1308 : vector<16xf32>
      %exp3A_1310 = math.exp %mul3A_1309 : vector<16xf32>
      %sub3A_1311 = arith.constant 1.000000e+00 : f32
      %sub3A_1312 = vector.broadcast %sub3A_1311 : f32 to vector<16xf32>
      %sub3A_1313 = arith.subf %exp3A_1310, %sub3A_1312 : vector<16xf32>
      %add3A_1314 = arith.constant 1.000000e+00 : f32
      %add3A_1315 = vector.broadcast %add3A_1314 : f32 to vector<16xf32>
      %add3A_1316 = arith.addf %exp3A_1310, %add3A_1315 : vector<16xf32>
      %div3A_1317 = arith.divf %sub3A_1313, %add3A_1316 : vector<16xf32>
      %swap3A_1318 = arith.index_cast %add3A_1264 : i32 to index
      %swap3A_1319 = arith.constant 48 : index
      %swap3A_1320 = tpu.vector_load %arg10[%swap3A_1318, %swap3A_1319] {strides = array<i32>} : memref<256x128xf32, #tpu.memory_space<vmem>>, vector<16xf32>,
      tpu.vector_store %arg10[%swap3A_1318, %swap3A_1319], %div3A_1317 {strides = array<i32>} : memref<256x128xf32, #tpu.memory_space<vmem>>, vector<16xf32>,
      %mul3A_1321 = arith.constant 6.250000e-02 : f32
      %mul3A_1322 = vector.broadcast %mul3A_1321 : f32 to vector<16xf32>
      %mul3A_1323 = arith.mulf %scan3A_1254#4, %mul3A_1322 : vector<16xf32>
      %exp3A_1324 = math.exp %mul3A_1323 : vector<16xf32>
      %sub3A_1325 = arith.constant 1.000000e+00 : f32
      %sub3A_1326 = vector.broadcast %sub3A_1325 : f32 to vector<16xf32>
      %sub3A_1327 = arith.subf %exp3A_1324, %sub3A_1326 : vector<16xf32>
      %add3A_1328 = arith.constant 1.000000e+00 : f32
      %add3A_1329 = vector.broadcast %add3A_1328 : f32 to vector<16xf32>
      %add3A_1330 = arith.addf %exp3A_1324, %add3A_1329 : vector<16xf32>
      %div3A_1331 = arith.divf %sub3A_1327, %add3A_1330 : vector<16xf32>
      %swap3A_1332 = arith.index_cast %add3A_1264 : i32 to index
      %swap3A_1333 = arith.constant 64 : index
      %swap3A_1334 = tpu.vector_load %arg10[%swap3A_1332, %swap3A_1333] {strides = array<i32>} : memref<256x128xf32, #tpu.memory_space<vmem>>, vector<16xf32>,
      tpu.vector_store %arg10[%swap3A_1332, %swap3A_1333], %div3A_1331 {strides = array<i32>} : memref<256x128xf32, #tpu.memory_space<vmem>>, vector<16xf32>,
      %mul3A_1335 = arith.constant 6.250000e-02 : f32
      %mul3A_1336 = vector.broadcast %mul3A_1335 : f32 to vector<16xf32>
      %mul3A_1337 = arith.mulf %scan3A_1254#5, %mul3A_1336 : vector<16xf32>
      %exp3A_1338 = math.exp %mul3A_1337 : vector<16xf32>
      %sub3A_1339 = arith.constant 1.000000e+00 : f32
      %sub3A_1340 = vector.broadcast %sub3A_1339 : f32 to vector<16xf32>
      %sub3A_1341 = arith.subf %exp3A_1338, %sub3A_1340 : vector<16xf32>
      %add3A_1342 = arith.constant 1.000000e+00 : f32
      %add3A_1343 = vector.broadcast %add3A_1342 : f32 to vector<16xf32>
      %add3A_1344 = arith.addf %exp3A_1338, %add3A_1343 : vector<16xf32>
      %div3A_1345 = arith.divf %sub3A_1341, %add3A_1344 : vector<16xf32>
      %swap3A_1346 = arith.index_cast %add3A_1264 : i32 to index
      %swap3A_1347 = arith.constant 80 : index
      %swap3A_1348 = tpu.vector_load %arg10[%swap3A_1346, %swap3A_1347] {strides = array<i32>} : memref<256x128xf32, #tpu.memory_space<vmem>>, vector<16xf32>,
      tpu.vector_store %arg10[%swap3A_1346, %swap3A_1347], %div3A_1345 {strides = array<i32>} : memref<256x128xf32, #tpu.memory_space<vmem>>, vector<16xf32>,
      %mul3A_1349 = arith.constant 6.250000e-02 : f32
      %mul3A_1350 = vector.broadcast %mul3A_1349 : f32 to vector<16xf32>
      %mul3A_1351 = arith.mulf %scan3A_1254#6, %mul3A_1350 : vector<16xf32>
      %exp3A_1352 = math.exp %mul3A_1351 : vector<16xf32>
      %sub3A_1353 = arith.constant 1.000000e+00 : f32
      %sub3A_1354 = vector.broadcast %sub3A_1353 : f32 to vector<16xf32>
      %sub3A_1355 = arith.subf %exp3A_1352, %sub3A_1354 : vector<16xf32>
      %add3A_1356 = arith.constant 1.000000e+00 : f32
      %add3A_1357 = vector.broadcast %add3A_1356 : f32 to vector<16xf32>
      %add3A_1358 = arith.addf %exp3A_1352, %add3A_1357 : vector<16xf32>
      %div3A_1359 = arith.divf %sub3A_1355, %add3A_1358 : vector<16xf32>
      %swap3A_1360 = arith.index_cast %add3A_1264 : i32 to index
      %swap3A_1361 = arith.constant 96 : index
      %swap3A_1362 = tpu.vector_load %arg10[%swap3A_1360, %swap3A_1361] {strides = array<i32>} : memref<256x128xf32, #tpu.memory_space<vmem>>, vector<16xf32>,
      tpu.vector_store %arg10[%swap3A_1360, %swap3A_1361], %div3A_1359 {strides = array<i32>} : memref<256x128xf32, #tpu.memory_space<vmem>>, vector<16xf32>,
      %mul3A_1363 = arith.constant 6.250000e-02 : f32
      %mul3A_1364 = vector.broadcast %mul3A_1363 : f32 to vector<16xf32>
      %mul3A_1365 = arith.mulf %scan3A_1254#7, %mul3A_1364 : vector<16xf32>
      %exp3A_1366 = math.exp %mul3A_1365 : vector<16xf32>
      %sub3A_1367 = arith.constant 1.000000e+00 : f32
      %sub3A_1368 = vector.broadcast %sub3A_1367 : f32 to vector<16xf32>
      %sub3A_1369 = arith.subf %exp3A_1366, %sub3A_1368 : vector<16xf32>
      %add3A_1370 = arith.constant 1.000000e+00 : f32
      %add3A_1371 = vector.broadcast %add3A_1370 : f32 to vector<16xf32>
      %add3A_1372 = arith.addf %exp3A_1366, %add3A_1371 : vector<16xf32>
      %div3A_1373 = arith.divf %sub3A_1369, %add3A_1372 : vector<16xf32>
      %swap3A_1374 = arith.index_cast %add3A_1264 : i32 to index
      %swap3A_1375 = arith.constant 112 : index
      %swap3A_1376 = tpu.vector_load %arg10[%swap3A_1374, %swap3A_1375] {strides = array<i32>} : memref<256x128xf32, #tpu.memory_space<vmem>>, vector<16xf32>,
      tpu.vector_store %arg10[%swap3A_1374, %swap3A_1375], %div3A_1373 {strides = array<i32>} : memref<256x128xf32, #tpu.memory_space<vmem>>, vector<16xf32>,
      %broadcast_in_dim3A_1377 = arith.constant 0.000000e+00 : f32
      %broadcast_in_dim3A_1378 = vector.broadcast %broadcast_in_dim3A_1377 : f32 to vector<16xf32>
      %broadcast_in_dim3A_1379 = arith.constant 0.000000e+00 : f32
      %broadcast_in_dim3A_1380 = vector.broadcast %broadcast_in_dim3A_1379 : f32 to vector<16xf32>
      %broadcast_in_dim3A_1381 = arith.constant 0.000000e+00 : f32
      %broadcast_in_dim3A_1382 = vector.broadcast %broadcast_in_dim3A_1381 : f32 to vector<16xf32>
      %broadcast_in_dim3A_1383 = arith.constant 0.000000e+00 : f32
      %broadcast_in_dim3A_1384 = vector.broadcast %broadcast_in_dim3A_1383 : f32 to vector<16xf32>
      %broadcast_in_dim3A_1385 = arith.constant 0.000000e+00 : f32
      %broadcast_in_dim3A_1386 = vector.broadcast %broadcast_in_dim3A_1385 : f32 to vector<16xf32>
      %broadcast_in_dim3A_1387 = arith.constant 0.000000e+00 : f32
      %broadcast_in_dim3A_1388 = vector.broadcast %broadcast_in_dim3A_1387 : f32 to vector<16xf32>
      %broadcast_in_dim3A_1389 = arith.constant 0.000000e+00 : f32
      %broadcast_in_dim3A_1390 = vector.broadcast %broadcast_in_dim3A_1389 : f32 to vector<16xf32>
      %broadcast_in_dim3A_1391 = arith.constant 0.000000e+00 : f32
      %broadcast_in_dim3A_1392 = vector.broadcast %broadcast_in_dim3A_1391 : f32 to vector<16xf32>
      %scan3A_1393 = arith.constant 32 : i32
      %scan3A_1394 = arith.constant 32 : i32
      %scan3A_1395 = arith.addi %scan3A_1393, %scan3A_1394 : i32
      %scan3A_1396 = arith.constant 1 : i32
      %scan3A_1397:8 = scf.for %scan3A_2408 = %scan3A_1393 to %scan3A_1395 step %scan3A_1396 iter_args(%scan3A_2409 = %broadcast_in_dim3A_1378, %scan3A_2410 = %broadcast_in_dim3A_1380, %scan3A_2411 = %broadcast_in_dim3A_1382, %scan3A_2412 = %broadcast_in_dim3A_1384, %scan3A_2413 = %broadcast_in_dim3A_1386, %scan3A_2414 = %broadcast_in_dim3A_1388, %scan3A_2415 = %broadcast_in_dim3A_1390, %scan3A_2416 = %broadcast_in_dim3A_1392) -> (vector<16xf32>, vector<16xf32>, vector<16xf32>, vector<16xf32>, vector<16xf32>, vector<16xf32>, vector<16xf32>, vector<16xf32>)  : i32 {
        %get3A = arith.index_cast %scan3A_2408 : i32 to index
        %get3A_2417 = arith.constant 0 : index
        %get3A_2418 = tpu.vector_load %arg8[%get3A, %get3A_2417] {strides = array<i32>} : memref<128x128xf32, #tpu.memory_space<vmem>>, vector<16xf32>,
        %add3A_2419 = arith.addf %scan3A_2409, %get3A_2418 : vector<16xf32>
        %get3A_2420 = arith.index_cast %scan3A_2408 : i32 to index
        %get3A_2421 = arith.constant 16 : index
        %get3A_2422 = tpu.vector_load %arg8[%get3A_2420, %get3A_2421] {strides = array<i32>} : memref<128x128xf32, #tpu.memory_space<vmem>>, vector<16xf32>,
        %add3A_2423 = arith.addf %scan3A_2410, %get3A_2422 : vector<16xf32>
        %get3A_2424 = arith.index_cast %scan3A_2408 : i32 to index
        %get3A_2425 = arith.constant 32 : index
        %get3A_2426 = tpu.vector_load %arg8[%get3A_2424, %get3A_2425] {strides = array<i32>} : memref<128x128xf32, #tpu.memory_space<vmem>>, vector<16xf32>,
        %add3A_2427 = arith.addf %scan3A_2411, %get3A_2426 : vector<16xf32>
        %get3A_2428 = arith.index_cast %scan3A_2408 : i32 to index
        %get3A_2429 = arith.constant 48 : index
        %get3A_2430 = tpu.vector_load %arg8[%get3A_2428, %get3A_2429] {strides = array<i32>} : memref<128x128xf32, #tpu.memory_space<vmem>>, vector<16xf32>,
        %add3A_2431 = arith.addf %scan3A_2412, %get3A_2430 : vector<16xf32>
        %get3A_2432 = arith.index_cast %scan3A_2408 : i32 to index
        %get3A_2433 = arith.constant 64 : index
        %get3A_2434 = tpu.vector_load %arg8[%get3A_2432, %get3A_2433] {strides = array<i32>} : memref<128x128xf32, #tpu.memory_space<vmem>>, vector<16xf32>,
        %add3A_2435 = arith.addf %scan3A_2413, %get3A_2434 : vector<16xf32>
        %get3A_2436 = arith.index_cast %scan3A_2408 : i32 to index
        %get3A_2437 = arith.constant 80 : index
        %get3A_2438 = tpu.vector_load %arg8[%get3A_2436, %get3A_2437] {strides = array<i32>} : memref<128x128xf32, #tpu.memory_space<vmem>>, vector<16xf32>,
        %add3A_2439 = arith.addf %scan3A_2414, %get3A_2438 : vector<16xf32>
        %get3A_2440 = arith.index_cast %scan3A_2408 : i32 to index
        %get3A_2441 = arith.constant 96 : index
        %get3A_2442 = tpu.vector_load %arg8[%get3A_2440, %get3A_2441] {strides = array<i32>} : memref<128x128xf32, #tpu.memory_space<vmem>>, vector<16xf32>,
        %add3A_2443 = arith.addf %scan3A_2415, %get3A_2442 : vector<16xf32>
        %get3A_2444 = arith.index_cast %scan3A_2408 : i32 to index
        %get3A_2445 = arith.constant 112 : index
        %get3A_2446 = tpu.vector_load %arg8[%get3A_2444, %get3A_2445] {strides = array<i32>} : memref<128x128xf32, #tpu.memory_space<vmem>>, vector<16xf32>,
        %add3A_2447 = arith.addf %scan3A_2416, %get3A_2446 : vector<16xf32>
        scf.yield %add3A_2419, %add3A_2423, %add3A_2427, %add3A_2431, %add3A_2435, %add3A_2439, %add3A_2443, %add3A_2447 : vector<16xf32>, vector<16xf32>, vector<16xf32>, vector<16xf32>, vector<16xf32>, vector<16xf32>, vector<16xf32>, vector<16xf32>
      }
      %scan3A_1398 = arith.constant 32 : i32
      %lt3A_1399 = arith.constant 64 : i32
      %lt3A_1400 = arith.cmpi slt, %add3A_1217, %lt3A_1399 : i32
      %sub3A_1401 = arith.constant 64 : i32
      %sub3A_1402 = arith.subi %add3A_1217, %sub3A_1401 : i32
      %select_n3A_1403 = arith.select %lt3A_1400, %add3A_1217, %sub3A_1402 : i32
      %mul3A_1404 = arith.constant 4 : i32
      %mul3A_1405 = arith.muli %select_n3A_1403, %mul3A_1404 : i32
      %add3A_1406 = arith.constant 1 : i32
      %add3A_1407 = arith.addi %mul3A_1405, %add3A_1406 : i32
      %mul3A_1408 = arith.constant 6.250000e-02 : f32
      %mul3A_1409 = vector.broadcast %mul3A_1408 : f32 to vector<16xf32>
      %mul3A_1410 = arith.mulf %scan3A_1397#0, %mul3A_1409 : vector<16xf32>
      %exp3A_1411 = math.exp %mul3A_1410 : vector<16xf32>
      %sub3A_1412 = arith.constant 1.000000e+00 : f32
      %sub3A_1413 = vector.broadcast %sub3A_1412 : f32 to vector<16xf32>
      %sub3A_1414 = arith.subf %exp3A_1411, %sub3A_1413 : vector<16xf32>
      %add3A_1415 = arith.constant 1.000000e+00 : f32
      %add3A_1416 = vector.broadcast %add3A_1415 : f32 to vector<16xf32>
      %add3A_1417 = arith.addf %exp3A_1411, %add3A_1416 : vector<16xf32>
      %div3A_1418 = arith.divf %sub3A_1414, %add3A_1417 : vector<16xf32>
      %swap3A_1419 = arith.index_cast %add3A_1407 : i32 to index
      %swap3A_1420 = arith.constant 0 : index
      %swap3A_1421 = tpu.vector_load %arg10[%swap3A_1419, %swap3A_1420] {strides = array<i32>} : memref<256x128xf32, #tpu.memory_space<vmem>>, vector<16xf32>,
      tpu.vector_store %arg10[%swap3A_1419, %swap3A_1420], %div3A_1418 {strides = array<i32>} : memref<256x128xf32, #tpu.memory_space<vmem>>, vector<16xf32>,
      %mul3A_1422 = arith.constant 6.250000e-02 : f32
      %mul3A_1423 = vector.broadcast %mul3A_1422 : f32 to vector<16xf32>
      %mul3A_1424 = arith.mulf %scan3A_1397#1, %mul3A_1423 : vector<16xf32>
      %exp3A_1425 = math.exp %mul3A_1424 : vector<16xf32>
      %sub3A_1426 = arith.constant 1.000000e+00 : f32
      %sub3A_1427 = vector.broadcast %sub3A_1426 : f32 to vector<16xf32>
      %sub3A_1428 = arith.subf %exp3A_1425, %sub3A_1427 : vector<16xf32>
      %add3A_1429 = arith.constant 1.000000e+00 : f32
      %add3A_1430 = vector.broadcast %add3A_1429 : f32 to vector<16xf32>
      %add3A_1431 = arith.addf %exp3A_1425, %add3A_1430 : vector<16xf32>
      %div3A_1432 = arith.divf %sub3A_1428, %add3A_1431 : vector<16xf32>
      %swap3A_1433 = arith.index_cast %add3A_1407 : i32 to index
      %swap3A_1434 = arith.constant 16 : index
      %swap3A_1435 = tpu.vector_load %arg10[%swap3A_1433, %swap3A_1434] {strides = array<i32>} : memref<256x128xf32, #tpu.memory_space<vmem>>, vector<16xf32>,
      tpu.vector_store %arg10[%swap3A_1433, %swap3A_1434], %div3A_1432 {strides = array<i32>} : memref<256x128xf32, #tpu.memory_space<vmem>>, vector<16xf32>,
      %mul3A_1436 = arith.constant 6.250000e-02 : f32
      %mul3A_1437 = vector.broadcast %mul3A_1436 : f32 to vector<16xf32>
      %mul3A_1438 = arith.mulf %scan3A_1397#2, %mul3A_1437 : vector<16xf32>
      %exp3A_1439 = math.exp %mul3A_1438 : vector<16xf32>
      %sub3A_1440 = arith.constant 1.000000e+00 : f32
      %sub3A_1441 = vector.broadcast %sub3A_1440 : f32 to vector<16xf32>
      %sub3A_1442 = arith.subf %exp3A_1439, %sub3A_1441 : vector<16xf32>
      %add3A_1443 = arith.constant 1.000000e+00 : f32
      %add3A_1444 = vector.broadcast %add3A_1443 : f32 to vector<16xf32>
      %add3A_1445 = arith.addf %exp3A_1439, %add3A_1444 : vector<16xf32>
      %div3A_1446 = arith.divf %sub3A_1442, %add3A_1445 : vector<16xf32>
      %swap3A_1447 = arith.index_cast %add3A_1407 : i32 to index
      %swap3A_1448 = arith.constant 32 : index
      %swap3A_1449 = tpu.vector_load %arg10[%swap3A_1447, %swap3A_1448] {strides = array<i32>} : memref<256x128xf32, #tpu.memory_space<vmem>>, vector<16xf32>,
      tpu.vector_store %arg10[%swap3A_1447, %swap3A_1448], %div3A_1446 {strides = array<i32>} : memref<256x128xf32, #tpu.memory_space<vmem>>, vector<16xf32>,
      %mul3A_1450 = arith.constant 6.250000e-02 : f32
      %mul3A_1451 = vector.broadcast %mul3A_1450 : f32 to vector<16xf32>
      %mul3A_1452 = arith.mulf %scan3A_1397#3, %mul3A_1451 : vector<16xf32>
      %exp3A_1453 = math.exp %mul3A_1452 : vector<16xf32>
      %sub3A_1454 = arith.constant 1.000000e+00 : f32
      %sub3A_1455 = vector.broadcast %sub3A_1454 : f32 to vector<16xf32>
      %sub3A_1456 = arith.subf %exp3A_1453, %sub3A_1455 : vector<16xf32>
      %add3A_1457 = arith.constant 1.000000e+00 : f32
      %add3A_1458 = vector.broadcast %add3A_1457 : f32 to vector<16xf32>
      %add3A_1459 = arith.addf %exp3A_1453, %add3A_1458 : vector<16xf32>
      %div3A_1460 = arith.divf %sub3A_1456, %add3A_1459 : vector<16xf32>
      %swap3A_1461 = arith.index_cast %add3A_1407 : i32 to index
      %swap3A_1462 = arith.constant 48 : index
      %swap3A_1463 = tpu.vector_load %arg10[%swap3A_1461, %swap3A_1462] {strides = array<i32>} : memref<256x128xf32, #tpu.memory_space<vmem>>, vector<16xf32>,
      tpu.vector_store %arg10[%swap3A_1461, %swap3A_1462], %div3A_1460 {strides = array<i32>} : memref<256x128xf32, #tpu.memory_space<vmem>>, vector<16xf32>,
      %mul3A_1464 = arith.constant 6.250000e-02 : f32
      %mul3A_1465 = vector.broadcast %mul3A_1464 : f32 to vector<16xf32>
      %mul3A_1466 = arith.mulf %scan3A_1397#4, %mul3A_1465 : vector<16xf32>
      %exp3A_1467 = math.exp %mul3A_1466 : vector<16xf32>
      %sub3A_1468 = arith.constant 1.000000e+00 : f32
      %sub3A_1469 = vector.broadcast %sub3A_1468 : f32 to vector<16xf32>
      %sub3A_1470 = arith.subf %exp3A_1467, %sub3A_1469 : vector<16xf32>
      %add3A_1471 = arith.constant 1.000000e+00 : f32
      %add3A_1472 = vector.broadcast %add3A_1471 : f32 to vector<16xf32>
      %add3A_1473 = arith.addf %exp3A_1467, %add3A_1472 : vector<16xf32>
      %div3A_1474 = arith.divf %sub3A_1470, %add3A_1473 : vector<16xf32>
      %swap3A_1475 = arith.index_cast %add3A_1407 : i32 to index
      %swap3A_1476 = arith.constant 64 : index
      %swap3A_1477 = tpu.vector_load %arg10[%swap3A_1475, %swap3A_1476] {strides = array<i32>} : memref<256x128xf32, #tpu.memory_space<vmem>>, vector<16xf32>,
      tpu.vector_store %arg10[%swap3A_1475, %swap3A_1476], %div3A_1474 {strides = array<i32>} : memref<256x128xf32, #tpu.memory_space<vmem>>, vector<16xf32>,
      %mul3A_1478 = arith.constant 6.250000e-02 : f32
      %mul3A_1479 = vector.broadcast %mul3A_1478 : f32 to vector<16xf32>
      %mul3A_1480 = arith.mulf %scan3A_1397#5, %mul3A_1479 : vector<16xf32>
      %exp3A_1481 = math.exp %mul3A_1480 : vector<16xf32>
      %sub3A_1482 = arith.constant 1.000000e+00 : f32
      %sub3A_1483 = vector.broadcast %sub3A_1482 : f32 to vector<16xf32>
      %sub3A_1484 = arith.subf %exp3A_1481, %sub3A_1483 : vector<16xf32>
      %add3A_1485 = arith.constant 1.000000e+00 : f32
      %add3A_1486 = vector.broadcast %add3A_1485 : f32 to vector<16xf32>
      %add3A_1487 = arith.addf %exp3A_1481, %add3A_1486 : vector<16xf32>
      %div3A_1488 = arith.divf %sub3A_1484, %add3A_1487 : vector<16xf32>
      %swap3A_1489 = arith.index_cast %add3A_1407 : i32 to index
      %swap3A_1490 = arith.constant 80 : index
      %swap3A_1491 = tpu.vector_load %arg10[%swap3A_1489, %swap3A_1490] {strides = array<i32>} : memref<256x128xf32, #tpu.memory_space<vmem>>, vector<16xf32>,
      tpu.vector_store %arg10[%swap3A_1489, %swap3A_1490], %div3A_1488 {strides = array<i32>} : memref<256x128xf32, #tpu.memory_space<vmem>>, vector<16xf32>,
      %mul3A_1492 = arith.constant 6.250000e-02 : f32
      %mul3A_1493 = vector.broadcast %mul3A_1492 : f32 to vector<16xf32>
      %mul3A_1494 = arith.mulf %scan3A_1397#6, %mul3A_1493 : vector<16xf32>
      %exp3A_1495 = math.exp %mul3A_1494 : vector<16xf32>
      %sub3A_1496 = arith.constant 1.000000e+00 : f32
      %sub3A_1497 = vector.broadcast %sub3A_1496 : f32 to vector<16xf32>
      %sub3A_1498 = arith.subf %exp3A_1495, %sub3A_1497 : vector<16xf32>
      %add3A_1499 = arith.constant 1.000000e+00 : f32
      %add3A_1500 = vector.broadcast %add3A_1499 : f32 to vector<16xf32>
      %add3A_1501 = arith.addf %exp3A_1495, %add3A_1500 : vector<16xf32>
      %div3A_1502 = arith.divf %sub3A_1498, %add3A_1501 : vector<16xf32>
      %swap3A_1503 = arith.index_cast %add3A_1407 : i32 to index
      %swap3A_1504 = arith.constant 96 : index
      %swap3A_1505 = tpu.vector_load %arg10[%swap3A_1503, %swap3A_1504] {strides = array<i32>} : memref<256x128xf32, #tpu.memory_space<vmem>>, vector<16xf32>,
      tpu.vector_store %arg10[%swap3A_1503, %swap3A_1504], %div3A_1502 {strides = array<i32>} : memref<256x128xf32, #tpu.memory_space<vmem>>, vector<16xf32>,
      %mul3A_1506 = arith.constant 6.250000e-02 : f32
      %mul3A_1507 = vector.broadcast %mul3A_1506 : f32 to vector<16xf32>
      %mul3A_1508 = arith.mulf %scan3A_1397#7, %mul3A_1507 : vector<16xf32>
      %exp3A_1509 = math.exp %mul3A_1508 : vector<16xf32>
      %sub3A_1510 = arith.constant 1.000000e+00 : f32
      %sub3A_1511 = vector.broadcast %sub3A_1510 : f32 to vector<16xf32>
      %sub3A_1512 = arith.subf %exp3A_1509, %sub3A_1511 : vector<16xf32>
      %add3A_1513 = arith.constant 1.000000e+00 : f32
      %add3A_1514 = vector.broadcast %add3A_1513 : f32 to vector<16xf32>
      %add3A_1515 = arith.addf %exp3A_1509, %add3A_1514 : vector<16xf32>
      %div3A_1516 = arith.divf %sub3A_1512, %add3A_1515 : vector<16xf32>
      %swap3A_1517 = arith.index_cast %add3A_1407 : i32 to index
      %swap3A_1518 = arith.constant 112 : index
      %swap3A_1519 = tpu.vector_load %arg10[%swap3A_1517, %swap3A_1518] {strides = array<i32>} : memref<256x128xf32, #tpu.memory_space<vmem>>, vector<16xf32>,
      tpu.vector_store %arg10[%swap3A_1517, %swap3A_1518], %div3A_1516 {strides = array<i32>} : memref<256x128xf32, #tpu.memory_space<vmem>>, vector<16xf32>,
      %broadcast_in_dim3A_1520 = arith.constant 0.000000e+00 : f32
      %broadcast_in_dim3A_1521 = vector.broadcast %broadcast_in_dim3A_1520 : f32 to vector<16xf32>
      %broadcast_in_dim3A_1522 = arith.constant 0.000000e+00 : f32
      %broadcast_in_dim3A_1523 = vector.broadcast %broadcast_in_dim3A_1522 : f32 to vector<16xf32>
      %broadcast_in_dim3A_1524 = arith.constant 0.000000e+00 : f32
      %broadcast_in_dim3A_1525 = vector.broadcast %broadcast_in_dim3A_1524 : f32 to vector<16xf32>
      %broadcast_in_dim3A_1526 = arith.constant 0.000000e+00 : f32
      %broadcast_in_dim3A_1527 = vector.broadcast %broadcast_in_dim3A_1526 : f32 to vector<16xf32>
      %broadcast_in_dim3A_1528 = arith.constant 0.000000e+00 : f32
      %broadcast_in_dim3A_1529 = vector.broadcast %broadcast_in_dim3A_1528 : f32 to vector<16xf32>
      %broadcast_in_dim3A_1530 = arith.constant 0.000000e+00 : f32
      %broadcast_in_dim3A_1531 = vector.broadcast %broadcast_in_dim3A_1530 : f32 to vector<16xf32>
      %broadcast_in_dim3A_1532 = arith.constant 0.000000e+00 : f32
      %broadcast_in_dim3A_1533 = vector.broadcast %broadcast_in_dim3A_1532 : f32 to vector<16xf32>
      %broadcast_in_dim3A_1534 = arith.constant 0.000000e+00 : f32
      %broadcast_in_dim3A_1535 = vector.broadcast %broadcast_in_dim3A_1534 : f32 to vector<16xf32>
      %scan3A_1536 = arith.constant 64 : i32
      %scan3A_1537 = arith.constant 32 : i32
      %scan3A_1538 = arith.addi %scan3A_1536, %scan3A_1537 : i32
      %scan3A_1539 = arith.constant 1 : i32
      %scan3A_1540:8 = scf.for %scan3A_2408 = %scan3A_1536 to %scan3A_1538 step %scan3A_1539 iter_args(%scan3A_2409 = %broadcast_in_dim3A_1521, %scan3A_2410 = %broadcast_in_dim3A_1523, %scan3A_2411 = %broadcast_in_dim3A_1525, %scan3A_2412 = %broadcast_in_dim3A_1527, %scan3A_2413 = %broadcast_in_dim3A_1529, %scan3A_2414 = %broadcast_in_dim3A_1531, %scan3A_2415 = %broadcast_in_dim3A_1533, %scan3A_2416 = %broadcast_in_dim3A_1535) -> (vector<16xf32>, vector<16xf32>, vector<16xf32>, vector<16xf32>, vector<16xf32>, vector<16xf32>, vector<16xf32>, vector<16xf32>)  : i32 {
        %get3A = arith.index_cast %scan3A_2408 : i32 to index
        %get3A_2417 = arith.constant 0 : index
        %get3A_2418 = tpu.vector_load %arg8[%get3A, %get3A_2417] {strides = array<i32>} : memref<128x128xf32, #tpu.memory_space<vmem>>, vector<16xf32>,
        %add3A_2419 = arith.addf %scan3A_2409, %get3A_2418 : vector<16xf32>
        %get3A_2420 = arith.index_cast %scan3A_2408 : i32 to index
        %get3A_2421 = arith.constant 16 : index
        %get3A_2422 = tpu.vector_load %arg8[%get3A_2420, %get3A_2421] {strides = array<i32>} : memref<128x128xf32, #tpu.memory_space<vmem>>, vector<16xf32>,
        %add3A_2423 = arith.addf %scan3A_2410, %get3A_2422 : vector<16xf32>
        %get3A_2424 = arith.index_cast %scan3A_2408 : i32 to index
        %get3A_2425 = arith.constant 32 : index
        %get3A_2426 = tpu.vector_load %arg8[%get3A_2424, %get3A_2425] {strides = array<i32>} : memref<128x128xf32, #tpu.memory_space<vmem>>, vector<16xf32>,
        %add3A_2427 = arith.addf %scan3A_2411, %get3A_2426 : vector<16xf32>
        %get3A_2428 = arith.index_cast %scan3A_2408 : i32 to index
        %get3A_2429 = arith.constant 48 : index
        %get3A_2430 = tpu.vector_load %arg8[%get3A_2428, %get3A_2429] {strides = array<i32>} : memref<128x128xf32, #tpu.memory_space<vmem>>, vector<16xf32>,
        %add3A_2431 = arith.addf %scan3A_2412, %get3A_2430 : vector<16xf32>
        %get3A_2432 = arith.index_cast %scan3A_2408 : i32 to index
        %get3A_2433 = arith.constant 64 : index
        %get3A_2434 = tpu.vector_load %arg8[%get3A_2432, %get3A_2433] {strides = array<i32>} : memref<128x128xf32, #tpu.memory_space<vmem>>, vector<16xf32>,
        %add3A_2435 = arith.addf %scan3A_2413, %get3A_2434 : vector<16xf32>
        %get3A_2436 = arith.index_cast %scan3A_2408 : i32 to index
        %get3A_2437 = arith.constant 80 : index
        %get3A_2438 = tpu.vector_load %arg8[%get3A_2436, %get3A_2437] {strides = array<i32>} : memref<128x128xf32, #tpu.memory_space<vmem>>, vector<16xf32>,
        %add3A_2439 = arith.addf %scan3A_2414, %get3A_2438 : vector<16xf32>
        %get3A_2440 = arith.index_cast %scan3A_2408 : i32 to index
        %get3A_2441 = arith.constant 96 : index
        %get3A_2442 = tpu.vector_load %arg8[%get3A_2440, %get3A_2441] {strides = array<i32>} : memref<128x128xf32, #tpu.memory_space<vmem>>, vector<16xf32>,
        %add3A_2443 = arith.addf %scan3A_2415, %get3A_2442 : vector<16xf32>
        %get3A_2444 = arith.index_cast %scan3A_2408 : i32 to index
        %get3A_2445 = arith.constant 112 : index
        %get3A_2446 = tpu.vector_load %arg8[%get3A_2444, %get3A_2445] {strides = array<i32>} : memref<128x128xf32, #tpu.memory_space<vmem>>, vector<16xf32>,
        %add3A_2447 = arith.addf %scan3A_2416, %get3A_2446 : vector<16xf32>
        scf.yield %add3A_2419, %add3A_2423, %add3A_2427, %add3A_2431, %add3A_2435, %add3A_2439, %add3A_2443, %add3A_2447 : vector<16xf32>, vector<16xf32>, vector<16xf32>, vector<16xf32>, vector<16xf32>, vector<16xf32>, vector<16xf32>, vector<16xf32>
      }
      %scan3A_1541 = arith.constant 32 : i32
      %lt3A_1542 = arith.constant 64 : i32
      %lt3A_1543 = arith.cmpi slt, %add3A_1217, %lt3A_1542 : i32
      %sub3A_1544 = arith.constant 64 : i32
      %sub3A_1545 = arith.subi %add3A_1217, %sub3A_1544 : i32
      %select_n3A_1546 = arith.select %lt3A_1543, %add3A_1217, %sub3A_1545 : i32
      %mul3A_1547 = arith.constant 4 : i32
      %mul3A_1548 = arith.muli %select_n3A_1546, %mul3A_1547 : i32
      %add3A_1549 = arith.constant 2 : i32
      %add3A_1550 = arith.addi %mul3A_1548, %add3A_1549 : i32
      %mul3A_1551 = arith.constant 6.250000e-02 : f32
      %mul3A_1552 = vector.broadcast %mul3A_1551 : f32 to vector<16xf32>
      %mul3A_1553 = arith.mulf %scan3A_1540#0, %mul3A_1552 : vector<16xf32>
      %exp3A_1554 = math.exp %mul3A_1553 : vector<16xf32>
      %sub3A_1555 = arith.constant 1.000000e+00 : f32
      %sub3A_1556 = vector.broadcast %sub3A_1555 : f32 to vector<16xf32>
      %sub3A_1557 = arith.subf %exp3A_1554, %sub3A_1556 : vector<16xf32>
      %add3A_1558 = arith.constant 1.000000e+00 : f32
      %add3A_1559 = vector.broadcast %add3A_1558 : f32 to vector<16xf32>
      %add3A_1560 = arith.addf %exp3A_1554, %add3A_1559 : vector<16xf32>
      %div3A_1561 = arith.divf %sub3A_1557, %add3A_1560 : vector<16xf32>
      %swap3A_1562 = arith.index_cast %add3A_1550 : i32 to index
      %swap3A_1563 = arith.constant 0 : index
      %swap3A_1564 = tpu.vector_load %arg10[%swap3A_1562, %swap3A_1563] {strides = array<i32>} : memref<256x128xf32, #tpu.memory_space<vmem>>, vector<16xf32>,
      tpu.vector_store %arg10[%swap3A_1562, %swap3A_1563], %div3A_1561 {strides = array<i32>} : memref<256x128xf32, #tpu.memory_space<vmem>>, vector<16xf32>,
      %mul3A_1565 = arith.constant 6.250000e-02 : f32
      %mul3A_1566 = vector.broadcast %mul3A_1565 : f32 to vector<16xf32>
      %mul3A_1567 = arith.mulf %scan3A_1540#1, %mul3A_1566 : vector<16xf32>
      %exp3A_1568 = math.exp %mul3A_1567 : vector<16xf32>
      %sub3A_1569 = arith.constant 1.000000e+00 : f32
      %sub3A_1570 = vector.broadcast %sub3A_1569 : f32 to vector<16xf32>
      %sub3A_1571 = arith.subf %exp3A_1568, %sub3A_1570 : vector<16xf32>
      %add3A_1572 = arith.constant 1.000000e+00 : f32
      %add3A_1573 = vector.broadcast %add3A_1572 : f32 to vector<16xf32>
      %add3A_1574 = arith.addf %exp3A_1568, %add3A_1573 : vector<16xf32>
      %div3A_1575 = arith.divf %sub3A_1571, %add3A_1574 : vector<16xf32>
      %swap3A_1576 = arith.index_cast %add3A_1550 : i32 to index
      %swap3A_1577 = arith.constant 16 : index
      %swap3A_1578 = tpu.vector_load %arg10[%swap3A_1576, %swap3A_1577] {strides = array<i32>} : memref<256x128xf32, #tpu.memory_space<vmem>>, vector<16xf32>,
      tpu.vector_store %arg10[%swap3A_1576, %swap3A_1577], %div3A_1575 {strides = array<i32>} : memref<256x128xf32, #tpu.memory_space<vmem>>, vector<16xf32>,
      %mul3A_1579 = arith.constant 6.250000e-02 : f32
      %mul3A_1580 = vector.broadcast %mul3A_1579 : f32 to vector<16xf32>
      %mul3A_1581 = arith.mulf %scan3A_1540#2, %mul3A_1580 : vector<16xf32>
      %exp3A_1582 = math.exp %mul3A_1581 : vector<16xf32>
      %sub3A_1583 = arith.constant 1.000000e+00 : f32
      %sub3A_1584 = vector.broadcast %sub3A_1583 : f32 to vector<16xf32>
      %sub3A_1585 = arith.subf %exp3A_1582, %sub3A_1584 : vector<16xf32>
      %add3A_1586 = arith.constant 1.000000e+00 : f32
      %add3A_1587 = vector.broadcast %add3A_1586 : f32 to vector<16xf32>
      %add3A_1588 = arith.addf %exp3A_1582, %add3A_1587 : vector<16xf32>
      %div3A_1589 = arith.divf %sub3A_1585, %add3A_1588 : vector<16xf32>
      %swap3A_1590 = arith.index_cast %add3A_1550 : i32 to index
      %swap3A_1591 = arith.constant 32 : index
      %swap3A_1592 = tpu.vector_load %arg10[%swap3A_1590, %swap3A_1591] {strides = array<i32>} : memref<256x128xf32, #tpu.memory_space<vmem>>, vector<16xf32>,
      tpu.vector_store %arg10[%swap3A_1590, %swap3A_1591], %div3A_1589 {strides = array<i32>} : memref<256x128xf32, #tpu.memory_space<vmem>>, vector<16xf32>,
      %mul3A_1593 = arith.constant 6.250000e-02 : f32
      %mul3A_1594 = vector.broadcast %mul3A_1593 : f32 to vector<16xf32>
      %mul3A_1595 = arith.mulf %scan3A_1540#3, %mul3A_1594 : vector<16xf32>
      %exp3A_1596 = math.exp %mul3A_1595 : vector<16xf32>
      %sub3A_1597 = arith.constant 1.000000e+00 : f32
      %sub3A_1598 = vector.broadcast %sub3A_1597 : f32 to vector<16xf32>
      %sub3A_1599 = arith.subf %exp3A_1596, %sub3A_1598 : vector<16xf32>
      %add3A_1600 = arith.constant 1.000000e+00 : f32
      %add3A_1601 = vector.broadcast %add3A_1600 : f32 to vector<16xf32>
      %add3A_1602 = arith.addf %exp3A_1596, %add3A_1601 : vector<16xf32>
      %div3A_1603 = arith.divf %sub3A_1599, %add3A_1602 : vector<16xf32>
      %swap3A_1604 = arith.index_cast %add3A_1550 : i32 to index
      %swap3A_1605 = arith.constant 48 : index
      %swap3A_1606 = tpu.vector_load %arg10[%swap3A_1604, %swap3A_1605] {strides = array<i32>} : memref<256x128xf32, #tpu.memory_space<vmem>>, vector<16xf32>,
      tpu.vector_store %arg10[%swap3A_1604, %swap3A_1605], %div3A_1603 {strides = array<i32>} : memref<256x128xf32, #tpu.memory_space<vmem>>, vector<16xf32>,
      %mul3A_1607 = arith.constant 6.250000e-02 : f32
      %mul3A_1608 = vector.broadcast %mul3A_1607 : f32 to vector<16xf32>
      %mul3A_1609 = arith.mulf %scan3A_1540#4, %mul3A_1608 : vector<16xf32>
      %exp3A_1610 = math.exp %mul3A_1609 : vector<16xf32>
      %sub3A_1611 = arith.constant 1.000000e+00 : f32
      %sub3A_1612 = vector.broadcast %sub3A_1611 : f32 to vector<16xf32>
      %sub3A_1613 = arith.subf %exp3A_1610, %sub3A_1612 : vector<16xf32>
      %add3A_1614 = arith.constant 1.000000e+00 : f32
      %add3A_1615 = vector.broadcast %add3A_1614 : f32 to vector<16xf32>
      %add3A_1616 = arith.addf %exp3A_1610, %add3A_1615 : vector<16xf32>
      %div3A_1617 = arith.divf %sub3A_1613, %add3A_1616 : vector<16xf32>
      %swap3A_1618 = arith.index_cast %add3A_1550 : i32 to index
      %swap3A_1619 = arith.constant 64 : index
      %swap3A_1620 = tpu.vector_load %arg10[%swap3A_1618, %swap3A_1619] {strides = array<i32>} : memref<256x128xf32, #tpu.memory_space<vmem>>, vector<16xf32>,
      tpu.vector_store %arg10[%swap3A_1618, %swap3A_1619], %div3A_1617 {strides = array<i32>} : memref<256x128xf32, #tpu.memory_space<vmem>>, vector<16xf32>,
      %mul3A_1621 = arith.constant 6.250000e-02 : f32
      %mul3A_1622 = vector.broadcast %mul3A_1621 : f32 to vector<16xf32>
      %mul3A_1623 = arith.mulf %scan3A_1540#5, %mul3A_1622 : vector<16xf32>
      %exp3A_1624 = math.exp %mul3A_1623 : vector<16xf32>
      %sub3A_1625 = arith.constant 1.000000e+00 : f32
      %sub3A_1626 = vector.broadcast %sub3A_1625 : f32 to vector<16xf32>
      %sub3A_1627 = arith.subf %exp3A_1624, %sub3A_1626 : vector<16xf32>
      %add3A_1628 = arith.constant 1.000000e+00 : f32
      %add3A_1629 = vector.broadcast %add3A_1628 : f32 to vector<16xf32>
      %add3A_1630 = arith.addf %exp3A_1624, %add3A_1629 : vector<16xf32>
      %div3A_1631 = arith.divf %sub3A_1627, %add3A_1630 : vector<16xf32>
      %swap3A_1632 = arith.index_cast %add3A_1550 : i32 to index
      %swap3A_1633 = arith.constant 80 : index
      %swap3A_1634 = tpu.vector_load %arg10[%swap3A_1632, %swap3A_1633] {strides = array<i32>} : memref<256x128xf32, #tpu.memory_space<vmem>>, vector<16xf32>,
      tpu.vector_store %arg10[%swap3A_1632, %swap3A_1633], %div3A_1631 {strides = array<i32>} : memref<256x128xf32, #tpu.memory_space<vmem>>, vector<16xf32>,
      %mul3A_1635 = arith.constant 6.250000e-02 : f32
      %mul3A_1636 = vector.broadcast %mul3A_1635 : f32 to vector<16xf32>
      %mul3A_1637 = arith.mulf %scan3A_1540#6, %mul3A_1636 : vector<16xf32>
      %exp3A_1638 = math.exp %mul3A_1637 : vector<16xf32>
      %sub3A_1639 = arith.constant 1.000000e+00 : f32
      %sub3A_1640 = vector.broadcast %sub3A_1639 : f32 to vector<16xf32>
      %sub3A_1641 = arith.subf %exp3A_1638, %sub3A_1640 : vector<16xf32>
      %add3A_1642 = arith.constant 1.000000e+00 : f32
      %add3A_1643 = vector.broadcast %add3A_1642 : f32 to vector<16xf32>
      %add3A_1644 = arith.addf %exp3A_1638, %add3A_1643 : vector<16xf32>
      %div3A_1645 = arith.divf %sub3A_1641, %add3A_1644 : vector<16xf32>
      %swap3A_1646 = arith.index_cast %add3A_1550 : i32 to index
      %swap3A_1647 = arith.constant 96 : index
      %swap3A_1648 = tpu.vector_load %arg10[%swap3A_1646, %swap3A_1647] {strides = array<i32>} : memref<256x128xf32, #tpu.memory_space<vmem>>, vector<16xf32>,
      tpu.vector_store %arg10[%swap3A_1646, %swap3A_1647], %div3A_1645 {strides = array<i32>} : memref<256x128xf32, #tpu.memory_space<vmem>>, vector<16xf32>,
      %mul3A_1649 = arith.constant 6.250000e-02 : f32
      %mul3A_1650 = vector.broadcast %mul3A_1649 : f32 to vector<16xf32>
      %mul3A_1651 = arith.mulf %scan3A_1540#7, %mul3A_1650 : vector<16xf32>
      %exp3A_1652 = math.exp %mul3A_1651 : vector<16xf32>
      %sub3A_1653 = arith.constant 1.000000e+00 : f32
      %sub3A_1654 = vector.broadcast %sub3A_1653 : f32 to vector<16xf32>
      %sub3A_1655 = arith.subf %exp3A_1652, %sub3A_1654 : vector<16xf32>
      %add3A_1656 = arith.constant 1.000000e+00 : f32
      %add3A_1657 = vector.broadcast %add3A_1656 : f32 to vector<16xf32>
      %add3A_1658 = arith.addf %exp3A_1652, %add3A_1657 : vector<16xf32>
      %div3A_1659 = arith.divf %sub3A_1655, %add3A_1658 : vector<16xf32>
      %swap3A_1660 = arith.index_cast %add3A_1550 : i32 to index
      %swap3A_1661 = arith.constant 112 : index
      %swap3A_1662 = tpu.vector_load %arg10[%swap3A_1660, %swap3A_1661] {strides = array<i32>} : memref<256x128xf32, #tpu.memory_space<vmem>>, vector<16xf32>,
      tpu.vector_store %arg10[%swap3A_1660, %swap3A_1661], %div3A_1659 {strides = array<i32>} : memref<256x128xf32, #tpu.memory_space<vmem>>, vector<16xf32>,
      %broadcast_in_dim3A_1663 = arith.constant 0.000000e+00 : f32
      %broadcast_in_dim3A_1664 = vector.broadcast %broadcast_in_dim3A_1663 : f32 to vector<16xf32>
      %broadcast_in_dim3A_1665 = arith.constant 0.000000e+00 : f32
      %broadcast_in_dim3A_1666 = vector.broadcast %broadcast_in_dim3A_1665 : f32 to vector<16xf32>
      %broadcast_in_dim3A_1667 = arith.constant 0.000000e+00 : f32
      %broadcast_in_dim3A_1668 = vector.broadcast %broadcast_in_dim3A_1667 : f32 to vector<16xf32>
      %broadcast_in_dim3A_1669 = arith.constant 0.000000e+00 : f32
      %broadcast_in_dim3A_1670 = vector.broadcast %broadcast_in_dim3A_1669 : f32 to vector<16xf32>
      %broadcast_in_dim3A_1671 = arith.constant 0.000000e+00 : f32
      %broadcast_in_dim3A_1672 = vector.broadcast %broadcast_in_dim3A_1671 : f32 to vector<16xf32>
      %broadcast_in_dim3A_1673 = arith.constant 0.000000e+00 : f32
      %broadcast_in_dim3A_1674 = vector.broadcast %broadcast_in_dim3A_1673 : f32 to vector<16xf32>
      %broadcast_in_dim3A_1675 = arith.constant 0.000000e+00 : f32
      %broadcast_in_dim3A_1676 = vector.broadcast %broadcast_in_dim3A_1675 : f32 to vector<16xf32>
      %broadcast_in_dim3A_1677 = arith.constant 0.000000e+00 : f32
      %broadcast_in_dim3A_1678 = vector.broadcast %broadcast_in_dim3A_1677 : f32 to vector<16xf32>
      %scan3A_1679 = arith.constant 96 : i32
      %scan3A_1680 = arith.constant 32 : i32
      %scan3A_1681 = arith.addi %scan3A_1679, %scan3A_1680 : i32
      %scan3A_1682 = arith.constant 1 : i32
      %scan3A_1683:8 = scf.for %scan3A_2408 = %scan3A_1679 to %scan3A_1681 step %scan3A_1682 iter_args(%scan3A_2409 = %broadcast_in_dim3A_1664, %scan3A_2410 = %broadcast_in_dim3A_1666, %scan3A_2411 = %broadcast_in_dim3A_1668, %scan3A_2412 = %broadcast_in_dim3A_1670, %scan3A_2413 = %broadcast_in_dim3A_1672, %scan3A_2414 = %broadcast_in_dim3A_1674, %scan3A_2415 = %broadcast_in_dim3A_1676, %scan3A_2416 = %broadcast_in_dim3A_1678) -> (vector<16xf32>, vector<16xf32>, vector<16xf32>, vector<16xf32>, vector<16xf32>, vector<16xf32>, vector<16xf32>, vector<16xf32>)  : i32 {
        %get3A = arith.index_cast %scan3A_2408 : i32 to index
        %get3A_2417 = arith.constant 0 : index
        %get3A_2418 = tpu.vector_load %arg8[%get3A, %get3A_2417] {strides = array<i32>} : memref<128x128xf32, #tpu.memory_space<vmem>>, vector<16xf32>,
        %add3A_2419 = arith.addf %scan3A_2409, %get3A_2418 : vector<16xf32>
        %get3A_2420 = arith.index_cast %scan3A_2408 : i32 to index
        %get3A_2421 = arith.constant 16 : index
        %get3A_2422 = tpu.vector_load %arg8[%get3A_2420, %get3A_2421] {strides = array<i32>} : memref<128x128xf32, #tpu.memory_space<vmem>>, vector<16xf32>,
        %add3A_2423 = arith.addf %scan3A_2410, %get3A_2422 : vector<16xf32>
        %get3A_2424 = arith.index_cast %scan3A_2408 : i32 to index
        %get3A_2425 = arith.constant 32 : index
        %get3A_2426 = tpu.vector_load %arg8[%get3A_2424, %get3A_2425] {strides = array<i32>} : memref<128x128xf32, #tpu.memory_space<vmem>>, vector<16xf32>,
        %add3A_2427 = arith.addf %scan3A_2411, %get3A_2426 : vector<16xf32>
        %get3A_2428 = arith.index_cast %scan3A_2408 : i32 to index
        %get3A_2429 = arith.constant 48 : index
        %get3A_2430 = tpu.vector_load %arg8[%get3A_2428, %get3A_2429] {strides = array<i32>} : memref<128x128xf32, #tpu.memory_space<vmem>>, vector<16xf32>,
        %add3A_2431 = arith.addf %scan3A_2412, %get3A_2430 : vector<16xf32>
        %get3A_2432 = arith.index_cast %scan3A_2408 : i32 to index
        %get3A_2433 = arith.constant 64 : index
        %get3A_2434 = tpu.vector_load %arg8[%get3A_2432, %get3A_2433] {strides = array<i32>} : memref<128x128xf32, #tpu.memory_space<vmem>>, vector<16xf32>,
        %add3A_2435 = arith.addf %scan3A_2413, %get3A_2434 : vector<16xf32>
        %get3A_2436 = arith.index_cast %scan3A_2408 : i32 to index
        %get3A_2437 = arith.constant 80 : index
        %get3A_2438 = tpu.vector_load %arg8[%get3A_2436, %get3A_2437] {strides = array<i32>} : memref<128x128xf32, #tpu.memory_space<vmem>>, vector<16xf32>,
        %add3A_2439 = arith.addf %scan3A_2414, %get3A_2438 : vector<16xf32>
        %get3A_2440 = arith.index_cast %scan3A_2408 : i32 to index
        %get3A_2441 = arith.constant 96 : index
        %get3A_2442 = tpu.vector_load %arg8[%get3A_2440, %get3A_2441] {strides = array<i32>} : memref<128x128xf32, #tpu.memory_space<vmem>>, vector<16xf32>,
        %add3A_2443 = arith.addf %scan3A_2415, %get3A_2442 : vector<16xf32>
        %get3A_2444 = arith.index_cast %scan3A_2408 : i32 to index
        %get3A_2445 = arith.constant 112 : index
        %get3A_2446 = tpu.vector_load %arg8[%get3A_2444, %get3A_2445] {strides = array<i32>} : memref<128x128xf32, #tpu.memory_space<vmem>>, vector<16xf32>,
        %add3A_2447 = arith.addf %scan3A_2416, %get3A_2446 : vector<16xf32>
        scf.yield %add3A_2419, %add3A_2423, %add3A_2427, %add3A_2431, %add3A_2435, %add3A_2439, %add3A_2443, %add3A_2447 : vector<16xf32>, vector<16xf32>, vector<16xf32>, vector<16xf32>, vector<16xf32>, vector<16xf32>, vector<16xf32>, vector<16xf32>
      }
      %scan3A_1684 = arith.constant 32 : i32
      %lt3A_1685 = arith.constant 64 : i32
      %lt3A_1686 = arith.cmpi slt, %add3A_1217, %lt3A_1685 : i32
      %sub3A_1687 = arith.constant 64 : i32
      %sub3A_1688 = arith.subi %add3A_1217, %sub3A_1687 : i32
      %select_n3A_1689 = arith.select %lt3A_1686, %add3A_1217, %sub3A_1688 : i32
      %mul3A_1690 = arith.constant 4 : i32
      %mul3A_1691 = arith.muli %select_n3A_1689, %mul3A_1690 : i32
      %add3A_1692 = arith.constant 3 : i32
      %add3A_1693 = arith.addi %mul3A_1691, %add3A_1692 : i32
      %mul3A_1694 = arith.constant 6.250000e-02 : f32
      %mul3A_1695 = vector.broadcast %mul3A_1694 : f32 to vector<16xf32>
      %mul3A_1696 = arith.mulf %scan3A_1683#0, %mul3A_1695 : vector<16xf32>
      %exp3A_1697 = math.exp %mul3A_1696 : vector<16xf32>
      %sub3A_1698 = arith.constant 1.000000e+00 : f32
      %sub3A_1699 = vector.broadcast %sub3A_1698 : f32 to vector<16xf32>
      %sub3A_1700 = arith.subf %exp3A_1697, %sub3A_1699 : vector<16xf32>
      %add3A_1701 = arith.constant 1.000000e+00 : f32
      %add3A_1702 = vector.broadcast %add3A_1701 : f32 to vector<16xf32>
      %add3A_1703 = arith.addf %exp3A_1697, %add3A_1702 : vector<16xf32>
      %div3A_1704 = arith.divf %sub3A_1700, %add3A_1703 : vector<16xf32>
      %swap3A_1705 = arith.index_cast %add3A_1693 : i32 to index
      %swap3A_1706 = arith.constant 0 : index
      %swap3A_1707 = tpu.vector_load %arg10[%swap3A_1705, %swap3A_1706] {strides = array<i32>} : memref<256x128xf32, #tpu.memory_space<vmem>>, vector<16xf32>,
      tpu.vector_store %arg10[%swap3A_1705, %swap3A_1706], %div3A_1704 {strides = array<i32>} : memref<256x128xf32, #tpu.memory_space<vmem>>, vector<16xf32>,
      %mul3A_1708 = arith.constant 6.250000e-02 : f32
      %mul3A_1709 = vector.broadcast %mul3A_1708 : f32 to vector<16xf32>
      %mul3A_1710 = arith.mulf %scan3A_1683#1, %mul3A_1709 : vector<16xf32>
      %exp3A_1711 = math.exp %mul3A_1710 : vector<16xf32>
      %sub3A_1712 = arith.constant 1.000000e+00 : f32
      %sub3A_1713 = vector.broadcast %sub3A_1712 : f32 to vector<16xf32>
      %sub3A_1714 = arith.subf %exp3A_1711, %sub3A_1713 : vector<16xf32>
      %add3A_1715 = arith.constant 1.000000e+00 : f32
      %add3A_1716 = vector.broadcast %add3A_1715 : f32 to vector<16xf32>
      %add3A_1717 = arith.addf %exp3A_1711, %add3A_1716 : vector<16xf32>
      %div3A_1718 = arith.divf %sub3A_1714, %add3A_1717 : vector<16xf32>
      %swap3A_1719 = arith.index_cast %add3A_1693 : i32 to index
      %swap3A_1720 = arith.constant 16 : index
      %swap3A_1721 = tpu.vector_load %arg10[%swap3A_1719, %swap3A_1720] {strides = array<i32>} : memref<256x128xf32, #tpu.memory_space<vmem>>, vector<16xf32>,
      tpu.vector_store %arg10[%swap3A_1719, %swap3A_1720], %div3A_1718 {strides = array<i32>} : memref<256x128xf32, #tpu.memory_space<vmem>>, vector<16xf32>,
      %mul3A_1722 = arith.constant 6.250000e-02 : f32
      %mul3A_1723 = vector.broadcast %mul3A_1722 : f32 to vector<16xf32>
      %mul3A_1724 = arith.mulf %scan3A_1683#2, %mul3A_1723 : vector<16xf32>
      %exp3A_1725 = math.exp %mul3A_1724 : vector<16xf32>
      %sub3A_1726 = arith.constant 1.000000e+00 : f32
      %sub3A_1727 = vector.broadcast %sub3A_1726 : f32 to vector<16xf32>
      %sub3A_1728 = arith.subf %exp3A_1725, %sub3A_1727 : vector<16xf32>
      %add3A_1729 = arith.constant 1.000000e+00 : f32
      %add3A_1730 = vector.broadcast %add3A_1729 : f32 to vector<16xf32>
      %add3A_1731 = arith.addf %exp3A_1725, %add3A_1730 : vector<16xf32>
      %div3A_1732 = arith.divf %sub3A_1728, %add3A_1731 : vector<16xf32>
      %swap3A_1733 = arith.index_cast %add3A_1693 : i32 to index
      %swap3A_1734 = arith.constant 32 : index
      %swap3A_1735 = tpu.vector_load %arg10[%swap3A_1733, %swap3A_1734] {strides = array<i32>} : memref<256x128xf32, #tpu.memory_space<vmem>>, vector<16xf32>,
      tpu.vector_store %arg10[%swap3A_1733, %swap3A_1734], %div3A_1732 {strides = array<i32>} : memref<256x128xf32, #tpu.memory_space<vmem>>, vector<16xf32>,
      %mul3A_1736 = arith.constant 6.250000e-02 : f32
      %mul3A_1737 = vector.broadcast %mul3A_1736 : f32 to vector<16xf32>
      %mul3A_1738 = arith.mulf %scan3A_1683#3, %mul3A_1737 : vector<16xf32>
      %exp3A_1739 = math.exp %mul3A_1738 : vector<16xf32>
      %sub3A_1740 = arith.constant 1.000000e+00 : f32
      %sub3A_1741 = vector.broadcast %sub3A_1740 : f32 to vector<16xf32>
      %sub3A_1742 = arith.subf %exp3A_1739, %sub3A_1741 : vector<16xf32>
      %add3A_1743 = arith.constant 1.000000e+00 : f32
      %add3A_1744 = vector.broadcast %add3A_1743 : f32 to vector<16xf32>
      %add3A_1745 = arith.addf %exp3A_1739, %add3A_1744 : vector<16xf32>
      %div3A_1746 = arith.divf %sub3A_1742, %add3A_1745 : vector<16xf32>
      %swap3A_1747 = arith.index_cast %add3A_1693 : i32 to index
      %swap3A_1748 = arith.constant 48 : index
      %swap3A_1749 = tpu.vector_load %arg10[%swap3A_1747, %swap3A_1748] {strides = array<i32>} : memref<256x128xf32, #tpu.memory_space<vmem>>, vector<16xf32>,
      tpu.vector_store %arg10[%swap3A_1747, %swap3A_1748], %div3A_1746 {strides = array<i32>} : memref<256x128xf32, #tpu.memory_space<vmem>>, vector<16xf32>,
      %mul3A_1750 = arith.constant 6.250000e-02 : f32
      %mul3A_1751 = vector.broadcast %mul3A_1750 : f32 to vector<16xf32>
      %mul3A_1752 = arith.mulf %scan3A_1683#4, %mul3A_1751 : vector<16xf32>
      %exp3A_1753 = math.exp %mul3A_1752 : vector<16xf32>
      %sub3A_1754 = arith.constant 1.000000e+00 : f32
      %sub3A_1755 = vector.broadcast %sub3A_1754 : f32 to vector<16xf32>
      %sub3A_1756 = arith.subf %exp3A_1753, %sub3A_1755 : vector<16xf32>
      %add3A_1757 = arith.constant 1.000000e+00 : f32
      %add3A_1758 = vector.broadcast %add3A_1757 : f32 to vector<16xf32>
      %add3A_1759 = arith.addf %exp3A_1753, %add3A_1758 : vector<16xf32>
      %div3A_1760 = arith.divf %sub3A_1756, %add3A_1759 : vector<16xf32>
      %swap3A_1761 = arith.index_cast %add3A_1693 : i32 to index
      %swap3A_1762 = arith.constant 64 : index
      %swap3A_1763 = tpu.vector_load %arg10[%swap3A_1761, %swap3A_1762] {strides = array<i32>} : memref<256x128xf32, #tpu.memory_space<vmem>>, vector<16xf32>,
      tpu.vector_store %arg10[%swap3A_1761, %swap3A_1762], %div3A_1760 {strides = array<i32>} : memref<256x128xf32, #tpu.memory_space<vmem>>, vector<16xf32>,
      %mul3A_1764 = arith.constant 6.250000e-02 : f32
      %mul3A_1765 = vector.broadcast %mul3A_1764 : f32 to vector<16xf32>
      %mul3A_1766 = arith.mulf %scan3A_1683#5, %mul3A_1765 : vector<16xf32>
      %exp3A_1767 = math.exp %mul3A_1766 : vector<16xf32>
      %sub3A_1768 = arith.constant 1.000000e+00 : f32
      %sub3A_1769 = vector.broadcast %sub3A_1768 : f32 to vector<16xf32>
      %sub3A_1770 = arith.subf %exp3A_1767, %sub3A_1769 : vector<16xf32>
      %add3A_1771 = arith.constant 1.000000e+00 : f32
      %add3A_1772 = vector.broadcast %add3A_1771 : f32 to vector<16xf32>
      %add3A_1773 = arith.addf %exp3A_1767, %add3A_1772 : vector<16xf32>
      %div3A_1774 = arith.divf %sub3A_1770, %add3A_1773 : vector<16xf32>
      %swap3A_1775 = arith.index_cast %add3A_1693 : i32 to index
      %swap3A_1776 = arith.constant 80 : index
      %swap3A_1777 = tpu.vector_load %arg10[%swap3A_1775, %swap3A_1776] {strides = array<i32>} : memref<256x128xf32, #tpu.memory_space<vmem>>, vector<16xf32>,
      tpu.vector_store %arg10[%swap3A_1775, %swap3A_1776], %div3A_1774 {strides = array<i32>} : memref<256x128xf32, #tpu.memory_space<vmem>>, vector<16xf32>,
      %mul3A_1778 = arith.constant 6.250000e-02 : f32
      %mul3A_1779 = vector.broadcast %mul3A_1778 : f32 to vector<16xf32>
      %mul3A_1780 = arith.mulf %scan3A_1683#6, %mul3A_1779 : vector<16xf32>
      %exp3A_1781 = math.exp %mul3A_1780 : vector<16xf32>
      %sub3A_1782 = arith.constant 1.000000e+00 : f32
      %sub3A_1783 = vector.broadcast %sub3A_1782 : f32 to vector<16xf32>
      %sub3A_1784 = arith.subf %exp3A_1781, %sub3A_1783 : vector<16xf32>
      %add3A_1785 = arith.constant 1.000000e+00 : f32
      %add3A_1786 = vector.broadcast %add3A_1785 : f32 to vector<16xf32>
      %add3A_1787 = arith.addf %exp3A_1781, %add3A_1786 : vector<16xf32>
      %div3A_1788 = arith.divf %sub3A_1784, %add3A_1787 : vector<16xf32>
      %swap3A_1789 = arith.index_cast %add3A_1693 : i32 to index
      %swap3A_1790 = arith.constant 96 : index
      %swap3A_1791 = tpu.vector_load %arg10[%swap3A_1789, %swap3A_1790] {strides = array<i32>} : memref<256x128xf32, #tpu.memory_space<vmem>>, vector<16xf32>,
      tpu.vector_store %arg10[%swap3A_1789, %swap3A_1790], %div3A_1788 {strides = array<i32>} : memref<256x128xf32, #tpu.memory_space<vmem>>, vector<16xf32>,
      %mul3A_1792 = arith.constant 6.250000e-02 : f32
      %mul3A_1793 = vector.broadcast %mul3A_1792 : f32 to vector<16xf32>
      %mul3A_1794 = arith.mulf %scan3A_1683#7, %mul3A_1793 : vector<16xf32>
      %exp3A_1795 = math.exp %mul3A_1794 : vector<16xf32>
      %sub3A_1796 = arith.constant 1.000000e+00 : f32
      %sub3A_1797 = vector.broadcast %sub3A_1796 : f32 to vector<16xf32>
      %sub3A_1798 = arith.subf %exp3A_1795, %sub3A_1797 : vector<16xf32>
      %add3A_1799 = arith.constant 1.000000e+00 : f32
      %add3A_1800 = vector.broadcast %add3A_1799 : f32 to vector<16xf32>
      %add3A_1801 = arith.addf %exp3A_1795, %add3A_1800 : vector<16xf32>
      %div3A_1802 = arith.divf %sub3A_1798, %add3A_1801 : vector<16xf32>
      %swap3A_1803 = arith.index_cast %add3A_1693 : i32 to index
      %swap3A_1804 = arith.constant 112 : index
      %swap3A_1805 = tpu.vector_load %arg10[%swap3A_1803, %swap3A_1804] {strides = array<i32>} : memref<256x128xf32, #tpu.memory_space<vmem>>, vector<16xf32>,
      tpu.vector_store %arg10[%swap3A_1803, %swap3A_1804], %div3A_1802 {strides = array<i32>} : memref<256x128xf32, #tpu.memory_space<vmem>>, vector<16xf32>,
      %eq3A_1806 = arith.constant 63 : i32
      %eq3A_1807 = arith.cmpi eq, %add3A_1217, %eq3A_1806 : i32
      %convert_element_type3A_1808 = arith.extui %eq3A_1807 : i1 to i32
      %cond3A_1809 = arith.constant 0 : i32
      %cond3A_1810 = arith.cmpi ne, %convert_element_type3A_1808, %cond3A_1809 : i32
      scf.if %cond3A_1810 {
        %mul3A_2408 = arith.constant 512 : i32
        %mul3A_2409 = arith.muli %add3A, %mul3A_2408 : i32
        "tpu.region"() ({
          %run_scoped3A = tpu.sem_alloc : memref<!tpu.dma_semaphore, #tpu.memory_space<semaphore_mem>>
          %dma_start3A_2410 = arith.constant 0 : i32
          %dma_start3A_2411 = tpu.memref_slice %arg4[%mul3A_2409, %dma_start3A_2410] : memref<16384x128xf32, #tpu.memory_space<hbm>> -> memref<256x128xf32, #tpu.memory_space<hbm>>
          %dma_start3A_2412 = arith.constant 0 : i32
          %dma_start3A_2413 = tpu.memref_slice %arg4[%mul3A_2409, %dma_start3A_2412] : memref<16384x128xf32, #tpu.memory_space<hbm>> -> memref<256x128xf32, #tpu.memory_space<hbm>>
          tpu.enqueue_dma source(%arg10 : memref<256x128xf32, #tpu.memory_space<vmem>>) target(%dma_start3A_2413 : memref<256x128xf32, #tpu.memory_space<hbm>>) target_semaphore(%run_scoped3A : memref<!tpu.dma_semaphore, #tpu.memory_space<semaphore_mem>>)
          %dma_wait3A_2414 = arith.constant 0 : i32
          %dma_wait3A_2415 = tpu.memref_slice %arg4[%mul3A_2409, %dma_wait3A_2414] : memref<16384x128xf32, #tpu.memory_space<hbm>> -> memref<256x128xf32, #tpu.memory_space<hbm>>
          %dma_wait3A_2416 = arith.constant 0 : i32
          %dma_wait3A_2417 = tpu.memref_slice %arg4[%mul3A_2409, %dma_wait3A_2416] : memref<16384x128xf32, #tpu.memory_space<hbm>> -> memref<256x128xf32, #tpu.memory_space<hbm>>
          tpu.wait_dma2 semaphore(%run_scoped3A : memref<!tpu.dma_semaphore, #tpu.memory_space<semaphore_mem>>) src(%arg10 : memref<256x128xf32, #tpu.memory_space<vmem>>) dst(%dma_wait3A_2417 : memref<256x128xf32, #tpu.memory_space<hbm>>)
          tpu.yield
        }) : () -> ()
      } else {
      }
      %mul3A_1811 = arith.constant 4 : i32
      %mul3A_1812 = arith.muli %mul3A_1811, %scan3A_30 : i32
      %add3A_1813 = arith.constant 3 : i32
      %add3A_1814 = arith.addi %mul3A_1812, %add3A_1813 : i32
      %add3A_1815 = arith.constant 4 : i32
      %add3A_1816 = arith.addi %add3A_1814, %add3A_1815 : i32
      %sub3A_1817 = arith.constant 1 : i32
      %sub3A_1818 = arith.subi %add3A_1816, %sub3A_1817 : i32
      %lt3A_1819 = arith.constant 128 : i32
      %lt3A_1820 = arith.cmpi slt, %sub3A_1818, %lt3A_1819 : i32
      %convert_element_type3A_1821 = arith.extui %lt3A_1820 : i1 to i32
      %cond3A_1822 = arith.constant 0 : i32
      %cond3A_1823 = arith.cmpi ne, %convert_element_type3A_1821, %cond3A_1822 : i32
      scf.if %cond3A_1823 {
        %add3A_2408 = arith.constant 4 : i32
        %add3A_2409 = arith.addi %add3A_1814, %add3A_2408 : i32
        %sub3A_2410 = arith.constant 1 : i32
        %sub3A_2411 = arith.subi %add3A_2409, %sub3A_2410 : i32
        %dma_start3A_2412 = arith.constant 0 : i32
        %dma_start3A_2413 = tpu.memref_slice %arg5[%sub3A_2411, %dma_start3A_2412] : memref<128x128xi32, #tpu.memory_space<vmem>> -> memref<1x128xi32, #tpu.memory_space<vmem>>
        %dma_start3A_2414 = tpu.memref_squeeze %dma_start3A_2413 : memref<1x128xi32, #tpu.memory_space<vmem>> -> memref<128xi32, #tpu.memory_space<vmem>>
        %dma_start3A_2415 = arith.constant 0 : i32
        %dma_start3A_2416 = arith.constant 0 : i32
        %dma_start3A_2417 = tpu.memref_slice %arg3[%dma_start3A_2415, %dma_start3A_2416] : memref<100000x128xf32, #tpu.memory_space<hbm>> -> memref<100000x128xf32, #tpu.memory_space<hbm>>
        tpu.enqueue_indirect_dma source(%dma_start3A_2417 : memref<100000x128xf32, #tpu.memory_space<hbm>>) target(%arg8 : memref<128x128xf32, #tpu.memory_space<vmem>>) offsets(%dma_start3A_2414 : memref<128xi32, #tpu.memory_space<vmem>>) semaphore(%arg13 : memref<!tpu.dma_semaphore, #tpu.memory_space<semaphore_mem>>)
      } else {
      }
      %dma_wait3A_1824 = arith.constant 0 : i32
      %dma_wait3A_1825 = arith.constant 0 : i32
      %dma_wait3A_1826 = tpu.memref_slice %arg5[%dma_wait3A_1824, %dma_wait3A_1825] : memref<128x128xi32, #tpu.memory_space<vmem>> -> memref<1x128xi32, #tpu.memory_space<vmem>>
      %dma_wait3A_1827 = tpu.memref_squeeze %dma_wait3A_1826 : memref<1x128xi32, #tpu.memory_space<vmem>> -> memref<128xi32, #tpu.memory_space<vmem>>
      %dma_wait3A_1828 = arith.constant 0 : i32
      %dma_wait3A_1829 = arith.constant 0 : i32
      %dma_wait3A_1830 = tpu.memref_slice %arg3[%dma_wait3A_1828, %dma_wait3A_1829] : memref<100000x128xf32, #tpu.memory_space<hbm>> -> memref<100000x128xf32, #tpu.memory_space<hbm>>
      tpu.wait_indirect_dma semaphore(%arg14 : memref<!tpu.dma_semaphore, #tpu.memory_space<semaphore_mem>>) src(%dma_wait3A_1830 : memref<100000x128xf32, #tpu.memory_space<hbm>>) dst(%arg9 : memref<128x128xf32, #tpu.memory_space<vmem>>)
      %broadcast_in_dim3A_1831 = arith.constant 0.000000e+00 : f32
      %broadcast_in_dim3A_1832 = vector.broadcast %broadcast_in_dim3A_1831 : f32 to vector<16xf32>
      %broadcast_in_dim3A_1833 = arith.constant 0.000000e+00 : f32
      %broadcast_in_dim3A_1834 = vector.broadcast %broadcast_in_dim3A_1833 : f32 to vector<16xf32>
      %broadcast_in_dim3A_1835 = arith.constant 0.000000e+00 : f32
      %broadcast_in_dim3A_1836 = vector.broadcast %broadcast_in_dim3A_1835 : f32 to vector<16xf32>
      %broadcast_in_dim3A_1837 = arith.constant 0.000000e+00 : f32
      %broadcast_in_dim3A_1838 = vector.broadcast %broadcast_in_dim3A_1837 : f32 to vector<16xf32>
      %broadcast_in_dim3A_1839 = arith.constant 0.000000e+00 : f32
      %broadcast_in_dim3A_1840 = vector.broadcast %broadcast_in_dim3A_1839 : f32 to vector<16xf32>
      %broadcast_in_dim3A_1841 = arith.constant 0.000000e+00 : f32
      %broadcast_in_dim3A_1842 = vector.broadcast %broadcast_in_dim3A_1841 : f32 to vector<16xf32>
      %broadcast_in_dim3A_1843 = arith.constant 0.000000e+00 : f32
      %broadcast_in_dim3A_1844 = vector.broadcast %broadcast_in_dim3A_1843 : f32 to vector<16xf32>
      %broadcast_in_dim3A_1845 = arith.constant 0.000000e+00 : f32
      %broadcast_in_dim3A_1846 = vector.broadcast %broadcast_in_dim3A_1845 : f32 to vector<16xf32>
      %scan3A_1847 = arith.constant 0 : i32
      %scan3A_1848 = arith.constant 32 : i32
      %scan3A_1849 = arith.addi %scan3A_1847, %scan3A_1848 : i32
      %scan3A_1850 = arith.constant 1 : i32
      %scan3A_1851:8 = scf.for %scan3A_2408 = %scan3A_1847 to %scan3A_1849 step %scan3A_1850 iter_args(%scan3A_2409 = %broadcast_in_dim3A_1832, %scan3A_2410 = %broadcast_in_dim3A_1834, %scan3A_2411 = %broadcast_in_dim3A_1836, %scan3A_2412 = %broadcast_in_dim3A_1838, %scan3A_2413 = %broadcast_in_dim3A_1840, %scan3A_2414 = %broadcast_in_dim3A_1842, %scan3A_2415 = %broadcast_in_dim3A_1844, %scan3A_2416 = %broadcast_in_dim3A_1846) -> (vector<16xf32>, vector<16xf32>, vector<16xf32>, vector<16xf32>, vector<16xf32>, vector<16xf32>, vector<16xf32>, vector<16xf32>)  : i32 {
        %get3A = arith.index_cast %scan3A_2408 : i32 to index
        %get3A_2417 = arith.constant 0 : index
        %get3A_2418 = tpu.vector_load %arg9[%get3A, %get3A_2417] {strides = array<i32>} : memref<128x128xf32, #tpu.memory_space<vmem>>, vector<16xf32>,
        %add3A_2419 = arith.addf %scan3A_2409, %get3A_2418 : vector<16xf32>
        %get3A_2420 = arith.index_cast %scan3A_2408 : i32 to index
        %get3A_2421 = arith.constant 16 : index
        %get3A_2422 = tpu.vector_load %arg9[%get3A_2420, %get3A_2421] {strides = array<i32>} : memref<128x128xf32, #tpu.memory_space<vmem>>, vector<16xf32>,
        %add3A_2423 = arith.addf %scan3A_2410, %get3A_2422 : vector<16xf32>
        %get3A_2424 = arith.index_cast %scan3A_2408 : i32 to index
        %get3A_2425 = arith.constant 32 : index
        %get3A_2426 = tpu.vector_load %arg9[%get3A_2424, %get3A_2425] {strides = array<i32>} : memref<128x128xf32, #tpu.memory_space<vmem>>, vector<16xf32>,
        %add3A_2427 = arith.addf %scan3A_2411, %get3A_2426 : vector<16xf32>
        %get3A_2428 = arith.index_cast %scan3A_2408 : i32 to index
        %get3A_2429 = arith.constant 48 : index
        %get3A_2430 = tpu.vector_load %arg9[%get3A_2428, %get3A_2429] {strides = array<i32>} : memref<128x128xf32, #tpu.memory_space<vmem>>, vector<16xf32>,
        %add3A_2431 = arith.addf %scan3A_2412, %get3A_2430 : vector<16xf32>
        %get3A_2432 = arith.index_cast %scan3A_2408 : i32 to index
        %get3A_2433 = arith.constant 64 : index
        %get3A_2434 = tpu.vector_load %arg9[%get3A_2432, %get3A_2433] {strides = array<i32>} : memref<128x128xf32, #tpu.memory_space<vmem>>, vector<16xf32>,
        %add3A_2435 = arith.addf %scan3A_2413, %get3A_2434 : vector<16xf32>
        %get3A_2436 = arith.index_cast %scan3A_2408 : i32 to index
        %get3A_2437 = arith.constant 80 : index
        %get3A_2438 = tpu.vector_load %arg9[%get3A_2436, %get3A_2437] {strides = array<i32>} : memref<128x128xf32, #tpu.memory_space<vmem>>, vector<16xf32>,
        %add3A_2439 = arith.addf %scan3A_2414, %get3A_2438 : vector<16xf32>
        %get3A_2440 = arith.index_cast %scan3A_2408 : i32 to index
        %get3A_2441 = arith.constant 96 : index
        %get3A_2442 = tpu.vector_load %arg9[%get3A_2440, %get3A_2441] {strides = array<i32>} : memref<128x128xf32, #tpu.memory_space<vmem>>, vector<16xf32>,
        %add3A_2443 = arith.addf %scan3A_2415, %get3A_2442 : vector<16xf32>
        %get3A_2444 = arith.index_cast %scan3A_2408 : i32 to index
        %get3A_2445 = arith.constant 112 : index
        %get3A_2446 = tpu.vector_load %arg9[%get3A_2444, %get3A_2445] {strides = array<i32>} : memref<128x128xf32, #tpu.memory_space<vmem>>, vector<16xf32>,
        %add3A_2447 = arith.addf %scan3A_2416, %get3A_2446 : vector<16xf32>
        scf.yield %add3A_2419, %add3A_2423, %add3A_2427, %add3A_2431, %add3A_2435, %add3A_2439, %add3A_2443, %add3A_2447 : vector<16xf32>, vector<16xf32>, vector<16xf32>, vector<16xf32>, vector<16xf32>, vector<16xf32>, vector<16xf32>, vector<16xf32>
      }
      %scan3A_1852 = arith.constant 32 : i32
      %lt3A_1853 = arith.constant 64 : i32
      %lt3A_1854 = arith.cmpi slt, %add3A_1814, %lt3A_1853 : i32
      %sub3A_1855 = arith.constant 64 : i32
      %sub3A_1856 = arith.subi %add3A_1814, %sub3A_1855 : i32
      %select_n3A_1857 = arith.select %lt3A_1854, %add3A_1814, %sub3A_1856 : i32
      %mul3A_1858 = arith.constant 4 : i32
      %mul3A_1859 = arith.muli %select_n3A_1857, %mul3A_1858 : i32
      %add3A_1860 = arith.constant 0 : i32
      %add3A_1861 = arith.addi %mul3A_1859, %add3A_1860 : i32
      %mul3A_1862 = arith.constant 6.250000e-02 : f32
      %mul3A_1863 = vector.broadcast %mul3A_1862 : f32 to vector<16xf32>
      %mul3A_1864 = arith.mulf %scan3A_1851#0, %mul3A_1863 : vector<16xf32>
      %exp3A_1865 = math.exp %mul3A_1864 : vector<16xf32>
      %sub3A_1866 = arith.constant 1.000000e+00 : f32
      %sub3A_1867 = vector.broadcast %sub3A_1866 : f32 to vector<16xf32>
      %sub3A_1868 = arith.subf %exp3A_1865, %sub3A_1867 : vector<16xf32>
      %add3A_1869 = arith.constant 1.000000e+00 : f32
      %add3A_1870 = vector.broadcast %add3A_1869 : f32 to vector<16xf32>
      %add3A_1871 = arith.addf %exp3A_1865, %add3A_1870 : vector<16xf32>
      %div3A_1872 = arith.divf %sub3A_1868, %add3A_1871 : vector<16xf32>
      %swap3A_1873 = arith.index_cast %add3A_1861 : i32 to index
      %swap3A_1874 = arith.constant 0 : index
      %swap3A_1875 = tpu.vector_load %arg10[%swap3A_1873, %swap3A_1874] {strides = array<i32>} : memref<256x128xf32, #tpu.memory_space<vmem>>, vector<16xf32>,
      tpu.vector_store %arg10[%swap3A_1873, %swap3A_1874], %div3A_1872 {strides = array<i32>} : memref<256x128xf32, #tpu.memory_space<vmem>>, vector<16xf32>,
      %mul3A_1876 = arith.constant 6.250000e-02 : f32
      %mul3A_1877 = vector.broadcast %mul3A_1876 : f32 to vector<16xf32>
      %mul3A_1878 = arith.mulf %scan3A_1851#1, %mul3A_1877 : vector<16xf32>
      %exp3A_1879 = math.exp %mul3A_1878 : vector<16xf32>
      %sub3A_1880 = arith.constant 1.000000e+00 : f32
      %sub3A_1881 = vector.broadcast %sub3A_1880 : f32 to vector<16xf32>
      %sub3A_1882 = arith.subf %exp3A_1879, %sub3A_1881 : vector<16xf32>
      %add3A_1883 = arith.constant 1.000000e+00 : f32
      %add3A_1884 = vector.broadcast %add3A_1883 : f32 to vector<16xf32>
      %add3A_1885 = arith.addf %exp3A_1879, %add3A_1884 : vector<16xf32>
      %div3A_1886 = arith.divf %sub3A_1882, %add3A_1885 : vector<16xf32>
      %swap3A_1887 = arith.index_cast %add3A_1861 : i32 to index
      %swap3A_1888 = arith.constant 16 : index
      %swap3A_1889 = tpu.vector_load %arg10[%swap3A_1887, %swap3A_1888] {strides = array<i32>} : memref<256x128xf32, #tpu.memory_space<vmem>>, vector<16xf32>,
      tpu.vector_store %arg10[%swap3A_1887, %swap3A_1888], %div3A_1886 {strides = array<i32>} : memref<256x128xf32, #tpu.memory_space<vmem>>, vector<16xf32>,
      %mul3A_1890 = arith.constant 6.250000e-02 : f32
      %mul3A_1891 = vector.broadcast %mul3A_1890 : f32 to vector<16xf32>
      %mul3A_1892 = arith.mulf %scan3A_1851#2, %mul3A_1891 : vector<16xf32>
      %exp3A_1893 = math.exp %mul3A_1892 : vector<16xf32>
      %sub3A_1894 = arith.constant 1.000000e+00 : f32
      %sub3A_1895 = vector.broadcast %sub3A_1894 : f32 to vector<16xf32>
      %sub3A_1896 = arith.subf %exp3A_1893, %sub3A_1895 : vector<16xf32>
      %add3A_1897 = arith.constant 1.000000e+00 : f32
      %add3A_1898 = vector.broadcast %add3A_1897 : f32 to vector<16xf32>
      %add3A_1899 = arith.addf %exp3A_1893, %add3A_1898 : vector<16xf32>
      %div3A_1900 = arith.divf %sub3A_1896, %add3A_1899 : vector<16xf32>
      %swap3A_1901 = arith.index_cast %add3A_1861 : i32 to index
      %swap3A_1902 = arith.constant 32 : index
      %swap3A_1903 = tpu.vector_load %arg10[%swap3A_1901, %swap3A_1902] {strides = array<i32>} : memref<256x128xf32, #tpu.memory_space<vmem>>, vector<16xf32>,
      tpu.vector_store %arg10[%swap3A_1901, %swap3A_1902], %div3A_1900 {strides = array<i32>} : memref<256x128xf32, #tpu.memory_space<vmem>>, vector<16xf32>,
      %mul3A_1904 = arith.constant 6.250000e-02 : f32
      %mul3A_1905 = vector.broadcast %mul3A_1904 : f32 to vector<16xf32>
      %mul3A_1906 = arith.mulf %scan3A_1851#3, %mul3A_1905 : vector<16xf32>
      %exp3A_1907 = math.exp %mul3A_1906 : vector<16xf32>
      %sub3A_1908 = arith.constant 1.000000e+00 : f32
      %sub3A_1909 = vector.broadcast %sub3A_1908 : f32 to vector<16xf32>
      %sub3A_1910 = arith.subf %exp3A_1907, %sub3A_1909 : vector<16xf32>
      %add3A_1911 = arith.constant 1.000000e+00 : f32
      %add3A_1912 = vector.broadcast %add3A_1911 : f32 to vector<16xf32>
      %add3A_1913 = arith.addf %exp3A_1907, %add3A_1912 : vector<16xf32>
      %div3A_1914 = arith.divf %sub3A_1910, %add3A_1913 : vector<16xf32>
      %swap3A_1915 = arith.index_cast %add3A_1861 : i32 to index
      %swap3A_1916 = arith.constant 48 : index
      %swap3A_1917 = tpu.vector_load %arg10[%swap3A_1915, %swap3A_1916] {strides = array<i32>} : memref<256x128xf32, #tpu.memory_space<vmem>>, vector<16xf32>,
      tpu.vector_store %arg10[%swap3A_1915, %swap3A_1916], %div3A_1914 {strides = array<i32>} : memref<256x128xf32, #tpu.memory_space<vmem>>, vector<16xf32>,
      %mul3A_1918 = arith.constant 6.250000e-02 : f32
      %mul3A_1919 = vector.broadcast %mul3A_1918 : f32 to vector<16xf32>
      %mul3A_1920 = arith.mulf %scan3A_1851#4, %mul3A_1919 : vector<16xf32>
      %exp3A_1921 = math.exp %mul3A_1920 : vector<16xf32>
      %sub3A_1922 = arith.constant 1.000000e+00 : f32
      %sub3A_1923 = vector.broadcast %sub3A_1922 : f32 to vector<16xf32>
      %sub3A_1924 = arith.subf %exp3A_1921, %sub3A_1923 : vector<16xf32>
      %add3A_1925 = arith.constant 1.000000e+00 : f32
      %add3A_1926 = vector.broadcast %add3A_1925 : f32 to vector<16xf32>
      %add3A_1927 = arith.addf %exp3A_1921, %add3A_1926 : vector<16xf32>
      %div3A_1928 = arith.divf %sub3A_1924, %add3A_1927 : vector<16xf32>
      %swap3A_1929 = arith.index_cast %add3A_1861 : i32 to index
      %swap3A_1930 = arith.constant 64 : index
      %swap3A_1931 = tpu.vector_load %arg10[%swap3A_1929, %swap3A_1930] {strides = array<i32>} : memref<256x128xf32, #tpu.memory_space<vmem>>, vector<16xf32>,
      tpu.vector_store %arg10[%swap3A_1929, %swap3A_1930], %div3A_1928 {strides = array<i32>} : memref<256x128xf32, #tpu.memory_space<vmem>>, vector<16xf32>,
      %mul3A_1932 = arith.constant 6.250000e-02 : f32
      %mul3A_1933 = vector.broadcast %mul3A_1932 : f32 to vector<16xf32>
      %mul3A_1934 = arith.mulf %scan3A_1851#5, %mul3A_1933 : vector<16xf32>
      %exp3A_1935 = math.exp %mul3A_1934 : vector<16xf32>
      %sub3A_1936 = arith.constant 1.000000e+00 : f32
      %sub3A_1937 = vector.broadcast %sub3A_1936 : f32 to vector<16xf32>
      %sub3A_1938 = arith.subf %exp3A_1935, %sub3A_1937 : vector<16xf32>
      %add3A_1939 = arith.constant 1.000000e+00 : f32
      %add3A_1940 = vector.broadcast %add3A_1939 : f32 to vector<16xf32>
      %add3A_1941 = arith.addf %exp3A_1935, %add3A_1940 : vector<16xf32>
      %div3A_1942 = arith.divf %sub3A_1938, %add3A_1941 : vector<16xf32>
      %swap3A_1943 = arith.index_cast %add3A_1861 : i32 to index
      %swap3A_1944 = arith.constant 80 : index
      %swap3A_1945 = tpu.vector_load %arg10[%swap3A_1943, %swap3A_1944] {strides = array<i32>} : memref<256x128xf32, #tpu.memory_space<vmem>>, vector<16xf32>,
      tpu.vector_store %arg10[%swap3A_1943, %swap3A_1944], %div3A_1942 {strides = array<i32>} : memref<256x128xf32, #tpu.memory_space<vmem>>, vector<16xf32>,
      %mul3A_1946 = arith.constant 6.250000e-02 : f32
      %mul3A_1947 = vector.broadcast %mul3A_1946 : f32 to vector<16xf32>
      %mul3A_1948 = arith.mulf %scan3A_1851#6, %mul3A_1947 : vector<16xf32>
      %exp3A_1949 = math.exp %mul3A_1948 : vector<16xf32>
      %sub3A_1950 = arith.constant 1.000000e+00 : f32
      %sub3A_1951 = vector.broadcast %sub3A_1950 : f32 to vector<16xf32>
      %sub3A_1952 = arith.subf %exp3A_1949, %sub3A_1951 : vector<16xf32>
      %add3A_1953 = arith.constant 1.000000e+00 : f32
      %add3A_1954 = vector.broadcast %add3A_1953 : f32 to vector<16xf32>
      %add3A_1955 = arith.addf %exp3A_1949, %add3A_1954 : vector<16xf32>
      %div3A_1956 = arith.divf %sub3A_1952, %add3A_1955 : vector<16xf32>
      %swap3A_1957 = arith.index_cast %add3A_1861 : i32 to index
      %swap3A_1958 = arith.constant 96 : index
      %swap3A_1959 = tpu.vector_load %arg10[%swap3A_1957, %swap3A_1958] {strides = array<i32>} : memref<256x128xf32, #tpu.memory_space<vmem>>, vector<16xf32>,
      tpu.vector_store %arg10[%swap3A_1957, %swap3A_1958], %div3A_1956 {strides = array<i32>} : memref<256x128xf32, #tpu.memory_space<vmem>>, vector<16xf32>,
      %mul3A_1960 = arith.constant 6.250000e-02 : f32
      %mul3A_1961 = vector.broadcast %mul3A_1960 : f32 to vector<16xf32>
      %mul3A_1962 = arith.mulf %scan3A_1851#7, %mul3A_1961 : vector<16xf32>
      %exp3A_1963 = math.exp %mul3A_1962 : vector<16xf32>
      %sub3A_1964 = arith.constant 1.000000e+00 : f32
      %sub3A_1965 = vector.broadcast %sub3A_1964 : f32 to vector<16xf32>
      %sub3A_1966 = arith.subf %exp3A_1963, %sub3A_1965 : vector<16xf32>
      %add3A_1967 = arith.constant 1.000000e+00 : f32
      %add3A_1968 = vector.broadcast %add3A_1967 : f32 to vector<16xf32>
      %add3A_1969 = arith.addf %exp3A_1963, %add3A_1968 : vector<16xf32>
      %div3A_1970 = arith.divf %sub3A_1966, %add3A_1969 : vector<16xf32>
      %swap3A_1971 = arith.index_cast %add3A_1861 : i32 to index
      %swap3A_1972 = arith.constant 112 : index
      %swap3A_1973 = tpu.vector_load %arg10[%swap3A_1971, %swap3A_1972] {strides = array<i32>} : memref<256x128xf32, #tpu.memory_space<vmem>>, vector<16xf32>,
      tpu.vector_store %arg10[%swap3A_1971, %swap3A_1972], %div3A_1970 {strides = array<i32>} : memref<256x128xf32, #tpu.memory_space<vmem>>, vector<16xf32>,
      %broadcast_in_dim3A_1974 = arith.constant 0.000000e+00 : f32
      %broadcast_in_dim3A_1975 = vector.broadcast %broadcast_in_dim3A_1974 : f32 to vector<16xf32>
      %broadcast_in_dim3A_1976 = arith.constant 0.000000e+00 : f32
      %broadcast_in_dim3A_1977 = vector.broadcast %broadcast_in_dim3A_1976 : f32 to vector<16xf32>
      %broadcast_in_dim3A_1978 = arith.constant 0.000000e+00 : f32
      %broadcast_in_dim3A_1979 = vector.broadcast %broadcast_in_dim3A_1978 : f32 to vector<16xf32>
      %broadcast_in_dim3A_1980 = arith.constant 0.000000e+00 : f32
      %broadcast_in_dim3A_1981 = vector.broadcast %broadcast_in_dim3A_1980 : f32 to vector<16xf32>
      %broadcast_in_dim3A_1982 = arith.constant 0.000000e+00 : f32
      %broadcast_in_dim3A_1983 = vector.broadcast %broadcast_in_dim3A_1982 : f32 to vector<16xf32>
      %broadcast_in_dim3A_1984 = arith.constant 0.000000e+00 : f32
      %broadcast_in_dim3A_1985 = vector.broadcast %broadcast_in_dim3A_1984 : f32 to vector<16xf32>
      %broadcast_in_dim3A_1986 = arith.constant 0.000000e+00 : f32
      %broadcast_in_dim3A_1987 = vector.broadcast %broadcast_in_dim3A_1986 : f32 to vector<16xf32>
      %broadcast_in_dim3A_1988 = arith.constant 0.000000e+00 : f32
      %broadcast_in_dim3A_1989 = vector.broadcast %broadcast_in_dim3A_1988 : f32 to vector<16xf32>
      %scan3A_1990 = arith.constant 32 : i32
      %scan3A_1991 = arith.constant 32 : i32
      %scan3A_1992 = arith.addi %scan3A_1990, %scan3A_1991 : i32
      %scan3A_1993 = arith.constant 1 : i32
      %scan3A_1994:8 = scf.for %scan3A_2408 = %scan3A_1990 to %scan3A_1992 step %scan3A_1993 iter_args(%scan3A_2409 = %broadcast_in_dim3A_1975, %scan3A_2410 = %broadcast_in_dim3A_1977, %scan3A_2411 = %broadcast_in_dim3A_1979, %scan3A_2412 = %broadcast_in_dim3A_1981, %scan3A_2413 = %broadcast_in_dim3A_1983, %scan3A_2414 = %broadcast_in_dim3A_1985, %scan3A_2415 = %broadcast_in_dim3A_1987, %scan3A_2416 = %broadcast_in_dim3A_1989) -> (vector<16xf32>, vector<16xf32>, vector<16xf32>, vector<16xf32>, vector<16xf32>, vector<16xf32>, vector<16xf32>, vector<16xf32>)  : i32 {
        %get3A = arith.index_cast %scan3A_2408 : i32 to index
        %get3A_2417 = arith.constant 0 : index
        %get3A_2418 = tpu.vector_load %arg9[%get3A, %get3A_2417] {strides = array<i32>} : memref<128x128xf32, #tpu.memory_space<vmem>>, vector<16xf32>,
        %add3A_2419 = arith.addf %scan3A_2409, %get3A_2418 : vector<16xf32>
        %get3A_2420 = arith.index_cast %scan3A_2408 : i32 to index
        %get3A_2421 = arith.constant 16 : index
        %get3A_2422 = tpu.vector_load %arg9[%get3A_2420, %get3A_2421] {strides = array<i32>} : memref<128x128xf32, #tpu.memory_space<vmem>>, vector<16xf32>,
        %add3A_2423 = arith.addf %scan3A_2410, %get3A_2422 : vector<16xf32>
        %get3A_2424 = arith.index_cast %scan3A_2408 : i32 to index
        %get3A_2425 = arith.constant 32 : index
        %get3A_2426 = tpu.vector_load %arg9[%get3A_2424, %get3A_2425] {strides = array<i32>} : memref<128x128xf32, #tpu.memory_space<vmem>>, vector<16xf32>,
        %add3A_2427 = arith.addf %scan3A_2411, %get3A_2426 : vector<16xf32>
        %get3A_2428 = arith.index_cast %scan3A_2408 : i32 to index
        %get3A_2429 = arith.constant 48 : index
        %get3A_2430 = tpu.vector_load %arg9[%get3A_2428, %get3A_2429] {strides = array<i32>} : memref<128x128xf32, #tpu.memory_space<vmem>>, vector<16xf32>,
        %add3A_2431 = arith.addf %scan3A_2412, %get3A_2430 : vector<16xf32>
        %get3A_2432 = arith.index_cast %scan3A_2408 : i32 to index
        %get3A_2433 = arith.constant 64 : index
        %get3A_2434 = tpu.vector_load %arg9[%get3A_2432, %get3A_2433] {strides = array<i32>} : memref<128x128xf32, #tpu.memory_space<vmem>>, vector<16xf32>,
        %add3A_2435 = arith.addf %scan3A_2413, %get3A_2434 : vector<16xf32>
        %get3A_2436 = arith.index_cast %scan3A_2408 : i32 to index
        %get3A_2437 = arith.constant 80 : index
        %get3A_2438 = tpu.vector_load %arg9[%get3A_2436, %get3A_2437] {strides = array<i32>} : memref<128x128xf32, #tpu.memory_space<vmem>>, vector<16xf32>,
        %add3A_2439 = arith.addf %scan3A_2414, %get3A_2438 : vector<16xf32>
        %get3A_2440 = arith.index_cast %scan3A_2408 : i32 to index
        %get3A_2441 = arith.constant 96 : index
        %get3A_2442 = tpu.vector_load %arg9[%get3A_2440, %get3A_2441] {strides = array<i32>} : memref<128x128xf32, #tpu.memory_space<vmem>>, vector<16xf32>,
        %add3A_2443 = arith.addf %scan3A_2415, %get3A_2442 : vector<16xf32>
        %get3A_2444 = arith.index_cast %scan3A_2408 : i32 to index
        %get3A_2445 = arith.constant 112 : index
        %get3A_2446 = tpu.vector_load %arg9[%get3A_2444, %get3A_2445] {strides = array<i32>} : memref<128x128xf32, #tpu.memory_space<vmem>>, vector<16xf32>,
        %add3A_2447 = arith.addf %scan3A_2416, %get3A_2446 : vector<16xf32>
        scf.yield %add3A_2419, %add3A_2423, %add3A_2427, %add3A_2431, %add3A_2435, %add3A_2439, %add3A_2443, %add3A_2447 : vector<16xf32>, vector<16xf32>, vector<16xf32>, vector<16xf32>, vector<16xf32>, vector<16xf32>, vector<16xf32>, vector<16xf32>
      }
      %scan3A_1995 = arith.constant 32 : i32
      %lt3A_1996 = arith.constant 64 : i32
      %lt3A_1997 = arith.cmpi slt, %add3A_1814, %lt3A_1996 : i32
      %sub3A_1998 = arith.constant 64 : i32
      %sub3A_1999 = arith.subi %add3A_1814, %sub3A_1998 : i32
      %select_n3A_2000 = arith.select %lt3A_1997, %add3A_1814, %sub3A_1999 : i32
      %mul3A_2001 = arith.constant 4 : i32
      %mul3A_2002 = arith.muli %select_n3A_2000, %mul3A_2001 : i32
      %add3A_2003 = arith.constant 1 : i32
      %add3A_2004 = arith.addi %mul3A_2002, %add3A_2003 : i32
      %mul3A_2005 = arith.constant 6.250000e-02 : f32
      %mul3A_2006 = vector.broadcast %mul3A_2005 : f32 to vector<16xf32>
      %mul3A_2007 = arith.mulf %scan3A_1994#0, %mul3A_2006 : vector<16xf32>
      %exp3A_2008 = math.exp %mul3A_2007 : vector<16xf32>
      %sub3A_2009 = arith.constant 1.000000e+00 : f32
      %sub3A_2010 = vector.broadcast %sub3A_2009 : f32 to vector<16xf32>
      %sub3A_2011 = arith.subf %exp3A_2008, %sub3A_2010 : vector<16xf32>
      %add3A_2012 = arith.constant 1.000000e+00 : f32
      %add3A_2013 = vector.broadcast %add3A_2012 : f32 to vector<16xf32>
      %add3A_2014 = arith.addf %exp3A_2008, %add3A_2013 : vector<16xf32>
      %div3A_2015 = arith.divf %sub3A_2011, %add3A_2014 : vector<16xf32>
      %swap3A_2016 = arith.index_cast %add3A_2004 : i32 to index
      %swap3A_2017 = arith.constant 0 : index
      %swap3A_2018 = tpu.vector_load %arg10[%swap3A_2016, %swap3A_2017] {strides = array<i32>} : memref<256x128xf32, #tpu.memory_space<vmem>>, vector<16xf32>,
      tpu.vector_store %arg10[%swap3A_2016, %swap3A_2017], %div3A_2015 {strides = array<i32>} : memref<256x128xf32, #tpu.memory_space<vmem>>, vector<16xf32>,
      %mul3A_2019 = arith.constant 6.250000e-02 : f32
      %mul3A_2020 = vector.broadcast %mul3A_2019 : f32 to vector<16xf32>
      %mul3A_2021 = arith.mulf %scan3A_1994#1, %mul3A_2020 : vector<16xf32>
      %exp3A_2022 = math.exp %mul3A_2021 : vector<16xf32>
      %sub3A_2023 = arith.constant 1.000000e+00 : f32
      %sub3A_2024 = vector.broadcast %sub3A_2023 : f32 to vector<16xf32>
      %sub3A_2025 = arith.subf %exp3A_2022, %sub3A_2024 : vector<16xf32>
      %add3A_2026 = arith.constant 1.000000e+00 : f32
      %add3A_2027 = vector.broadcast %add3A_2026 : f32 to vector<16xf32>
      %add3A_2028 = arith.addf %exp3A_2022, %add3A_2027 : vector<16xf32>
      %div3A_2029 = arith.divf %sub3A_2025, %add3A_2028 : vector<16xf32>
      %swap3A_2030 = arith.index_cast %add3A_2004 : i32 to index
      %swap3A_2031 = arith.constant 16 : index
      %swap3A_2032 = tpu.vector_load %arg10[%swap3A_2030, %swap3A_2031] {strides = array<i32>} : memref<256x128xf32, #tpu.memory_space<vmem>>, vector<16xf32>,
      tpu.vector_store %arg10[%swap3A_2030, %swap3A_2031], %div3A_2029 {strides = array<i32>} : memref<256x128xf32, #tpu.memory_space<vmem>>, vector<16xf32>,
      %mul3A_2033 = arith.constant 6.250000e-02 : f32
      %mul3A_2034 = vector.broadcast %mul3A_2033 : f32 to vector<16xf32>
      %mul3A_2035 = arith.mulf %scan3A_1994#2, %mul3A_2034 : vector<16xf32>
      %exp3A_2036 = math.exp %mul3A_2035 : vector<16xf32>
      %sub3A_2037 = arith.constant 1.000000e+00 : f32
      %sub3A_2038 = vector.broadcast %sub3A_2037 : f32 to vector<16xf32>
      %sub3A_2039 = arith.subf %exp3A_2036, %sub3A_2038 : vector<16xf32>
      %add3A_2040 = arith.constant 1.000000e+00 : f32
      %add3A_2041 = vector.broadcast %add3A_2040 : f32 to vector<16xf32>
      %add3A_2042 = arith.addf %exp3A_2036, %add3A_2041 : vector<16xf32>
      %div3A_2043 = arith.divf %sub3A_2039, %add3A_2042 : vector<16xf32>
      %swap3A_2044 = arith.index_cast %add3A_2004 : i32 to index
      %swap3A_2045 = arith.constant 32 : index
      %swap3A_2046 = tpu.vector_load %arg10[%swap3A_2044, %swap3A_2045] {strides = array<i32>} : memref<256x128xf32, #tpu.memory_space<vmem>>, vector<16xf32>,
      tpu.vector_store %arg10[%swap3A_2044, %swap3A_2045], %div3A_2043 {strides = array<i32>} : memref<256x128xf32, #tpu.memory_space<vmem>>, vector<16xf32>,
      %mul3A_2047 = arith.constant 6.250000e-02 : f32
      %mul3A_2048 = vector.broadcast %mul3A_2047 : f32 to vector<16xf32>
      %mul3A_2049 = arith.mulf %scan3A_1994#3, %mul3A_2048 : vector<16xf32>
      %exp3A_2050 = math.exp %mul3A_2049 : vector<16xf32>
      %sub3A_2051 = arith.constant 1.000000e+00 : f32
      %sub3A_2052 = vector.broadcast %sub3A_2051 : f32 to vector<16xf32>
      %sub3A_2053 = arith.subf %exp3A_2050, %sub3A_2052 : vector<16xf32>
      %add3A_2054 = arith.constant 1.000000e+00 : f32
      %add3A_2055 = vector.broadcast %add3A_2054 : f32 to vector<16xf32>
      %add3A_2056 = arith.addf %exp3A_2050, %add3A_2055 : vector<16xf32>
      %div3A_2057 = arith.divf %sub3A_2053, %add3A_2056 : vector<16xf32>
      %swap3A_2058 = arith.index_cast %add3A_2004 : i32 to index
      %swap3A_2059 = arith.constant 48 : index
      %swap3A_2060 = tpu.vector_load %arg10[%swap3A_2058, %swap3A_2059] {strides = array<i32>} : memref<256x128xf32, #tpu.memory_space<vmem>>, vector<16xf32>,
      tpu.vector_store %arg10[%swap3A_2058, %swap3A_2059], %div3A_2057 {strides = array<i32>} : memref<256x128xf32, #tpu.memory_space<vmem>>, vector<16xf32>,
      %mul3A_2061 = arith.constant 6.250000e-02 : f32
      %mul3A_2062 = vector.broadcast %mul3A_2061 : f32 to vector<16xf32>
      %mul3A_2063 = arith.mulf %scan3A_1994#4, %mul3A_2062 : vector<16xf32>
      %exp3A_2064 = math.exp %mul3A_2063 : vector<16xf32>
      %sub3A_2065 = arith.constant 1.000000e+00 : f32
      %sub3A_2066 = vector.broadcast %sub3A_2065 : f32 to vector<16xf32>
      %sub3A_2067 = arith.subf %exp3A_2064, %sub3A_2066 : vector<16xf32>
      %add3A_2068 = arith.constant 1.000000e+00 : f32
      %add3A_2069 = vector.broadcast %add3A_2068 : f32 to vector<16xf32>
      %add3A_2070 = arith.addf %exp3A_2064, %add3A_2069 : vector<16xf32>
      %div3A_2071 = arith.divf %sub3A_2067, %add3A_2070 : vector<16xf32>
      %swap3A_2072 = arith.index_cast %add3A_2004 : i32 to index
      %swap3A_2073 = arith.constant 64 : index
      %swap3A_2074 = tpu.vector_load %arg10[%swap3A_2072, %swap3A_2073] {strides = array<i32>} : memref<256x128xf32, #tpu.memory_space<vmem>>, vector<16xf32>,
      tpu.vector_store %arg10[%swap3A_2072, %swap3A_2073], %div3A_2071 {strides = array<i32>} : memref<256x128xf32, #tpu.memory_space<vmem>>, vector<16xf32>,
      %mul3A_2075 = arith.constant 6.250000e-02 : f32
      %mul3A_2076 = vector.broadcast %mul3A_2075 : f32 to vector<16xf32>
      %mul3A_2077 = arith.mulf %scan3A_1994#5, %mul3A_2076 : vector<16xf32>
      %exp3A_2078 = math.exp %mul3A_2077 : vector<16xf32>
      %sub3A_2079 = arith.constant 1.000000e+00 : f32
      %sub3A_2080 = vector.broadcast %sub3A_2079 : f32 to vector<16xf32>
      %sub3A_2081 = arith.subf %exp3A_2078, %sub3A_2080 : vector<16xf32>
      %add3A_2082 = arith.constant 1.000000e+00 : f32
      %add3A_2083 = vector.broadcast %add3A_2082 : f32 to vector<16xf32>
      %add3A_2084 = arith.addf %exp3A_2078, %add3A_2083 : vector<16xf32>
      %div3A_2085 = arith.divf %sub3A_2081, %add3A_2084 : vector<16xf32>
      %swap3A_2086 = arith.index_cast %add3A_2004 : i32 to index
      %swap3A_2087 = arith.constant 80 : index
      %swap3A_2088 = tpu.vector_load %arg10[%swap3A_2086, %swap3A_2087] {strides = array<i32>} : memref<256x128xf32, #tpu.memory_space<vmem>>, vector<16xf32>,
      tpu.vector_store %arg10[%swap3A_2086, %swap3A_2087], %div3A_2085 {strides = array<i32>} : memref<256x128xf32, #tpu.memory_space<vmem>>, vector<16xf32>,
      %mul3A_2089 = arith.constant 6.250000e-02 : f32
      %mul3A_2090 = vector.broadcast %mul3A_2089 : f32 to vector<16xf32>
      %mul3A_2091 = arith.mulf %scan3A_1994#6, %mul3A_2090 : vector<16xf32>
      %exp3A_2092 = math.exp %mul3A_2091 : vector<16xf32>
      %sub3A_2093 = arith.constant 1.000000e+00 : f32
      %sub3A_2094 = vector.broadcast %sub3A_2093 : f32 to vector<16xf32>
      %sub3A_2095 = arith.subf %exp3A_2092, %sub3A_2094 : vector<16xf32>
      %add3A_2096 = arith.constant 1.000000e+00 : f32
      %add3A_2097 = vector.broadcast %add3A_2096 : f32 to vector<16xf32>
      %add3A_2098 = arith.addf %exp3A_2092, %add3A_2097 : vector<16xf32>
      %div3A_2099 = arith.divf %sub3A_2095, %add3A_2098 : vector<16xf32>
      %swap3A_2100 = arith.index_cast %add3A_2004 : i32 to index
      %swap3A_2101 = arith.constant 96 : index
      %swap3A_2102 = tpu.vector_load %arg10[%swap3A_2100, %swap3A_2101] {strides = array<i32>} : memref<256x128xf32, #tpu.memory_space<vmem>>, vector<16xf32>,
      tpu.vector_store %arg10[%swap3A_2100, %swap3A_2101], %div3A_2099 {strides = array<i32>} : memref<256x128xf32, #tpu.memory_space<vmem>>, vector<16xf32>,
      %mul3A_2103 = arith.constant 6.250000e-02 : f32
      %mul3A_2104 = vector.broadcast %mul3A_2103 : f32 to vector<16xf32>
      %mul3A_2105 = arith.mulf %scan3A_1994#7, %mul3A_2104 : vector<16xf32>
      %exp3A_2106 = math.exp %mul3A_2105 : vector<16xf32>
      %sub3A_2107 = arith.constant 1.000000e+00 : f32
      %sub3A_2108 = vector.broadcast %sub3A_2107 : f32 to vector<16xf32>
      %sub3A_2109 = arith.subf %exp3A_2106, %sub3A_2108 : vector<16xf32>
      %add3A_2110 = arith.constant 1.000000e+00 : f32
      %add3A_2111 = vector.broadcast %add3A_2110 : f32 to vector<16xf32>
      %add3A_2112 = arith.addf %exp3A_2106, %add3A_2111 : vector<16xf32>
      %div3A_2113 = arith.divf %sub3A_2109, %add3A_2112 : vector<16xf32>
      %swap3A_2114 = arith.index_cast %add3A_2004 : i32 to index
      %swap3A_2115 = arith.constant 112 : index
      %swap3A_2116 = tpu.vector_load %arg10[%swap3A_2114, %swap3A_2115] {strides = array<i32>} : memref<256x128xf32, #tpu.memory_space<vmem>>, vector<16xf32>,
      tpu.vector_store %arg10[%swap3A_2114, %swap3A_2115], %div3A_2113 {strides = array<i32>} : memref<256x128xf32, #tpu.memory_space<vmem>>, vector<16xf32>,
      %broadcast_in_dim3A_2117 = arith.constant 0.000000e+00 : f32
      %broadcast_in_dim3A_2118 = vector.broadcast %broadcast_in_dim3A_2117 : f32 to vector<16xf32>
      %broadcast_in_dim3A_2119 = arith.constant 0.000000e+00 : f32
      %broadcast_in_dim3A_2120 = vector.broadcast %broadcast_in_dim3A_2119 : f32 to vector<16xf32>
      %broadcast_in_dim3A_2121 = arith.constant 0.000000e+00 : f32
      %broadcast_in_dim3A_2122 = vector.broadcast %broadcast_in_dim3A_2121 : f32 to vector<16xf32>
      %broadcast_in_dim3A_2123 = arith.constant 0.000000e+00 : f32
      %broadcast_in_dim3A_2124 = vector.broadcast %broadcast_in_dim3A_2123 : f32 to vector<16xf32>
      %broadcast_in_dim3A_2125 = arith.constant 0.000000e+00 : f32
      %broadcast_in_dim3A_2126 = vector.broadcast %broadcast_in_dim3A_2125 : f32 to vector<16xf32>
      %broadcast_in_dim3A_2127 = arith.constant 0.000000e+00 : f32
      %broadcast_in_dim3A_2128 = vector.broadcast %broadcast_in_dim3A_2127 : f32 to vector<16xf32>
      %broadcast_in_dim3A_2129 = arith.constant 0.000000e+00 : f32
      %broadcast_in_dim3A_2130 = vector.broadcast %broadcast_in_dim3A_2129 : f32 to vector<16xf32>
      %broadcast_in_dim3A_2131 = arith.constant 0.000000e+00 : f32
      %broadcast_in_dim3A_2132 = vector.broadcast %broadcast_in_dim3A_2131 : f32 to vector<16xf32>
      %scan3A_2133 = arith.constant 64 : i32
      %scan3A_2134 = arith.constant 32 : i32
      %scan3A_2135 = arith.addi %scan3A_2133, %scan3A_2134 : i32
      %scan3A_2136 = arith.constant 1 : i32
      %scan3A_2137:8 = scf.for %scan3A_2408 = %scan3A_2133 to %scan3A_2135 step %scan3A_2136 iter_args(%scan3A_2409 = %broadcast_in_dim3A_2118, %scan3A_2410 = %broadcast_in_dim3A_2120, %scan3A_2411 = %broadcast_in_dim3A_2122, %scan3A_2412 = %broadcast_in_dim3A_2124, %scan3A_2413 = %broadcast_in_dim3A_2126, %scan3A_2414 = %broadcast_in_dim3A_2128, %scan3A_2415 = %broadcast_in_dim3A_2130, %scan3A_2416 = %broadcast_in_dim3A_2132) -> (vector<16xf32>, vector<16xf32>, vector<16xf32>, vector<16xf32>, vector<16xf32>, vector<16xf32>, vector<16xf32>, vector<16xf32>)  : i32 {
        %get3A = arith.index_cast %scan3A_2408 : i32 to index
        %get3A_2417 = arith.constant 0 : index
        %get3A_2418 = tpu.vector_load %arg9[%get3A, %get3A_2417] {strides = array<i32>} : memref<128x128xf32, #tpu.memory_space<vmem>>, vector<16xf32>,
        %add3A_2419 = arith.addf %scan3A_2409, %get3A_2418 : vector<16xf32>
        %get3A_2420 = arith.index_cast %scan3A_2408 : i32 to index
        %get3A_2421 = arith.constant 16 : index
        %get3A_2422 = tpu.vector_load %arg9[%get3A_2420, %get3A_2421] {strides = array<i32>} : memref<128x128xf32, #tpu.memory_space<vmem>>, vector<16xf32>,
        %add3A_2423 = arith.addf %scan3A_2410, %get3A_2422 : vector<16xf32>
        %get3A_2424 = arith.index_cast %scan3A_2408 : i32 to index
        %get3A_2425 = arith.constant 32 : index
        %get3A_2426 = tpu.vector_load %arg9[%get3A_2424, %get3A_2425] {strides = array<i32>} : memref<128x128xf32, #tpu.memory_space<vmem>>, vector<16xf32>,
        %add3A_2427 = arith.addf %scan3A_2411, %get3A_2426 : vector<16xf32>
        %get3A_2428 = arith.index_cast %scan3A_2408 : i32 to index
        %get3A_2429 = arith.constant 48 : index
        %get3A_2430 = tpu.vector_load %arg9[%get3A_2428, %get3A_2429] {strides = array<i32>} : memref<128x128xf32, #tpu.memory_space<vmem>>, vector<16xf32>,
        %add3A_2431 = arith.addf %scan3A_2412, %get3A_2430 : vector<16xf32>
        %get3A_2432 = arith.index_cast %scan3A_2408 : i32 to index
        %get3A_2433 = arith.constant 64 : index
        %get3A_2434 = tpu.vector_load %arg9[%get3A_2432, %get3A_2433] {strides = array<i32>} : memref<128x128xf32, #tpu.memory_space<vmem>>, vector<16xf32>,
        %add3A_2435 = arith.addf %scan3A_2413, %get3A_2434 : vector<16xf32>
        %get3A_2436 = arith.index_cast %scan3A_2408 : i32 to index
        %get3A_2437 = arith.constant 80 : index
        %get3A_2438 = tpu.vector_load %arg9[%get3A_2436, %get3A_2437] {strides = array<i32>} : memref<128x128xf32, #tpu.memory_space<vmem>>, vector<16xf32>,
        %add3A_2439 = arith.addf %scan3A_2414, %get3A_2438 : vector<16xf32>
        %get3A_2440 = arith.index_cast %scan3A_2408 : i32 to index
        %get3A_2441 = arith.constant 96 : index
        %get3A_2442 = tpu.vector_load %arg9[%get3A_2440, %get3A_2441] {strides = array<i32>} : memref<128x128xf32, #tpu.memory_space<vmem>>, vector<16xf32>,
        %add3A_2443 = arith.addf %scan3A_2415, %get3A_2442 : vector<16xf32>
        %get3A_2444 = arith.index_cast %scan3A_2408 : i32 to index
        %get3A_2445 = arith.constant 112 : index
        %get3A_2446 = tpu.vector_load %arg9[%get3A_2444, %get3A_2445] {strides = array<i32>} : memref<128x128xf32, #tpu.memory_space<vmem>>, vector<16xf32>,
        %add3A_2447 = arith.addf %scan3A_2416, %get3A_2446 : vector<16xf32>
        scf.yield %add3A_2419, %add3A_2423, %add3A_2427, %add3A_2431, %add3A_2435, %add3A_2439, %add3A_2443, %add3A_2447 : vector<16xf32>, vector<16xf32>, vector<16xf32>, vector<16xf32>, vector<16xf32>, vector<16xf32>, vector<16xf32>, vector<16xf32>
      }
      %scan3A_2138 = arith.constant 32 : i32
      %lt3A_2139 = arith.constant 64 : i32
      %lt3A_2140 = arith.cmpi slt, %add3A_1814, %lt3A_2139 : i32
      %sub3A_2141 = arith.constant 64 : i32
      %sub3A_2142 = arith.subi %add3A_1814, %sub3A_2141 : i32
      %select_n3A_2143 = arith.select %lt3A_2140, %add3A_1814, %sub3A_2142 : i32
      %mul3A_2144 = arith.constant 4 : i32
      %mul3A_2145 = arith.muli %select_n3A_2143, %mul3A_2144 : i32
      %add3A_2146 = arith.constant 2 : i32
      %add3A_2147 = arith.addi %mul3A_2145, %add3A_2146 : i32
      %mul3A_2148 = arith.constant 6.250000e-02 : f32
      %mul3A_2149 = vector.broadcast %mul3A_2148 : f32 to vector<16xf32>
      %mul3A_2150 = arith.mulf %scan3A_2137#0, %mul3A_2149 : vector<16xf32>
      %exp3A_2151 = math.exp %mul3A_2150 : vector<16xf32>
      %sub3A_2152 = arith.constant 1.000000e+00 : f32
      %sub3A_2153 = vector.broadcast %sub3A_2152 : f32 to vector<16xf32>
      %sub3A_2154 = arith.subf %exp3A_2151, %sub3A_2153 : vector<16xf32>
      %add3A_2155 = arith.constant 1.000000e+00 : f32
      %add3A_2156 = vector.broadcast %add3A_2155 : f32 to vector<16xf32>
      %add3A_2157 = arith.addf %exp3A_2151, %add3A_2156 : vector<16xf32>
      %div3A_2158 = arith.divf %sub3A_2154, %add3A_2157 : vector<16xf32>
      %swap3A_2159 = arith.index_cast %add3A_2147 : i32 to index
      %swap3A_2160 = arith.constant 0 : index
      %swap3A_2161 = tpu.vector_load %arg10[%swap3A_2159, %swap3A_2160] {strides = array<i32>} : memref<256x128xf32, #tpu.memory_space<vmem>>, vector<16xf32>,
      tpu.vector_store %arg10[%swap3A_2159, %swap3A_2160], %div3A_2158 {strides = array<i32>} : memref<256x128xf32, #tpu.memory_space<vmem>>, vector<16xf32>,
      %mul3A_2162 = arith.constant 6.250000e-02 : f32
      %mul3A_2163 = vector.broadcast %mul3A_2162 : f32 to vector<16xf32>
      %mul3A_2164 = arith.mulf %scan3A_2137#1, %mul3A_2163 : vector<16xf32>
      %exp3A_2165 = math.exp %mul3A_2164 : vector<16xf32>
      %sub3A_2166 = arith.constant 1.000000e+00 : f32
      %sub3A_2167 = vector.broadcast %sub3A_2166 : f32 to vector<16xf32>
      %sub3A_2168 = arith.subf %exp3A_2165, %sub3A_2167 : vector<16xf32>
      %add3A_2169 = arith.constant 1.000000e+00 : f32
      %add3A_2170 = vector.broadcast %add3A_2169 : f32 to vector<16xf32>
      %add3A_2171 = arith.addf %exp3A_2165, %add3A_2170 : vector<16xf32>
      %div3A_2172 = arith.divf %sub3A_2168, %add3A_2171 : vector<16xf32>
      %swap3A_2173 = arith.index_cast %add3A_2147 : i32 to index
      %swap3A_2174 = arith.constant 16 : index
      %swap3A_2175 = tpu.vector_load %arg10[%swap3A_2173, %swap3A_2174] {strides = array<i32>} : memref<256x128xf32, #tpu.memory_space<vmem>>, vector<16xf32>,
      tpu.vector_store %arg10[%swap3A_2173, %swap3A_2174], %div3A_2172 {strides = array<i32>} : memref<256x128xf32, #tpu.memory_space<vmem>>, vector<16xf32>,
      %mul3A_2176 = arith.constant 6.250000e-02 : f32
      %mul3A_2177 = vector.broadcast %mul3A_2176 : f32 to vector<16xf32>
      %mul3A_2178 = arith.mulf %scan3A_2137#2, %mul3A_2177 : vector<16xf32>
      %exp3A_2179 = math.exp %mul3A_2178 : vector<16xf32>
      %sub3A_2180 = arith.constant 1.000000e+00 : f32
      %sub3A_2181 = vector.broadcast %sub3A_2180 : f32 to vector<16xf32>
      %sub3A_2182 = arith.subf %exp3A_2179, %sub3A_2181 : vector<16xf32>
      %add3A_2183 = arith.constant 1.000000e+00 : f32
      %add3A_2184 = vector.broadcast %add3A_2183 : f32 to vector<16xf32>
      %add3A_2185 = arith.addf %exp3A_2179, %add3A_2184 : vector<16xf32>
      %div3A_2186 = arith.divf %sub3A_2182, %add3A_2185 : vector<16xf32>
      %swap3A_2187 = arith.index_cast %add3A_2147 : i32 to index
      %swap3A_2188 = arith.constant 32 : index
      %swap3A_2189 = tpu.vector_load %arg10[%swap3A_2187, %swap3A_2188] {strides = array<i32>} : memref<256x128xf32, #tpu.memory_space<vmem>>, vector<16xf32>,
      tpu.vector_store %arg10[%swap3A_2187, %swap3A_2188], %div3A_2186 {strides = array<i32>} : memref<256x128xf32, #tpu.memory_space<vmem>>, vector<16xf32>,
      %mul3A_2190 = arith.constant 6.250000e-02 : f32
      %mul3A_2191 = vector.broadcast %mul3A_2190 : f32 to vector<16xf32>
      %mul3A_2192 = arith.mulf %scan3A_2137#3, %mul3A_2191 : vector<16xf32>
      %exp3A_2193 = math.exp %mul3A_2192 : vector<16xf32>
      %sub3A_2194 = arith.constant 1.000000e+00 : f32
      %sub3A_2195 = vector.broadcast %sub3A_2194 : f32 to vector<16xf32>
      %sub3A_2196 = arith.subf %exp3A_2193, %sub3A_2195 : vector<16xf32>
      %add3A_2197 = arith.constant 1.000000e+00 : f32
      %add3A_2198 = vector.broadcast %add3A_2197 : f32 to vector<16xf32>
      %add3A_2199 = arith.addf %exp3A_2193, %add3A_2198 : vector<16xf32>
      %div3A_2200 = arith.divf %sub3A_2196, %add3A_2199 : vector<16xf32>
      %swap3A_2201 = arith.index_cast %add3A_2147 : i32 to index
      %swap3A_2202 = arith.constant 48 : index
      %swap3A_2203 = tpu.vector_load %arg10[%swap3A_2201, %swap3A_2202] {strides = array<i32>} : memref<256x128xf32, #tpu.memory_space<vmem>>, vector<16xf32>,
      tpu.vector_store %arg10[%swap3A_2201, %swap3A_2202], %div3A_2200 {strides = array<i32>} : memref<256x128xf32, #tpu.memory_space<vmem>>, vector<16xf32>,
      %mul3A_2204 = arith.constant 6.250000e-02 : f32
      %mul3A_2205 = vector.broadcast %mul3A_2204 : f32 to vector<16xf32>
      %mul3A_2206 = arith.mulf %scan3A_2137#4, %mul3A_2205 : vector<16xf32>
      %exp3A_2207 = math.exp %mul3A_2206 : vector<16xf32>
      %sub3A_2208 = arith.constant 1.000000e+00 : f32
      %sub3A_2209 = vector.broadcast %sub3A_2208 : f32 to vector<16xf32>
      %sub3A_2210 = arith.subf %exp3A_2207, %sub3A_2209 : vector<16xf32>
      %add3A_2211 = arith.constant 1.000000e+00 : f32
      %add3A_2212 = vector.broadcast %add3A_2211 : f32 to vector<16xf32>
      %add3A_2213 = arith.addf %exp3A_2207, %add3A_2212 : vector<16xf32>
      %div3A_2214 = arith.divf %sub3A_2210, %add3A_2213 : vector<16xf32>
      %swap3A_2215 = arith.index_cast %add3A_2147 : i32 to index
      %swap3A_2216 = arith.constant 64 : index
      %swap3A_2217 = tpu.vector_load %arg10[%swap3A_2215, %swap3A_2216] {strides = array<i32>} : memref<256x128xf32, #tpu.memory_space<vmem>>, vector<16xf32>,
      tpu.vector_store %arg10[%swap3A_2215, %swap3A_2216], %div3A_2214 {strides = array<i32>} : memref<256x128xf32, #tpu.memory_space<vmem>>, vector<16xf32>,
      %mul3A_2218 = arith.constant 6.250000e-02 : f32
      %mul3A_2219 = vector.broadcast %mul3A_2218 : f32 to vector<16xf32>
      %mul3A_2220 = arith.mulf %scan3A_2137#5, %mul3A_2219 : vector<16xf32>
      %exp3A_2221 = math.exp %mul3A_2220 : vector<16xf32>
      %sub3A_2222 = arith.constant 1.000000e+00 : f32
      %sub3A_2223 = vector.broadcast %sub3A_2222 : f32 to vector<16xf32>
      %sub3A_2224 = arith.subf %exp3A_2221, %sub3A_2223 : vector<16xf32>
      %add3A_2225 = arith.constant 1.000000e+00 : f32
      %add3A_2226 = vector.broadcast %add3A_2225 : f32 to vector<16xf32>
      %add3A_2227 = arith.addf %exp3A_2221, %add3A_2226 : vector<16xf32>
      %div3A_2228 = arith.divf %sub3A_2224, %add3A_2227 : vector<16xf32>
      %swap3A_2229 = arith.index_cast %add3A_2147 : i32 to index
      %swap3A_2230 = arith.constant 80 : index
      %swap3A_2231 = tpu.vector_load %arg10[%swap3A_2229, %swap3A_2230] {strides = array<i32>} : memref<256x128xf32, #tpu.memory_space<vmem>>, vector<16xf32>,
      tpu.vector_store %arg10[%swap3A_2229, %swap3A_2230], %div3A_2228 {strides = array<i32>} : memref<256x128xf32, #tpu.memory_space<vmem>>, vector<16xf32>,
      %mul3A_2232 = arith.constant 6.250000e-02 : f32
      %mul3A_2233 = vector.broadcast %mul3A_2232 : f32 to vector<16xf32>
      %mul3A_2234 = arith.mulf %scan3A_2137#6, %mul3A_2233 : vector<16xf32>
      %exp3A_2235 = math.exp %mul3A_2234 : vector<16xf32>
      %sub3A_2236 = arith.constant 1.000000e+00 : f32
      %sub3A_2237 = vector.broadcast %sub3A_2236 : f32 to vector<16xf32>
      %sub3A_2238 = arith.subf %exp3A_2235, %sub3A_2237 : vector<16xf32>
      %add3A_2239 = arith.constant 1.000000e+00 : f32
      %add3A_2240 = vector.broadcast %add3A_2239 : f32 to vector<16xf32>
      %add3A_2241 = arith.addf %exp3A_2235, %add3A_2240 : vector<16xf32>
      %div3A_2242 = arith.divf %sub3A_2238, %add3A_2241 : vector<16xf32>
      %swap3A_2243 = arith.index_cast %add3A_2147 : i32 to index
      %swap3A_2244 = arith.constant 96 : index
      %swap3A_2245 = tpu.vector_load %arg10[%swap3A_2243, %swap3A_2244] {strides = array<i32>} : memref<256x128xf32, #tpu.memory_space<vmem>>, vector<16xf32>,
      tpu.vector_store %arg10[%swap3A_2243, %swap3A_2244], %div3A_2242 {strides = array<i32>} : memref<256x128xf32, #tpu.memory_space<vmem>>, vector<16xf32>,
      %mul3A_2246 = arith.constant 6.250000e-02 : f32
      %mul3A_2247 = vector.broadcast %mul3A_2246 : f32 to vector<16xf32>
      %mul3A_2248 = arith.mulf %scan3A_2137#7, %mul3A_2247 : vector<16xf32>
      %exp3A_2249 = math.exp %mul3A_2248 : vector<16xf32>
      %sub3A_2250 = arith.constant 1.000000e+00 : f32
      %sub3A_2251 = vector.broadcast %sub3A_2250 : f32 to vector<16xf32>
      %sub3A_2252 = arith.subf %exp3A_2249, %sub3A_2251 : vector<16xf32>
      %add3A_2253 = arith.constant 1.000000e+00 : f32
      %add3A_2254 = vector.broadcast %add3A_2253 : f32 to vector<16xf32>
      %add3A_2255 = arith.addf %exp3A_2249, %add3A_2254 : vector<16xf32>
      %div3A_2256 = arith.divf %sub3A_2252, %add3A_2255 : vector<16xf32>
      %swap3A_2257 = arith.index_cast %add3A_2147 : i32 to index
      %swap3A_2258 = arith.constant 112 : index
      %swap3A_2259 = tpu.vector_load %arg10[%swap3A_2257, %swap3A_2258] {strides = array<i32>} : memref<256x128xf32, #tpu.memory_space<vmem>>, vector<16xf32>,
      tpu.vector_store %arg10[%swap3A_2257, %swap3A_2258], %div3A_2256 {strides = array<i32>} : memref<256x128xf32, #tpu.memory_space<vmem>>, vector<16xf32>,
      %broadcast_in_dim3A_2260 = arith.constant 0.000000e+00 : f32
      %broadcast_in_dim3A_2261 = vector.broadcast %broadcast_in_dim3A_2260 : f32 to vector<16xf32>
      %broadcast_in_dim3A_2262 = arith.constant 0.000000e+00 : f32
      %broadcast_in_dim3A_2263 = vector.broadcast %broadcast_in_dim3A_2262 : f32 to vector<16xf32>
      %broadcast_in_dim3A_2264 = arith.constant 0.000000e+00 : f32
      %broadcast_in_dim3A_2265 = vector.broadcast %broadcast_in_dim3A_2264 : f32 to vector<16xf32>
      %broadcast_in_dim3A_2266 = arith.constant 0.000000e+00 : f32
      %broadcast_in_dim3A_2267 = vector.broadcast %broadcast_in_dim3A_2266 : f32 to vector<16xf32>
      %broadcast_in_dim3A_2268 = arith.constant 0.000000e+00 : f32
      %broadcast_in_dim3A_2269 = vector.broadcast %broadcast_in_dim3A_2268 : f32 to vector<16xf32>
      %broadcast_in_dim3A_2270 = arith.constant 0.000000e+00 : f32
      %broadcast_in_dim3A_2271 = vector.broadcast %broadcast_in_dim3A_2270 : f32 to vector<16xf32>
      %broadcast_in_dim3A_2272 = arith.constant 0.000000e+00 : f32
      %broadcast_in_dim3A_2273 = vector.broadcast %broadcast_in_dim3A_2272 : f32 to vector<16xf32>
      %broadcast_in_dim3A_2274 = arith.constant 0.000000e+00 : f32
      %broadcast_in_dim3A_2275 = vector.broadcast %broadcast_in_dim3A_2274 : f32 to vector<16xf32>
      %scan3A_2276 = arith.constant 96 : i32
      %scan3A_2277 = arith.constant 32 : i32
      %scan3A_2278 = arith.addi %scan3A_2276, %scan3A_2277 : i32
      %scan3A_2279 = arith.constant 1 : i32
      %scan3A_2280:8 = scf.for %scan3A_2408 = %scan3A_2276 to %scan3A_2278 step %scan3A_2279 iter_args(%scan3A_2409 = %broadcast_in_dim3A_2261, %scan3A_2410 = %broadcast_in_dim3A_2263, %scan3A_2411 = %broadcast_in_dim3A_2265, %scan3A_2412 = %broadcast_in_dim3A_2267, %scan3A_2413 = %broadcast_in_dim3A_2269, %scan3A_2414 = %broadcast_in_dim3A_2271, %scan3A_2415 = %broadcast_in_dim3A_2273, %scan3A_2416 = %broadcast_in_dim3A_2275) -> (vector<16xf32>, vector<16xf32>, vector<16xf32>, vector<16xf32>, vector<16xf32>, vector<16xf32>, vector<16xf32>, vector<16xf32>)  : i32 {
        %get3A = arith.index_cast %scan3A_2408 : i32 to index
        %get3A_2417 = arith.constant 0 : index
        %get3A_2418 = tpu.vector_load %arg9[%get3A, %get3A_2417] {strides = array<i32>} : memref<128x128xf32, #tpu.memory_space<vmem>>, vector<16xf32>,
        %add3A_2419 = arith.addf %scan3A_2409, %get3A_2418 : vector<16xf32>
        %get3A_2420 = arith.index_cast %scan3A_2408 : i32 to index
        %get3A_2421 = arith.constant 16 : index
        %get3A_2422 = tpu.vector_load %arg9[%get3A_2420, %get3A_2421] {strides = array<i32>} : memref<128x128xf32, #tpu.memory_space<vmem>>, vector<16xf32>,
        %add3A_2423 = arith.addf %scan3A_2410, %get3A_2422 : vector<16xf32>
        %get3A_2424 = arith.index_cast %scan3A_2408 : i32 to index
        %get3A_2425 = arith.constant 32 : index
        %get3A_2426 = tpu.vector_load %arg9[%get3A_2424, %get3A_2425] {strides = array<i32>} : memref<128x128xf32, #tpu.memory_space<vmem>>, vector<16xf32>,
        %add3A_2427 = arith.addf %scan3A_2411, %get3A_2426 : vector<16xf32>
        %get3A_2428 = arith.index_cast %scan3A_2408 : i32 to index
        %get3A_2429 = arith.constant 48 : index
        %get3A_2430 = tpu.vector_load %arg9[%get3A_2428, %get3A_2429] {strides = array<i32>} : memref<128x128xf32, #tpu.memory_space<vmem>>, vector<16xf32>,
        %add3A_2431 = arith.addf %scan3A_2412, %get3A_2430 : vector<16xf32>
        %get3A_2432 = arith.index_cast %scan3A_2408 : i32 to index
        %get3A_2433 = arith.constant 64 : index
        %get3A_2434 = tpu.vector_load %arg9[%get3A_2432, %get3A_2433] {strides = array<i32>} : memref<128x128xf32, #tpu.memory_space<vmem>>, vector<16xf32>,
        %add3A_2435 = arith.addf %scan3A_2413, %get3A_2434 : vector<16xf32>
        %get3A_2436 = arith.index_cast %scan3A_2408 : i32 to index
        %get3A_2437 = arith.constant 80 : index
        %get3A_2438 = tpu.vector_load %arg9[%get3A_2436, %get3A_2437] {strides = array<i32>} : memref<128x128xf32, #tpu.memory_space<vmem>>, vector<16xf32>,
        %add3A_2439 = arith.addf %scan3A_2414, %get3A_2438 : vector<16xf32>
        %get3A_2440 = arith.index_cast %scan3A_2408 : i32 to index
        %get3A_2441 = arith.constant 96 : index
        %get3A_2442 = tpu.vector_load %arg9[%get3A_2440, %get3A_2441] {strides = array<i32>} : memref<128x128xf32, #tpu.memory_space<vmem>>, vector<16xf32>,
        %add3A_2443 = arith.addf %scan3A_2415, %get3A_2442 : vector<16xf32>
        %get3A_2444 = arith.index_cast %scan3A_2408 : i32 to index
        %get3A_2445 = arith.constant 112 : index
        %get3A_2446 = tpu.vector_load %arg9[%get3A_2444, %get3A_2445] {strides = array<i32>} : memref<128x128xf32, #tpu.memory_space<vmem>>, vector<16xf32>,
        %add3A_2447 = arith.addf %scan3A_2416, %get3A_2446 : vector<16xf32>
        scf.yield %add3A_2419, %add3A_2423, %add3A_2427, %add3A_2431, %add3A_2435, %add3A_2439, %add3A_2443, %add3A_2447 : vector<16xf32>, vector<16xf32>, vector<16xf32>, vector<16xf32>, vector<16xf32>, vector<16xf32>, vector<16xf32>, vector<16xf32>
      }
      %scan3A_2281 = arith.constant 32 : i32
      %lt3A_2282 = arith.constant 64 : i32
      %lt3A_2283 = arith.cmpi slt, %add3A_1814, %lt3A_2282 : i32
      %sub3A_2284 = arith.constant 64 : i32
      %sub3A_2285 = arith.subi %add3A_1814, %sub3A_2284 : i32
      %select_n3A_2286 = arith.select %lt3A_2283, %add3A_1814, %sub3A_2285 : i32
      %mul3A_2287 = arith.constant 4 : i32
      %mul3A_2288 = arith.muli %select_n3A_2286, %mul3A_2287 : i32
      %add3A_2289 = arith.constant 3 : i32
      %add3A_2290 = arith.addi %mul3A_2288, %add3A_2289 : i32
      %mul3A_2291 = arith.constant 6.250000e-02 : f32
      %mul3A_2292 = vector.broadcast %mul3A_2291 : f32 to vector<16xf32>
      %mul3A_2293 = arith.mulf %scan3A_2280#0, %mul3A_2292 : vector<16xf32>
      %exp3A_2294 = math.exp %mul3A_2293 : vector<16xf32>
      %sub3A_2295 = arith.constant 1.000000e+00 : f32
      %sub3A_2296 = vector.broadcast %sub3A_2295 : f32 to vector<16xf32>
      %sub3A_2297 = arith.subf %exp3A_2294, %sub3A_2296 : vector<16xf32>
      %add3A_2298 = arith.constant 1.000000e+00 : f32
      %add3A_2299 = vector.broadcast %add3A_2298 : f32 to vector<16xf32>
      %add3A_2300 = arith.addf %exp3A_2294, %add3A_2299 : vector<16xf32>
      %div3A_2301 = arith.divf %sub3A_2297, %add3A_2300 : vector<16xf32>
      %swap3A_2302 = arith.index_cast %add3A_2290 : i32 to index
      %swap3A_2303 = arith.constant 0 : index
      %swap3A_2304 = tpu.vector_load %arg10[%swap3A_2302, %swap3A_2303] {strides = array<i32>} : memref<256x128xf32, #tpu.memory_space<vmem>>, vector<16xf32>,
      tpu.vector_store %arg10[%swap3A_2302, %swap3A_2303], %div3A_2301 {strides = array<i32>} : memref<256x128xf32, #tpu.memory_space<vmem>>, vector<16xf32>,
      %mul3A_2305 = arith.constant 6.250000e-02 : f32
      %mul3A_2306 = vector.broadcast %mul3A_2305 : f32 to vector<16xf32>
      %mul3A_2307 = arith.mulf %scan3A_2280#1, %mul3A_2306 : vector<16xf32>
      %exp3A_2308 = math.exp %mul3A_2307 : vector<16xf32>
      %sub3A_2309 = arith.constant 1.000000e+00 : f32
      %sub3A_2310 = vector.broadcast %sub3A_2309 : f32 to vector<16xf32>
      %sub3A_2311 = arith.subf %exp3A_2308, %sub3A_2310 : vector<16xf32>
      %add3A_2312 = arith.constant 1.000000e+00 : f32
      %add3A_2313 = vector.broadcast %add3A_2312 : f32 to vector<16xf32>
      %add3A_2314 = arith.addf %exp3A_2308, %add3A_2313 : vector<16xf32>
      %div3A_2315 = arith.divf %sub3A_2311, %add3A_2314 : vector<16xf32>
      %swap3A_2316 = arith.index_cast %add3A_2290 : i32 to index
      %swap3A_2317 = arith.constant 16 : index
      %swap3A_2318 = tpu.vector_load %arg10[%swap3A_2316, %swap3A_2317] {strides = array<i32>} : memref<256x128xf32, #tpu.memory_space<vmem>>, vector<16xf32>,
      tpu.vector_store %arg10[%swap3A_2316, %swap3A_2317], %div3A_2315 {strides = array<i32>} : memref<256x128xf32, #tpu.memory_space<vmem>>, vector<16xf32>,
      %mul3A_2319 = arith.constant 6.250000e-02 : f32
      %mul3A_2320 = vector.broadcast %mul3A_2319 : f32 to vector<16xf32>
      %mul3A_2321 = arith.mulf %scan3A_2280#2, %mul3A_2320 : vector<16xf32>
      %exp3A_2322 = math.exp %mul3A_2321 : vector<16xf32>
      %sub3A_2323 = arith.constant 1.000000e+00 : f32
      %sub3A_2324 = vector.broadcast %sub3A_2323 : f32 to vector<16xf32>
      %sub3A_2325 = arith.subf %exp3A_2322, %sub3A_2324 : vector<16xf32>
      %add3A_2326 = arith.constant 1.000000e+00 : f32
      %add3A_2327 = vector.broadcast %add3A_2326 : f32 to vector<16xf32>
      %add3A_2328 = arith.addf %exp3A_2322, %add3A_2327 : vector<16xf32>
      %div3A_2329 = arith.divf %sub3A_2325, %add3A_2328 : vector<16xf32>
      %swap3A_2330 = arith.index_cast %add3A_2290 : i32 to index
      %swap3A_2331 = arith.constant 32 : index
      %swap3A_2332 = tpu.vector_load %arg10[%swap3A_2330, %swap3A_2331] {strides = array<i32>} : memref<256x128xf32, #tpu.memory_space<vmem>>, vector<16xf32>,
      tpu.vector_store %arg10[%swap3A_2330, %swap3A_2331], %div3A_2329 {strides = array<i32>} : memref<256x128xf32, #tpu.memory_space<vmem>>, vector<16xf32>,
      %mul3A_2333 = arith.constant 6.250000e-02 : f32
      %mul3A_2334 = vector.broadcast %mul3A_2333 : f32 to vector<16xf32>
      %mul3A_2335 = arith.mulf %scan3A_2280#3, %mul3A_2334 : vector<16xf32>
      %exp3A_2336 = math.exp %mul3A_2335 : vector<16xf32>
      %sub3A_2337 = arith.constant 1.000000e+00 : f32
      %sub3A_2338 = vector.broadcast %sub3A_2337 : f32 to vector<16xf32>
      %sub3A_2339 = arith.subf %exp3A_2336, %sub3A_2338 : vector<16xf32>
      %add3A_2340 = arith.constant 1.000000e+00 : f32
      %add3A_2341 = vector.broadcast %add3A_2340 : f32 to vector<16xf32>
      %add3A_2342 = arith.addf %exp3A_2336, %add3A_2341 : vector<16xf32>
      %div3A_2343 = arith.divf %sub3A_2339, %add3A_2342 : vector<16xf32>
      %swap3A_2344 = arith.index_cast %add3A_2290 : i32 to index
      %swap3A_2345 = arith.constant 48 : index
      %swap3A_2346 = tpu.vector_load %arg10[%swap3A_2344, %swap3A_2345] {strides = array<i32>} : memref<256x128xf32, #tpu.memory_space<vmem>>, vector<16xf32>,
      tpu.vector_store %arg10[%swap3A_2344, %swap3A_2345], %div3A_2343 {strides = array<i32>} : memref<256x128xf32, #tpu.memory_space<vmem>>, vector<16xf32>,
      %mul3A_2347 = arith.constant 6.250000e-02 : f32
      %mul3A_2348 = vector.broadcast %mul3A_2347 : f32 to vector<16xf32>
      %mul3A_2349 = arith.mulf %scan3A_2280#4, %mul3A_2348 : vector<16xf32>
      %exp3A_2350 = math.exp %mul3A_2349 : vector<16xf32>
      %sub3A_2351 = arith.constant 1.000000e+00 : f32
      %sub3A_2352 = vector.broadcast %sub3A_2351 : f32 to vector<16xf32>
      %sub3A_2353 = arith.subf %exp3A_2350, %sub3A_2352 : vector<16xf32>
      %add3A_2354 = arith.constant 1.000000e+00 : f32
      %add3A_2355 = vector.broadcast %add3A_2354 : f32 to vector<16xf32>
      %add3A_2356 = arith.addf %exp3A_2350, %add3A_2355 : vector<16xf32>
      %div3A_2357 = arith.divf %sub3A_2353, %add3A_2356 : vector<16xf32>
      %swap3A_2358 = arith.index_cast %add3A_2290 : i32 to index
      %swap3A_2359 = arith.constant 64 : index
      %swap3A_2360 = tpu.vector_load %arg10[%swap3A_2358, %swap3A_2359] {strides = array<i32>} : memref<256x128xf32, #tpu.memory_space<vmem>>, vector<16xf32>,
      tpu.vector_store %arg10[%swap3A_2358, %swap3A_2359], %div3A_2357 {strides = array<i32>} : memref<256x128xf32, #tpu.memory_space<vmem>>, vector<16xf32>,
      %mul3A_2361 = arith.constant 6.250000e-02 : f32
      %mul3A_2362 = vector.broadcast %mul3A_2361 : f32 to vector<16xf32>
      %mul3A_2363 = arith.mulf %scan3A_2280#5, %mul3A_2362 : vector<16xf32>
      %exp3A_2364 = math.exp %mul3A_2363 : vector<16xf32>
      %sub3A_2365 = arith.constant 1.000000e+00 : f32
      %sub3A_2366 = vector.broadcast %sub3A_2365 : f32 to vector<16xf32>
      %sub3A_2367 = arith.subf %exp3A_2364, %sub3A_2366 : vector<16xf32>
      %add3A_2368 = arith.constant 1.000000e+00 : f32
      %add3A_2369 = vector.broadcast %add3A_2368 : f32 to vector<16xf32>
      %add3A_2370 = arith.addf %exp3A_2364, %add3A_2369 : vector<16xf32>
      %div3A_2371 = arith.divf %sub3A_2367, %add3A_2370 : vector<16xf32>
      %swap3A_2372 = arith.index_cast %add3A_2290 : i32 to index
      %swap3A_2373 = arith.constant 80 : index
      %swap3A_2374 = tpu.vector_load %arg10[%swap3A_2372, %swap3A_2373] {strides = array<i32>} : memref<256x128xf32, #tpu.memory_space<vmem>>, vector<16xf32>,
      tpu.vector_store %arg10[%swap3A_2372, %swap3A_2373], %div3A_2371 {strides = array<i32>} : memref<256x128xf32, #tpu.memory_space<vmem>>, vector<16xf32>,
      %mul3A_2375 = arith.constant 6.250000e-02 : f32
      %mul3A_2376 = vector.broadcast %mul3A_2375 : f32 to vector<16xf32>
      %mul3A_2377 = arith.mulf %scan3A_2280#6, %mul3A_2376 : vector<16xf32>
      %exp3A_2378 = math.exp %mul3A_2377 : vector<16xf32>
      %sub3A_2379 = arith.constant 1.000000e+00 : f32
      %sub3A_2380 = vector.broadcast %sub3A_2379 : f32 to vector<16xf32>
      %sub3A_2381 = arith.subf %exp3A_2378, %sub3A_2380 : vector<16xf32>
      %add3A_2382 = arith.constant 1.000000e+00 : f32
      %add3A_2383 = vector.broadcast %add3A_2382 : f32 to vector<16xf32>
      %add3A_2384 = arith.addf %exp3A_2378, %add3A_2383 : vector<16xf32>
      %div3A_2385 = arith.divf %sub3A_2381, %add3A_2384 : vector<16xf32>
      %swap3A_2386 = arith.index_cast %add3A_2290 : i32 to index
      %swap3A_2387 = arith.constant 96 : index
      %swap3A_2388 = tpu.vector_load %arg10[%swap3A_2386, %swap3A_2387] {strides = array<i32>} : memref<256x128xf32, #tpu.memory_space<vmem>>, vector<16xf32>,
      tpu.vector_store %arg10[%swap3A_2386, %swap3A_2387], %div3A_2385 {strides = array<i32>} : memref<256x128xf32, #tpu.memory_space<vmem>>, vector<16xf32>,
      %mul3A_2389 = arith.constant 6.250000e-02 : f32
      %mul3A_2390 = vector.broadcast %mul3A_2389 : f32 to vector<16xf32>
      %mul3A_2391 = arith.mulf %scan3A_2280#7, %mul3A_2390 : vector<16xf32>
      %exp3A_2392 = math.exp %mul3A_2391 : vector<16xf32>
      %sub3A_2393 = arith.constant 1.000000e+00 : f32
      %sub3A_2394 = vector.broadcast %sub3A_2393 : f32 to vector<16xf32>
      %sub3A_2395 = arith.subf %exp3A_2392, %sub3A_2394 : vector<16xf32>
      %add3A_2396 = arith.constant 1.000000e+00 : f32
      %add3A_2397 = vector.broadcast %add3A_2396 : f32 to vector<16xf32>
      %add3A_2398 = arith.addf %exp3A_2392, %add3A_2397 : vector<16xf32>
      %div3A_2399 = arith.divf %sub3A_2395, %add3A_2398 : vector<16xf32>
      %swap3A_2400 = arith.index_cast %add3A_2290 : i32 to index
      %swap3A_2401 = arith.constant 112 : index
      %swap3A_2402 = tpu.vector_load %arg10[%swap3A_2400, %swap3A_2401] {strides = array<i32>} : memref<256x128xf32, #tpu.memory_space<vmem>>, vector<16xf32>,
      tpu.vector_store %arg10[%swap3A_2400, %swap3A_2401], %div3A_2399 {strides = array<i32>} : memref<256x128xf32, #tpu.memory_space<vmem>>, vector<16xf32>,
      %eq3A_2403 = arith.constant 63 : i32
      %eq3A_2404 = arith.cmpi eq, %add3A_1814, %eq3A_2403 : i32
      %convert_element_type3A_2405 = arith.extui %eq3A_2404 : i1 to i32
      %cond3A_2406 = arith.constant 0 : i32
      %cond3A_2407 = arith.cmpi ne, %convert_element_type3A_2405, %cond3A_2406 : i32
      scf.if %cond3A_2407 {
        %mul3A_2408 = arith.constant 512 : i32
        %mul3A_2409 = arith.muli %add3A, %mul3A_2408 : i32
        "tpu.region"() ({
          %run_scoped3A = tpu.sem_alloc : memref<!tpu.dma_semaphore, #tpu.memory_space<semaphore_mem>>
          %dma_start3A_2410 = arith.constant 0 : i32
          %dma_start3A_2411 = tpu.memref_slice %arg4[%mul3A_2409, %dma_start3A_2410] : memref<16384x128xf32, #tpu.memory_space<hbm>> -> memref<256x128xf32, #tpu.memory_space<hbm>>
          %dma_start3A_2412 = arith.constant 0 : i32
          %dma_start3A_2413 = tpu.memref_slice %arg4[%mul3A_2409, %dma_start3A_2412] : memref<16384x128xf32, #tpu.memory_space<hbm>> -> memref<256x128xf32, #tpu.memory_space<hbm>>
          tpu.enqueue_dma source(%arg10 : memref<256x128xf32, #tpu.memory_space<vmem>>) target(%dma_start3A_2413 : memref<256x128xf32, #tpu.memory_space<hbm>>) target_semaphore(%run_scoped3A : memref<!tpu.dma_semaphore, #tpu.memory_space<semaphore_mem>>)
          %dma_wait3A_2414 = arith.constant 0 : i32
          %dma_wait3A_2415 = tpu.memref_slice %arg4[%mul3A_2409, %dma_wait3A_2414] : memref<16384x128xf32, #tpu.memory_space<hbm>> -> memref<256x128xf32, #tpu.memory_space<hbm>>
          %dma_wait3A_2416 = arith.constant 0 : i32
          %dma_wait3A_2417 = tpu.memref_slice %arg4[%mul3A_2409, %dma_wait3A_2416] : memref<16384x128xf32, #tpu.memory_space<hbm>> -> memref<256x128xf32, #tpu.memory_space<hbm>>
          tpu.wait_dma2 semaphore(%run_scoped3A : memref<!tpu.dma_semaphore, #tpu.memory_space<semaphore_mem>>) src(%arg10 : memref<256x128xf32, #tpu.memory_space<vmem>>) dst(%dma_wait3A_2417 : memref<256x128xf32, #tpu.memory_space<hbm>>)
          tpu.yield
        }) : () -> ()
      } else {
      }
    }
    %scan3A_25 = arith.constant 32 : i32
    %mul3A_26 = arith.constant 512 : i32
    %mul3A_27 = arith.muli %add3A, %mul3A_26 : i32
    %add3A_28 = arith.constant 256 : i32
    %add3A_29 = arith.addi %mul3A_27, %add3A_28 : i32
    "tpu.region"() ({
      %run_scoped3A = tpu.sem_alloc : memref<!tpu.dma_semaphore, #tpu.memory_space<semaphore_mem>>
      %dma_start3A_30 = arith.constant 0 : i32
      %dma_start3A_31 = tpu.memref_slice %arg4[%add3A_29, %dma_start3A_30] : memref<16384x128xf32, #tpu.memory_space<hbm>> -> memref<256x128xf32, #tpu.memory_space<hbm>>
      %dma_start3A_32 = arith.constant 0 : i32
      %dma_start3A_33 = tpu.memref_slice %arg4[%add3A_29, %dma_start3A_32] : memref<16384x128xf32, #tpu.memory_space<hbm>> -> memref<256x128xf32, #tpu.memory_space<hbm>>
      tpu.enqueue_dma source(%arg10 : memref<256x128xf32, #tpu.memory_space<vmem>>) target(%dma_start3A_33 : memref<256x128xf32, #tpu.memory_space<hbm>>) target_semaphore(%run_scoped3A : memref<!tpu.dma_semaphore, #tpu.memory_space<semaphore_mem>>)
      %dma_wait3A = arith.constant 0 : i32
      %dma_wait3A_34 = tpu.memref_slice %arg4[%add3A_29, %dma_wait3A] : memref<16384x128xf32, #tpu.memory_space<hbm>> -> memref<256x128xf32, #tpu.memory_space<hbm>>
      %dma_wait3A_35 = arith.constant 0 : i32
      %dma_wait3A_36 = tpu.memref_slice %arg4[%add3A_29, %dma_wait3A_35] : memref<16384x128xf32, #tpu.memory_space<hbm>> -> memref<256x128xf32, #tpu.memory_space<hbm>>
      tpu.wait_dma2 semaphore(%run_scoped3A : memref<!tpu.dma_semaphore, #tpu.memory_space<semaphore_mem>>) src(%arg10 : memref<256x128xf32, #tpu.memory_space<vmem>>) dst(%dma_wait3A_36 : memref<256x128xf32, #tpu.memory_space<hbm>>)
      tpu.yield
    }) : () -> ()
    return
  }
}

</mosaic_0001>

<sc_bundles>
// kernel: kernel.3.cloned.1.call-start
scs
__scs_entry_jumppad:
0x0: {  	(pc) =	sbr.rel $0x88, $3  }
0x1: {  	(tag) =	ssettag $0x0;
	lr =	simm.s32 $0x1  }
0x2: {  	[smem:$0x3F9F] =	sst lr;
	_ =	strace $0xD0000000  }
0x3: {  	_ = 	snop  }
0x4: {  	_ = 	snop  }
0x5: {  	_ = 	snop  }
0x6: {  	_ = 	snop  }
0x7: {  	_ = 	snop  }
__scs_overlays_trampoline_lowered:
0x8: {  	[smem:$0x3FAE] =	sst s0  }
0x9: {  	[smem:$0x3FAF] =	sst s1  }
0xa: {  	[smem:$0x3FB0] =	sst s2  }
0xb: {  	[smem:$0x3FB1] =	sst s3  }
0xc: {  	[smem:$0x3FB2] =	sst s4  }
0xd: {  	[smem:$0x3FB3] =	sst s5  }
0xe: {  	[smem:$0x3FB4] =	sst s6  }
0xf: {  	[smem:$0x3FB5] =	sst s7  }
0x10: {  	[smem:$0x3FB6] =	sst s8  }
0x11: {  	[smem:$0x3FB7] =	sst s9;
	s0 =	simm.s32 @!p0 $0x0  }
0x12: {  	s1 =	sld [smem:$0x3F9D];
	s0 =	simm.s32 @p0 $0x1  }
0x13: {  	[smem:$0x3FB8] =	sst s0;
	s0 =	simm.s32 @!p1 $0x0  }
0x14: {  	s2 =	sld [smem:$0x3F9C];
	s0 =	simm.s32 @p1 $0x1  }
0x15: {  	[smem:$0x3FB9] =	sst s0;
	s0 =	simm.s32 @!p2 $0x0  }
0x16: {  	s3 =	sld [smem:$0x3FDB];
	s0 =	simm.s32 @p2 $0x1  }
0x17: {  	s4 =	simm.s32 $0x1BF5;
	[smem:$0x3FBB] =	sst s0  }
0x18: {  	s0 =	sld [smem:$0x3F9E];
	_ =	swait.ge [sflag:s4], $0x0  }
0x19: {  	s7 =	sld [smem:$0x3F9F]  }
0x1a: {  	s8 =	sadd.s32 $0xFFFFE003, lr  }
0x1b: {  	s9 =	sadd.s32 $0xFFFFFEF7, lr;
	s5 =	simm.s32 $0xFFFFFFFF;
	p2 =	slt.u32 s8, $0xFFFFF086  }
0x1c: {  	p1 =	slt.u32 s9, $0xF7A;
	s5 =	simm.s32 @!p2 $0x0  }
0x1d: {  	s5 =	simm.s32 @p1 $0x1;
	p0 =	seq.s32 s7, s2  }
0x1e: {  	s7 =	smul.u32 @!p0 $0xF7A, s2;
	p2 =	seq.s32 @!p0 s5, $0x0  }
0x1f: {  	s9 =	smul.u32 $0xF7A, s1;
	s8 =	simm.s32 @!p0 $0x1BF5;
	p2 =	por !p2, p0  }
0x20: {  	[sflag:s8] =	ssyncset.s32 @!p0 $0xFFFFF086;
	s6 =	sadd.s32 @!p0 s3, s7;
	s7 =	simm.s32 @!p0 $0x108  }
0x21: {  	s3 =	sadd.s32 s3, s9;
	s6 =	sadd.s32 @!p0 $0x88, s6;
	s7 =	simm.s32 @p2 $0x1082  }
0x22: {  	[simem:s7], [sflag:s8] =	dma.local @!p0 [hbm:s6], $0xF7A  }
0x23: {  	s9 =	sor.u32 $0xD0000000, s2;
	s6 =	simm.s32 $0x108;
	_ =	swait.ge @!p0 [sflag:s8], $0x0  }
0x24: {  	s3 =	sadd.s32 $0x88, s3;
	s6 =	simm.s32 @!p1 $0x1082;
	[sflag:s4] =	ssyncset.s32 $0xFFFFF086  }
0x25: {  	[simem:s6], [sflag:s4] =	dma.local [hbm:s3], $0xF7A  }
0x26: {  	[smem:$0x3F9F] =	sst s1;
	(tag) =	ssettag s2;
	_ =	strace s9  }
0x27: {  	s1 =	sld [smem:$0x3FAF]  }
0x28: {  	s2 =	sld [smem:$0x3FB0]  }
0x29: {  	s4 =	sld [smem:$0x3FB2]  }
0x2a: {  	p0 =	seq.s32 s5, $0x0;
	s5 =	sld [smem:$0x3FB3]  }
0x2b: {  	s6 =	sld [smem:$0x3FB4]  }
0x2c: {  	s7 =	sld [smem:$0x3FB5]  }
0x2d: {  	s3 =	simm.s32 $0x108;
	s8 =	sld [smem:$0x3FB6]  }
0x2e: {  	s3 =	simm.s32 @!p0 $0x1082;
	s9 =	sld [smem:$0x3FB7]  }
0x2f: {  	lr =	sadd.s32 s0, s3;
	s0 =	sld [smem:$0x3FAE]  }
0x30: {  	s3 =	sld [smem:$0x3FB1]  }
0x31: {  	[smem:$0x3FBA] =	sst s10  }
0x32: {  	s10 =	sld [smem:$0x3FB8];
	_ =	sdelay $0x3  }
0x33: {  	p0 =	seq.s32 s10, $0x1;
	s10 =	sld [smem:$0x3FBA];
	_ =	sdelay $0x3  }
0x34: {  	[smem:$0x3FBA] =	sst s10  }
0x35: {  	s10 =	sld [smem:$0x3FB9];
	_ =	sdelay $0x3  }
0x36: {  	p1 =	seq.s32 s10, $0x1;
	s10 =	sld [smem:$0x3FBA];
	_ =	sdelay $0x3  }
0x37: {  	[smem:$0x3FBA] =	sst s10  }
0x38: {  	s10 =	sld [smem:$0x3FBB]  }
0x39: {  	_ = 	snop;
	(pc) =	sbr.ind lr, $3  }
0x3a: {  	_ = 	snop  }
0x3b: {  	_ = 	snop  }
0x3c: {  	p2 =	seq.s32 s10, $0x1;
	s10 =	sld [smem:$0x3FBA]  }
0x3d: {  	_ =	shalt  }
0x3e: {  	_ =	shalt  }
0x3f: {  	_ =	shalt  }
0x40: {  	_ =	shalt  }
0x41: {  	_ =	shalt  }
0x42: {  	_ =	shalt  }
0x43: {  	_ =	shalt  }
0x44: {  	_ =	shalt  }
0x45: {  	_ =	shalt  }
0x46: {  	_ =	shalt  }
0x47: {  	_ =	shalt  }
0x48: {  	_ =	shalt  }
0x49: {  	_ =	shalt  }
0x4a: {  	_ =	shalt  }
0x4b: {  	_ =	shalt  }
0x4c: {  	_ =	shalt  }
0x4d: {  	_ =	shalt  }
0x4e: {  	_ =	shalt  }
0x4f: {  	_ =	shalt  }
0x50: {  	_ =	shalt  }
0x51: {  	_ =	shalt  }
0x52: {  	_ =	shalt  }
0x53: {  	_ =	shalt  }
0x54: {  	_ =	shalt  }
0x55: {  	_ =	shalt  }
0x56: {  	_ =	shalt  }
0x57: {  	_ =	shalt  }
0x58: {  	_ =	shalt  }
0x59: {  	_ =	shalt  }
0x5a: {  	_ =	shalt  }
0x5b: {  	_ =	shalt  }
0x5c: {  	_ =	shalt  }
0x5d: {  	_ =	shalt  }
0x5e: {  	_ =	shalt  }
0x5f: {  	_ =	shalt  }
0x60: {  	_ =	shalt  }
0x61: {  	_ =	shalt  }
0x62: {  	_ =	shalt  }
0x63: {  	_ =	shalt  }
0x64: {  	_ =	shalt  }
0x65: {  	_ =	shalt  }
0x66: {  	_ =	shalt  }
0x67: {  	_ =	shalt  }
0x68: {  	_ =	shalt  }
0x69: {  	_ =	shalt  }
0x6a: {  	_ =	shalt  }
0x6b: {  	_ =	shalt  }
0x6c: {  	_ =	shalt  }
0x6d: {  	_ =	shalt  }
0x6e: {  	_ =	shalt  }
0x6f: {  	_ =	shalt  }
0x70: {  	_ =	shalt  }
0x71: {  	_ =	shalt  }
0x72: {  	_ =	shalt  }
0x73: {  	_ =	shalt  }
0x74: {  	_ =	shalt  }
0x75: {  	_ =	shalt  }
0x76: {  	_ =	shalt  }
0x77: {  	_ =	shalt  }
0x78: {  	_ =	shalt  }
0x79: {  	_ =	shalt  }
0x7a: {  	_ =	shalt  }
0x7b: {  	_ =	shalt  }
0x7c: {  	_ =	shalt  }
0x7d: {  	_ =	shalt  }
0x7e: {  	_ =	shalt  }
0x7f: {  	_ =	shalt  }
0x80: {  	_ =	shalt  }
0x81: {  	_ =	shalt  }
0x82: {  	_ =	shalt  }
0x83: {  	_ =	shalt  }
0x84: {  	_ =	shalt  }
0x85: {  	_ =	shalt  }
0x86: {  	_ =	shalt  }
0x87: {  	_ =	shalt  }
.Lfunc_end0:
.L_simem_size_0:
called_computation_lowered:
.L_overlay_start_0:
0x88: {  	s2 =	sld [smem:$0x3FD9]  }
0x89: {  	s3 =	sld [smem:$0x3FFE];
	_ =	sdelay $0x1  }
0x8a: {  	s1 =	srdreg.scid  }
0x8b: {  	s0 =	sand.u32 $0x1, s1  }
0x8c: {  	s17 =	sshll.u32 s0, $0xA;
	s2 =	sadd.s32 s3, s2  }
0x8d: {  	s2 =	sadd.s32 s2, s17  }
0x8e: {  	[smem:$0x3FC6] =	sst s2  }
0x8f: {  	_ = 	snop  }
0x90: {  	s2 =	sld [smem:$0x3FC8]  }
0x91: {  	s18 =	sld [smem:$0x3FD0];
	(tm) =	ssettm $0x1  }
0x92: {  	s4 =	sld [smem:$0x3FFB];
	_ =	sdelay $0x3  }
0x93: {  	_ =	strace s4  }
0x94: {  	s4 =	sld [smem:$0x3FFC];
	_ =	sdelay $0x3  }
0x95: {  	_ =	strace s4  }
0x96: {  	s4 =	sld [smem:$0x3FFD];
	_ =	sdelay $0x3  }
0x97: {  	_ =	strace s4  }
0x98: {  	_ =	strace $0x8FFFFFFF  }
0x99: {  	s19 =	sld [smem:$0x3FDB];
	_ =	sdelay $0x1  }
0x9a: {  	s5 =	simm.s32 $_scs_section_size  }
0x9b: {  	s6 =	simm.s32 $_size__tile_overlayer_lowered;
	s7 =	simm.s32 $_tile_overlayer_lowered  }
0x9c: {  	s22 =	simm.s32 $0x1BFF;
	s21 =	sshll.u32 s7, $0x1;
	s4 =	sadd.s32 s5, s19  }
0x9d: {  	s8 =	simm.s32 $0x0;
	s20 =	sshll.u32 s6, $0x1;
	s6 =	sadd.s32 s21, s4  }
0x9e: {  	[timem:s8], [sflag:s22] =	dma.local [hbm:s6], s20  }
0x9f: {  	_ =	swait.ge [sflag:s22], s20  }
0xa0: {  	s5 =	ssub.s32 $0x0, s20;
	[sflag:s22] =	ssyncset.done $0x0  }
0xa1: {  	[sflag:s22] =	ssyncadd.s32 s5;
	_ =	sdelay $0x1  }
0xa2: {  	s23 =	simm.s32 $0x1B8B  }
0xa3: {  	_ =	swait.ge [sflag:s23], $0x1  }
0xa4: {  	[sflag:s23] =	ssyncset.done $0x0  }
0xa5: {  	s25 =	simm.s32 $0x1B8E;
	s24 =	sld [smem:$0x3FFE];
	[sflag:s23] =	ssyncadd.s32 $0xFFFFFFFF  }
0xa6: {  	s26 =	simm.s32 $execute0_lowered;
	[smem:$0x3FD2] =	sst s25  }
0xa7: {  	s6 =	sshll.u32 s26, $0x1;
	_ =	strace $0x80000046;
	[dreg:$0x1] =	wrdreg $0xFFFFFFFF  }
0xa8: {  	s28 =	simm.s32 $_size_execute0_lowered;
	s4 =	sadd.s32 s4, s6;
	[dreg:$0x0] =	wrdreg $0x0  }
0xa9: {  	s6 =	sshll.u32 s28, $0x1;
	[dreg:$0x2] =	wrdreg s4  }
0xaa: {  	[dreg:$0x3] =	wrdreg s6  }
0xab: {  	[dreg:$0x4] =	wrdreg $0xC0  }
0xac: {  	_ =	task [dreg:s8], $0x5FFFF  }
0xad: {  	[dreg:$0x1] =	wrdreg $0xFFFFFFFF  }
0xae: {  	[dreg:$0x0] =	wrdreg $0x60  }
0xaf: {  	[dreg:$0x2] =	wrdreg s24  }
0xb0: {  	[dreg:$0x3] =	wrdreg s2  }
0xb1: {  	[dreg:$0x4] =	wrdreg s18  }
0xb2: {  	[dreg:$0x5] =	wrdreg $0x9  }
0xb3: {  	_ =	task.clear_ibuf [dreg:s8], $0x6FFFF;
	_ =	strace $0x90000046  }
0xb4: {  	s29 =	simm.s32 $0x9;
	_ =	strace $0x80000048  }
0xb5: {  	_ =	swait.ge [sflag:s29], $0x1  }
0xb6: {  	[sflag:s29] =	ssyncadd.s32 $0xFFFFFFFF  }
0xb7: {  	_ =	strace $0x90000048  }
0xb8: {  	_ =	sfence  }
0xb9: {  	s30 =	sld [smem:$0x0];
	_ =	sdelay $0x2  }
0xba: {  	s31 =	sshll.u32 s1, $0xD;
	s1 =	sshrl.u32 s1, $0x2  }
0xbb: {  	s3 =	sand.u32 $0x4000, s31;
	s1 =	sadd.s32 s1, s30  }
0xbc: {  	s0 =	sor.u32 s3, s0;
	s1 =	sshll.u32 s1, $0x11  }
0xbd: {  	s0 =	sor.u32 s1, s0  }
0xbe: {  	s0 =	sadd.s32 $0x8F2B, s0  }
0xbf: {  	[sflag:s0] =	ssyncadd.remote.s32 $0x1  }
0xc0: {  	_ =	sfence.sel $0xFFFF  }
0xc1: {  	[dreg:$0x0] =	wrdreg $0xFFFFFFFF;
	(pc) =	sbr.abs _section_cstart, $3  }
0xc2: {  	[dreg:$0x1] =	wrdreg $0xFFFFFFFF  }
0xc3: {  	_ =	task.clear_ibuf [dreg:s8], $0x2FFFF;
	_ =	strace $0x9FFFFFFF  }
0xc4: {  	(tm) =	ssettm $0x7FFFFFFF  }
0xc5: {  	_ =	shalt  }
tec
execute0_lowered:
.L_overlay_start_1:
0x0: {  	(tag) =	ssettag $0x1  }
0x1: {  	s4 =	rddreg [dreg:$0x0]  }
0x2: {  	s2 =	rddreg [dreg:$0x1]  }
0x3: {  	s5 =	rddreg [dreg:$0x2]  }
0x4: {  	s0 =	rddreg [dreg:$0x3];
	s6 =	srdreg.scid  }
0x5: {  	s1 =	stileid.u32;
	s3 =	simm.s32 $0x0;
	s9 =	simm.s32 $0x80  }
0x6: {  	s10 =	simm.s32 $0x4000;
	s11 =	simm.s32 $0x8000;
	s12 =	simm.s32 $0x100  }
0x7: {  	s13 =	simm.s32 $0xC000;
	s14 =	simm.s32 $0x10000;
	s15 =	simm.s32 $0x1  }
0x8: {  	s16 =	simm.s32 $0x2;
	s17 =	simm.s32 $0x3;
	s18 =	simm.s32 $0x4  }
0x9: {  	s19 =	simm.s32 $0x14000;
	s6 =	sand.u32 $0x1, s6;
	s7 =	sshll.u32 s1, $0x1  }
0xa: {  	s20 =	simm.s32 $0x0;
	[smem:$0x7FF] =	sst s3;
	s7 =	sor.u32 s6, s7  }
0xb: {  	_ =	strace $0x80000047;
	s6 =	ssub.s32 $0x2, s6;
	s8 =	sshll.u32 s7, $0xB  }
0xc: {  	s31 =	sshrl.u32 s6, $0x1;
	s7 =	sshll.u32 s7, $0xD;
	s4 =	sadd.s32 s8, s4  }
0xd: {  	s8 =	ssub.s32 s6, s31;
	s5 =	sadd.s32 s5, s7;
	s4 =	sadd.s32 $0x400, s4  }
0xe: {  	s6 =	sadd.s32 $0x1000, s5;
	s7 =	smax.u32 s8, $0x1;
	s8 =	simm.s32 $0x5  }
.LBB2_1:
0xf: {  	[tilespmem:s3], [sflag:$0x5] =	stream.linear.gather [hbm4b:s4+s3], $0x4000, $0x38;
	[tilespmem:$0x1C000] =	vst v63  }
0x10: {  	_ =	swait.ge [sflag:s8], $0x4000  }
0x11: {  	[sflag:s8] =	ssyncset.done $0x0  }
0x12: {  	[sflag:s8] =	ssyncadd.s32 $0xFFFFC000  }
0x13: {  	[tilespmem:s10], [sflag:$0x1] =	stream.indirect.gather [hbm4b:s2+s9], $0x80, s3, s9, $0xb8;
	[tilespmem:$0x1C000] =	vst v63  }
0x14: {  	_ = 	snop  }
0x15: {  	[tilespmem:s11], [sflag:$0x2] =	stream.indirect.gather [hbm4b:s2+s9], $0x80, s9, s9, $0xb8;
	[tilespmem:$0x1C000] =	vst v63  }
0x16: {  	s21 =	simm.s32 $0x0  }
0x17: {  	[tilespmem:s13], [sflag:$0x3] =	stream.indirect.gather [hbm4b:s2+s9], $0x80, s12, s9, $0xb8;
	[tilespmem:$0x1C000] =	vst v63  }
.LBB2_2:
0x18: {  	s22 =	sshllo.u32 s21, $0x2  }
0x19: {  	s23 =	sshll.u32 s22, $0x7  }
0x1a: {  	s23 =	sand.u32 $0x3FFFFF80, s23  }
0x1b: {  	[tilespmem:s14], [sflag:$0x4] =	stream.indirect.gather [hbm4b:s2+s9], $0x80, s23, s9, $0xb8;
	[tilespmem:$0x1C000] =	vst v63  }
0x1c: {  	_ =	swait.ge [sflag:s15], $0x4000  }
0x1d: {  	[sflag:s15] =	ssyncset.done $0x0  }
0x1e: {  	s26 =	simm.s32 $0x0;
	[sflag:s15] =	ssyncadd.s32 $0xFFFFC000  }
0x1f: {  	v0 =	vld [tilespmem:s26+$0x4070]  }
0x20: {  	v1 =	vld [tilespmem:s26+$0x4000]  }
0x21: {  	v2 =	vld [tilespmem:s26+$0x4010]  }
0x22: {  	v10 =	vld [tilespmem:s26+$0x4020]  }
0x23: {  	v8 =	vld [tilespmem:s26+$0x4030]  }
0x24: {  	v9 =	vimm.f32 $0.0e+00;
	v7 =	vimm.f32 $0.0e+00;
	v5 =	vld [tilespmem:s26+$0x4040]  }
0x25: {  	v6 =	vimm.f32 $0.0e+00;
	v3 =	vimm.f32 $0.0e+00;
	v4 =	vld [tilespmem:s26+$0x4050];
	v0 =	vadd.f32 v0, v9  }
0x26: {  	s24 =	simm.s32 $0x80;
	s25 =	simm.s32 $0x400;
	s23 =	sshll.u32 s21, $0x2;
	v12 =	vadd.f32 v1, v9;
	v11 =	vadd.f32 v2, v9;
	v2 =	vld [tilespmem:s26+$0x4060];
	v1 =	vimm.f32 $0.0e+00  }
.LBB2_3:
0x27: {  	p0 =	sne.s32 s25, $0x3E00;
	v13 =	vld [tilespmem:s24+$0x4070];
	v9 =	vadd.f32 v10, v9  }
0x28: {  	v14 =	vld [tilespmem:s24+$0x4000];
	v7 =	vadd.f32 v8, v7  }
0x29: {  	v15 =	vld [tilespmem:s24+$0x4010];
	v6 =	vadd.f32 v5, v6  }
.Ltmp0:
0x2a: {  	v10 =	vld [tilespmem:s24+$0x4020];
	v3 =	vadd.f32 v4, v3;
	(pc) =	sbr.rel @p0 .LBB2_3-.Ltmp0, $4  }
0x2b: {  	v8 =	vld [tilespmem:s24+$0x4030];
	v1 =	vadd.f32 v2, v1  }
0x2c: {  	v5 =	vld [tilespmem:s24+$0x4040];
	v0 =	vadd.f32 v13, v0  }
0x2d: {  	v12 =	vadd.f32 v14, v12;
	v4 =	vld [tilespmem:s24+$0x4050]  }
0x2e: {  	v11 =	vadd.f32 v15, v11;
	v2 =	vld [tilespmem:s24+$0x4060];
	s24 =	sshra.s32 s25, $0x2;
	s25 =	sadd.s32 $0x200, s25  }
0x2f: {  	v13 =	vld [tilespmem:s24+$0x4000];
	_ =	sdelay $0x4  }
0x30: {  	v12 =	vadd.f32 v13, v12;
	_ =	sdelay $0x1  }
0x31: {  	v12 =	vmul.f32 $6.250000000e-02, v12;
	_ =	sdelay $0x1  }
0x32: {  	v12 =	vmul.f32 $1.442695020e+00, v12;
	_ =	sdelay $0x1  }
0x33: {  	(erf) = vpow2.f32 v12;
	_ =	sdelay $0x1  }
0x34: {  	v12 =	vld [tilespmem:s24+$0x4010];
	_ =	sdelay $0x4  }
0x35: {  	v11 =	vadd.f32 v12, v11;
	_ =	sdelay $0x1  }
0x36: {  	v11 =	vmul.f32 $6.250000000e-02, v11;
	v12 =	vpop (erf)  }
0x37: {  	v13 =	vadd.f32 $1.000000000e+00, v12  }
0x38: {  	v11 =	vmul.f32 $1.442695020e+00, v11  }
0x39: {  	(erf) = vrcp.f32 v13  }
0x3a: {  	(erf) = vpow2.f32 v11;
	_ =	sdelay $0x1  }
0x3b: {  	v11 =	vld [tilespmem:s24+$0x4020];
	_ =	sdelay $0x2  }
0x3c: {  	v9 =	vadd.f32 v10, v9;
	_ =	sdelay $0x1  }
0x3d: {  	v9 =	vadd.f32 v11, v9  }
0x3e: {  	v10 =	vpop (erf)  }
0x3f: {  	v9 =	vmul.f32 $6.250000000e-02, v9;
	v11 =	vpop (erf)  }
0x40: {  	v13 =	vadd.f32 $1.000000000e+00, v11  }
0x41: {  	v9 =	vmul.f32 $1.442695020e+00, v9  }
0x42: {  	(erf) = vrcp.f32 v13  }
0x43: {  	(erf) = vpow2.f32 v9;
	_ =	sdelay $0x1  }
0x44: {  	v9 =	vld [tilespmem:s24+$0x4030];
	_ =	sdelay $0x2  }
0x45: {  	v7 =	vadd.f32 v8, v7;
	_ =	sdelay $0x1  }
0x46: {  	v7 =	vadd.f32 v9, v7  }
0x47: {  	v8 =	vpop (erf)  }
0x48: {  	v7 =	vmul.f32 $6.250000000e-02, v7;
	v9 =	vpop (erf)  }
0x49: {  	v13 =	vadd.f32 $1.000000000e+00, v9  }
0x4a: {  	v7 =	vmul.f32 $1.442695020e+00, v7  }
0x4b: {  	(erf) = vrcp.f32 v13  }
0x4c: {  	(erf) = vpow2.f32 v7;
	_ =	sdelay $0x1  }
0x4d: {  	v7 =	vld [tilespmem:s24+$0x4040];
	_ =	sdelay $0x2  }
0x4e: {  	v5 =	vadd.f32 v5, v6;
	_ =	sdelay $0x1  }
0x4f: {  	v5 =	vadd.f32 v7, v5  }
0x50: {  	v6 =	vpop (erf)  }
0x51: {  	v5 =	vmul.f32 $6.250000000e-02, v5;
	v7 =	vpop (erf)  }
0x52: {  	v13 =	vadd.f32 $1.000000000e+00, v7  }
0x53: {  	v5 =	vmul.f32 $1.442695020e+00, v5  }
0x54: {  	(erf) = vrcp.f32 v13  }
0x55: {  	(erf) = vpow2.f32 v5;
	_ =	sdelay $0x1  }
0x56: {  	v5 =	vld [tilespmem:s24+$0x4050];
	_ =	sdelay $0x2  }
0x57: {  	v3 =	vadd.f32 v4, v3;
	_ =	sdelay $0x1  }
0x58: {  	v3 =	vadd.f32 v5, v3  }
0x59: {  	v4 =	vpop (erf)  }
0x5a: {  	v3 =	vmul.f32 $6.250000000e-02, v3;
	v5 =	vpop (erf)  }
0x5b: {  	v13 =	vadd.f32 $1.000000000e+00, v5  }
0x5c: {  	v3 =	vmul.f32 $1.442695020e+00, v3  }
0x5d: {  	(erf) = vrcp.f32 v13  }
0x5e: {  	(erf) = vpow2.f32 v3;
	_ =	sdelay $0x1  }
0x5f: {  	v3 =	vld [tilespmem:s24+$0x4060];
	_ =	sdelay $0x2  }
0x60: {  	v1 =	vadd.f32 v2, v1;
	_ =	sdelay $0x1  }
0x61: {  	v1 =	vadd.f32 v3, v1  }
0x62: {  	v2 =	vpop (erf)  }
0x63: {  	v1 =	vmul.f32 $6.250000000e-02, v1;
	v3 =	vpop (erf)  }
0x64: {  	v13 =	vadd.f32 $1.000000000e+00, v3  }
0x65: {  	v1 =	vmul.f32 $1.442695020e+00, v1  }
0x66: {  	(erf) = vrcp.f32 v13  }
0x67: {  	(erf) = vpow2.f32 v1;
	_ =	sdelay $0x1  }
0x68: {  	v1 =	vld [tilespmem:s24+$0x4070];
	_ =	sdelay $0x4  }
0x69: {  	v0 =	vadd.f32 v1, v0  }
0x6a: {  	v1 =	vpop (erf)  }
0x6b: {  	v0 =	vmul.f32 $6.250000000e-02, v0;
	v13 =	vpop (erf)  }
0x6c: {  	v14 =	vadd.f32 $1.000000000e+00, v13  }
0x6d: {  	v0 =	vmul.f32 $1.442695020e+00, v0  }
0x6e: {  	(erf) = vrcp.f32 v14  }
0x6f: {  	(erf) = vpow2.f32 v0;
	_ =	sdelay $0x7  }
0x70: {  	v0 =	vpop (erf)  }
0x71: {  	v14 =	vpop (erf)  }
0x72: {  	v15 =	vadd.f32 $1.000000000e+00, v14;
	_ =	sdelay $0x1  }
0x73: {  	(erf) = vrcp.f32 v15  }
0x74: {  	v12 =	vadd.f32 $-1.000000000e+00, v12  }
0x75: {  	v11 =	vadd.f32 $-1.000000000e+00, v11;
	s24 =	sshll.u32 s21, $0xB  }
0x76: {  	p0 =	slt.u32 s21, $0x10;
	v10 =	vmul.f32 v10, v12;
	v9 =	vadd.f32 $-1.000000000e+00, v9;
	v5 =	vadd.f32 $-1.000000000e+00, v5;
	s25 =	sadd.s32 $0xFFFF8000, s24  }
0x77: {  	v8 =	vmul.f32 v8, v11;
	v7 =	vadd.f32 $-1.000000000e+00, v7;
	s25 =	smov.u32 @p0 s24  }
0x78: {  	v6 =	vmul.f32 v6, v9;
	v2 =	vmul.f32 v2, v5;
	[tilespmem:s25+$0x14000] =	vst v10  }
0x79: {  	v4 =	vmul.f32 v4, v7;
	v3 =	vadd.f32 $-1.000000000e+00, v3;
	[tilespmem:s25+$0x14010] =	vst v8  }
0x7a: {  	[tilespmem:s25+$0x14020] =	vst v6;
	v5 =	vadd.f32 $-1.000000000e+00, v13  }
0x7b: {  	[tilespmem:s25+$0x14030] =	vst v4;
	v1 =	vmul.f32 v1, v3;
	v3 =	vadd.f32 $-1.000000000e+00, v14  }
0x7c: {  	[tilespmem:s25+$0x14040] =	vst v2;
	v0 =	vmul.f32 v0, v5;
	v2 =	vpop (erf)  }
0x7d: {  	[tilespmem:s25+$0x14050] =	vst v1;
	v1 =	vmul.f32 v2, v3  }
0x7e: {  	[tilespmem:s25+$0x14060] =	vst v0  }
0x7f: {  	s29 =	simm.s32 $0x0;
	[tilespmem:s25+$0x14070] =	vst v1  }
0x80: {  	v0 =	vld [tilespmem:s29+$0x5070]  }
0x81: {  	v1 =	vld [tilespmem:s29+$0x5000]  }
0x82: {  	v2 =	vld [tilespmem:s29+$0x5010]  }
0x83: {  	v10 =	vld [tilespmem:s29+$0x5020]  }
0x84: {  	v8 =	vld [tilespmem:s29+$0x5030]  }
0x85: {  	v9 =	vimm.f32 $0.0e+00;
	v7 =	vimm.f32 $0.0e+00;
	v5 =	vld [tilespmem:s29+$0x5040]  }
0x86: {  	v6 =	vimm.f32 $0.0e+00;
	v3 =	vimm.f32 $0.0e+00;
	v4 =	vld [tilespmem:s29+$0x5050];
	v0 =	vadd.f32 v0, v9  }
0x87: {  	s26 =	simm.s32 $0x80;
	s28 =	simm.s32 $0x400;
	v12 =	vadd.f32 v1, v9;
	v11 =	vadd.f32 v2, v9;
	v2 =	vld [tilespmem:s29+$0x5060];
	v1 =	vimm.f32 $0.0e+00  }
.LBB2_5:
0x88: {  	p1 =	sne.s32 s28, $0x3E00;
	v13 =	vld [tilespmem:s26+$0x5070];
	v9 =	vadd.f32 v10, v9  }
0x89: {  	v14 =	vld [tilespmem:s26+$0x5000];
	v7 =	vadd.f32 v8, v7  }
0x8a: {  	v15 =	vld [tilespmem:s26+$0x5010];
	v6 =	vadd.f32 v5, v6  }
.Ltmp1:
0x8b: {  	v10 =	vld [tilespmem:s26+$0x5020];
	v3 =	vadd.f32 v4, v3;
	(pc) =	sbr.rel @p1 .LBB2_5-.Ltmp1, $4  }
0x8c: {  	v8 =	vld [tilespmem:s26+$0x5030];
	v1 =	vadd.f32 v2, v1  }
0x8d: {  	v5 =	vld [tilespmem:s26+$0x5040];
	v0 =	vadd.f32 v13, v0  }
0x8e: {  	v12 =	vadd.f32 v14, v12;
	v4 =	vld [tilespmem:s26+$0x5050]  }
0x8f: {  	v11 =	vadd.f32 v15, v11;
	v2 =	vld [tilespmem:s26+$0x5060];
	s26 =	sshra.s32 s28, $0x2;
	s28 =	sadd.s32 $0x200, s28  }
0x90: {  	v13 =	vld [tilespmem:s26+$0x5000];
	_ =	sdelay $0x4  }
0x91: {  	v12 =	vadd.f32 v13, v12;
	_ =	sdelay $0x1  }
0x92: {  	v12 =	vmul.f32 $6.250000000e-02, v12;
	_ =	sdelay $0x1  }
0x93: {  	v12 =	vmul.f32 $1.442695020e+00, v12;
	_ =	sdelay $0x1  }
0x94: {  	(erf) = vpow2.f32 v12;
	_ =	sdelay $0x1  }
0x95: {  	v12 =	vld [tilespmem:s26+$0x5010];
	_ =	sdelay $0x4  }
0x96: {  	v11 =	vadd.f32 v12, v11;
	_ =	sdelay $0x1  }
0x97: {  	v11 =	vmul.f32 $6.250000000e-02, v11;
	v12 =	vpop (erf)  }
0x98: {  	v13 =	vadd.f32 $1.000000000e+00, v12  }
0x99: {  	v11 =	vmul.f32 $1.442695020e+00, v11  }
0x9a: {  	(erf) = vrcp.f32 v13  }
0x9b: {  	(erf) = vpow2.f32 v11;
	_ =	sdelay $0x1  }
0x9c: {  	v11 =	vld [tilespmem:s26+$0x5020];
	_ =	sdelay $0x2  }
0x9d: {  	v9 =	vadd.f32 v10, v9;
	_ =	sdelay $0x1  }
0x9e: {  	v9 =	vadd.f32 v11, v9  }
0x9f: {  	v10 =	vpop (erf)  }
0xa0: {  	v9 =	vmul.f32 $6.250000000e-02, v9;
	v11 =	vpop (erf)  }
0xa1: {  	v13 =	vadd.f32 $1.000000000e+00, v11  }
0xa2: {  	v9 =	vmul.f32 $1.442695020e+00, v9  }
0xa3: {  	(erf) = vrcp.f32 v13  }
0xa4: {  	(erf) = vpow2.f32 v9;
	_ =	sdelay $0x1  }
0xa5: {  	v9 =	vld [tilespmem:s26+$0x5030];
	_ =	sdelay $0x2  }
0xa6: {  	v7 =	vadd.f32 v8, v7;
	_ =	sdelay $0x1  }
0xa7: {  	v7 =	vadd.f32 v9, v7  }
0xa8: {  	v8 =	vpop (erf)  }
0xa9: {  	v7 =	vmul.f32 $6.250000000e-02, v7;
	v9 =	vpop (erf)  }
0xaa: {  	v13 =	vadd.f32 $1.000000000e+00, v9  }
0xab: {  	v7 =	vmul.f32 $1.442695020e+00, v7  }
0xac: {  	(erf) = vrcp.f32 v13  }
0xad: {  	(erf) = vpow2.f32 v7;
	_ =	sdelay $0x1  }
0xae: {  	v7 =	vld [tilespmem:s26+$0x5040];
	_ =	sdelay $0x2  }
0xaf: {  	v5 =	vadd.f32 v5, v6;
	_ =	sdelay $0x1  }
0xb0: {  	v5 =	vadd.f32 v7, v5  }
0xb1: {  	v6 =	vpop (erf)  }
0xb2: {  	v5 =	vmul.f32 $6.250000000e-02, v5;
	v7 =	vpop (erf)  }
0xb3: {  	v13 =	vadd.f32 $1.000000000e+00, v7  }
0xb4: {  	v5 =	vmul.f32 $1.442695020e+00, v5  }
0xb5: {  	(erf) = vrcp.f32 v13  }
0xb6: {  	(erf) = vpow2.f32 v5;
	_ =	sdelay $0x1  }
0xb7: {  	v5 =	vld [tilespmem:s26+$0x5050];
	_ =	sdelay $0x2  }
0xb8: {  	v3 =	vadd.f32 v4, v3;
	_ =	sdelay $0x1  }
0xb9: {  	v3 =	vadd.f32 v5, v3  }
0xba: {  	v4 =	vpop (erf)  }
0xbb: {  	v3 =	vmul.f32 $6.250000000e-02, v3;
	v5 =	vpop (erf)  }
0xbc: {  	v13 =	vadd.f32 $1.000000000e+00, v5  }
0xbd: {  	v3 =	vmul.f32 $1.442695020e+00, v3  }
0xbe: {  	(erf) = vrcp.f32 v13  }
0xbf: {  	(erf) = vpow2.f32 v3;
	_ =	sdelay $0x1  }
0xc0: {  	v3 =	vld [tilespmem:s26+$0x5060];
	_ =	sdelay $0x2  }
0xc1: {  	v1 =	vadd.f32 v2, v1;
	_ =	sdelay $0x1  }
0xc2: {  	v1 =	vadd.f32 v3, v1  }
0xc3: {  	v2 =	vpop (erf)  }
0xc4: {  	v1 =	vmul.f32 $6.250000000e-02, v1;
	v3 =	vpop (erf)  }
0xc5: {  	v13 =	vadd.f32 $1.000000000e+00, v3  }
0xc6: {  	v1 =	vmul.f32 $1.442695020e+00, v1  }
0xc7: {  	(erf) = vrcp.f32 v13  }
0xc8: {  	(erf) = vpow2.f32 v1;
	_ =	sdelay $0x1  }
0xc9: {  	v1 =	vld [tilespmem:s26+$0x5070];
	_ =	sdelay $0x4  }
0xca: {  	v0 =	vadd.f32 v1, v0  }
0xcb: {  	v1 =	vpop (erf)  }
0xcc: {  	v0 =	vmul.f32 $6.250000000e-02, v0;
	v13 =	vpop (erf)  }
0xcd: {  	v14 =	vadd.f32 $1.000000000e+00, v13  }
0xce: {  	v0 =	vmul.f32 $1.442695020e+00, v0  }
0xcf: {  	(erf) = vrcp.f32 v14  }
0xd0: {  	(erf) = vpow2.f32 v0;
	_ =	sdelay $0x7  }
0xd1: {  	v0 =	vpop (erf)  }
0xd2: {  	v14 =	vpop (erf)  }
0xd3: {  	v15 =	vadd.f32 $1.000000000e+00, v14;
	_ =	sdelay $0x1  }
0xd4: {  	(erf) = vrcp.f32 v15  }
0xd5: {  	v12 =	vadd.f32 $-1.000000000e+00, v12  }
0xd6: {  	v11 =	vadd.f32 $-1.000000000e+00, v11  }
0xd7: {  	v10 =	vmul.f32 v10, v12;
	v9 =	vadd.f32 $-1.000000000e+00, v9;
	v5 =	vadd.f32 $-1.000000000e+00, v5  }
0xd8: {  	v8 =	vmul.f32 v8, v11;
	v7 =	vadd.f32 $-1.000000000e+00, v7  }
0xd9: {  	v6 =	vmul.f32 v6, v9;
	v2 =	vmul.f32 v2, v5;
	[tilespmem:s25+$0x14080] =	vst v10  }
0xda: {  	v4 =	vmul.f32 v4, v7;
	v3 =	vadd.f32 $-1.000000000e+00, v3;
	[tilespmem:s25+$0x14090] =	vst v8  }
0xdb: {  	[tilespmem:s25+$0x140A0] =	vst v6;
	v5 =	vadd.f32 $-1.000000000e+00, v13  }
0xdc: {  	[tilespmem:s25+$0x140B0] =	vst v4;
	v1 =	vmul.f32 v1, v3;
	v3 =	vadd.f32 $-1.000000000e+00, v14  }
0xdd: {  	[tilespmem:s25+$0x140C0] =	vst v2;
	v0 =	vmul.f32 v0, v5;
	v2 =	vpop (erf)  }
0xde: {  	[tilespmem:s25+$0x140D0] =	vst v1;
	v1 =	vmul.f32 v2, v3  }
0xdf: {  	[tilespmem:s25+$0x140E0] =	vst v0  }
0xe0: {  	s29 =	simm.s32 $0x0;
	[tilespmem:s25+$0x140F0] =	vst v1  }
0xe1: {  	v0 =	vld [tilespmem:s29+$0x6070]  }
0xe2: {  	v1 =	vld [tilespmem:s29+$0x6000]  }
0xe3: {  	v2 =	vld [tilespmem:s29+$0x6010]  }
0xe4: {  	v10 =	vld [tilespmem:s29+$0x6020]  }
0xe5: {  	v8 =	vld [tilespmem:s29+$0x6030]  }
0xe6: {  	v9 =	vimm.f32 $0.0e+00;
	v7 =	vimm.f32 $0.0e+00;
	v5 =	vld [tilespmem:s29+$0x6040]  }
0xe7: {  	v6 =	vimm.f32 $0.0e+00;
	v3 =	vimm.f32 $0.0e+00;
	v4 =	vld [tilespmem:s29+$0x6050];
	v0 =	vadd.f32 v0, v9  }
0xe8: {  	s28 =	simm.s32 $0x400;
	s26 =	simm.s32 $0x80;
	v12 =	vadd.f32 v1, v9;
	v11 =	vadd.f32 v2, v9;
	v2 =	vld [tilespmem:s29+$0x6060];
	v1 =	vimm.f32 $0.0e+00  }
.LBB2_7:
0xe9: {  	p1 =	sne.s32 s28, $0x3E00;
	v13 =	vld [tilespmem:s26+$0x6070];
	v9 =	vadd.f32 v10, v9  }
0xea: {  	v14 =	vld [tilespmem:s26+$0x6000];
	v7 =	vadd.f32 v8, v7  }
0xeb: {  	v15 =	vld [tilespmem:s26+$0x6010];
	v6 =	vadd.f32 v5, v6  }
.Ltmp2:
0xec: {  	v10 =	vld [tilespmem:s26+$0x6020];
	v3 =	vadd.f32 v4, v3;
	(pc) =	sbr.rel @p1 .LBB2_7-.Ltmp2, $4  }
0xed: {  	v8 =	vld [tilespmem:s26+$0x6030];
	v1 =	vadd.f32 v2, v1  }
0xee: {  	v5 =	vld [tilespmem:s26+$0x6040];
	v0 =	vadd.f32 v13, v0  }
0xef: {  	v12 =	vadd.f32 v14, v12;
	v4 =	vld [tilespmem:s26+$0x6050]  }
0xf0: {  	v11 =	vadd.f32 v15, v11;
	v2 =	vld [tilespmem:s26+$0x6060];
	s26 =	sshra.s32 s28, $0x2;
	s28 =	sadd.s32 $0x200, s28  }
0xf1: {  	v13 =	vld [tilespmem:s26+$0x6000];
	_ =	sdelay $0x4  }
0xf2: {  	v12 =	vadd.f32 v13, v12;
	_ =	sdelay $0x1  }
0xf3: {  	v12 =	vmul.f32 $6.250000000e-02, v12;
	_ =	sdelay $0x1  }
0xf4: {  	v12 =	vmul.f32 $1.442695020e+00, v12;
	_ =	sdelay $0x1  }
0xf5: {  	(erf) = vpow2.f32 v12;
	_ =	sdelay $0x1  }
0xf6: {  	v12 =	vld [tilespmem:s26+$0x6010];
	_ =	sdelay $0x4  }
0xf7: {  	v11 =	vadd.f32 v12, v11;
	_ =	sdelay $0x1  }
0xf8: {  	v11 =	vmul.f32 $6.250000000e-02, v11;
	v12 =	vpop (erf)  }
0xf9: {  	v13 =	vadd.f32 $1.000000000e+00, v12  }
0xfa: {  	v11 =	vmul.f32 $1.442695020e+00, v11  }
0xfb: {  	(erf) = vrcp.f32 v13  }
0xfc: {  	(erf) = vpow2.f32 v11;
	_ =	sdelay $0x1  }
0xfd: {  	v11 =	vld [tilespmem:s26+$0x6020];
	_ =	sdelay $0x2  }
0xfe: {  	v9 =	vadd.f32 v10, v9;
	_ =	sdelay $0x1  }
0xff: {  	v9 =	vadd.f32 v11, v9  }
0x100: {  	v10 =	vpop (erf)  }
0x101: {  	v9 =	vmul.f32 $6.250000000e-02, v9;
	v11 =	vpop (erf)  }
0x102: {  	v13 =	vadd.f32 $1.000000000e+00, v11  }
0x103: {  	v9 =	vmul.f32 $1.442695020e+00, v9  }
0x104: {  	(erf) = vrcp.f32 v13  }
0x105: {  	(erf) = vpow2.f32 v9;
	_ =	sdelay $0x1  }
0x106: {  	v9 =	vld [tilespmem:s26+$0x6030];
	_ =	sdelay $0x2  }
0x107: {  	v7 =	vadd.f32 v8, v7;
	_ =	sdelay $0x1  }
0x108: {  	v7 =	vadd.f32 v9, v7  }
0x109: {  	v8 =	vpop (erf)  }
0x10a: {  	v7 =	vmul.f32 $6.250000000e-02, v7;
	v9 =	vpop (erf)  }
0x10b: {  	v13 =	vadd.f32 $1.000000000e+00, v9  }
0x10c: {  	v7 =	vmul.f32 $1.442695020e+00, v7  }
0x10d: {  	(erf) = vrcp.f32 v13  }
0x10e: {  	(erf) = vpow2.f32 v7;
	_ =	sdelay $0x1  }
0x10f: {  	v7 =	vld [tilespmem:s26+$0x6040];
	_ =	sdelay $0x2  }
0x110: {  	v5 =	vadd.f32 v5, v6;
	_ =	sdelay $0x1  }
0x111: {  	v5 =	vadd.f32 v7, v5  }
0x112: {  	v6 =	vpop (erf)  }
0x113: {  	v5 =	vmul.f32 $6.250000000e-02, v5;
	v7 =	vpop (erf)  }
0x114: {  	v13 =	vadd.f32 $1.000000000e+00, v7  }
0x115: {  	v5 =	vmul.f32 $1.442695020e+00, v5  }
0x116: {  	(erf) = vrcp.f32 v13  }
0x117: {  	(erf) = vpow2.f32 v5;
	_ =	sdelay $0x1  }
0x118: {  	v5 =	vld [tilespmem:s26+$0x6050];
	_ =	sdelay $0x2  }
0x119: {  	v3 =	vadd.f32 v4, v3;
	_ =	sdelay $0x1  }
0x11a: {  	v3 =	vadd.f32 v5, v3  }
0x11b: {  	v4 =	vpop (erf)  }
0x11c: {  	v3 =	vmul.f32 $6.250000000e-02, v3;
	v5 =	vpop (erf)  }
0x11d: {  	v13 =	vadd.f32 $1.000000000e+00, v5  }
0x11e: {  	v3 =	vmul.f32 $1.442695020e+00, v3  }
0x11f: {  	(erf) = vrcp.f32 v13  }
0x120: {  	(erf) = vpow2.f32 v3;
	_ =	sdelay $0x1  }
0x121: {  	v3 =	vld [tilespmem:s26+$0x6060];
	_ =	sdelay $0x2  }
0x122: {  	v1 =	vadd.f32 v2, v1;
	_ =	sdelay $0x1  }
0x123: {  	v1 =	vadd.f32 v3, v1  }
0x124: {  	v2 =	vpop (erf)  }
0x125: {  	v1 =	vmul.f32 $6.250000000e-02, v1;
	v3 =	vpop (erf)  }
0x126: {  	v13 =	vadd.f32 $1.000000000e+00, v3  }
0x127: {  	v1 =	vmul.f32 $1.442695020e+00, v1  }
0x128: {  	(erf) = vrcp.f32 v13  }
0x129: {  	(erf) = vpow2.f32 v1;
	_ =	sdelay $0x1  }
0x12a: {  	v1 =	vld [tilespmem:s26+$0x6070];
	_ =	sdelay $0x4  }
0x12b: {  	v0 =	vadd.f32 v1, v0  }
0x12c: {  	v1 =	vpop (erf)  }
0x12d: {  	v0 =	vmul.f32 $6.250000000e-02, v0;
	v13 =	vpop (erf)  }
0x12e: {  	v14 =	vadd.f32 $1.000000000e+00, v13  }
0x12f: {  	v0 =	vmul.f32 $1.442695020e+00, v0  }
0x130: {  	(erf) = vrcp.f32 v14  }
0x131: {  	(erf) = vpow2.f32 v0;
	_ =	sdelay $0x7  }
0x132: {  	v0 =	vpop (erf)  }
0x133: {  	v14 =	vpop (erf)  }
0x134: {  	v15 =	vadd.f32 $1.000000000e+00, v14;
	_ =	sdelay $0x1  }
0x135: {  	(erf) = vrcp.f32 v15  }
0x136: {  	v12 =	vadd.f32 $-1.000000000e+00, v12  }
0x137: {  	v11 =	vadd.f32 $-1.000000000e+00, v11  }
0x138: {  	v10 =	vmul.f32 v10, v12;
	v9 =	vadd.f32 $-1.000000000e+00, v9;
	v5 =	vadd.f32 $-1.000000000e+00, v5  }
0x139: {  	v8 =	vmul.f32 v8, v11;
	v7 =	vadd.f32 $-1.000000000e+00, v7  }
0x13a: {  	v6 =	vmul.f32 v6, v9;
	v2 =	vmul.f32 v2, v5;
	[tilespmem:s25+$0x14100] =	vst v10  }
0x13b: {  	v4 =	vmul.f32 v4, v7;
	v3 =	vadd.f32 $-1.000000000e+00, v3;
	[tilespmem:s25+$0x14110] =	vst v8  }
0x13c: {  	[tilespmem:s25+$0x14120] =	vst v6;
	v5 =	vadd.f32 $-1.000000000e+00, v13  }
0x13d: {  	[tilespmem:s25+$0x14130] =	vst v4;
	v1 =	vmul.f32 v1, v3;
	v3 =	vadd.f32 $-1.000000000e+00, v14  }
0x13e: {  	[tilespmem:s25+$0x14140] =	vst v2;
	v0 =	vmul.f32 v0, v5;
	v2 =	vpop (erf)  }
0x13f: {  	[tilespmem:s25+$0x14150] =	vst v1;
	v1 =	vmul.f32 v2, v3  }
0x140: {  	[tilespmem:s25+$0x14160] =	vst v0  }
0x141: {  	s29 =	simm.s32 $0x0;
	[tilespmem:s25+$0x14170] =	vst v1  }
0x142: {  	v0 =	vld [tilespmem:s29+$0x7070]  }
0x143: {  	v1 =	vld [tilespmem:s29+$0x7000]  }
0x144: {  	v2 =	vld [tilespmem:s29+$0x7010]  }
0x145: {  	v10 =	vld [tilespmem:s29+$0x7020]  }
0x146: {  	v8 =	vld [tilespmem:s29+$0x7030]  }
0x147: {  	v9 =	vimm.f32 $0.0e+00;
	v7 =	vimm.f32 $0.0e+00;
	v5 =	vld [tilespmem:s29+$0x7040]  }
0x148: {  	v6 =	vimm.f32 $0.0e+00;
	v3 =	vimm.f32 $0.0e+00;
	v4 =	vld [tilespmem:s29+$0x7050];
	v0 =	vadd.f32 v0, v9  }
0x149: {  	s28 =	simm.s32 $0x400;
	s26 =	simm.s32 $0x80;
	v12 =	vadd.f32 v1, v9;
	v11 =	vadd.f32 v2, v9;
	v2 =	vld [tilespmem:s29+$0x7060];
	v1 =	vimm.f32 $0.0e+00  }
.LBB2_9:
0x14a: {  	p1 =	sne.s32 s28, $0x3E00;
	v13 =	vld [tilespmem:s26+$0x7070];
	v9 =	vadd.f32 v10, v9  }
0x14b: {  	v14 =	vld [tilespmem:s26+$0x7000];
	v7 =	vadd.f32 v8, v7  }
0x14c: {  	v15 =	vld [tilespmem:s26+$0x7010];
	v6 =	vadd.f32 v5, v6  }
.Ltmp3:
0x14d: {  	v10 =	vld [tilespmem:s26+$0x7020];
	v3 =	vadd.f32 v4, v3;
	(pc) =	sbr.rel @p1 .LBB2_9-.Ltmp3, $4  }
0x14e: {  	v8 =	vld [tilespmem:s26+$0x7030];
	v1 =	vadd.f32 v2, v1  }
0x14f: {  	v5 =	vld [tilespmem:s26+$0x7040];
	v0 =	vadd.f32 v13, v0  }
0x150: {  	v12 =	vadd.f32 v14, v12;
	v4 =	vld [tilespmem:s26+$0x7050]  }
0x151: {  	v11 =	vadd.f32 v15, v11;
	v2 =	vld [tilespmem:s26+$0x7060];
	s26 =	sshra.s32 s28, $0x2;
	s28 =	sadd.s32 $0x200, s28  }
0x152: {  	v13 =	vld [tilespmem:s26+$0x7000];
	_ =	sdelay $0x4  }
0x153: {  	v12 =	vadd.f32 v13, v12;
	_ =	sdelay $0x1  }
0x154: {  	v12 =	vmul.f32 $6.250000000e-02, v12;
	_ =	sdelay $0x1  }
0x155: {  	v12 =	vmul.f32 $1.442695020e+00, v12;
	_ =	sdelay $0x1  }
0x156: {  	(erf) = vpow2.f32 v12;
	_ =	sdelay $0x1  }
0x157: {  	v12 =	vld [tilespmem:s26+$0x7010];
	_ =	sdelay $0x4  }
0x158: {  	v11 =	vadd.f32 v12, v11;
	_ =	sdelay $0x1  }
0x159: {  	v11 =	vmul.f32 $6.250000000e-02, v11;
	v12 =	vpop (erf)  }
0x15a: {  	v13 =	vadd.f32 $1.000000000e+00, v12  }
0x15b: {  	v11 =	vmul.f32 $1.442695020e+00, v11  }
0x15c: {  	(erf) = vrcp.f32 v13  }
0x15d: {  	(erf) = vpow2.f32 v11;
	_ =	sdelay $0x1  }
0x15e: {  	v11 =	vld [tilespmem:s26+$0x7020];
	_ =	sdelay $0x2  }
0x15f: {  	v9 =	vadd.f32 v10, v9;
	_ =	sdelay $0x1  }
0x160: {  	v9 =	vadd.f32 v11, v9  }
0x161: {  	v10 =	vpop (erf)  }
0x162: {  	v9 =	vmul.f32 $6.250000000e-02, v9;
	v11 =	vpop (erf)  }
0x163: {  	v13 =	vadd.f32 $1.000000000e+00, v11  }
0x164: {  	v9 =	vmul.f32 $1.442695020e+00, v9  }
0x165: {  	(erf) = vrcp.f32 v13  }
0x166: {  	(erf) = vpow2.f32 v9;
	_ =	sdelay $0x1  }
0x167: {  	v9 =	vld [tilespmem:s26+$0x7030];
	_ =	sdelay $0x2  }
0x168: {  	v7 =	vadd.f32 v8, v7;
	_ =	sdelay $0x1  }
0x169: {  	v7 =	vadd.f32 v9, v7  }
0x16a: {  	v8 =	vpop (erf)  }
0x16b: {  	v7 =	vmul.f32 $6.250000000e-02, v7;
	v9 =	vpop (erf)  }
0x16c: {  	v13 =	vadd.f32 $1.000000000e+00, v9  }
0x16d: {  	v7 =	vmul.f32 $1.442695020e+00, v7  }
0x16e: {  	(erf) = vrcp.f32 v13  }
0x16f: {  	(erf) = vpow2.f32 v7;
	_ =	sdelay $0x1  }
0x170: {  	v7 =	vld [tilespmem:s26+$0x7040];
	_ =	sdelay $0x2  }
0x171: {  	v5 =	vadd.f32 v5, v6;
	_ =	sdelay $0x1  }
0x172: {  	v5 =	vadd.f32 v7, v5  }
0x173: {  	v6 =	vpop (erf)  }
0x174: {  	v5 =	vmul.f32 $6.250000000e-02, v5;
	v7 =	vpop (erf)  }
0x175: {  	v13 =	vadd.f32 $1.000000000e+00, v7  }
0x176: {  	v5 =	vmul.f32 $1.442695020e+00, v5  }
0x177: {  	(erf) = vrcp.f32 v13  }
0x178: {  	(erf) = vpow2.f32 v5;
	_ =	sdelay $0x1  }
0x179: {  	v5 =	vld [tilespmem:s26+$0x7050];
	_ =	sdelay $0x2  }
0x17a: {  	v3 =	vadd.f32 v4, v3;
	_ =	sdelay $0x1  }
0x17b: {  	v3 =	vadd.f32 v5, v3  }
0x17c: {  	v4 =	vpop (erf)  }
0x17d: {  	v3 =	vmul.f32 $6.250000000e-02, v3;
	v5 =	vpop (erf)  }
0x17e: {  	v13 =	vadd.f32 $1.000000000e+00, v5  }
0x17f: {  	v3 =	vmul.f32 $1.442695020e+00, v3  }
0x180: {  	(erf) = vrcp.f32 v13  }
0x181: {  	(erf) = vpow2.f32 v3;
	_ =	sdelay $0x1  }
0x182: {  	v3 =	vld [tilespmem:s26+$0x7060];
	_ =	sdelay $0x2  }
0x183: {  	v1 =	vadd.f32 v2, v1;
	_ =	sdelay $0x1  }
0x184: {  	v1 =	vadd.f32 v3, v1  }
0x185: {  	v2 =	vpop (erf)  }
0x186: {  	v1 =	vmul.f32 $6.250000000e-02, v1;
	v3 =	vpop (erf)  }
0x187: {  	v13 =	vadd.f32 $1.000000000e+00, v3  }
0x188: {  	v1 =	vmul.f32 $1.442695020e+00, v1  }
0x189: {  	(erf) = vrcp.f32 v13  }
0x18a: {  	(erf) = vpow2.f32 v1;
	_ =	sdelay $0x1  }
0x18b: {  	v1 =	vld [tilespmem:s26+$0x7070];
	_ =	sdelay $0x4  }
0x18c: {  	v0 =	vadd.f32 v1, v0  }
0x18d: {  	v1 =	vpop (erf)  }
0x18e: {  	v0 =	vmul.f32 $6.250000000e-02, v0;
	v13 =	vpop (erf)  }
0x18f: {  	v14 =	vadd.f32 $1.000000000e+00, v13  }
0x190: {  	v0 =	vmul.f32 $1.442695020e+00, v0  }
0x191: {  	(erf) = vrcp.f32 v14  }
0x192: {  	(erf) = vpow2.f32 v0;
	_ =	sdelay $0x7  }
0x193: {  	v0 =	vpop (erf)  }
0x194: {  	v14 =	vpop (erf)  }
0x195: {  	v15 =	vadd.f32 $1.000000000e+00, v14;
	_ =	sdelay $0x1  }
0x196: {  	(erf) = vrcp.f32 v15  }
0x197: {  	v12 =	vadd.f32 $-1.000000000e+00, v12  }
0x198: {  	v11 =	vadd.f32 $-1.000000000e+00, v11  }
0x199: {  	v10 =	vmul.f32 v10, v12;
	v9 =	vadd.f32 $-1.000000000e+00, v9;
	v5 =	vadd.f32 $-1.000000000e+00, v5  }
0x19a: {  	v8 =	vmul.f32 v8, v11;
	v7 =	vadd.f32 $-1.000000000e+00, v7  }
0x19b: {  	v6 =	vmul.f32 v6, v9;
	v2 =	vmul.f32 v2, v5;
	[tilespmem:s25+$0x14180] =	vst v10  }
0x19c: {  	v4 =	vmul.f32 v4, v7;
	v3 =	vadd.f32 $-1.000000000e+00, v3;
	[tilespmem:s25+$0x14190] =	vst v8  }
0x19d: {  	[tilespmem:s25+$0x141A0] =	vst v6;
	v5 =	vadd.f32 $-1.000000000e+00, v13  }
0x19e: {  	[tilespmem:s25+$0x141B0] =	vst v4;
	v1 =	vmul.f32 v1, v3;
	v3 =	vadd.f32 $-1.000000000e+00, v14  }
0x19f: {  	[tilespmem:s25+$0x141C0] =	vst v2;
	v0 =	vmul.f32 v0, v5;
	v2 =	vpop (erf)  }
0x1a0: {  	p1 =	seq.s32 s21, $0x1F;
	[tilespmem:s25+$0x141D0] =	vst v1;
	v1 =	vmul.f32 v2, v3  }
0x1a1: {  	s24 =	sshrl.u32 @!p1 s24, $0x2;
	[tilespmem:s25+$0x141E0] =	vst v0  }
0x1a2: {  	s28 =	simm.s32 @!p1 $0x4000;
	s26 =	simm.s32 @!p1 $0x80;
	[tilespmem:s25+$0x141F0] =	vst v1;
	s25 =	sadd.s32 @!p1 $0x200, s24  }
0x1a3: {  	[tilespmem:s28], [sflag:$0x1] =	stream.indirect.gather @!p1 [hbm4b:s2+s26], $0x80, s25, s26, $0xb8;
	[tilespmem:$0x1C000] =	vst v63  }
0x1a4: {  	_ =	swait.ge [sflag:s16], $0x4000  }
0x1a5: {  	[sflag:s16] =	ssyncset.done $0x0  }
0x1a6: {  	s29 =	simm.s32 $0x0;
	[sflag:s16] =	ssyncadd.s32 $0xFFFFC000  }
0x1a7: {  	v0 =	vld [tilespmem:s29+$0x8070]  }
0x1a8: {  	v1 =	vld [tilespmem:s29+$0x8000]  }
0x1a9: {  	v2 =	vld [tilespmem:s29+$0x8010]  }
0x1aa: {  	v10 =	vld [tilespmem:s29+$0x8020]  }
0x1ab: {  	v8 =	vld [tilespmem:s29+$0x8030]  }
0x1ac: {  	v9 =	vimm.f32 $0.0e+00;
	v7 =	vimm.f32 $0.0e+00;
	v5 =	vld [tilespmem:s29+$0x8040]  }
0x1ad: {  	v6 =	vimm.f32 $0.0e+00;
	v3 =	vimm.f32 $0.0e+00;
	v4 =	vld [tilespmem:s29+$0x8050];
	v0 =	vadd.f32 v0, v9  }
0x1ae: {  	s25 =	sor.u32 $0x1, s23;
	s26 =	simm.s32 $0x80;
	s28 =	simm.s32 $0x400;
	v12 =	vadd.f32 v1, v9;
	v11 =	vadd.f32 v2, v9;
	v2 =	vld [tilespmem:s29+$0x8060];
	v1 =	vimm.f32 $0.0e+00  }
.LBB2_11:
0x1af: {  	p2 =	sne.s32 s28, $0x3E00;
	v13 =	vld [tilespmem:s26+$0x8070];
	v9 =	vadd.f32 v10, v9  }
0x1b0: {  	v14 =	vld [tilespmem:s26+$0x8000];
	v7 =	vadd.f32 v8, v7  }
0x1b1: {  	v15 =	vld [tilespmem:s26+$0x8010];
	v6 =	vadd.f32 v5, v6  }
.Ltmp4:
0x1b2: {  	v10 =	vld [tilespmem:s26+$0x8020];
	v3 =	vadd.f32 v4, v3;
	(pc) =	sbr.rel @p2 .LBB2_11-.Ltmp4, $4  }
0x1b3: {  	v8 =	vld [tilespmem:s26+$0x8030];
	v1 =	vadd.f32 v2, v1  }
0x1b4: {  	v5 =	vld [tilespmem:s26+$0x8040];
	v0 =	vadd.f32 v13, v0  }
0x1b5: {  	v12 =	vadd.f32 v14, v12;
	v4 =	vld [tilespmem:s26+$0x8050]  }
0x1b6: {  	v11 =	vadd.f32 v15, v11;
	v2 =	vld [tilespmem:s26+$0x8060];
	s26 =	sshra.s32 s28, $0x2;
	s28 =	sadd.s32 $0x200, s28  }
0x1b7: {  	v13 =	vld [tilespmem:s26+$0x8000];
	_ =	sdelay $0x4  }
0x1b8: {  	v12 =	vadd.f32 v13, v12;
	_ =	sdelay $0x1  }
0x1b9: {  	v12 =	vmul.f32 $6.250000000e-02, v12;
	_ =	sdelay $0x1  }
0x1ba: {  	v12 =	vmul.f32 $1.442695020e+00, v12;
	_ =	sdelay $0x1  }
0x1bb: {  	(erf) = vpow2.f32 v12;
	_ =	sdelay $0x1  }
0x1bc: {  	v12 =	vld [tilespmem:s26+$0x8010];
	_ =	sdelay $0x4  }
0x1bd: {  	v11 =	vadd.f32 v12, v11;
	_ =	sdelay $0x1  }
0x1be: {  	v11 =	vmul.f32 $6.250000000e-02, v11;
	v12 =	vpop (erf)  }
0x1bf: {  	v13 =	vadd.f32 $1.000000000e+00, v12  }
0x1c0: {  	v11 =	vmul.f32 $1.442695020e+00, v11  }
0x1c1: {  	(erf) = vrcp.f32 v13  }
0x1c2: {  	(erf) = vpow2.f32 v11;
	_ =	sdelay $0x1  }
0x1c3: {  	v11 =	vld [tilespmem:s26+$0x8020];
	_ =	sdelay $0x2  }
0x1c4: {  	v9 =	vadd.f32 v10, v9;
	_ =	sdelay $0x1  }
0x1c5: {  	v9 =	vadd.f32 v11, v9  }
0x1c6: {  	v10 =	vpop (erf)  }
0x1c7: {  	v9 =	vmul.f32 $6.250000000e-02, v9;
	v11 =	vpop (erf)  }
0x1c8: {  	v13 =	vadd.f32 $1.000000000e+00, v11  }
0x1c9: {  	v9 =	vmul.f32 $1.442695020e+00, v9  }
0x1ca: {  	(erf) = vrcp.f32 v13  }
0x1cb: {  	(erf) = vpow2.f32 v9;
	_ =	sdelay $0x1  }
0x1cc: {  	v9 =	vld [tilespmem:s26+$0x8030];
	_ =	sdelay $0x2  }
0x1cd: {  	v7 =	vadd.f32 v8, v7;
	_ =	sdelay $0x1  }
0x1ce: {  	v7 =	vadd.f32 v9, v7  }
0x1cf: {  	v8 =	vpop (erf)  }
0x1d0: {  	v7 =	vmul.f32 $6.250000000e-02, v7;
	v9 =	vpop (erf)  }
0x1d1: {  	v13 =	vadd.f32 $1.000000000e+00, v9  }
0x1d2: {  	v7 =	vmul.f32 $1.442695020e+00, v7  }
0x1d3: {  	(erf) = vrcp.f32 v13  }
0x1d4: {  	(erf) = vpow2.f32 v7;
	_ =	sdelay $0x1  }
0x1d5: {  	v7 =	vld [tilespmem:s26+$0x8040];
	_ =	sdelay $0x2  }
0x1d6: {  	v5 =	vadd.f32 v5, v6;
	_ =	sdelay $0x1  }
0x1d7: {  	v5 =	vadd.f32 v7, v5  }
0x1d8: {  	v6 =	vpop (erf)  }
0x1d9: {  	v5 =	vmul.f32 $6.250000000e-02, v5;
	v7 =	vpop (erf)  }
0x1da: {  	v13 =	vadd.f32 $1.000000000e+00, v7  }
0x1db: {  	v5 =	vmul.f32 $1.442695020e+00, v5  }
0x1dc: {  	(erf) = vrcp.f32 v13  }
0x1dd: {  	(erf) = vpow2.f32 v5;
	_ =	sdelay $0x1  }
0x1de: {  	v5 =	vld [tilespmem:s26+$0x8050];
	_ =	sdelay $0x2  }
0x1df: {  	v3 =	vadd.f32 v4, v3;
	_ =	sdelay $0x1  }
0x1e0: {  	v3 =	vadd.f32 v5, v3  }
0x1e1: {  	v4 =	vpop (erf)  }
0x1e2: {  	v3 =	vmul.f32 $6.250000000e-02, v3;
	v5 =	vpop (erf)  }
0x1e3: {  	v13 =	vadd.f32 $1.000000000e+00, v5  }
0x1e4: {  	v3 =	vmul.f32 $1.442695020e+00, v3  }
0x1e5: {  	(erf) = vrcp.f32 v13  }
0x1e6: {  	(erf) = vpow2.f32 v3;
	_ =	sdelay $0x1  }
0x1e7: {  	v3 =	vld [tilespmem:s26+$0x8060];
	_ =	sdelay $0x2  }
0x1e8: {  	v1 =	vadd.f32 v2, v1;
	_ =	sdelay $0x1  }
0x1e9: {  	v1 =	vadd.f32 v3, v1  }
0x1ea: {  	v2 =	vpop (erf)  }
0x1eb: {  	v1 =	vmul.f32 $6.250000000e-02, v1;
	v3 =	vpop (erf)  }
0x1ec: {  	v13 =	vadd.f32 $1.000000000e+00, v3  }
0x1ed: {  	v1 =	vmul.f32 $1.442695020e+00, v1  }
0x1ee: {  	(erf) = vrcp.f32 v13  }
0x1ef: {  	(erf) = vpow2.f32 v1;
	_ =	sdelay $0x1  }
0x1f0: {  	v1 =	vld [tilespmem:s26+$0x8070];
	_ =	sdelay $0x4  }
0x1f1: {  	v0 =	vadd.f32 v1, v0  }
0x1f2: {  	v1 =	vpop (erf)  }
0x1f3: {  	v0 =	vmul.f32 $6.250000000e-02, v0;
	v13 =	vpop (erf)  }
0x1f4: {  	v14 =	vadd.f32 $1.000000000e+00, v13  }
0x1f5: {  	v0 =	vmul.f32 $1.442695020e+00, v0  }
0x1f6: {  	(erf) = vrcp.f32 v14  }
0x1f7: {  	(erf) = vpow2.f32 v0;
	_ =	sdelay $0x7  }
0x1f8: {  	v0 =	vpop (erf)  }
0x1f9: {  	v14 =	vpop (erf)  }
0x1fa: {  	v15 =	vadd.f32 $1.000000000e+00, v14;
	_ =	sdelay $0x1  }
0x1fb: {  	(erf) = vrcp.f32 v15  }
0x1fc: {  	v12 =	vadd.f32 $-1.000000000e+00, v12;
	s26 =	sadd.s32 $0x1FFFC1, s23  }
0x1fd: {  	v11 =	vadd.f32 $-1.000000000e+00, v11;
	s26 =	smov.u32 @p0 s25  }
0x1fe: {  	v10 =	vmul.f32 v10, v12;
	v9 =	vadd.f32 $-1.000000000e+00, v9;
	v5 =	vadd.f32 $-1.000000000e+00, v5;
	s25 =	sshll.u32 s26, $0xB  }
0x1ff: {  	v8 =	vmul.f32 v8, v11;
	v7 =	vadd.f32 $-1.000000000e+00, v7;
	s25 =	sshra.s32 s25, $0x2  }
0x200: {  	v6 =	vmul.f32 v6, v9;
	v2 =	vmul.f32 v2, v5;
	[tilespmem:s25+$0x14000] =	vst v10  }
0x201: {  	v4 =	vmul.f32 v4, v7;
	v3 =	vadd.f32 $-1.000000000e+00, v3;
	[tilespmem:s25+$0x14010] =	vst v8  }
0x202: {  	[tilespmem:s25+$0x14020] =	vst v6;
	v5 =	vadd.f32 $-1.000000000e+00, v13  }
0x203: {  	[tilespmem:s25+$0x14030] =	vst v4;
	v1 =	vmul.f32 v1, v3;
	v3 =	vadd.f32 $-1.000000000e+00, v14  }
0x204: {  	[tilespmem:s25+$0x14040] =	vst v2;
	v0 =	vmul.f32 v0, v5;
	v2 =	vpop (erf)  }
0x205: {  	[tilespmem:s25+$0x14050] =	vst v1;
	v1 =	vmul.f32 v2, v3  }
0x206: {  	[tilespmem:s25+$0x14060] =	vst v0  }
0x207: {  	s29 =	simm.s32 $0x0;
	[tilespmem:s25+$0x14070] =	vst v1  }
0x208: {  	v0 =	vld [tilespmem:s29+$0x9070]  }
0x209: {  	v1 =	vld [tilespmem:s29+$0x9000]  }
0x20a: {  	v2 =	vld [tilespmem:s29+$0x9010]  }
0x20b: {  	v10 =	vld [tilespmem:s29+$0x9020]  }
0x20c: {  	v8 =	vld [tilespmem:s29+$0x9030]  }
0x20d: {  	v9 =	vimm.f32 $0.0e+00;
	v7 =	vimm.f32 $0.0e+00;
	v5 =	vld [tilespmem:s29+$0x9040]  }
0x20e: {  	v6 =	vimm.f32 $0.0e+00;
	v3 =	vimm.f32 $0.0e+00;
	v4 =	vld [tilespmem:s29+$0x9050];
	v0 =	vadd.f32 v0, v9  }
0x20f: {  	s28 =	simm.s32 $0x400;
	s26 =	simm.s32 $0x80;
	v12 =	vadd.f32 v1, v9;
	v11 =	vadd.f32 v2, v9;
	v2 =	vld [tilespmem:s29+$0x9060];
	v1 =	vimm.f32 $0.0e+00  }
.LBB2_13:
0x210: {  	p2 =	sne.s32 s28, $0x3E00;
	v13 =	vld [tilespmem:s26+$0x9070];
	v9 =	vadd.f32 v10, v9  }
0x211: {  	v14 =	vld [tilespmem:s26+$0x9000];
	v7 =	vadd.f32 v8, v7  }
0x212: {  	v15 =	vld [tilespmem:s26+$0x9010];
	v6 =	vadd.f32 v5, v6  }
.Ltmp5:
0x213: {  	v10 =	vld [tilespmem:s26+$0x9020];
	v3 =	vadd.f32 v4, v3;
	(pc) =	sbr.rel @p2 .LBB2_13-.Ltmp5, $4  }
0x214: {  	v8 =	vld [tilespmem:s26+$0x9030];
	v1 =	vadd.f32 v2, v1  }
0x215: {  	v5 =	vld [tilespmem:s26+$0x9040];
	v0 =	vadd.f32 v13, v0  }
0x216: {  	v12 =	vadd.f32 v14, v12;
	v4 =	vld [tilespmem:s26+$0x9050]  }
0x217: {  	v11 =	vadd.f32 v15, v11;
	v2 =	vld [tilespmem:s26+$0x9060];
	s26 =	sshra.s32 s28, $0x2;
	s28 =	sadd.s32 $0x200, s28  }
0x218: {  	v13 =	vld [tilespmem:s26+$0x9000];
	_ =	sdelay $0x4  }
0x219: {  	v12 =	vadd.f32 v13, v12;
	_ =	sdelay $0x1  }
0x21a: {  	v12 =	vmul.f32 $6.250000000e-02, v12;
	_ =	sdelay $0x1  }
0x21b: {  	v12 =	vmul.f32 $1.442695020e+00, v12;
	_ =	sdelay $0x1  }
0x21c: {  	(erf) = vpow2.f32 v12;
	_ =	sdelay $0x1  }
0x21d: {  	v12 =	vld [tilespmem:s26+$0x9010];
	_ =	sdelay $0x4  }
0x21e: {  	v11 =	vadd.f32 v12, v11;
	_ =	sdelay $0x1  }
0x21f: {  	v11 =	vmul.f32 $6.250000000e-02, v11;
	v12 =	vpop (erf)  }
0x220: {  	v13 =	vadd.f32 $1.000000000e+00, v12  }
0x221: {  	v11 =	vmul.f32 $1.442695020e+00, v11  }
0x222: {  	(erf) = vrcp.f32 v13  }
0x223: {  	(erf) = vpow2.f32 v11;
	_ =	sdelay $0x1  }
0x224: {  	v11 =	vld [tilespmem:s26+$0x9020];
	_ =	sdelay $0x2  }
0x225: {  	v9 =	vadd.f32 v10, v9;
	_ =	sdelay $0x1  }
0x226: {  	v9 =	vadd.f32 v11, v9  }
0x227: {  	v10 =	vpop (erf)  }
0x228: {  	v9 =	vmul.f32 $6.250000000e-02, v9;
	v11 =	vpop (erf)  }
0x229: {  	v13 =	vadd.f32 $1.000000000e+00, v11  }
0x22a: {  	v9 =	vmul.f32 $1.442695020e+00, v9  }
0x22b: {  	(erf) = vrcp.f32 v13  }
0x22c: {  	(erf) = vpow2.f32 v9;
	_ =	sdelay $0x1  }
0x22d: {  	v9 =	vld [tilespmem:s26+$0x9030];
	_ =	sdelay $0x2  }
0x22e: {  	v7 =	vadd.f32 v8, v7;
	_ =	sdelay $0x1  }
0x22f: {  	v7 =	vadd.f32 v9, v7  }
0x230: {  	v8 =	vpop (erf)  }
0x231: {  	v7 =	vmul.f32 $6.250000000e-02, v7;
	v9 =	vpop (erf)  }
0x232: {  	v13 =	vadd.f32 $1.000000000e+00, v9  }
0x233: {  	v7 =	vmul.f32 $1.442695020e+00, v7  }
0x234: {  	(erf) = vrcp.f32 v13  }
0x235: {  	(erf) = vpow2.f32 v7;
	_ =	sdelay $0x1  }
0x236: {  	v7 =	vld [tilespmem:s26+$0x9040];
	_ =	sdelay $0x2  }
0x237: {  	v5 =	vadd.f32 v5, v6;
	_ =	sdelay $0x1  }
0x238: {  	v5 =	vadd.f32 v7, v5  }
0x239: {  	v6 =	vpop (erf)  }
0x23a: {  	v5 =	vmul.f32 $6.250000000e-02, v5;
	v7 =	vpop (erf)  }
0x23b: {  	v13 =	vadd.f32 $1.000000000e+00, v7  }
0x23c: {  	v5 =	vmul.f32 $1.442695020e+00, v5  }
0x23d: {  	(erf) = vrcp.f32 v13  }
0x23e: {  	(erf) = vpow2.f32 v5;
	_ =	sdelay $0x1  }
0x23f: {  	v5 =	vld [tilespmem:s26+$0x9050];
	_ =	sdelay $0x2  }
0x240: {  	v3 =	vadd.f32 v4, v3;
	_ =	sdelay $0x1  }
0x241: {  	v3 =	vadd.f32 v5, v3  }
0x242: {  	v4 =	vpop (erf)  }
0x243: {  	v3 =	vmul.f32 $6.250000000e-02, v3;
	v5 =	vpop (erf)  }
0x244: {  	v13 =	vadd.f32 $1.000000000e+00, v5  }
0x245: {  	v3 =	vmul.f32 $1.442695020e+00, v3  }
0x246: {  	(erf) = vrcp.f32 v13  }
0x247: {  	(erf) = vpow2.f32 v3;
	_ =	sdelay $0x1  }
0x248: {  	v3 =	vld [tilespmem:s26+$0x9060];
	_ =	sdelay $0x2  }
0x249: {  	v1 =	vadd.f32 v2, v1;
	_ =	sdelay $0x1  }
0x24a: {  	v1 =	vadd.f32 v3, v1  }
0x24b: {  	v2 =	vpop (erf)  }
0x24c: {  	v1 =	vmul.f32 $6.250000000e-02, v1;
	v3 =	vpop (erf)  }
0x24d: {  	v13 =	vadd.f32 $1.000000000e+00, v3  }
0x24e: {  	v1 =	vmul.f32 $1.442695020e+00, v1  }
0x24f: {  	(erf) = vrcp.f32 v13  }
0x250: {  	(erf) = vpow2.f32 v1;
	_ =	sdelay $0x1  }
0x251: {  	v1 =	vld [tilespmem:s26+$0x9070];
	_ =	sdelay $0x4  }
0x252: {  	v0 =	vadd.f32 v1, v0  }
0x253: {  	v1 =	vpop (erf)  }
0x254: {  	v0 =	vmul.f32 $6.250000000e-02, v0;
	v13 =	vpop (erf)  }
0x255: {  	v14 =	vadd.f32 $1.000000000e+00, v13  }
0x256: {  	v0 =	vmul.f32 $1.442695020e+00, v0  }
0x257: {  	(erf) = vrcp.f32 v14  }
0x258: {  	(erf) = vpow2.f32 v0;
	_ =	sdelay $0x7  }
0x259: {  	v0 =	vpop (erf)  }
0x25a: {  	v14 =	vpop (erf)  }
0x25b: {  	v15 =	vadd.f32 $1.000000000e+00, v14;
	_ =	sdelay $0x1  }
0x25c: {  	(erf) = vrcp.f32 v15  }
0x25d: {  	v12 =	vadd.f32 $-1.000000000e+00, v12  }
0x25e: {  	v11 =	vadd.f32 $-1.000000000e+00, v11  }
0x25f: {  	v10 =	vmul.f32 v10, v12;
	v9 =	vadd.f32 $-1.000000000e+00, v9;
	v5 =	vadd.f32 $-1.000000000e+00, v5  }
0x260: {  	v8 =	vmul.f32 v8, v11;
	v7 =	vadd.f32 $-1.000000000e+00, v7  }
0x261: {  	v6 =	vmul.f32 v6, v9;
	v2 =	vmul.f32 v2, v5;
	[tilespmem:s25+$0x14080] =	vst v10  }
0x262: {  	v4 =	vmul.f32 v4, v7;
	v3 =	vadd.f32 $-1.000000000e+00, v3;
	[tilespmem:s25+$0x14090] =	vst v8  }
0x263: {  	[tilespmem:s25+$0x140A0] =	vst v6;
	v5 =	vadd.f32 $-1.000000000e+00, v13  }
0x264: {  	[tilespmem:s25+$0x140B0] =	vst v4;
	v1 =	vmul.f32 v1, v3;
	v3 =	vadd.f32 $-1.000000000e+00, v14  }
0x265: {  	[tilespmem:s25+$0x140C0] =	vst v2;
	v0 =	vmul.f32 v0, v5;
	v2 =	vpop (erf)  }
0x266: {  	[tilespmem:s25+$0x140D0] =	vst v1;
	v1 =	vmul.f32 v2, v3  }
0x267: {  	[tilespmem:s25+$0x140E0] =	vst v0  }
0x268: {  	s29 =	simm.s32 $0x0;
	[tilespmem:s25+$0x140F0] =	vst v1  }
0x269: {  	v0 =	vld [tilespmem:s29+$0xA070]  }
0x26a: {  	v1 =	vld [tilespmem:s29+$0xA000]  }
0x26b: {  	v2 =	vld [tilespmem:s29+$0xA010]  }
0x26c: {  	v10 =	vld [tilespmem:s29+$0xA020]  }
0x26d: {  	v8 =	vld [tilespmem:s29+$0xA030]  }
0x26e: {  	v9 =	vimm.f32 $0.0e+00;
	v7 =	vimm.f32 $0.0e+00;
	v5 =	vld [tilespmem:s29+$0xA040]  }
0x26f: {  	v6 =	vimm.f32 $0.0e+00;
	v3 =	vimm.f32 $0.0e+00;
	v4 =	vld [tilespmem:s29+$0xA050];
	v0 =	vadd.f32 v0, v9  }
0x270: {  	s28 =	simm.s32 $0x400;
	s26 =	simm.s32 $0x80;
	v12 =	vadd.f32 v1, v9;
	v11 =	vadd.f32 v2, v9;
	v2 =	vld [tilespmem:s29+$0xA060];
	v1 =	vimm.f32 $0.0e+00  }
.LBB2_15:
0x271: {  	p2 =	sne.s32 s28, $0x3E00;
	v13 =	vld [tilespmem:s26+$0xA070];
	v9 =	vadd.f32 v10, v9  }
0x272: {  	v14 =	vld [tilespmem:s26+$0xA000];
	v7 =	vadd.f32 v8, v7  }
0x273: {  	v15 =	vld [tilespmem:s26+$0xA010];
	v6 =	vadd.f32 v5, v6  }
.Ltmp6:
0x274: {  	v10 =	vld [tilespmem:s26+$0xA020];
	v3 =	vadd.f32 v4, v3;
	(pc) =	sbr.rel @p2 .LBB2_15-.Ltmp6, $4  }
0x275: {  	v8 =	vld [tilespmem:s26+$0xA030];
	v1 =	vadd.f32 v2, v1  }
0x276: {  	v5 =	vld [tilespmem:s26+$0xA040];
	v0 =	vadd.f32 v13, v0  }
0x277: {  	v12 =	vadd.f32 v14, v12;
	v4 =	vld [tilespmem:s26+$0xA050]  }
0x278: {  	v11 =	vadd.f32 v15, v11;
	v2 =	vld [tilespmem:s26+$0xA060];
	s26 =	sshra.s32 s28, $0x2;
	s28 =	sadd.s32 $0x200, s28  }
0x279: {  	v13 =	vld [tilespmem:s26+$0xA000];
	_ =	sdelay $0x4  }
0x27a: {  	v12 =	vadd.f32 v13, v12;
	_ =	sdelay $0x1  }
0x27b: {  	v12 =	vmul.f32 $6.250000000e-02, v12;
	_ =	sdelay $0x1  }
0x27c: {  	v12 =	vmul.f32 $1.442695020e+00, v12;
	_ =	sdelay $0x1  }
0x27d: {  	(erf) = vpow2.f32 v12;
	_ =	sdelay $0x1  }
0x27e: {  	v12 =	vld [tilespmem:s26+$0xA010];
	_ =	sdelay $0x4  }
0x27f: {  	v11 =	vadd.f32 v12, v11;
	_ =	sdelay $0x1  }
0x280: {  	v11 =	vmul.f32 $6.250000000e-02, v11;
	v12 =	vpop (erf)  }
0x281: {  	v13 =	vadd.f32 $1.000000000e+00, v12  }
0x282: {  	v11 =	vmul.f32 $1.442695020e+00, v11  }
0x283: {  	(erf) = vrcp.f32 v13  }
0x284: {  	(erf) = vpow2.f32 v11;
	_ =	sdelay $0x1  }
0x285: {  	v11 =	vld [tilespmem:s26+$0xA020];
	_ =	sdelay $0x2  }
0x286: {  	v9 =	vadd.f32 v10, v9;
	_ =	sdelay $0x1  }
0x287: {  	v9 =	vadd.f32 v11, v9  }
0x288: {  	v10 =	vpop (erf)  }
0x289: {  	v9 =	vmul.f32 $6.250000000e-02, v9;
	v11 =	vpop (erf)  }
0x28a: {  	v13 =	vadd.f32 $1.000000000e+00, v11  }
0x28b: {  	v9 =	vmul.f32 $1.442695020e+00, v9  }
0x28c: {  	(erf) = vrcp.f32 v13  }
0x28d: {  	(erf) = vpow2.f32 v9;
	_ =	sdelay $0x1  }
0x28e: {  	v9 =	vld [tilespmem:s26+$0xA030];
	_ =	sdelay $0x2  }
0x28f: {  	v7 =	vadd.f32 v8, v7;
	_ =	sdelay $0x1  }
0x290: {  	v7 =	vadd.f32 v9, v7  }
0x291: {  	v8 =	vpop (erf)  }
0x292: {  	v7 =	vmul.f32 $6.250000000e-02, v7;
	v9 =	vpop (erf)  }
0x293: {  	v13 =	vadd.f32 $1.000000000e+00, v9  }
0x294: {  	v7 =	vmul.f32 $1.442695020e+00, v7  }
0x295: {  	(erf) = vrcp.f32 v13  }
0x296: {  	(erf) = vpow2.f32 v7;
	_ =	sdelay $0x1  }
0x297: {  	v7 =	vld [tilespmem:s26+$0xA040];
	_ =	sdelay $0x2  }
0x298: {  	v5 =	vadd.f32 v5, v6;
	_ =	sdelay $0x1  }
0x299: {  	v5 =	vadd.f32 v7, v5  }
0x29a: {  	v6 =	vpop (erf)  }
0x29b: {  	v5 =	vmul.f32 $6.250000000e-02, v5;
	v7 =	vpop (erf)  }
0x29c: {  	v13 =	vadd.f32 $1.000000000e+00, v7  }
0x29d: {  	v5 =	vmul.f32 $1.442695020e+00, v5  }
0x29e: {  	(erf) = vrcp.f32 v13  }
0x29f: {  	(erf) = vpow2.f32 v5;
	_ =	sdelay $0x1  }
0x2a0: {  	v5 =	vld [tilespmem:s26+$0xA050];
	_ =	sdelay $0x2  }
0x2a1: {  	v3 =	vadd.f32 v4, v3;
	_ =	sdelay $0x1  }
0x2a2: {  	v3 =	vadd.f32 v5, v3  }
0x2a3: {  	v4 =	vpop (erf)  }
0x2a4: {  	v3 =	vmul.f32 $6.250000000e-02, v3;
	v5 =	vpop (erf)  }
0x2a5: {  	v13 =	vadd.f32 $1.000000000e+00, v5  }
0x2a6: {  	v3 =	vmul.f32 $1.442695020e+00, v3  }
0x2a7: {  	(erf) = vrcp.f32 v13  }
0x2a8: {  	(erf) = vpow2.f32 v3;
	_ =	sdelay $0x1  }
0x2a9: {  	v3 =	vld [tilespmem:s26+$0xA060];
	_ =	sdelay $0x2  }
0x2aa: {  	v1 =	vadd.f32 v2, v1;
	_ =	sdelay $0x1  }
0x2ab: {  	v1 =	vadd.f32 v3, v1  }
0x2ac: {  	v2 =	vpop (erf)  }
0x2ad: {  	v1 =	vmul.f32 $6.250000000e-02, v1;
	v3 =	vpop (erf)  }
0x2ae: {  	v13 =	vadd.f32 $1.000000000e+00, v3  }
0x2af: {  	v1 =	vmul.f32 $1.442695020e+00, v1  }
0x2b0: {  	(erf) = vrcp.f32 v13  }
0x2b1: {  	(erf) = vpow2.f32 v1;
	_ =	sdelay $0x1  }
0x2b2: {  	v1 =	vld [tilespmem:s26+$0xA070];
	_ =	sdelay $0x4  }
0x2b3: {  	v0 =	vadd.f32 v1, v0  }
0x2b4: {  	v1 =	vpop (erf)  }
0x2b5: {  	v0 =	vmul.f32 $6.250000000e-02, v0;
	v13 =	vpop (erf)  }
0x2b6: {  	v14 =	vadd.f32 $1.000000000e+00, v13  }
0x2b7: {  	v0 =	vmul.f32 $1.442695020e+00, v0  }
0x2b8: {  	(erf) = vrcp.f32 v14  }
0x2b9: {  	(erf) = vpow2.f32 v0;
	_ =	sdelay $0x7  }
0x2ba: {  	v0 =	vpop (erf)  }
0x2bb: {  	v14 =	vpop (erf)  }
0x2bc: {  	v15 =	vadd.f32 $1.000000000e+00, v14;
	_ =	sdelay $0x1  }
0x2bd: {  	(erf) = vrcp.f32 v15  }
0x2be: {  	v12 =	vadd.f32 $-1.000000000e+00, v12  }
0x2bf: {  	v11 =	vadd.f32 $-1.000000000e+00, v11  }
0x2c0: {  	v10 =	vmul.f32 v10, v12;
	v9 =	vadd.f32 $-1.000000000e+00, v9;
	v5 =	vadd.f32 $-1.000000000e+00, v5  }
0x2c1: {  	v8 =	vmul.f32 v8, v11;
	v7 =	vadd.f32 $-1.000000000e+00, v7  }
0x2c2: {  	v6 =	vmul.f32 v6, v9;
	v2 =	vmul.f32 v2, v5;
	[tilespmem:s25+$0x14100] =	vst v10  }
0x2c3: {  	v4 =	vmul.f32 v4, v7;
	v3 =	vadd.f32 $-1.000000000e+00, v3;
	[tilespmem:s25+$0x14110] =	vst v8  }
0x2c4: {  	[tilespmem:s25+$0x14120] =	vst v6;
	v5 =	vadd.f32 $-1.000000000e+00, v13  }
0x2c5: {  	[tilespmem:s25+$0x14130] =	vst v4;
	v1 =	vmul.f32 v1, v3;
	v3 =	vadd.f32 $-1.000000000e+00, v14  }
0x2c6: {  	[tilespmem:s25+$0x14140] =	vst v2;
	v0 =	vmul.f32 v0, v5;
	v2 =	vpop (erf)  }
0x2c7: {  	[tilespmem:s25+$0x14150] =	vst v1;
	v1 =	vmul.f32 v2, v3  }
0x2c8: {  	[tilespmem:s25+$0x14160] =	vst v0  }
0x2c9: {  	s29 =	simm.s32 $0x0;
	[tilespmem:s25+$0x14170] =	vst v1  }
0x2ca: {  	v0 =	vld [tilespmem:s29+$0xB070]  }
0x2cb: {  	v1 =	vld [tilespmem:s29+$0xB000]  }
0x2cc: {  	v2 =	vld [tilespmem:s29+$0xB010]  }
0x2cd: {  	v10 =	vld [tilespmem:s29+$0xB020]  }
0x2ce: {  	v8 =	vld [tilespmem:s29+$0xB030]  }
0x2cf: {  	v9 =	vimm.f32 $0.0e+00;
	v7 =	vimm.f32 $0.0e+00;
	v5 =	vld [tilespmem:s29+$0xB040]  }
0x2d0: {  	v6 =	vimm.f32 $0.0e+00;
	v3 =	vimm.f32 $0.0e+00;
	v4 =	vld [tilespmem:s29+$0xB050];
	v0 =	vadd.f32 v0, v9  }
0x2d1: {  	s28 =	simm.s32 $0x400;
	s26 =	simm.s32 $0x80;
	v12 =	vadd.f32 v1, v9;
	v11 =	vadd.f32 v2, v9;
	v2 =	vld [tilespmem:s29+$0xB060];
	v1 =	vimm.f32 $0.0e+00  }
.LBB2_17:
0x2d2: {  	p2 =	sne.s32 s28, $0x3E00;
	v13 =	vld [tilespmem:s26+$0xB070];
	v9 =	vadd.f32 v10, v9  }
0x2d3: {  	v14 =	vld [tilespmem:s26+$0xB000];
	v7 =	vadd.f32 v8, v7  }
0x2d4: {  	v15 =	vld [tilespmem:s26+$0xB010];
	v6 =	vadd.f32 v5, v6  }
.Ltmp7:
0x2d5: {  	v10 =	vld [tilespmem:s26+$0xB020];
	v3 =	vadd.f32 v4, v3;
	(pc) =	sbr.rel @p2 .LBB2_17-.Ltmp7, $4  }
0x2d6: {  	v8 =	vld [tilespmem:s26+$0xB030];
	v1 =	vadd.f32 v2, v1  }
0x2d7: {  	v5 =	vld [tilespmem:s26+$0xB040];
	v0 =	vadd.f32 v13, v0  }
0x2d8: {  	v12 =	vadd.f32 v14, v12;
	v4 =	vld [tilespmem:s26+$0xB050]  }
0x2d9: {  	v11 =	vadd.f32 v15, v11;
	v2 =	vld [tilespmem:s26+$0xB060];
	s26 =	sshra.s32 s28, $0x2;
	s28 =	sadd.s32 $0x200, s28  }
0x2da: {  	v13 =	vld [tilespmem:s26+$0xB000];
	_ =	sdelay $0x4  }
0x2db: {  	v12 =	vadd.f32 v13, v12;
	_ =	sdelay $0x1  }
0x2dc: {  	v12 =	vmul.f32 $6.250000000e-02, v12;
	_ =	sdelay $0x1  }
0x2dd: {  	v12 =	vmul.f32 $1.442695020e+00, v12;
	_ =	sdelay $0x1  }
0x2de: {  	(erf) = vpow2.f32 v12;
	_ =	sdelay $0x1  }
0x2df: {  	v12 =	vld [tilespmem:s26+$0xB010];
	_ =	sdelay $0x4  }
0x2e0: {  	v11 =	vadd.f32 v12, v11;
	_ =	sdelay $0x1  }
0x2e1: {  	v11 =	vmul.f32 $6.250000000e-02, v11;
	v12 =	vpop (erf)  }
0x2e2: {  	v13 =	vadd.f32 $1.000000000e+00, v12  }
0x2e3: {  	v11 =	vmul.f32 $1.442695020e+00, v11  }
0x2e4: {  	(erf) = vrcp.f32 v13  }
0x2e5: {  	(erf) = vpow2.f32 v11;
	_ =	sdelay $0x1  }
0x2e6: {  	v11 =	vld [tilespmem:s26+$0xB020];
	_ =	sdelay $0x2  }
0x2e7: {  	v9 =	vadd.f32 v10, v9;
	_ =	sdelay $0x1  }
0x2e8: {  	v9 =	vadd.f32 v11, v9  }
0x2e9: {  	v10 =	vpop (erf)  }
0x2ea: {  	v9 =	vmul.f32 $6.250000000e-02, v9;
	v11 =	vpop (erf)  }
0x2eb: {  	v13 =	vadd.f32 $1.000000000e+00, v11  }
0x2ec: {  	v9 =	vmul.f32 $1.442695020e+00, v9  }
0x2ed: {  	(erf) = vrcp.f32 v13  }
0x2ee: {  	(erf) = vpow2.f32 v9;
	_ =	sdelay $0x1  }
0x2ef: {  	v9 =	vld [tilespmem:s26+$0xB030];
	_ =	sdelay $0x2  }
0x2f0: {  	v7 =	vadd.f32 v8, v7;
	_ =	sdelay $0x1  }
0x2f1: {  	v7 =	vadd.f32 v9, v7  }
0x2f2: {  	v8 =	vpop (erf)  }
0x2f3: {  	v7 =	vmul.f32 $6.250000000e-02, v7;
	v9 =	vpop (erf)  }
0x2f4: {  	v13 =	vadd.f32 $1.000000000e+00, v9  }
0x2f5: {  	v7 =	vmul.f32 $1.442695020e+00, v7  }
0x2f6: {  	(erf) = vrcp.f32 v13  }
0x2f7: {  	(erf) = vpow2.f32 v7;
	_ =	sdelay $0x1  }
0x2f8: {  	v7 =	vld [tilespmem:s26+$0xB040];
	_ =	sdelay $0x2  }
0x2f9: {  	v5 =	vadd.f32 v5, v6;
	_ =	sdelay $0x1  }
0x2fa: {  	v5 =	vadd.f32 v7, v5  }
0x2fb: {  	v6 =	vpop (erf)  }
0x2fc: {  	v5 =	vmul.f32 $6.250000000e-02, v5;
	v7 =	vpop (erf)  }
0x2fd: {  	v13 =	vadd.f32 $1.000000000e+00, v7  }
0x2fe: {  	v5 =	vmul.f32 $1.442695020e+00, v5  }
0x2ff: {  	(erf) = vrcp.f32 v13  }
0x300: {  	(erf) = vpow2.f32 v5;
	_ =	sdelay $0x1  }
0x301: {  	v5 =	vld [tilespmem:s26+$0xB050];
	_ =	sdelay $0x2  }
0x302: {  	v3 =	vadd.f32 v4, v3;
	_ =	sdelay $0x1  }
0x303: {  	v3 =	vadd.f32 v5, v3  }
0x304: {  	v4 =	vpop (erf)  }
0x305: {  	v3 =	vmul.f32 $6.250000000e-02, v3;
	v5 =	vpop (erf)  }
0x306: {  	v13 =	vadd.f32 $1.000000000e+00, v5  }
0x307: {  	v3 =	vmul.f32 $1.442695020e+00, v3  }
0x308: {  	(erf) = vrcp.f32 v13  }
0x309: {  	(erf) = vpow2.f32 v3;
	_ =	sdelay $0x1  }
0x30a: {  	v3 =	vld [tilespmem:s26+$0xB060];
	_ =	sdelay $0x2  }
0x30b: {  	v1 =	vadd.f32 v2, v1;
	_ =	sdelay $0x1  }
0x30c: {  	v1 =	vadd.f32 v3, v1  }
0x30d: {  	v2 =	vpop (erf)  }
0x30e: {  	v1 =	vmul.f32 $6.250000000e-02, v1;
	v3 =	vpop (erf)  }
0x30f: {  	v13 =	vadd.f32 $1.000000000e+00, v3  }
0x310: {  	v1 =	vmul.f32 $1.442695020e+00, v1  }
0x311: {  	(erf) = vrcp.f32 v13  }
0x312: {  	(erf) = vpow2.f32 v1;
	_ =	sdelay $0x1  }
0x313: {  	v1 =	vld [tilespmem:s26+$0xB070];
	_ =	sdelay $0x4  }
0x314: {  	v0 =	vadd.f32 v1, v0  }
0x315: {  	v1 =	vpop (erf)  }
0x316: {  	v0 =	vmul.f32 $6.250000000e-02, v0;
	v13 =	vpop (erf)  }
0x317: {  	v14 =	vadd.f32 $1.000000000e+00, v13  }
0x318: {  	v0 =	vmul.f32 $1.442695020e+00, v0  }
0x319: {  	(erf) = vrcp.f32 v14  }
0x31a: {  	(erf) = vpow2.f32 v0;
	_ =	sdelay $0x7  }
0x31b: {  	v0 =	vpop (erf)  }
0x31c: {  	v14 =	vpop (erf)  }
0x31d: {  	v15 =	vadd.f32 $1.000000000e+00, v14;
	_ =	sdelay $0x1  }
0x31e: {  	(erf) = vrcp.f32 v15  }
0x31f: {  	v12 =	vadd.f32 $-1.000000000e+00, v12  }
0x320: {  	v11 =	vadd.f32 $-1.000000000e+00, v11  }
0x321: {  	v10 =	vmul.f32 v10, v12;
	v9 =	vadd.f32 $-1.000000000e+00, v9;
	v5 =	vadd.f32 $-1.000000000e+00, v5  }
0x322: {  	v8 =	vmul.f32 v8, v11;
	v7 =	vadd.f32 $-1.000000000e+00, v7  }
0x323: {  	v6 =	vmul.f32 v6, v9;
	v2 =	vmul.f32 v2, v5;
	[tilespmem:s25+$0x14180] =	vst v10  }
0x324: {  	v4 =	vmul.f32 v4, v7;
	v3 =	vadd.f32 $-1.000000000e+00, v3;
	[tilespmem:s25+$0x14190] =	vst v8  }
0x325: {  	[tilespmem:s25+$0x141A0] =	vst v6;
	v5 =	vadd.f32 $-1.000000000e+00, v13  }
0x326: {  	[tilespmem:s25+$0x141B0] =	vst v4;
	v1 =	vmul.f32 v1, v3;
	v3 =	vadd.f32 $-1.000000000e+00, v14  }
0x327: {  	[tilespmem:s25+$0x141C0] =	vst v2;
	v0 =	vmul.f32 v0, v5;
	v2 =	vpop (erf)  }
0x328: {  	[tilespmem:s25+$0x141D0] =	vst v1;
	v1 =	vmul.f32 v2, v3  }
0x329: {  	[tilespmem:s25+$0x141E0] =	vst v0  }
0x32a: {  	s28 =	simm.s32 @!p1 $0x8000;
	s26 =	simm.s32 @!p1 $0x80;
	[tilespmem:s25+$0x141F0] =	vst v1;
	s25 =	sadd.s32 @!p1 $0x280, s24  }
0x32b: {  	[tilespmem:s28], [sflag:$0x2] =	stream.indirect.gather @!p1 [hbm4b:s2+s26], $0x80, s25, s26, $0xb8;
	[tilespmem:$0x1C000] =	vst v63  }
0x32c: {  	_ =	swait.ge [sflag:s17], $0x4000  }
0x32d: {  	[sflag:s17] =	ssyncset.done $0x0  }
0x32e: {  	s29 =	simm.s32 $0x0;
	[sflag:s17] =	ssyncadd.s32 $0xFFFFC000  }
0x32f: {  	v0 =	vld [tilespmem:s29+$0xC070]  }
0x330: {  	v1 =	vld [tilespmem:s29+$0xC000]  }
0x331: {  	v2 =	vld [tilespmem:s29+$0xC010]  }
0x332: {  	v10 =	vld [tilespmem:s29+$0xC020]  }
0x333: {  	v8 =	vld [tilespmem:s29+$0xC030]  }
0x334: {  	v9 =	vimm.f32 $0.0e+00;
	v7 =	vimm.f32 $0.0e+00;
	v5 =	vld [tilespmem:s29+$0xC040]  }
0x335: {  	v6 =	vimm.f32 $0.0e+00;
	v3 =	vimm.f32 $0.0e+00;
	v4 =	vld [tilespmem:s29+$0xC050];
	v0 =	vadd.f32 v0, v9  }
0x336: {  	s25 =	sor.u32 $0x2, s23;
	s26 =	simm.s32 $0x80;
	s28 =	simm.s32 $0x400;
	v12 =	vadd.f32 v1, v9;
	v11 =	vadd.f32 v2, v9;
	v2 =	vld [tilespmem:s29+$0xC060];
	v1 =	vimm.f32 $0.0e+00  }
.LBB2_19:
0x337: {  	p2 =	sne.s32 s28, $0x3E00;
	v13 =	vld [tilespmem:s26+$0xC070];
	v9 =	vadd.f32 v10, v9  }
0x338: {  	v14 =	vld [tilespmem:s26+$0xC000];
	v7 =	vadd.f32 v8, v7  }
0x339: {  	v15 =	vld [tilespmem:s26+$0xC010];
	v6 =	vadd.f32 v5, v6  }
.Ltmp8:
0x33a: {  	v10 =	vld [tilespmem:s26+$0xC020];
	v3 =	vadd.f32 v4, v3;
	(pc) =	sbr.rel @p2 .LBB2_19-.Ltmp8, $4  }
0x33b: {  	v8 =	vld [tilespmem:s26+$0xC030];
	v1 =	vadd.f32 v2, v1  }
0x33c: {  	v5 =	vld [tilespmem:s26+$0xC040];
	v0 =	vadd.f32 v13, v0  }
0x33d: {  	v12 =	vadd.f32 v14, v12;
	v4 =	vld [tilespmem:s26+$0xC050]  }
0x33e: {  	v11 =	vadd.f32 v15, v11;
	v2 =	vld [tilespmem:s26+$0xC060];
	s26 =	sshra.s32 s28, $0x2;
	s28 =	sadd.s32 $0x200, s28  }
0x33f: {  	v13 =	vld [tilespmem:s26+$0xC000];
	_ =	sdelay $0x4  }
0x340: {  	v12 =	vadd.f32 v13, v12;
	_ =	sdelay $0x1  }
0x341: {  	v12 =	vmul.f32 $6.250000000e-02, v12;
	_ =	sdelay $0x1  }
0x342: {  	v12 =	vmul.f32 $1.442695020e+00, v12;
	_ =	sdelay $0x1  }
0x343: {  	(erf) = vpow2.f32 v12;
	_ =	sdelay $0x1  }
0x344: {  	v12 =	vld [tilespmem:s26+$0xC010];
	_ =	sdelay $0x4  }
0x345: {  	v11 =	vadd.f32 v12, v11;
	_ =	sdelay $0x1  }
0x346: {  	v11 =	vmul.f32 $6.250000000e-02, v11;
	v12 =	vpop (erf)  }
0x347: {  	v13 =	vadd.f32 $1.000000000e+00, v12  }
0x348: {  	v11 =	vmul.f32 $1.442695020e+00, v11  }
0x349: {  	(erf) = vrcp.f32 v13  }
0x34a: {  	(erf) = vpow2.f32 v11;
	_ =	sdelay $0x1  }
0x34b: {  	v11 =	vld [tilespmem:s26+$0xC020];
	_ =	sdelay $0x2  }
0x34c: {  	v9 =	vadd.f32 v10, v9;
	_ =	sdelay $0x1  }
0x34d: {  	v9 =	vadd.f32 v11, v9  }
0x34e: {  	v10 =	vpop (erf)  }
0x34f: {  	v9 =	vmul.f32 $6.250000000e-02, v9;
	v11 =	vpop (erf)  }
0x350: {  	v13 =	vadd.f32 $1.000000000e+00, v11  }
0x351: {  	v9 =	vmul.f32 $1.442695020e+00, v9  }
0x352: {  	(erf) = vrcp.f32 v13  }
0x353: {  	(erf) = vpow2.f32 v9;
	_ =	sdelay $0x1  }
0x354: {  	v9 =	vld [tilespmem:s26+$0xC030];
	_ =	sdelay $0x2  }
0x355: {  	v7 =	vadd.f32 v8, v7;
	_ =	sdelay $0x1  }
0x356: {  	v7 =	vadd.f32 v9, v7  }
0x357: {  	v8 =	vpop (erf)  }
0x358: {  	v7 =	vmul.f32 $6.250000000e-02, v7;
	v9 =	vpop (erf)  }
0x359: {  	v13 =	vadd.f32 $1.000000000e+00, v9  }
0x35a: {  	v7 =	vmul.f32 $1.442695020e+00, v7  }
0x35b: {  	(erf) = vrcp.f32 v13  }
0x35c: {  	(erf) = vpow2.f32 v7;
	_ =	sdelay $0x1  }
0x35d: {  	v7 =	vld [tilespmem:s26+$0xC040];
	_ =	sdelay $0x2  }
0x35e: {  	v5 =	vadd.f32 v5, v6;
	_ =	sdelay $0x1  }
0x35f: {  	v5 =	vadd.f32 v7, v5  }
0x360: {  	v6 =	vpop (erf)  }
0x361: {  	v5 =	vmul.f32 $6.250000000e-02, v5;
	v7 =	vpop (erf)  }
0x362: {  	v13 =	vadd.f32 $1.000000000e+00, v7  }
0x363: {  	v5 =	vmul.f32 $1.442695020e+00, v5  }
0x364: {  	(erf) = vrcp.f32 v13  }
0x365: {  	(erf) = vpow2.f32 v5;
	_ =	sdelay $0x1  }
0x366: {  	v5 =	vld [tilespmem:s26+$0xC050];
	_ =	sdelay $0x2  }
0x367: {  	v3 =	vadd.f32 v4, v3;
	_ =	sdelay $0x1  }
0x368: {  	v3 =	vadd.f32 v5, v3  }
0x369: {  	v4 =	vpop (erf)  }
0x36a: {  	v3 =	vmul.f32 $6.250000000e-02, v3;
	v5 =	vpop (erf)  }
0x36b: {  	v13 =	vadd.f32 $1.000000000e+00, v5  }
0x36c: {  	v3 =	vmul.f32 $1.442695020e+00, v3  }
0x36d: {  	(erf) = vrcp.f32 v13  }
0x36e: {  	(erf) = vpow2.f32 v3;
	_ =	sdelay $0x1  }
0x36f: {  	v3 =	vld [tilespmem:s26+$0xC060];
	_ =	sdelay $0x2  }
0x370: {  	v1 =	vadd.f32 v2, v1;
	_ =	sdelay $0x1  }
0x371: {  	v1 =	vadd.f32 v3, v1  }
0x372: {  	v2 =	vpop (erf)  }
0x373: {  	v1 =	vmul.f32 $6.250000000e-02, v1;
	v3 =	vpop (erf)  }
0x374: {  	v13 =	vadd.f32 $1.000000000e+00, v3  }
0x375: {  	v1 =	vmul.f32 $1.442695020e+00, v1  }
0x376: {  	(erf) = vrcp.f32 v13  }
0x377: {  	(erf) = vpow2.f32 v1;
	_ =	sdelay $0x1  }
0x378: {  	v1 =	vld [tilespmem:s26+$0xC070];
	_ =	sdelay $0x4  }
0x379: {  	v0 =	vadd.f32 v1, v0  }
0x37a: {  	v1 =	vpop (erf)  }
0x37b: {  	v0 =	vmul.f32 $6.250000000e-02, v0;
	v13 =	vpop (erf)  }
0x37c: {  	v14 =	vadd.f32 $1.000000000e+00, v13  }
0x37d: {  	v0 =	vmul.f32 $1.442695020e+00, v0  }
0x37e: {  	(erf) = vrcp.f32 v14  }
0x37f: {  	(erf) = vpow2.f32 v0;
	_ =	sdelay $0x7  }
0x380: {  	v0 =	vpop (erf)  }
0x381: {  	v14 =	vpop (erf)  }
0x382: {  	v15 =	vadd.f32 $1.000000000e+00, v14;
	_ =	sdelay $0x1  }
0x383: {  	(erf) = vrcp.f32 v15  }
0x384: {  	v12 =	vadd.f32 $-1.000000000e+00, v12;
	s26 =	sadd.s32 $0x1FFFC2, s23  }
0x385: {  	v11 =	vadd.f32 $-1.000000000e+00, v11;
	s26 =	smov.u32 @p0 s25  }
0x386: {  	v10 =	vmul.f32 v10, v12;
	v9 =	vadd.f32 $-1.000000000e+00, v9;
	v5 =	vadd.f32 $-1.000000000e+00, v5;
	s25 =	sshll.u32 s26, $0xB  }
0x387: {  	v8 =	vmul.f32 v8, v11;
	v7 =	vadd.f32 $-1.000000000e+00, v7;
	s25 =	sshra.s32 s25, $0x2  }
0x388: {  	v6 =	vmul.f32 v6, v9;
	v2 =	vmul.f32 v2, v5;
	[tilespmem:s25+$0x14000] =	vst v10  }
0x389: {  	v4 =	vmul.f32 v4, v7;
	v3 =	vadd.f32 $-1.000000000e+00, v3;
	[tilespmem:s25+$0x14010] =	vst v8  }
0x38a: {  	[tilespmem:s25+$0x14020] =	vst v6;
	v5 =	vadd.f32 $-1.000000000e+00, v13  }
0x38b: {  	[tilespmem:s25+$0x14030] =	vst v4;
	v1 =	vmul.f32 v1, v3;
	v3 =	vadd.f32 $-1.000000000e+00, v14  }
0x38c: {  	[tilespmem:s25+$0x14040] =	vst v2;
	v0 =	vmul.f32 v0, v5;
	v2 =	vpop (erf)  }
0x38d: {  	[tilespmem:s25+$0x14050] =	vst v1;
	v1 =	vmul.f32 v2, v3  }
0x38e: {  	[tilespmem:s25+$0x14060] =	vst v0  }
0x38f: {  	s29 =	simm.s32 $0x0;
	[tilespmem:s25+$0x14070] =	vst v1  }
0x390: {  	v0 =	vld [tilespmem:s29+$0xD070]  }
0x391: {  	v1 =	vld [tilespmem:s29+$0xD000]  }
0x392: {  	v2 =	vld [tilespmem:s29+$0xD010]  }
0x393: {  	v10 =	vld [tilespmem:s29+$0xD020]  }
0x394: {  	v8 =	vld [tilespmem:s29+$0xD030]  }
0x395: {  	v9 =	vimm.f32 $0.0e+00;
	v7 =	vimm.f32 $0.0e+00;
	v5 =	vld [tilespmem:s29+$0xD040]  }
0x396: {  	v6 =	vimm.f32 $0.0e+00;
	v3 =	vimm.f32 $0.0e+00;
	v4 =	vld [tilespmem:s29+$0xD050];
	v0 =	vadd.f32 v0, v9  }
0x397: {  	s28 =	simm.s32 $0x400;
	s26 =	simm.s32 $0x80;
	v12 =	vadd.f32 v1, v9;
	v11 =	vadd.f32 v2, v9;
	v2 =	vld [tilespmem:s29+$0xD060];
	v1 =	vimm.f32 $0.0e+00  }
.LBB2_21:
0x398: {  	p2 =	sne.s32 s28, $0x3E00;
	v13 =	vld [tilespmem:s26+$0xD070];
	v9 =	vadd.f32 v10, v9  }
0x399: {  	v14 =	vld [tilespmem:s26+$0xD000];
	v7 =	vadd.f32 v8, v7  }
0x39a: {  	v15 =	vld [tilespmem:s26+$0xD010];
	v6 =	vadd.f32 v5, v6  }
.Ltmp9:
0x39b: {  	v10 =	vld [tilespmem:s26+$0xD020];
	v3 =	vadd.f32 v4, v3;
	(pc) =	sbr.rel @p2 .LBB2_21-.Ltmp9, $4  }
0x39c: {  	v8 =	vld [tilespmem:s26+$0xD030];
	v1 =	vadd.f32 v2, v1  }
0x39d: {  	v5 =	vld [tilespmem:s26+$0xD040];
	v0 =	vadd.f32 v13, v0  }
0x39e: {  	v12 =	vadd.f32 v14, v12;
	v4 =	vld [tilespmem:s26+$0xD050]  }
0x39f: {  	v11 =	vadd.f32 v15, v11;
	v2 =	vld [tilespmem:s26+$0xD060];
	s26 =	sshra.s32 s28, $0x2;
	s28 =	sadd.s32 $0x200, s28  }
0x3a0: {  	v13 =	vld [tilespmem:s26+$0xD000];
	_ =	sdelay $0x4  }
0x3a1: {  	v12 =	vadd.f32 v13, v12;
	_ =	sdelay $0x1  }
0x3a2: {  	v12 =	vmul.f32 $6.250000000e-02, v12;
	_ =	sdelay $0x1  }
0x3a3: {  	v12 =	vmul.f32 $1.442695020e+00, v12;
	_ =	sdelay $0x1  }
0x3a4: {  	(erf) = vpow2.f32 v12;
	_ =	sdelay $0x1  }
0x3a5: {  	v12 =	vld [tilespmem:s26+$0xD010];
	_ =	sdelay $0x4  }
0x3a6: {  	v11 =	vadd.f32 v12, v11;
	_ =	sdelay $0x1  }
0x3a7: {  	v11 =	vmul.f32 $6.250000000e-02, v11;
	v12 =	vpop (erf)  }
0x3a8: {  	v13 =	vadd.f32 $1.000000000e+00, v12  }
0x3a9: {  	v11 =	vmul.f32 $1.442695020e+00, v11  }
0x3aa: {  	(erf) = vrcp.f32 v13  }
0x3ab: {  	(erf) = vpow2.f32 v11;
	_ =	sdelay $0x1  }
0x3ac: {  	v11 =	vld [tilespmem:s26+$0xD020];
	_ =	sdelay $0x2  }
0x3ad: {  	v9 =	vadd.f32 v10, v9;
	_ =	sdelay $0x1  }
0x3ae: {  	v9 =	vadd.f32 v11, v9  }
0x3af: {  	v10 =	vpop (erf)  }
0x3b0: {  	v9 =	vmul.f32 $6.250000000e-02, v9;
	v11 =	vpop (erf)  }
0x3b1: {  	v13 =	vadd.f32 $1.000000000e+00, v11  }
0x3b2: {  	v9 =	vmul.f32 $1.442695020e+00, v9  }
0x3b3: {  	(erf) = vrcp.f32 v13  }
0x3b4: {  	(erf) = vpow2.f32 v9;
	_ =	sdelay $0x1  }
0x3b5: {  	v9 =	vld [tilespmem:s26+$0xD030];
	_ =	sdelay $0x2  }
0x3b6: {  	v7 =	vadd.f32 v8, v7;
	_ =	sdelay $0x1  }
0x3b7: {  	v7 =	vadd.f32 v9, v7  }
0x3b8: {  	v8 =	vpop (erf)  }
0x3b9: {  	v7 =	vmul.f32 $6.250000000e-02, v7;
	v9 =	vpop (erf)  }
0x3ba: {  	v13 =	vadd.f32 $1.000000000e+00, v9  }
0x3bb: {  	v7 =	vmul.f32 $1.442695020e+00, v7  }
0x3bc: {  	(erf) = vrcp.f32 v13  }
0x3bd: {  	(erf) = vpow2.f32 v7;
	_ =	sdelay $0x1  }
0x3be: {  	v7 =	vld [tilespmem:s26+$0xD040];
	_ =	sdelay $0x2  }
0x3bf: {  	v5 =	vadd.f32 v5, v6;
	_ =	sdelay $0x1  }
0x3c0: {  	v5 =	vadd.f32 v7, v5  }
0x3c1: {  	v6 =	vpop (erf)  }
0x3c2: {  	v5 =	vmul.f32 $6.250000000e-02, v5;
	v7 =	vpop (erf)  }
0x3c3: {  	v13 =	vadd.f32 $1.000000000e+00, v7  }
0x3c4: {  	v5 =	vmul.f32 $1.442695020e+00, v5  }
0x3c5: {  	(erf) = vrcp.f32 v13  }
0x3c6: {  	(erf) = vpow2.f32 v5;
	_ =	sdelay $0x1  }
0x3c7: {  	v5 =	vld [tilespmem:s26+$0xD050];
	_ =	sdelay $0x2  }
0x3c8: {  	v3 =	vadd.f32 v4, v3;
	_ =	sdelay $0x1  }
0x3c9: {  	v3 =	vadd.f32 v5, v3  }
0x3ca: {  	v4 =	vpop (erf)  }
0x3cb: {  	v3 =	vmul.f32 $6.250000000e-02, v3;
	v5 =	vpop (erf)  }
0x3cc: {  	v13 =	vadd.f32 $1.000000000e+00, v5  }
0x3cd: {  	v3 =	vmul.f32 $1.442695020e+00, v3  }
0x3ce: {  	(erf) = vrcp.f32 v13  }
0x3cf: {  	(erf) = vpow2.f32 v3;
	_ =	sdelay $0x1  }
0x3d0: {  	v3 =	vld [tilespmem:s26+$0xD060];
	_ =	sdelay $0x2  }
0x3d1: {  	v1 =	vadd.f32 v2, v1;
	_ =	sdelay $0x1  }
0x3d2: {  	v1 =	vadd.f32 v3, v1  }
0x3d3: {  	v2 =	vpop (erf)  }
0x3d4: {  	v1 =	vmul.f32 $6.250000000e-02, v1;
	v3 =	vpop (erf)  }
0x3d5: {  	v13 =	vadd.f32 $1.000000000e+00, v3  }
0x3d6: {  	v1 =	vmul.f32 $1.442695020e+00, v1  }
0x3d7: {  	(erf) = vrcp.f32 v13  }
0x3d8: {  	(erf) = vpow2.f32 v1;
	_ =	sdelay $0x1  }
0x3d9: {  	v1 =	vld [tilespmem:s26+$0xD070];
	_ =	sdelay $0x4  }
0x3da: {  	v0 =	vadd.f32 v1, v0  }
0x3db: {  	v1 =	vpop (erf)  }
0x3dc: {  	v0 =	vmul.f32 $6.250000000e-02, v0;
	v13 =	vpop (erf)  }
0x3dd: {  	v14 =	vadd.f32 $1.000000000e+00, v13  }
0x3de: {  	v0 =	vmul.f32 $1.442695020e+00, v0  }
0x3df: {  	(erf) = vrcp.f32 v14  }
0x3e0: {  	(erf) = vpow2.f32 v0;
	_ =	sdelay $0x7  }
0x3e1: {  	v0 =	vpop (erf)  }
0x3e2: {  	v14 =	vpop (erf)  }
0x3e3: {  	v15 =	vadd.f32 $1.000000000e+00, v14;
	_ =	sdelay $0x1  }
0x3e4: {  	(erf) = vrcp.f32 v15  }
0x3e5: {  	v12 =	vadd.f32 $-1.000000000e+00, v12  }
0x3e6: {  	v11 =	vadd.f32 $-1.000000000e+00, v11  }
0x3e7: {  	v10 =	vmul.f32 v10, v12;
	v9 =	vadd.f32 $-1.000000000e+00, v9;
	v5 =	vadd.f32 $-1.000000000e+00, v5  }
0x3e8: {  	v8 =	vmul.f32 v8, v11;
	v7 =	vadd.f32 $-1.000000000e+00, v7  }
0x3e9: {  	v6 =	vmul.f32 v6, v9;
	v2 =	vmul.f32 v2, v5;
	[tilespmem:s25+$0x14080] =	vst v10  }
0x3ea: {  	v4 =	vmul.f32 v4, v7;
	v3 =	vadd.f32 $-1.000000000e+00, v3;
	[tilespmem:s25+$0x14090] =	vst v8  }
0x3eb: {  	[tilespmem:s25+$0x140A0] =	vst v6;
	v5 =	vadd.f32 $-1.000000000e+00, v13  }
0x3ec: {  	[tilespmem:s25+$0x140B0] =	vst v4;
	v1 =	vmul.f32 v1, v3;
	v3 =	vadd.f32 $-1.000000000e+00, v14  }
0x3ed: {  	[tilespmem:s25+$0x140C0] =	vst v2;
	v0 =	vmul.f32 v0, v5;
	v2 =	vpop (erf)  }
0x3ee: {  	[tilespmem:s25+$0x140D0] =	vst v1;
	v1 =	vmul.f32 v2, v3  }
0x3ef: {  	[tilespmem:s25+$0x140E0] =	vst v0  }
0x3f0: {  	s29 =	simm.s32 $0x0;
	[tilespmem:s25+$0x140F0] =	vst v1  }
0x3f1: {  	v0 =	vld [tilespmem:s29+$0xE070]  }
0x3f2: {  	v1 =	vld [tilespmem:s29+$0xE000]  }
0x3f3: {  	v2 =	vld [tilespmem:s29+$0xE010]  }
0x3f4: {  	v10 =	vld [tilespmem:s29+$0xE020]  }
0x3f5: {  	v8 =	vld [tilespmem:s29+$0xE030]  }
0x3f6: {  	v9 =	vimm.f32 $0.0e+00;
	v7 =	vimm.f32 $0.0e+00;
	v5 =	vld [tilespmem:s29+$0xE040]  }
0x3f7: {  	v6 =	vimm.f32 $0.0e+00;
	v3 =	vimm.f32 $0.0e+00;
	v4 =	vld [tilespmem:s29+$0xE050];
	v0 =	vadd.f32 v0, v9  }
0x3f8: {  	s28 =	simm.s32 $0x400;
	s26 =	simm.s32 $0x80;
	v12 =	vadd.f32 v1, v9;
	v11 =	vadd.f32 v2, v9;
	v2 =	vld [tilespmem:s29+$0xE060];
	v1 =	vimm.f32 $0.0e+00  }
.LBB2_23:
0x3f9: {  	p2 =	sne.s32 s28, $0x3E00;
	v13 =	vld [tilespmem:s26+$0xE070];
	v9 =	vadd.f32 v10, v9  }
0x3fa: {  	v14 =	vld [tilespmem:s26+$0xE000];
	v7 =	vadd.f32 v8, v7  }
0x3fb: {  	v15 =	vld [tilespmem:s26+$0xE010];
	v6 =	vadd.f32 v5, v6  }
.Ltmp10:
0x3fc: {  	v10 =	vld [tilespmem:s26+$0xE020];
	v3 =	vadd.f32 v4, v3;
	(pc) =	sbr.rel @p2 .LBB2_23-.Ltmp10, $4  }
0x3fd: {  	v8 =	vld [tilespmem:s26+$0xE030];
	v1 =	vadd.f32 v2, v1  }
0x3fe: {  	v5 =	vld [tilespmem:s26+$0xE040];
	v0 =	vadd.f32 v13, v0  }
0x3ff: {  	v12 =	vadd.f32 v14, v12;
	v4 =	vld [tilespmem:s26+$0xE050]  }
0x400: {  	v11 =	vadd.f32 v15, v11;
	v2 =	vld [tilespmem:s26+$0xE060];
	s26 =	sshra.s32 s28, $0x2;
	s28 =	sadd.s32 $0x200, s28  }
0x401: {  	v13 =	vld [tilespmem:s26+$0xE000];
	_ =	sdelay $0x4  }
0x402: {  	v12 =	vadd.f32 v13, v12;
	_ =	sdelay $0x1  }
0x403: {  	v12 =	vmul.f32 $6.250000000e-02, v12;
	_ =	sdelay $0x1  }
0x404: {  	v12 =	vmul.f32 $1.442695020e+00, v12;
	_ =	sdelay $0x1  }
0x405: {  	(erf) = vpow2.f32 v12;
	_ =	sdelay $0x1  }
0x406: {  	v12 =	vld [tilespmem:s26+$0xE010];
	_ =	sdelay $0x4  }
0x407: {  	v11 =	vadd.f32 v12, v11;
	_ =	sdelay $0x1  }
0x408: {  	v11 =	vmul.f32 $6.250000000e-02, v11;
	v12 =	vpop (erf)  }
0x409: {  	v13 =	vadd.f32 $1.000000000e+00, v12  }
0x40a: {  	v11 =	vmul.f32 $1.442695020e+00, v11  }
0x40b: {  	(erf) = vrcp.f32 v13  }
0x40c: {  	(erf) = vpow2.f32 v11;
	_ =	sdelay $0x1  }
0x40d: {  	v11 =	vld [tilespmem:s26+$0xE020];
	_ =	sdelay $0x2  }
0x40e: {  	v9 =	vadd.f32 v10, v9;
	_ =	sdelay $0x1  }
0x40f: {  	v9 =	vadd.f32 v11, v9  }
0x410: {  	v10 =	vpop (erf)  }
0x411: {  	v9 =	vmul.f32 $6.250000000e-02, v9;
	v11 =	vpop (erf)  }
0x412: {  	v13 =	vadd.f32 $1.000000000e+00, v11  }
0x413: {  	v9 =	vmul.f32 $1.442695020e+00, v9  }
0x414: {  	(erf) = vrcp.f32 v13  }
0x415: {  	(erf) = vpow2.f32 v9;
	_ =	sdelay $0x1  }
0x416: {  	v9 =	vld [tilespmem:s26+$0xE030];
	_ =	sdelay $0x2  }
0x417: {  	v7 =	vadd.f32 v8, v7;
	_ =	sdelay $0x1  }
0x418: {  	v7 =	vadd.f32 v9, v7  }
0x419: {  	v8 =	vpop (erf)  }
0x41a: {  	v7 =	vmul.f32 $6.250000000e-02, v7;
	v9 =	vpop (erf)  }
0x41b: {  	v13 =	vadd.f32 $1.000000000e+00, v9  }
0x41c: {  	v7 =	vmul.f32 $1.442695020e+00, v7  }
0x41d: {  	(erf) = vrcp.f32 v13  }
0x41e: {  	(erf) = vpow2.f32 v7;
	_ =	sdelay $0x1  }
0x41f: {  	v7 =	vld [tilespmem:s26+$0xE040];
	_ =	sdelay $0x2  }
0x420: {  	v5 =	vadd.f32 v5, v6;
	_ =	sdelay $0x1  }
0x421: {  	v5 =	vadd.f32 v7, v5  }
0x422: {  	v6 =	vpop (erf)  }
0x423: {  	v5 =	vmul.f32 $6.250000000e-02, v5;
	v7 =	vpop (erf)  }
0x424: {  	v13 =	vadd.f32 $1.000000000e+00, v7  }
0x425: {  	v5 =	vmul.f32 $1.442695020e+00, v5  }
0x426: {  	(erf) = vrcp.f32 v13  }
0x427: {  	(erf) = vpow2.f32 v5;
	_ =	sdelay $0x1  }
0x428: {  	v5 =	vld [tilespmem:s26+$0xE050];
	_ =	sdelay $0x2  }
0x429: {  	v3 =	vadd.f32 v4, v3;
	_ =	sdelay $0x1  }
0x42a: {  	v3 =	vadd.f32 v5, v3  }
0x42b: {  	v4 =	vpop (erf)  }
0x42c: {  	v3 =	vmul.f32 $6.250000000e-02, v3;
	v5 =	vpop (erf)  }
0x42d: {  	v13 =	vadd.f32 $1.000000000e+00, v5  }
0x42e: {  	v3 =	vmul.f32 $1.442695020e+00, v3  }
0x42f: {  	(erf) = vrcp.f32 v13  }
0x430: {  	(erf) = vpow2.f32 v3;
	_ =	sdelay $0x1  }
0x431: {  	v3 =	vld [tilespmem:s26+$0xE060];
	_ =	sdelay $0x2  }
0x432: {  	v1 =	vadd.f32 v2, v1;
	_ =	sdelay $0x1  }
0x433: {  	v1 =	vadd.f32 v3, v1  }
0x434: {  	v2 =	vpop (erf)  }
0x435: {  	v1 =	vmul.f32 $6.250000000e-02, v1;
	v3 =	vpop (erf)  }
0x436: {  	v13 =	vadd.f32 $1.000000000e+00, v3  }
0x437: {  	v1 =	vmul.f32 $1.442695020e+00, v1  }
0x438: {  	(erf) = vrcp.f32 v13  }
0x439: {  	(erf) = vpow2.f32 v1;
	_ =	sdelay $0x1  }
0x43a: {  	v1 =	vld [tilespmem:s26+$0xE070];
	_ =	sdelay $0x4  }
0x43b: {  	v0 =	vadd.f32 v1, v0  }
0x43c: {  	v1 =	vpop (erf)  }
0x43d: {  	v0 =	vmul.f32 $6.250000000e-02, v0;
	v13 =	vpop (erf)  }
0x43e: {  	v14 =	vadd.f32 $1.000000000e+00, v13  }
0x43f: {  	v0 =	vmul.f32 $1.442695020e+00, v0  }
0x440: {  	(erf) = vrcp.f32 v14  }
0x441: {  	(erf) = vpow2.f32 v0;
	_ =	sdelay $0x7  }
0x442: {  	v0 =	vpop (erf)  }
0x443: {  	v14 =	vpop (erf)  }
0x444: {  	v15 =	vadd.f32 $1.000000000e+00, v14;
	_ =	sdelay $0x1  }
0x445: {  	(erf) = vrcp.f32 v15  }
0x446: {  	v12 =	vadd.f32 $-1.000000000e+00, v12  }
0x447: {  	v11 =	vadd.f32 $-1.000000000e+00, v11  }
0x448: {  	v10 =	vmul.f32 v10, v12;
	v9 =	vadd.f32 $-1.000000000e+00, v9;
	v5 =	vadd.f32 $-1.000000000e+00, v5  }
0x449: {  	v8 =	vmul.f32 v8, v11;
	v7 =	vadd.f32 $-1.000000000e+00, v7  }
0x44a: {  	v6 =	vmul.f32 v6, v9;
	v2 =	vmul.f32 v2, v5;
	[tilespmem:s25+$0x14100] =	vst v10  }
0x44b: {  	v4 =	vmul.f32 v4, v7;
	v3 =	vadd.f32 $-1.000000000e+00, v3;
	[tilespmem:s25+$0x14110] =	vst v8  }
0x44c: {  	[tilespmem:s25+$0x14120] =	vst v6;
	v5 =	vadd.f32 $-1.000000000e+00, v13  }
0x44d: {  	[tilespmem:s25+$0x14130] =	vst v4;
	v1 =	vmul.f32 v1, v3;
	v3 =	vadd.f32 $-1.000000000e+00, v14  }
0x44e: {  	[tilespmem:s25+$0x14140] =	vst v2;
	v0 =	vmul.f32 v0, v5;
	v2 =	vpop (erf)  }
0x44f: {  	[tilespmem:s25+$0x14150] =	vst v1;
	v1 =	vmul.f32 v2, v3  }
0x450: {  	[tilespmem:s25+$0x14160] =	vst v0  }
0x451: {  	s29 =	simm.s32 $0x0;
	[tilespmem:s25+$0x14170] =	vst v1  }
0x452: {  	v0 =	vld [tilespmem:s29+$0xF070]  }
0x453: {  	v1 =	vld [tilespmem:s29+$0xF000]  }
0x454: {  	v2 =	vld [tilespmem:s29+$0xF010]  }
0x455: {  	v10 =	vld [tilespmem:s29+$0xF020]  }
0x456: {  	v8 =	vld [tilespmem:s29+$0xF030]  }
0x457: {  	v9 =	vimm.f32 $0.0e+00;
	v7 =	vimm.f32 $0.0e+00;
	v5 =	vld [tilespmem:s29+$0xF040]  }
0x458: {  	v6 =	vimm.f32 $0.0e+00;
	v3 =	vimm.f32 $0.0e+00;
	v4 =	vld [tilespmem:s29+$0xF050];
	v0 =	vadd.f32 v0, v9  }
0x459: {  	s28 =	simm.s32 $0x400;
	s26 =	simm.s32 $0x80;
	v12 =	vadd.f32 v1, v9;
	v11 =	vadd.f32 v2, v9;
	v2 =	vld [tilespmem:s29+$0xF060];
	v1 =	vimm.f32 $0.0e+00  }
.LBB2_25:
0x45a: {  	p2 =	sne.s32 s28, $0x3E00;
	v13 =	vld [tilespmem:s26+$0xF070];
	v9 =	vadd.f32 v10, v9  }
0x45b: {  	v14 =	vld [tilespmem:s26+$0xF000];
	v7 =	vadd.f32 v8, v7  }
0x45c: {  	v15 =	vld [tilespmem:s26+$0xF010];
	v6 =	vadd.f32 v5, v6  }
.Ltmp11:
0x45d: {  	v10 =	vld [tilespmem:s26+$0xF020];
	v3 =	vadd.f32 v4, v3;
	(pc) =	sbr.rel @p2 .LBB2_25-.Ltmp11, $4  }
0x45e: {  	v8 =	vld [tilespmem:s26+$0xF030];
	v1 =	vadd.f32 v2, v1  }
0x45f: {  	v5 =	vld [tilespmem:s26+$0xF040];
	v0 =	vadd.f32 v13, v0  }
0x460: {  	v12 =	vadd.f32 v14, v12;
	v4 =	vld [tilespmem:s26+$0xF050]  }
0x461: {  	v11 =	vadd.f32 v15, v11;
	v2 =	vld [tilespmem:s26+$0xF060];
	s26 =	sshra.s32 s28, $0x2;
	s28 =	sadd.s32 $0x200, s28  }
0x462: {  	v13 =	vld [tilespmem:s26+$0xF000];
	_ =	sdelay $0x4  }
0x463: {  	v12 =	vadd.f32 v13, v12;
	_ =	sdelay $0x1  }
0x464: {  	v12 =	vmul.f32 $6.250000000e-02, v12;
	_ =	sdelay $0x1  }
0x465: {  	v12 =	vmul.f32 $1.442695020e+00, v12;
	_ =	sdelay $0x1  }
0x466: {  	(erf) = vpow2.f32 v12;
	_ =	sdelay $0x1  }
0x467: {  	v12 =	vld [tilespmem:s26+$0xF010];
	_ =	sdelay $0x4  }
0x468: {  	v11 =	vadd.f32 v12, v11;
	_ =	sdelay $0x1  }
0x469: {  	v11 =	vmul.f32 $6.250000000e-02, v11;
	v12 =	vpop (erf)  }
0x46a: {  	v13 =	vadd.f32 $1.000000000e+00, v12  }
0x46b: {  	v11 =	vmul.f32 $1.442695020e+00, v11  }
0x46c: {  	(erf) = vrcp.f32 v13  }
0x46d: {  	(erf) = vpow2.f32 v11;
	_ =	sdelay $0x1  }
0x46e: {  	v11 =	vld [tilespmem:s26+$0xF020];
	_ =	sdelay $0x2  }
0x46f: {  	v9 =	vadd.f32 v10, v9;
	_ =	sdelay $0x1  }
0x470: {  	v9 =	vadd.f32 v11, v9  }
0x471: {  	v10 =	vpop (erf)  }
0x472: {  	v9 =	vmul.f32 $6.250000000e-02, v9;
	v11 =	vpop (erf)  }
0x473: {  	v13 =	vadd.f32 $1.000000000e+00, v11  }
0x474: {  	v9 =	vmul.f32 $1.442695020e+00, v9  }
0x475: {  	(erf) = vrcp.f32 v13  }
0x476: {  	(erf) = vpow2.f32 v9;
	_ =	sdelay $0x1  }
0x477: {  	v9 =	vld [tilespmem:s26+$0xF030];
	_ =	sdelay $0x2  }
0x478: {  	v7 =	vadd.f32 v8, v7;
	_ =	sdelay $0x1  }
0x479: {  	v7 =	vadd.f32 v9, v7  }
0x47a: {  	v8 =	vpop (erf)  }
0x47b: {  	v7 =	vmul.f32 $6.250000000e-02, v7;
	v9 =	vpop (erf)  }
0x47c: {  	v13 =	vadd.f32 $1.000000000e+00, v9  }
0x47d: {  	v7 =	vmul.f32 $1.442695020e+00, v7  }
0x47e: {  	(erf) = vrcp.f32 v13  }
0x47f: {  	(erf) = vpow2.f32 v7;
	_ =	sdelay $0x1  }
0x480: {  	v7 =	vld [tilespmem:s26+$0xF040];
	_ =	sdelay $0x2  }
0x481: {  	v5 =	vadd.f32 v5, v6;
	_ =	sdelay $0x1  }
0x482: {  	v5 =	vadd.f32 v7, v5  }
0x483: {  	v6 =	vpop (erf)  }
0x484: {  	v5 =	vmul.f32 $6.250000000e-02, v5;
	v7 =	vpop (erf)  }
0x485: {  	v13 =	vadd.f32 $1.000000000e+00, v7  }
0x486: {  	v5 =	vmul.f32 $1.442695020e+00, v5  }
0x487: {  	(erf) = vrcp.f32 v13  }
0x488: {  	(erf) = vpow2.f32 v5;
	_ =	sdelay $0x1  }
0x489: {  	v5 =	vld [tilespmem:s26+$0xF050];
	_ =	sdelay $0x2  }
0x48a: {  	v3 =	vadd.f32 v4, v3;
	_ =	sdelay $0x1  }
0x48b: {  	v3 =	vadd.f32 v5, v3  }
0x48c: {  	v4 =	vpop (erf)  }
0x48d: {  	v3 =	vmul.f32 $6.250000000e-02, v3;
	v5 =	vpop (erf)  }
0x48e: {  	v13 =	vadd.f32 $1.000000000e+00, v5  }
0x48f: {  	v3 =	vmul.f32 $1.442695020e+00, v3  }
0x490: {  	(erf) = vrcp.f32 v13  }
0x491: {  	(erf) = vpow2.f32 v3;
	_ =	sdelay $0x1  }
0x492: {  	v3 =	vld [tilespmem:s26+$0xF060];
	_ =	sdelay $0x2  }
0x493: {  	v1 =	vadd.f32 v2, v1;
	_ =	sdelay $0x1  }
0x494: {  	v1 =	vadd.f32 v3, v1  }
0x495: {  	v2 =	vpop (erf)  }
0x496: {  	v1 =	vmul.f32 $6.250000000e-02, v1;
	v3 =	vpop (erf)  }
0x497: {  	v13 =	vadd.f32 $1.000000000e+00, v3  }
0x498: {  	v1 =	vmul.f32 $1.442695020e+00, v1  }
0x499: {  	(erf) = vrcp.f32 v13  }
0x49a: {  	(erf) = vpow2.f32 v1;
	_ =	sdelay $0x1  }
0x49b: {  	v1 =	vld [tilespmem:s26+$0xF070];
	_ =	sdelay $0x4  }
0x49c: {  	v0 =	vadd.f32 v1, v0  }
0x49d: {  	v1 =	vpop (erf)  }
0x49e: {  	v0 =	vmul.f32 $6.250000000e-02, v0;
	v13 =	vpop (erf)  }
0x49f: {  	v14 =	vadd.f32 $1.000000000e+00, v13  }
0x4a0: {  	v0 =	vmul.f32 $1.442695020e+00, v0  }
0x4a1: {  	(erf) = vrcp.f32 v14  }
0x4a2: {  	(erf) = vpow2.f32 v0;
	_ =	sdelay $0x7  }
0x4a3: {  	v0 =	vpop (erf)  }
0x4a4: {  	v14 =	vpop (erf)  }
0x4a5: {  	v15 =	vadd.f32 $1.000000000e+00, v14;
	_ =	sdelay $0x1  }
0x4a6: {  	(erf) = vrcp.f32 v15  }
0x4a7: {  	v12 =	vadd.f32 $-1.000000000e+00, v12  }
0x4a8: {  	v11 =	vadd.f32 $-1.000000000e+00, v11  }
0x4a9: {  	v10 =	vmul.f32 v10, v12;
	v9 =	vadd.f32 $-1.000000000e+00, v9;
	v5 =	vadd.f32 $-1.000000000e+00, v5  }
0x4aa: {  	v8 =	vmul.f32 v8, v11;
	v7 =	vadd.f32 $-1.000000000e+00, v7  }
0x4ab: {  	v6 =	vmul.f32 v6, v9;
	v2 =	vmul.f32 v2, v5;
	[tilespmem:s25+$0x14180] =	vst v10  }
0x4ac: {  	v4 =	vmul.f32 v4, v7;
	v3 =	vadd.f32 $-1.000000000e+00, v3;
	[tilespmem:s25+$0x14190] =	vst v8  }
0x4ad: {  	[tilespmem:s25+$0x141A0] =	vst v6;
	v5 =	vadd.f32 $-1.000000000e+00, v13  }
0x4ae: {  	[tilespmem:s25+$0x141B0] =	vst v4;
	v1 =	vmul.f32 v1, v3;
	v3 =	vadd.f32 $-1.000000000e+00, v14  }
0x4af: {  	[tilespmem:s25+$0x141C0] =	vst v2;
	v0 =	vmul.f32 v0, v5;
	v2 =	vpop (erf)  }
0x4b0: {  	[tilespmem:s25+$0x141D0] =	vst v1;
	v1 =	vmul.f32 v2, v3  }
0x4b1: {  	[tilespmem:s25+$0x141E0] =	vst v0  }
0x4b2: {  	s24 =	sadd.s32 @!p1 $0x300, s24;
	s26 =	simm.s32 @!p1 $0xC000;
	[tilespmem:s25+$0x141F0] =	vst v1;
	s25 =	simm.s32 @!p1 $0x80  }
0x4b3: {  	[tilespmem:s26], [sflag:$0x3] =	stream.indirect.gather @!p1 [hbm4b:s2+s25], $0x80, s24, s25, $0xb8;
	[tilespmem:$0x1C000] =	vst v63  }
0x4b4: {  	_ =	swait.ge [sflag:s18], $0x4000  }
0x4b5: {  	[sflag:s18] =	ssyncset.done $0x0  }
0x4b6: {  	s31 =	simm.s32 $0x0;
	[sflag:s18] =	ssyncadd.s32 $0xFFFFC000  }
0x4b7: {  	v0 =	vld [tilespmem:s31+$0x10070]  }
0x4b8: {  	v1 =	vld [tilespmem:s31+$0x10000]  }
0x4b9: {  	v2 =	vld [tilespmem:s31+$0x10010]  }
0x4ba: {  	v10 =	vld [tilespmem:s31+$0x10020]  }
0x4bb: {  	v8 =	vld [tilespmem:s31+$0x10030]  }
0x4bc: {  	v9 =	vimm.f32 $0.0e+00;
	v7 =	vimm.f32 $0.0e+00;
	v5 =	vld [tilespmem:s31+$0x10040]  }
0x4bd: {  	v6 =	vimm.f32 $0.0e+00;
	v3 =	vimm.f32 $0.0e+00;
	v4 =	vld [tilespmem:s31+$0x10050];
	v0 =	vadd.f32 v0, v9  }
0x4be: {  	s24 =	simm.s32 $0x80;
	s25 =	simm.s32 $0x400;
	v12 =	vadd.f32 v1, v9;
	v11 =	vadd.f32 v2, v9;
	v2 =	vld [tilespmem:s31+$0x10060];
	v1 =	vimm.f32 $0.0e+00  }
.LBB2_27:
0x4bf: {  	p1 =	sne.s32 s25, $0x3E00;
	v13 =	vld [tilespmem:s24+$0x10070];
	v9 =	vadd.f32 v10, v9  }
0x4c0: {  	v14 =	vld [tilespmem:s24+$0x10000];
	v7 =	vadd.f32 v8, v7  }
0x4c1: {  	v15 =	vld [tilespmem:s24+$0x10010];
	v6 =	vadd.f32 v5, v6  }
.Ltmp12:
0x4c2: {  	v10 =	vld [tilespmem:s24+$0x10020];
	v3 =	vadd.f32 v4, v3;
	(pc) =	sbr.rel @p1 .LBB2_27-.Ltmp12, $4  }
0x4c3: {  	v8 =	vld [tilespmem:s24+$0x10030];
	v1 =	vadd.f32 v2, v1  }
0x4c4: {  	v5 =	vld [tilespmem:s24+$0x10040];
	v0 =	vadd.f32 v13, v0  }
0x4c5: {  	v12 =	vadd.f32 v14, v12;
	v4 =	vld [tilespmem:s24+$0x10050]  }
0x4c6: {  	v11 =	vadd.f32 v15, v11;
	v2 =	vld [tilespmem:s24+$0x10060];
	s24 =	sshra.s32 s25, $0x2;
	s25 =	sadd.s32 $0x200, s25  }
0x4c7: {  	v13 =	vld [tilespmem:s24+$0x10000];
	_ =	sdelay $0x4  }
0x4c8: {  	v12 =	vadd.f32 v13, v12;
	_ =	sdelay $0x1  }
0x4c9: {  	v12 =	vmul.f32 $6.250000000e-02, v12;
	_ =	sdelay $0x1  }
0x4ca: {  	v12 =	vmul.f32 $1.442695020e+00, v12;
	_ =	sdelay $0x1  }
0x4cb: {  	(erf) = vpow2.f32 v12;
	_ =	sdelay $0x1  }
0x4cc: {  	v12 =	vld [tilespmem:s24+$0x10010];
	_ =	sdelay $0x4  }
0x4cd: {  	v11 =	vadd.f32 v12, v11;
	_ =	sdelay $0x1  }
0x4ce: {  	v11 =	vmul.f32 $6.250000000e-02, v11;
	v12 =	vpop (erf)  }
0x4cf: {  	v13 =	vadd.f32 $1.000000000e+00, v12  }
0x4d0: {  	v11 =	vmul.f32 $1.442695020e+00, v11  }
0x4d1: {  	(erf) = vrcp.f32 v13  }
0x4d2: {  	(erf) = vpow2.f32 v11;
	_ =	sdelay $0x1  }
0x4d3: {  	v11 =	vld [tilespmem:s24+$0x10020];
	_ =	sdelay $0x2  }
0x4d4: {  	v9 =	vadd.f32 v10, v9;
	_ =	sdelay $0x1  }
0x4d5: {  	v9 =	vadd.f32 v11, v9  }
0x4d6: {  	v10 =	vpop (erf)  }
0x4d7: {  	v9 =	vmul.f32 $6.250000000e-02, v9;
	v11 =	vpop (erf)  }
0x4d8: {  	v13 =	vadd.f32 $1.000000000e+00, v11  }
0x4d9: {  	v9 =	vmul.f32 $1.442695020e+00, v9  }
0x4da: {  	(erf) = vrcp.f32 v13  }
0x4db: {  	(erf) = vpow2.f32 v9;
	_ =	sdelay $0x1  }
0x4dc: {  	v9 =	vld [tilespmem:s24+$0x10030];
	_ =	sdelay $0x2  }
0x4dd: {  	v7 =	vadd.f32 v8, v7;
	_ =	sdelay $0x1  }
0x4de: {  	v7 =	vadd.f32 v9, v7  }
0x4df: {  	v8 =	vpop (erf)  }
0x4e0: {  	v7 =	vmul.f32 $6.250000000e-02, v7;
	v9 =	vpop (erf)  }
0x4e1: {  	v13 =	vadd.f32 $1.000000000e+00, v9  }
0x4e2: {  	v7 =	vmul.f32 $1.442695020e+00, v7  }
0x4e3: {  	(erf) = vrcp.f32 v13  }
0x4e4: {  	(erf) = vpow2.f32 v7;
	_ =	sdelay $0x1  }
0x4e5: {  	v7 =	vld [tilespmem:s24+$0x10040];
	_ =	sdelay $0x2  }
0x4e6: {  	v5 =	vadd.f32 v5, v6;
	_ =	sdelay $0x1  }
0x4e7: {  	v5 =	vadd.f32 v7, v5  }
0x4e8: {  	v6 =	vpop (erf)  }
0x4e9: {  	v5 =	vmul.f32 $6.250000000e-02, v5;
	v7 =	vpop (erf)  }
0x4ea: {  	v13 =	vadd.f32 $1.000000000e+00, v7  }
0x4eb: {  	v5 =	vmul.f32 $1.442695020e+00, v5  }
0x4ec: {  	(erf) = vrcp.f32 v13  }
0x4ed: {  	(erf) = vpow2.f32 v5;
	_ =	sdelay $0x1  }
0x4ee: {  	v5 =	vld [tilespmem:s24+$0x10050];
	_ =	sdelay $0x2  }
0x4ef: {  	v3 =	vadd.f32 v4, v3;
	_ =	sdelay $0x1  }
0x4f0: {  	v3 =	vadd.f32 v5, v3  }
0x4f1: {  	v4 =	vpop (erf)  }
0x4f2: {  	v3 =	vmul.f32 $6.250000000e-02, v3;
	v5 =	vpop (erf)  }
0x4f3: {  	v13 =	vadd.f32 $1.000000000e+00, v5  }
0x4f4: {  	v3 =	vmul.f32 $1.442695020e+00, v3  }
0x4f5: {  	(erf) = vrcp.f32 v13  }
0x4f6: {  	(erf) = vpow2.f32 v3;
	_ =	sdelay $0x1  }
0x4f7: {  	v3 =	vld [tilespmem:s24+$0x10060];
	_ =	sdelay $0x2  }
0x4f8: {  	v1 =	vadd.f32 v2, v1;
	_ =	sdelay $0x1  }
0x4f9: {  	v1 =	vadd.f32 v3, v1  }
0x4fa: {  	v2 =	vpop (erf)  }
0x4fb: {  	v1 =	vmul.f32 $6.250000000e-02, v1;
	v3 =	vpop (erf)  }
0x4fc: {  	v13 =	vadd.f32 $1.000000000e+00, v3  }
0x4fd: {  	v1 =	vmul.f32 $1.442695020e+00, v1  }
0x4fe: {  	(erf) = vrcp.f32 v13  }
0x4ff: {  	(erf) = vpow2.f32 v1;
	_ =	sdelay $0x1  }
0x500: {  	v1 =	vld [tilespmem:s24+$0x10070];
	_ =	sdelay $0x4  }
0x501: {  	v0 =	vadd.f32 v1, v0  }
0x502: {  	v1 =	vpop (erf)  }
0x503: {  	v0 =	vmul.f32 $6.250000000e-02, v0;
	v13 =	vpop (erf)  }
0x504: {  	v14 =	vadd.f32 $1.000000000e+00, v13  }
0x505: {  	v0 =	vmul.f32 $1.442695020e+00, v0  }
0x506: {  	(erf) = vrcp.f32 v14  }
0x507: {  	(erf) = vpow2.f32 v0;
	_ =	sdelay $0x7  }
0x508: {  	v0 =	vpop (erf)  }
0x509: {  	v14 =	vpop (erf)  }
0x50a: {  	v15 =	vadd.f32 $1.000000000e+00, v14;
	_ =	sdelay $0x1  }
0x50b: {  	(erf) = vrcp.f32 v15  }
0x50c: {  	s23 =	sadd.s32 $0x1FFFC3, s23;
	v12 =	vadd.f32 $-1.000000000e+00, v12  }
0x50d: {  	s23 =	smov.u32 @p0 s22;
	v11 =	vadd.f32 $-1.000000000e+00, v11  }
0x50e: {  	s22 =	sshll.u32 s23, $0xB;
	v10 =	vmul.f32 v10, v12;
	v9 =	vadd.f32 $-1.000000000e+00, v9;
	v5 =	vadd.f32 $-1.000000000e+00, v5  }
0x50f: {  	s22 =	sshra.s32 s22, $0x2;
	v8 =	vmul.f32 v8, v11;
	v7 =	vadd.f32 $-1.000000000e+00, v7  }
0x510: {  	v6 =	vmul.f32 v6, v9;
	v2 =	vmul.f32 v2, v5;
	[tilespmem:s22+$0x14000] =	vst v10  }
0x511: {  	v4 =	vmul.f32 v4, v7;
	v3 =	vadd.f32 $-1.000000000e+00, v3;
	[tilespmem:s22+$0x14010] =	vst v8  }
0x512: {  	[tilespmem:s22+$0x14020] =	vst v6;
	v5 =	vadd.f32 $-1.000000000e+00, v13  }
0x513: {  	[tilespmem:s22+$0x14030] =	vst v4;
	v1 =	vmul.f32 v1, v3;
	v3 =	vadd.f32 $-1.000000000e+00, v14  }
0x514: {  	[tilespmem:s22+$0x14040] =	vst v2;
	v0 =	vmul.f32 v0, v5;
	v2 =	vpop (erf)  }
0x515: {  	[tilespmem:s22+$0x14050] =	vst v1;
	v1 =	vmul.f32 v2, v3  }
0x516: {  	[tilespmem:s22+$0x14060] =	vst v0  }
0x517: {  	s25 =	simm.s32 $0x0;
	[tilespmem:s22+$0x14070] =	vst v1  }
0x518: {  	v0 =	vld [tilespmem:s25+$0x11070]  }
0x519: {  	v1 =	vld [tilespmem:s25+$0x11000]  }
0x51a: {  	v2 =	vld [tilespmem:s25+$0x11010]  }
0x51b: {  	v10 =	vld [tilespmem:s25+$0x11020]  }
0x51c: {  	v8 =	vld [tilespmem:s25+$0x11030]  }
0x51d: {  	v9 =	vimm.f32 $0.0e+00;
	v7 =	vimm.f32 $0.0e+00;
	v5 =	vld [tilespmem:s25+$0x11040]  }
0x51e: {  	v6 =	vimm.f32 $0.0e+00;
	v3 =	vimm.f32 $0.0e+00;
	v4 =	vld [tilespmem:s25+$0x11050];
	v0 =	vadd.f32 v0, v9  }
0x51f: {  	s23 =	simm.s32 $0x80;
	s24 =	simm.s32 $0x400;
	v12 =	vadd.f32 v1, v9;
	v11 =	vadd.f32 v2, v9;
	v2 =	vld [tilespmem:s25+$0x11060];
	v1 =	vimm.f32 $0.0e+00  }
.LBB2_29:
0x520: {  	p0 =	sne.s32 s24, $0x3E00;
	v13 =	vld [tilespmem:s23+$0x11070];
	v9 =	vadd.f32 v10, v9  }
0x521: {  	v14 =	vld [tilespmem:s23+$0x11000];
	v7 =	vadd.f32 v8, v7  }
0x522: {  	v15 =	vld [tilespmem:s23+$0x11010];
	v6 =	vadd.f32 v5, v6  }
.Ltmp13:
0x523: {  	v10 =	vld [tilespmem:s23+$0x11020];
	v3 =	vadd.f32 v4, v3;
	(pc) =	sbr.rel @p0 .LBB2_29-.Ltmp13, $4  }
0x524: {  	v8 =	vld [tilespmem:s23+$0x11030];
	v1 =	vadd.f32 v2, v1  }
0x525: {  	v5 =	vld [tilespmem:s23+$0x11040];
	v0 =	vadd.f32 v13, v0  }
0x526: {  	v12 =	vadd.f32 v14, v12;
	v4 =	vld [tilespmem:s23+$0x11050]  }
0x527: {  	v11 =	vadd.f32 v15, v11;
	v2 =	vld [tilespmem:s23+$0x11060];
	s23 =	sshra.s32 s24, $0x2;
	s24 =	sadd.s32 $0x200, s24  }
0x528: {  	v13 =	vld [tilespmem:s23+$0x11000];
	_ =	sdelay $0x4  }
0x529: {  	v12 =	vadd.f32 v13, v12;
	_ =	sdelay $0x1  }
0x52a: {  	v12 =	vmul.f32 $6.250000000e-02, v12;
	_ =	sdelay $0x1  }
0x52b: {  	v12 =	vmul.f32 $1.442695020e+00, v12;
	_ =	sdelay $0x1  }
0x52c: {  	(erf) = vpow2.f32 v12;
	_ =	sdelay $0x1  }
0x52d: {  	v12 =	vld [tilespmem:s23+$0x11010];
	_ =	sdelay $0x4  }
0x52e: {  	v11 =	vadd.f32 v12, v11;
	_ =	sdelay $0x1  }
0x52f: {  	v11 =	vmul.f32 $6.250000000e-02, v11;
	v12 =	vpop (erf)  }
0x530: {  	v13 =	vadd.f32 $1.000000000e+00, v12  }
0x531: {  	v11 =	vmul.f32 $1.442695020e+00, v11  }
0x532: {  	(erf) = vrcp.f32 v13  }
0x533: {  	(erf) = vpow2.f32 v11;
	_ =	sdelay $0x1  }
0x534: {  	v11 =	vld [tilespmem:s23+$0x11020];
	_ =	sdelay $0x2  }
0x535: {  	v9 =	vadd.f32 v10, v9;
	_ =	sdelay $0x1  }
0x536: {  	v9 =	vadd.f32 v11, v9  }
0x537: {  	v10 =	vpop (erf)  }
0x538: {  	v9 =	vmul.f32 $6.250000000e-02, v9;
	v11 =	vpop (erf)  }
0x539: {  	v13 =	vadd.f32 $1.000000000e+00, v11  }
0x53a: {  	v9 =	vmul.f32 $1.442695020e+00, v9  }
0x53b: {  	(erf) = vrcp.f32 v13  }
0x53c: {  	(erf) = vpow2.f32 v9;
	_ =	sdelay $0x1  }
0x53d: {  	v9 =	vld [tilespmem:s23+$0x11030];
	_ =	sdelay $0x2  }
0x53e: {  	v7 =	vadd.f32 v8, v7;
	_ =	sdelay $0x1  }
0x53f: {  	v7 =	vadd.f32 v9, v7  }
0x540: {  	v8 =	vpop (erf)  }
0x541: {  	v7 =	vmul.f32 $6.250000000e-02, v7;
	v9 =	vpop (erf)  }
0x542: {  	v13 =	vadd.f32 $1.000000000e+00, v9  }
0x543: {  	v7 =	vmul.f32 $1.442695020e+00, v7  }
0x544: {  	(erf) = vrcp.f32 v13  }
0x545: {  	(erf) = vpow2.f32 v7;
	_ =	sdelay $0x1  }
0x546: {  	v7 =	vld [tilespmem:s23+$0x11040];
	_ =	sdelay $0x2  }
0x547: {  	v5 =	vadd.f32 v5, v6;
	_ =	sdelay $0x1  }
0x548: {  	v5 =	vadd.f32 v7, v5  }
0x549: {  	v6 =	vpop (erf)  }
0x54a: {  	v5 =	vmul.f32 $6.250000000e-02, v5;
	v7 =	vpop (erf)  }
0x54b: {  	v13 =	vadd.f32 $1.000000000e+00, v7  }
0x54c: {  	v5 =	vmul.f32 $1.442695020e+00, v5  }
0x54d: {  	(erf) = vrcp.f32 v13  }
0x54e: {  	(erf) = vpow2.f32 v5;
	_ =	sdelay $0x1  }
0x54f: {  	v5 =	vld [tilespmem:s23+$0x11050];
	_ =	sdelay $0x2  }
0x550: {  	v3 =	vadd.f32 v4, v3;
	_ =	sdelay $0x1  }
0x551: {  	v3 =	vadd.f32 v5, v3  }
0x552: {  	v4 =	vpop (erf)  }
0x553: {  	v3 =	vmul.f32 $6.250000000e-02, v3;
	v5 =	vpop (erf)  }
0x554: {  	v13 =	vadd.f32 $1.000000000e+00, v5  }
0x555: {  	v3 =	vmul.f32 $1.442695020e+00, v3  }
0x556: {  	(erf) = vrcp.f32 v13  }
0x557: {  	(erf) = vpow2.f32 v3;
	_ =	sdelay $0x1  }
0x558: {  	v3 =	vld [tilespmem:s23+$0x11060];
	_ =	sdelay $0x2  }
0x559: {  	v1 =	vadd.f32 v2, v1;
	_ =	sdelay $0x1  }
0x55a: {  	v1 =	vadd.f32 v3, v1  }
0x55b: {  	v2 =	vpop (erf)  }
0x55c: {  	v1 =	vmul.f32 $6.250000000e-02, v1;
	v3 =	vpop (erf)  }
0x55d: {  	v13 =	vadd.f32 $1.000000000e+00, v3  }
0x55e: {  	v1 =	vmul.f32 $1.442695020e+00, v1  }
0x55f: {  	(erf) = vrcp.f32 v13  }
0x560: {  	(erf) = vpow2.f32 v1;
	_ =	sdelay $0x1  }
0x561: {  	v1 =	vld [tilespmem:s23+$0x11070];
	_ =	sdelay $0x4  }
0x562: {  	v0 =	vadd.f32 v1, v0  }
0x563: {  	v1 =	vpop (erf)  }
0x564: {  	v0 =	vmul.f32 $6.250000000e-02, v0;
	v13 =	vpop (erf)  }
0x565: {  	v14 =	vadd.f32 $1.000000000e+00, v13  }
0x566: {  	v0 =	vmul.f32 $1.442695020e+00, v0  }
0x567: {  	(erf) = vrcp.f32 v14  }
0x568: {  	(erf) = vpow2.f32 v0;
	_ =	sdelay $0x7  }
0x569: {  	v0 =	vpop (erf)  }
0x56a: {  	v14 =	vpop (erf)  }
0x56b: {  	v15 =	vadd.f32 $1.000000000e+00, v14;
	_ =	sdelay $0x1  }
0x56c: {  	(erf) = vrcp.f32 v15  }
0x56d: {  	v12 =	vadd.f32 $-1.000000000e+00, v12  }
0x56e: {  	v11 =	vadd.f32 $-1.000000000e+00, v11  }
0x56f: {  	v10 =	vmul.f32 v10, v12;
	v9 =	vadd.f32 $-1.000000000e+00, v9;
	v5 =	vadd.f32 $-1.000000000e+00, v5  }
0x570: {  	v8 =	vmul.f32 v8, v11;
	v7 =	vadd.f32 $-1.000000000e+00, v7  }
0x571: {  	v6 =	vmul.f32 v6, v9;
	v2 =	vmul.f32 v2, v5;
	[tilespmem:s22+$0x14080] =	vst v10  }
0x572: {  	v4 =	vmul.f32 v4, v7;
	v3 =	vadd.f32 $-1.000000000e+00, v3;
	[tilespmem:s22+$0x14090] =	vst v8  }
0x573: {  	[tilespmem:s22+$0x140A0] =	vst v6;
	v5 =	vadd.f32 $-1.000000000e+00, v13  }
0x574: {  	[tilespmem:s22+$0x140B0] =	vst v4;
	v1 =	vmul.f32 v1, v3;
	v3 =	vadd.f32 $-1.000000000e+00, v14  }
0x575: {  	[tilespmem:s22+$0x140C0] =	vst v2;
	v0 =	vmul.f32 v0, v5;
	v2 =	vpop (erf)  }
0x576: {  	[tilespmem:s22+$0x140D0] =	vst v1;
	v1 =	vmul.f32 v2, v3  }
0x577: {  	[tilespmem:s22+$0x140E0] =	vst v0  }
0x578: {  	s25 =	simm.s32 $0x0;
	[tilespmem:s22+$0x140F0] =	vst v1  }
0x579: {  	v0 =	vld [tilespmem:s25+$0x12070]  }
0x57a: {  	v1 =	vld [tilespmem:s25+$0x12000]  }
0x57b: {  	v2 =	vld [tilespmem:s25+$0x12010]  }
0x57c: {  	v10 =	vld [tilespmem:s25+$0x12020]  }
0x57d: {  	v8 =	vld [tilespmem:s25+$0x12030]  }
0x57e: {  	v9 =	vimm.f32 $0.0e+00;
	v7 =	vimm.f32 $0.0e+00;
	v5 =	vld [tilespmem:s25+$0x12040]  }
0x57f: {  	v6 =	vimm.f32 $0.0e+00;
	v3 =	vimm.f32 $0.0e+00;
	v4 =	vld [tilespmem:s25+$0x12050];
	v0 =	vadd.f32 v0, v9  }
0x580: {  	s24 =	simm.s32 $0x400;
	s23 =	simm.s32 $0x80;
	v12 =	vadd.f32 v1, v9;
	v11 =	vadd.f32 v2, v9;
	v2 =	vld [tilespmem:s25+$0x12060];
	v1 =	vimm.f32 $0.0e+00  }
.LBB2_31:
0x581: {  	p0 =	sne.s32 s24, $0x3E00;
	v13 =	vld [tilespmem:s23+$0x12070];
	v9 =	vadd.f32 v10, v9  }
0x582: {  	v14 =	vld [tilespmem:s23+$0x12000];
	v7 =	vadd.f32 v8, v7  }
0x583: {  	v15 =	vld [tilespmem:s23+$0x12010];
	v6 =	vadd.f32 v5, v6  }
.Ltmp14:
0x584: {  	v10 =	vld [tilespmem:s23+$0x12020];
	v3 =	vadd.f32 v4, v3;
	(pc) =	sbr.rel @p0 .LBB2_31-.Ltmp14, $4  }
0x585: {  	v8 =	vld [tilespmem:s23+$0x12030];
	v1 =	vadd.f32 v2, v1  }
0x586: {  	v5 =	vld [tilespmem:s23+$0x12040];
	v0 =	vadd.f32 v13, v0  }
0x587: {  	v12 =	vadd.f32 v14, v12;
	v4 =	vld [tilespmem:s23+$0x12050]  }
0x588: {  	v11 =	vadd.f32 v15, v11;
	v2 =	vld [tilespmem:s23+$0x12060];
	s23 =	sshra.s32 s24, $0x2;
	s24 =	sadd.s32 $0x200, s24  }
0x589: {  	v13 =	vld [tilespmem:s23+$0x12000];
	_ =	sdelay $0x4  }
0x58a: {  	v12 =	vadd.f32 v13, v12;
	_ =	sdelay $0x1  }
0x58b: {  	v12 =	vmul.f32 $6.250000000e-02, v12;
	_ =	sdelay $0x1  }
0x58c: {  	v12 =	vmul.f32 $1.442695020e+00, v12;
	_ =	sdelay $0x1  }
0x58d: {  	(erf) = vpow2.f32 v12;
	_ =	sdelay $0x1  }
0x58e: {  	v12 =	vld [tilespmem:s23+$0x12010];
	_ =	sdelay $0x4  }
0x58f: {  	v11 =	vadd.f32 v12, v11;
	_ =	sdelay $0x1  }
0x590: {  	v11 =	vmul.f32 $6.250000000e-02, v11;
	v12 =	vpop (erf)  }
0x591: {  	v13 =	vadd.f32 $1.000000000e+00, v12  }
0x592: {  	v11 =	vmul.f32 $1.442695020e+00, v11  }
0x593: {  	(erf) = vrcp.f32 v13  }
0x594: {  	(erf) = vpow2.f32 v11;
	_ =	sdelay $0x1  }
0x595: {  	v11 =	vld [tilespmem:s23+$0x12020];
	_ =	sdelay $0x2  }
0x596: {  	v9 =	vadd.f32 v10, v9;
	_ =	sdelay $0x1  }
0x597: {  	v9 =	vadd.f32 v11, v9  }
0x598: {  	v10 =	vpop (erf)  }
0x599: {  	v9 =	vmul.f32 $6.250000000e-02, v9;
	v11 =	vpop (erf)  }
0x59a: {  	v13 =	vadd.f32 $1.000000000e+00, v11  }
0x59b: {  	v9 =	vmul.f32 $1.442695020e+00, v9  }
0x59c: {  	(erf) = vrcp.f32 v13  }
0x59d: {  	(erf) = vpow2.f32 v9;
	_ =	sdelay $0x1  }
0x59e: {  	v9 =	vld [tilespmem:s23+$0x12030];
	_ =	sdelay $0x2  }
0x59f: {  	v7 =	vadd.f32 v8, v7;
	_ =	sdelay $0x1  }
0x5a0: {  	v7 =	vadd.f32 v9, v7  }
0x5a1: {  	v8 =	vpop (erf)  }
0x5a2: {  	v7 =	vmul.f32 $6.250000000e-02, v7;
	v9 =	vpop (erf)  }
0x5a3: {  	v13 =	vadd.f32 $1.000000000e+00, v9  }
0x5a4: {  	v7 =	vmul.f32 $1.442695020e+00, v7  }
0x5a5: {  	(erf) = vrcp.f32 v13  }
0x5a6: {  	(erf) = vpow2.f32 v7;
	_ =	sdelay $0x1  }
0x5a7: {  	v7 =	vld [tilespmem:s23+$0x12040];
	_ =	sdelay $0x2  }
0x5a8: {  	v5 =	vadd.f32 v5, v6;
	_ =	sdelay $0x1  }
0x5a9: {  	v5 =	vadd.f32 v7, v5  }
0x5aa: {  	v6 =	vpop (erf)  }
0x5ab: {  	v5 =	vmul.f32 $6.250000000e-02, v5;
	v7 =	vpop (erf)  }
0x5ac: {  	v13 =	vadd.f32 $1.000000000e+00, v7  }
0x5ad: {  	v5 =	vmul.f32 $1.442695020e+00, v5  }
0x5ae: {  	(erf) = vrcp.f32 v13  }
0x5af: {  	(erf) = vpow2.f32 v5;
	_ =	sdelay $0x1  }
0x5b0: {  	v5 =	vld [tilespmem:s23+$0x12050];
	_ =	sdelay $0x2  }
0x5b1: {  	v3 =	vadd.f32 v4, v3;
	_ =	sdelay $0x1  }
0x5b2: {  	v3 =	vadd.f32 v5, v3  }
0x5b3: {  	v4 =	vpop (erf)  }
0x5b4: {  	v3 =	vmul.f32 $6.250000000e-02, v3;
	v5 =	vpop (erf)  }
0x5b5: {  	v13 =	vadd.f32 $1.000000000e+00, v5  }
0x5b6: {  	v3 =	vmul.f32 $1.442695020e+00, v3  }
0x5b7: {  	(erf) = vrcp.f32 v13  }
0x5b8: {  	(erf) = vpow2.f32 v3;
	_ =	sdelay $0x1  }
0x5b9: {  	v3 =	vld [tilespmem:s23+$0x12060];
	_ =	sdelay $0x2  }
0x5ba: {  	v1 =	vadd.f32 v2, v1;
	_ =	sdelay $0x1  }
0x5bb: {  	v1 =	vadd.f32 v3, v1  }
0x5bc: {  	v2 =	vpop (erf)  }
0x5bd: {  	v1 =	vmul.f32 $6.250000000e-02, v1;
	v3 =	vpop (erf)  }
0x5be: {  	v13 =	vadd.f32 $1.000000000e+00, v3  }
0x5bf: {  	v1 =	vmul.f32 $1.442695020e+00, v1  }
0x5c0: {  	(erf) = vrcp.f32 v13  }
0x5c1: {  	(erf) = vpow2.f32 v1;
	_ =	sdelay $0x1  }
0x5c2: {  	v1 =	vld [tilespmem:s23+$0x12070];
	_ =	sdelay $0x4  }
0x5c3: {  	v0 =	vadd.f32 v1, v0  }
0x5c4: {  	v1 =	vpop (erf)  }
0x5c5: {  	v0 =	vmul.f32 $6.250000000e-02, v0;
	v13 =	vpop (erf)  }
0x5c6: {  	v14 =	vadd.f32 $1.000000000e+00, v13  }
0x5c7: {  	v0 =	vmul.f32 $1.442695020e+00, v0  }
0x5c8: {  	(erf) = vrcp.f32 v14  }
0x5c9: {  	(erf) = vpow2.f32 v0;
	_ =	sdelay $0x7  }
0x5ca: {  	v0 =	vpop (erf)  }
0x5cb: {  	v14 =	vpop (erf)  }
0x5cc: {  	v15 =	vadd.f32 $1.000000000e+00, v14;
	_ =	sdelay $0x1  }
0x5cd: {  	(erf) = vrcp.f32 v15  }
0x5ce: {  	v12 =	vadd.f32 $-1.000000000e+00, v12  }
0x5cf: {  	v11 =	vadd.f32 $-1.000000000e+00, v11  }
0x5d0: {  	v10 =	vmul.f32 v10, v12;
	v9 =	vadd.f32 $-1.000000000e+00, v9;
	v5 =	vadd.f32 $-1.000000000e+00, v5  }
0x5d1: {  	v8 =	vmul.f32 v8, v11;
	v7 =	vadd.f32 $-1.000000000e+00, v7  }
0x5d2: {  	v6 =	vmul.f32 v6, v9;
	v2 =	vmul.f32 v2, v5;
	[tilespmem:s22+$0x14100] =	vst v10  }
0x5d3: {  	v4 =	vmul.f32 v4, v7;
	v3 =	vadd.f32 $-1.000000000e+00, v3;
	[tilespmem:s22+$0x14110] =	vst v8  }
0x5d4: {  	[tilespmem:s22+$0x14120] =	vst v6;
	v5 =	vadd.f32 $-1.000000000e+00, v13  }
0x5d5: {  	[tilespmem:s22+$0x14130] =	vst v4;
	v1 =	vmul.f32 v1, v3;
	v3 =	vadd.f32 $-1.000000000e+00, v14  }
0x5d6: {  	[tilespmem:s22+$0x14140] =	vst v2;
	v0 =	vmul.f32 v0, v5;
	v2 =	vpop (erf)  }
0x5d7: {  	[tilespmem:s22+$0x14150] =	vst v1;
	v1 =	vmul.f32 v2, v3  }
0x5d8: {  	[tilespmem:s22+$0x14160] =	vst v0  }
0x5d9: {  	s25 =	simm.s32 $0x0;
	[tilespmem:s22+$0x14170] =	vst v1  }
0x5da: {  	v0 =	vld [tilespmem:s25+$0x13070]  }
0x5db: {  	v1 =	vld [tilespmem:s25+$0x13000]  }
0x5dc: {  	v2 =	vld [tilespmem:s25+$0x13010]  }
0x5dd: {  	v10 =	vld [tilespmem:s25+$0x13020]  }
0x5de: {  	v8 =	vld [tilespmem:s25+$0x13030]  }
0x5df: {  	v9 =	vimm.f32 $0.0e+00;
	v7 =	vimm.f32 $0.0e+00;
	v5 =	vld [tilespmem:s25+$0x13040]  }
0x5e0: {  	v6 =	vimm.f32 $0.0e+00;
	v3 =	vimm.f32 $0.0e+00;
	v4 =	vld [tilespmem:s25+$0x13050];
	v0 =	vadd.f32 v0, v9  }
0x5e1: {  	s24 =	simm.s32 $0x400;
	s23 =	simm.s32 $0x80;
	v12 =	vadd.f32 v1, v9;
	v11 =	vadd.f32 v2, v9;
	v2 =	vld [tilespmem:s25+$0x13060];
	v1 =	vimm.f32 $0.0e+00  }
.LBB2_33:
0x5e2: {  	p0 =	sne.s32 s24, $0x3E00;
	v13 =	vld [tilespmem:s23+$0x13070];
	v9 =	vadd.f32 v10, v9  }
0x5e3: {  	v14 =	vld [tilespmem:s23+$0x13000];
	v7 =	vadd.f32 v8, v7  }
0x5e4: {  	v15 =	vld [tilespmem:s23+$0x13010];
	v6 =	vadd.f32 v5, v6  }
.Ltmp15:
0x5e5: {  	v10 =	vld [tilespmem:s23+$0x13020];
	v3 =	vadd.f32 v4, v3;
	(pc) =	sbr.rel @p0 .LBB2_33-.Ltmp15, $4  }
0x5e6: {  	v8 =	vld [tilespmem:s23+$0x13030];
	v1 =	vadd.f32 v2, v1  }
0x5e7: {  	v5 =	vld [tilespmem:s23+$0x13040];
	v0 =	vadd.f32 v13, v0  }
0x5e8: {  	v12 =	vadd.f32 v14, v12;
	v4 =	vld [tilespmem:s23+$0x13050]  }
0x5e9: {  	v11 =	vadd.f32 v15, v11;
	v2 =	vld [tilespmem:s23+$0x13060];
	s23 =	sshra.s32 s24, $0x2;
	s24 =	sadd.s32 $0x200, s24  }
0x5ea: {  	v13 =	vld [tilespmem:s23+$0x13000];
	_ =	sdelay $0x4  }
0x5eb: {  	v12 =	vadd.f32 v13, v12;
	_ =	sdelay $0x1  }
0x5ec: {  	v12 =	vmul.f32 $6.250000000e-02, v12;
	_ =	sdelay $0x1  }
0x5ed: {  	v12 =	vmul.f32 $1.442695020e+00, v12;
	_ =	sdelay $0x1  }
0x5ee: {  	(erf) = vpow2.f32 v12;
	_ =	sdelay $0x1  }
0x5ef: {  	v32 =	vld [tilespmem:s23+$0x13010];
	_ =	sdelay $0x4  }
0x5f0: {  	v11 =	vadd.f32 v32, v11;
	_ =	sdelay $0x1  }
0x5f1: {  	v11 =	vmul.f32 $6.250000000e-02, v11;
	v33 =	vpop (erf)  }
0x5f2: {  	v34 =	vadd.f32 $1.000000000e+00, v33  }
0x5f3: {  	v11 =	vmul.f32 $1.442695020e+00, v11  }
0x5f4: {  	(erf) = vrcp.f32 v34  }
0x5f5: {  	(erf) = vpow2.f32 v11;
	_ =	sdelay $0x1  }
0x5f6: {  	v35 =	vld [tilespmem:s23+$0x13020];
	_ =	sdelay $0x2  }
0x5f7: {  	v9 =	vadd.f32 v10, v9;
	_ =	sdelay $0x1  }
0x5f8: {  	v9 =	vadd.f32 v35, v9  }
0x5f9: {  	v36 =	vpop (erf)  }
0x5fa: {  	v9 =	vmul.f32 $6.250000000e-02, v9;
	v37 =	vpop (erf)  }
0x5fb: {  	v38 =	vadd.f32 $1.000000000e+00, v37  }
0x5fc: {  	v9 =	vmul.f32 $1.442695020e+00, v9  }
0x5fd: {  	(erf) = vrcp.f32 v38  }
0x5fe: {  	(erf) = vpow2.f32 v9;
	_ =	sdelay $0x1  }
0x5ff: {  	v39 =	vld [tilespmem:s23+$0x13030];
	_ =	sdelay $0x2  }
0x600: {  	v7 =	vadd.f32 v8, v7;
	_ =	sdelay $0x1  }
0x601: {  	v7 =	vadd.f32 v39, v7  }
0x602: {  	v40 =	vpop (erf)  }
0x603: {  	v7 =	vmul.f32 $6.250000000e-02, v7;
	v41 =	vpop (erf)  }
0x604: {  	v42 =	vadd.f32 $1.000000000e+00, v41  }
0x605: {  	v7 =	vmul.f32 $1.442695020e+00, v7  }
0x606: {  	(erf) = vrcp.f32 v42  }
0x607: {  	(erf) = vpow2.f32 v7;
	_ =	sdelay $0x1  }
0x608: {  	v43 =	vld [tilespmem:s23+$0x13040];
	_ =	sdelay $0x2  }
0x609: {  	v5 =	vadd.f32 v5, v6;
	_ =	sdelay $0x1  }
0x60a: {  	v5 =	vadd.f32 v43, v5  }
0x60b: {  	v44 =	vpop (erf)  }
0x60c: {  	v5 =	vmul.f32 $6.250000000e-02, v5;
	v45 =	vpop (erf)  }
0x60d: {  	v46 =	vadd.f32 $1.000000000e+00, v45  }
0x60e: {  	v5 =	vmul.f32 $1.442695020e+00, v5  }
0x60f: {  	(erf) = vrcp.f32 v46  }
0x610: {  	(erf) = vpow2.f32 v5;
	_ =	sdelay $0x1  }
0x611: {  	v47 =	vld [tilespmem:s23+$0x13050];
	_ =	sdelay $0x2  }
0x612: {  	v3 =	vadd.f32 v4, v3;
	_ =	sdelay $0x1  }
0x613: {  	v3 =	vadd.f32 v47, v3  }
0x614: {  	v48 =	vpop (erf)  }
0x615: {  	v3 =	vmul.f32 $6.250000000e-02, v3;
	v49 =	vpop (erf)  }
0x616: {  	v50 =	vadd.f32 $1.000000000e+00, v49  }
0x617: {  	v3 =	vmul.f32 $1.442695020e+00, v3  }
0x618: {  	(erf) = vrcp.f32 v50  }
0x619: {  	(erf) = vpow2.f32 v3;
	_ =	sdelay $0x1  }
0x61a: {  	v51 =	vld [tilespmem:s23+$0x13060];
	_ =	sdelay $0x2  }
0x61b: {  	v1 =	vadd.f32 v2, v1;
	_ =	sdelay $0x1  }
0x61c: {  	v1 =	vadd.f32 v51, v1  }
0x61d: {  	v52 =	vpop (erf)  }
0x61e: {  	v1 =	vmul.f32 $6.250000000e-02, v1;
	v53 =	vpop (erf)  }
0x61f: {  	v54 =	vadd.f32 $1.000000000e+00, v53  }
0x620: {  	v1 =	vmul.f32 $1.442695020e+00, v1  }
0x621: {  	(erf) = vrcp.f32 v54  }
0x622: {  	(erf) = vpow2.f32 v1;
	_ =	sdelay $0x1  }
0x623: {  	v55 =	vld [tilespmem:s23+$0x13070];
	_ =	sdelay $0x4  }
0x624: {  	v0 =	vadd.f32 v55, v0  }
0x625: {  	v56 =	vpop (erf)  }
0x626: {  	v0 =	vmul.f32 $6.250000000e-02, v0;
	v57 =	vpop (erf)  }
0x627: {  	v14 =	vadd.f32 $1.000000000e+00, v57  }
0x628: {  	v0 =	vmul.f32 $1.442695020e+00, v0  }
0x629: {  	(erf) = vrcp.f32 v14  }
0x62a: {  	(erf) = vpow2.f32 v0;
	_ =	sdelay $0x7  }
0x62b: {  	v58 =	vpop (erf)  }
0x62c: {  	v59 =	vpop (erf)  }
0x62d: {  	v15 =	vadd.f32 $1.000000000e+00, v59;
	_ =	sdelay $0x1  }
0x62e: {  	(erf) = vrcp.f32 v15  }
0x62f: {  	v12 =	vadd.f32 $-1.000000000e+00, v33  }
0x630: {  	v11 =	vadd.f32 $-1.000000000e+00, v37  }
0x631: {  	v10 =	vmul.f32 v36, v12;
	v9 =	vadd.f32 $-1.000000000e+00, v41  }
0x632: {  	v8 =	vmul.f32 v40, v11;
	v7 =	vadd.f32 $-1.000000000e+00, v45  }
0x633: {  	[tilespmem:s22+$0x14180] =	vst v10;
	v6 =	vmul.f32 v44, v9;
	v5 =	vadd.f32 $-1.000000000e+00, v49  }
0x634: {  	[tilespmem:s22+$0x14190] =	vst v8;
	v4 =	vmul.f32 v48, v7;
	v3 =	vadd.f32 $-1.000000000e+00, v53  }
0x635: {  	[tilespmem:s22+$0x141A0] =	vst v6;
	v2 =	vmul.f32 v52, v5;
	v60 =	vadd.f32 $-1.000000000e+00, v57  }
0x636: {  	[tilespmem:s22+$0x141B0] =	vst v4;
	v1 =	vmul.f32 v56, v3;
	v61 =	vadd.f32 $-1.000000000e+00, v59  }
0x637: {  	[tilespmem:s22+$0x141C0] =	vst v2;
	v0 =	vmul.f32 v58, v60;
	v62 =	vpop (erf)  }
0x638: {  	[tilespmem:s22+$0x141D0] =	vst v1;
	v63 =	vmul.f32 v62, v61  }
0x639: {  	p0 =	sne.s32 s21, $0xF;
	s21 =	sadd.s32 $0x1, s21;
	[tilespmem:s22+$0x141E0] =	vst v0  }
0x63a: {  	s23 =	simm.s32 @!p0 $0x14000;
	p1 =	sne.s32 s21, $0x20;
	[tilespmem:s22+$0x141F0] =	vst v63;
	s22 =	simm.s32 @!p0 $0x0  }
0x63b: {  	[hbm4b:s5+s22] =	stream.linear.scatter @!p0 [tilespmem:s23], [sflag:$0x5], $0x8000, $0x38;
	[tilespmem:$0x1C000] =	vst v63  }
.Ltmp16:
0x63c: {  	_ = 	snop;
	(pc) =	sbr.rel @p1 .LBB2_2-.Ltmp16, $4  }
0x63d: {  	s22 =	simm.s32 @!p0 $0x5  }
0x63e: {  	_ =	swait.ge @!p0 [sflag:s22], $0x8000  }
0x63f: {  	[sflag:s22] =	ssyncset.done @!p0 $0x0  }
0x640: {  	[sflag:s22] =	ssyncadd.s32 @!p0 $0xFFFF8000  }
0x641: {  	s20 =	sadd.s32 $0x1, s20  }
0x642: {  	p0 =	sne.s32 s20, s7  }
.Ltmp17:
0x643: {  	_ = 	snop;
	(pc) =	sbr.rel @p0 .LBB2_1-.Ltmp17, $4  }
0x644: {  	[hbm4b:s6+s3] =	stream.linear.scatter [tilespmem:s19], [sflag:$0x5], $0x8000, $0x38;
	[tilespmem:$0x1C000] =	vst v63  }
0x645: {  	_ =	swait.ge [sflag:s8], $0x8000  }
0x646: {  	[sflag:s8] =	ssyncset.done $0x0  }
0x647: {  	[sflag:s8] =	ssyncadd.s32 $0xFFFF8000  }
0x648: {  	_ =	sfence.sel $0x180000  }
0x649: {  	[bflag:$0x0] =	sbarrier.arrive $0xFFFF  }
0x64a: {  	p0 =	sne.s32 s1, $0x0;
	_ =	strace $0x90000047  }
0x64b: {  	s0 =	sadd.s32 @!p0 $0x100000, s0;
	[bflag:$0x2] =	sbarrier.arrive $0xFFFF  }
0x64c: {  	[sflag:s0] =	ssyncadd.tile.s32 @!p0 $0x1;
	_ =	shalt  }
.Lfunc_end2:
_tile_overlayer_lowered:
.L_overlay_start_2:
0x64d: {  	(tag) =	ssettag $0x2  }
0x64e: {  	s0 =	rddreg [dreg:$0x0];
	s2 =	stileid.u32  }
0x64f: {  	s1 =	rddreg [dreg:$0x1];
	p0 =	sne.s32 s2, $0x0  }
0x650: {  	s3 =	rddreg [dreg:$0x2];
	[bflag:$0x3] =	sbarrier.arrive $0xFFFF;
	s2 =	simm.s32 @!p0 $0x1C05  }
0x651: {  	[timem:s3], [sflag:s2] =	dma.local @!p0 [hbm:s0], s1  }
0x652: {  	s0 =	simm.s32 @!p0 $0x5  }
0x653: {  	_ =	swait.ge @!p0 [sflag:s0], s1  }
0x654: {  	s1 =	ssub.s32 @!p0 $0x0, s1;
	[sflag:s0] =	ssyncset.done @!p0 $0x0  }
0x655: {  	[sflag:s0] =	ssyncadd.s32 @!p0 s1  }
0x656: {  	[bflag:$0x3] =	sbarrier.arrive $0xFFFF  }
0x657: {  	_ =	shalt  }

</sc_bundles>
